<compile_context>
chip_gen: v7x
topology: tpu7x:2x2x1
jax: 0.10.2.dev20260603
libtpu: 0.0.44.dev20260713+nightly
codegen_flags: <defaults>
</compile_context>

<pallas_src>
import functools

import jax
import jax.numpy as jnp
from jax import lax
from jax.experimental import pallas as pl
from jax.experimental.pallas import tpu as pltpu
from jax.experimental.pallas import tpu_sc as plsc

N_NODES = 10000
N_PAD = 10240
E = 320000
E_PAD = 327680
H = 128
NG = 64

NC, NS = 2, 16
NW = NC * NS
CH = 128
CPT = E_PAD // (NW * CH)
EC = 80
ECT = E_PAD // (NW * EC)
IB = 16
RPT = N_PAD // NS
ZB = 160
XPT = N_PAD // NW
XCH = 32

TB = 1024
PB = 1000

_mesh = plsc.VectorSubcoreMesh(core_axis_name="c", subcore_axis_name="s")


@functools.partial(
    pl.kernel,
    out_type=(
        jax.ShapeDtypeStruct((N_PAD, H), jnp.float32),
        jax.ShapeDtypeStruct((NC, N_PAD, H), jnp.float32),
    ),
    mesh=_mesh,
    scratch_types=[
        pltpu.VMEM((XPT,), jnp.int32),
        pltpu.VMEM((XCH, H), jnp.float32),
        pltpu.VMEM((2, CH), jnp.int32),
        pltpu.VMEM((CH, H), jnp.float32),
        pltpu.VMEM_SHARED((N_PAD, H), jnp.float32),
    ],
)
def _sc_gather_deg(emb_hbm, x_hbm, rows_hbm, znode_hbm,
                   h0_hbm, deg_hbm, xv, hbuf, rowv, ones, degsh):
    c = lax.axis_index("c")
    s = lax.axis_index("s")
    wid = s * NC + c
    base = wid * CPT
    pltpu.sync_copy(znode_hbm.at[pl.ds(0, CH)], ones)

    @pl.loop(0, RPT // CH)
    def _(q):
        pltpu.sync_copy(ones, degsh.at[pl.ds(s * RPT + q * CH, CH)])

    pltpu.sync_copy(x_hbm.at[pl.ds(wid * XPT, XPT)], xv)

    @pl.loop(0, XPT // XCH)
    def _(k):
        pltpu.sync_copy(emb_hbm.at[xv.at[pl.ds(k * XCH, XCH)]], hbuf)
        pltpu.sync_copy(hbuf, h0_hbm.at[pl.ds(wid * XPT + k * XCH, XCH)])

    pltpu.sync_copy(znode_hbm.at[pl.ds(N_PAD, CH)], ones)
    plsc.subcore_barrier()

    @pl.loop(0, CPT)
    def _(j):
        pltpu.sync_copy(rows_hbm.at[base + j], rowv.at[0])
        pltpu.sync_copy(ones, degsh.at[rowv.at[0]], add=True)

    plsc.subcore_barrier()

    @pl.loop(0, RPT // CH)
    def _(q):
        pltpu.sync_copy(degsh.at[pl.ds(s * RPT + q * CH, CH)], ones)
        pltpu.sync_copy(ones, deg_hbm.at[c, pl.ds(s * RPT + q * CH, CH)])


@functools.partial(
    pl.kernel,
    out_type=jax.ShapeDtypeStruct((NC, N_PAD, H), jnp.float32),
    mesh=_mesh,
    scratch_types=[
        pltpu.VMEM((IB, EC), jnp.int32),
        pltpu.VMEM((IB, EC), jnp.int32),
        pltpu.VMEM((EC, H), jnp.float32),
        pltpu.VMEM((EC, H), jnp.float32),
        pltpu.VMEM_SHARED((N_PAD, H), jnp.float32),
        pltpu.SemaphoreType.DMA,
        pltpu.SemaphoreType.DMA,
    ],
)
def _sc_edge_pass(g_hbm, col_hbm, rows_hbm, znode_hbm, acc_hbm,
                  colb, rowb, buf0, buf1, accsh, sem0, sem1):
    c = lax.axis_index("c")
    s = lax.axis_index("s")
    wid = s * NC + c
    base = wid * ECT
    pltpu.sync_copy(znode_hbm.at[pl.ds(0, EC)], buf0)

    @pl.loop(0, RPT // EC)
    def _(q):
        pltpu.sync_copy(buf0, accsh.at[pl.ds(s * RPT + q * EC, EC)])

    plsc.subcore_barrier()

    @pl.loop(0, ECT // IB)
    def _(t):
        tb = base + t * IB
        pltpu.sync_copy(col_hbm.at[pl.ds(tb, IB)], colb)
        pltpu.sync_copy(rows_hbm.at[pl.ds(tb, IB)], rowb)
        pltpu.async_copy(g_hbm.at[colb.at[0]], buf0, sem0)

        @pl.loop(0, IB, step=2)
        def _(j):
            pltpu.async_copy(g_hbm.at[colb.at[j + 1]], buf1, sem1)
            pltpu.make_async_copy(g_hbm.at[colb.at[j]], buf0, sem0).wait()
            pltpu.sync_copy(buf0, accsh.at[rowb.at[j]], add=True)

            @pl.when(j + 2 < IB)
            def _():
                pltpu.async_copy(g_hbm.at[colb.at[j + 2]], buf0, sem0)

            pltpu.make_async_copy(g_hbm.at[colb.at[j + 1]], buf1, sem1).wait()
            pltpu.sync_copy(buf1, accsh.at[rowb.at[j + 1]], add=True)

    plsc.subcore_barrier()

    @pl.loop(0, RPT // (2 * EC))
    def _(q):
        r0 = s * RPT + 2 * q * EC
        r1 = r0 + EC
        pltpu.sync_copy(accsh.at[pl.ds(r0, EC)], buf0)
        pltpu.async_copy(buf0, acc_hbm.at[c, pl.ds(r0, EC)], sem0)
        pltpu.sync_copy(accsh.at[pl.ds(r1, EC)], buf1)
        pltpu.async_copy(buf1, acc_hbm.at[c, pl.ds(r1, EC)], sem1)
        pltpu.make_async_copy(buf0, acc_hbm.at[c, pl.ds(r0, EC)], sem0).wait()
        pltpu.make_async_copy(buf1, acc_hbm.at[c, pl.ds(r1, EC)], sem1).wait()


def _dis_block(deg_ref):
    d = deg_ref[0, :, 0:1] + deg_ref[1, :, 0:1] + 1.0
    return lax.rsqrt(d)


def _tc_first_body(deg_ref, h_ref, w_ref, out_ref):
    dis = _dis_block(deg_ref)
    out_ref[...] = dis * jnp.dot(h_ref[...], w_ref[...],
                                 preferred_element_type=jnp.float32)


def _tc_mid_body(deg_ref, acc_ref, g_ref, b_ref, w_ref, out_ref):
    dis = _dis_block(deg_ref)
    h = jax.nn.relu(dis * (acc_ref[0] + acc_ref[1] + g_ref[...]) + b_ref[...])
    out_ref[...] = dis * jnp.dot(h, w_ref[...],
                                 preferred_element_type=jnp.float32)


def _tc_pool_body(deg_ref, acc_ref, g_ref, b_ref, bv_ref,
                  fc1w_ref, fc1b_ref, fc2w_ref, fc2b_ref,
                  out_ref, sacc, cacc):
    pi = pl.program_id(0)

    @pl.when(pi == 0)
    def _():
        sacc[...] = jnp.zeros_like(sacc)
        cacc[...] = jnp.zeros_like(cacc)

    dis = _dis_block(deg_ref)
    h = jax.nn.relu(dis * (acc_ref[0] + acc_ref[1] + g_ref[...]) + b_ref[...])
    bv = bv_ref[0]
    ohT = (lax.broadcasted_iota(jnp.int32, (NG, PB), 0) == bv
           ).astype(jnp.float32)
    sacc[...] += jnp.dot(ohT, h, preferred_element_type=jnp.float32)
    cacc[...] += jnp.sum(ohT, axis=1, keepdims=True)

    @pl.when(pi == (N_NODES // PB) - 1)
    def _():
        mean = sacc[...] / (cacc[...] + 1e-6)
        o1 = jax.nn.relu(jnp.dot(mean, fc1w_ref[...],
                                 preferred_element_type=jnp.float32)
                         + fc1b_ref[...])
        o2 = jnp.dot(o1, fc2w_ref[...],
                     preferred_element_type=jnp.float32) + fc2b_ref[...]
        out_ref[...] = o2[:, 0:1]


def _tc_first(degacc, h0, W1):
    return pl.pallas_call(
        _tc_first_body,
        grid=(N_PAD // TB,),
        in_specs=[
            pl.BlockSpec((NC, TB, H), lambda i: (0, i, 0)),
            pl.BlockSpec((TB, H), lambda i: (i, 0)),
            pl.BlockSpec((H, H), lambda i: (0, 0)),
        ],
        out_specs=pl.BlockSpec((TB, H), lambda i: (i, 0)),
        out_shape=jax.ShapeDtypeStruct((N_PAD, H), jnp.float32),
    )(degacc, h0, W1)


def _tc_mid(degacc, acc, g, br, Wn):
    return pl.pallas_call(
        _tc_mid_body,
        grid=(N_PAD // TB,),
        in_specs=[
            pl.BlockSpec((NC, TB, H), lambda i: (0, i, 0)),
            pl.BlockSpec((NC, TB, H), lambda i: (0, i, 0)),
            pl.BlockSpec((TB, H), lambda i: (i, 0)),
            pl.BlockSpec((1, H), lambda i: (0, 0)),
            pl.BlockSpec((H, H), lambda i: (0, 0)),
        ],
        out_specs=pl.BlockSpec((TB, H), lambda i: (i, 0)),
        out_shape=jax.ShapeDtypeStruct((N_PAD, H), jnp.float32),
    )(degacc, acc, g, br, Wn)


def _tc_pool(degacc, acc, g, br, batch_r, fc1p, fc1bp, fc2p, fc2bp):
    return pl.pallas_call(
        _tc_pool_body,
        grid=(N_NODES // PB,),
        in_specs=[
            pl.BlockSpec((NC, PB, H), lambda i: (0, i, 0)),
            pl.BlockSpec((NC, PB, H), lambda i: (0, i, 0)),
            pl.BlockSpec((PB, H), lambda i: (i, 0)),
            pl.BlockSpec((1, H), lambda i: (0, 0)),
            pl.BlockSpec((1, 1, PB), lambda i: (i, 0, 0)),
            pl.BlockSpec((H, H), lambda i: (0, 0)),
            pl.BlockSpec((1, H), lambda i: (0, 0)),
            pl.BlockSpec((H, H), lambda i: (0, 0)),
            pl.BlockSpec((1, H), lambda i: (0, 0)),
        ],
        out_specs=pl.BlockSpec((NG, 1), lambda i: (0, 0)),
        out_shape=jax.ShapeDtypeStruct((NG, 1), jnp.float32),
        scratch_shapes=[
            pltpu.VMEM((NG, H), jnp.float32),
            pltpu.VMEM((NG, 1), jnp.float32),
        ],
    )(degacc, acc, g, br, batch_r, fc1p, fc1bp, fc2p, fc2bp)


@jax.jit
def _impl(x, edge_index, batch_vec, emb, W1, b1, W2, b2, W3, b3,
          fc1_w, fc1_b, fc2_w, fc2_b):
    f32 = jnp.float32
    i32 = jnp.int32
    x_pad = jnp.concatenate(
        [x.astype(i32), jnp.zeros((N_PAD - N_NODES,), i32)])
    row = edge_index[0].astype(i32)
    col = edge_index[1].astype(i32)
    row_pad = jnp.concatenate(
        [row, jnp.full((E_PAD - E,), N_NODES, i32)]).reshape(NW * CPT, CH)
    col_pad = jnp.concatenate(
        [col, jnp.zeros((E_PAD - E,), i32)]).reshape(NW * CPT, CH)
    row_pad_e = row_pad.reshape(NW * ECT, EC)
    col_pad_e = col_pad.reshape(NW * ECT, EC)
    znode = jnp.concatenate(
        [jnp.zeros((N_PAD, H), f32), jnp.ones((CH, H), f32)])
    batch_r = batch_vec.astype(i32).reshape(N_NODES // PB, 1, PB)
    b1r = b1.reshape(1, H)
    b2r = b2.reshape(1, H)
    b3r = b3.reshape(1, H)
    fc1p = jnp.zeros((H, H), f32).at[:, :32].set(fc1_w)
    fc1bp = jnp.zeros((1, H), f32).at[0, :32].set(fc1_b)
    fc2p = jnp.zeros((H, H), f32).at[:32, 0:1].set(fc2_w)
    fc2bp = jnp.full((1, H), fc2_b[0], f32)

    h0, degacc = _sc_gather_deg(emb, x_pad, row_pad, znode)
    g1 = _tc_first(degacc, h0, W1)
    acc1 = _sc_edge_pass(g1, col_pad_e, row_pad_e, znode)
    g2 = _tc_mid(degacc, acc1, g1, b1r, W2)
    acc2 = _sc_edge_pass(g2, col_pad_e, row_pad_e, znode)
    g3 = _tc_mid(degacc, acc2, g2, b2r, W3)
    acc3 = _sc_edge_pass(g3, col_pad_e, row_pad_e, znode)
    return _tc_pool(degacc, acc3, g3, b3r, batch_r, fc1p, fc1bp, fc2p, fc2bp)


def kernel(x, edge_index, batch_vec, emb, W1, b1, W2, b2, W3, b3,
           fc1_w, fc1_b, fc2_w, fc2_b):
    return _impl(x, edge_index, batch_vec, emb, W1, b1, W2, b2, W3, b3,
                 fc1_w, fc1_b, fc2_w, fc2_b)

# --- scband reference (transcript-rebuilt; emitter-appended) ---
"""Pipeline reference for scband-vulnerability-gnn-67654324846793 (READ-ONLY COPY).

The authoritative reference and input builder live on the scoring server;
editing this copy changes nothing except your own understanding.
"""

import jax, jax.numpy as jnp
import numpy as np

NUM_NODES = 10000
NUM_EDGES = 320000
VOCAB = 100000
HID = 128
NUM_GRAPHS = 64


def setup_inputs(seed: int = 0) -> dict:
    key = jax.random.key(seed)
    ks = jax.random.split(key, 16)
    x = jax.random.randint(ks[0], (NUM_NODES,), 0, VOCAB, dtype=jnp.int64) if jax.config.jax_enable_x64 else jax.random.randint(ks[0], (NUM_NODES,), 0, VOCAB).astype(jnp.int32)
    edge_index = jax.random.randint(ks[1], (2, NUM_EDGES), 0, NUM_NODES).astype(jnp.int32)
    batch_vec = jnp.sort(jax.random.randint(ks[2], (NUM_NODES,), 0, NUM_GRAPHS)).astype(jnp.int32)
    def xavier(k, shape):
        fan_in, fan_out = shape[0], shape[1]
        lim = float(np.sqrt(6.0 / (fan_in + fan_out)))
        return jax.random.uniform(k, shape, jnp.float32, -lim, lim)
    emb = jax.random.normal(ks[3], (VOCAB, HID), jnp.float32)
    W1 = xavier(ks[4], (HID, HID)); b1 = jnp.zeros((HID,), jnp.float32)
    W2 = xavier(ks[5], (HID, HID)); b2 = jnp.zeros((HID,), jnp.float32)
    W3 = xavier(ks[6], (HID, HID)); b3 = jnp.zeros((HID,), jnp.float32)
    fc1_w = xavier(ks[7], (HID, 32)); fc1_b = jnp.zeros((32,), jnp.float32)
    fc2_w = xavier(ks[8], (32, 1)); fc2_b = jnp.zeros((1,), jnp.float32)
    return {"x": x, "edge_index": edge_index, "batch_vec": batch_vec,
            "emb": emb, "W1": W1, "b1": b1, "W2": W2, "b2": b2, "W3": W3, "b3": b3,
            "fc1_w": fc1_w, "fc1_b": fc1_b, "fc2_w": fc2_w, "fc2_b": fc2_b}


def _gcn_layer(h, edge_index, W, b):
    num_nodes = h.shape[0]
    idx = jnp.arange(num_nodes, dtype=edge_index.dtype)
    self_loops = jnp.stack([idx, idx], axis=0)
    ei = jnp.concatenate([edge_index, self_loops], axis=1)
    row, col = ei[0], ei[1]
    deg = jnp.bincount(row, length=num_nodes).astype(jnp.float32)
    deg_inv_sqrt = jnp.where(deg > 0, jax.lax.rsqrt(jnp.maximum(deg, 1e-12)), 0.0)
    norm = deg_inv_sqrt[row] * deg_inv_sqrt[col]
    support = h @ W
    out = jnp.zeros((num_nodes, W.shape[1]), support.dtype).at[row].add(norm[:, None] * support[col])
    return out + b


def reference(x, edge_index, batch_vec, emb, W1, b1, W2, b2, W3, b3, fc1_w, fc1_b, fc2_w, fc2_b):
    # Dropout is identity in eval mode
    h = emb[x]
    h = jax.nn.relu(_gcn_layer(h, edge_index, W1, b1))
    h = jax.nn.relu(_gcn_layer(h, edge_index, W2, b2))
    h = jax.nn.relu(_gcn_layer(h, edge_index, W3, b3))
    h_graph = jax.ops.segment_sum(h, batch_vec, num_segments=NUM_GRAPHS)
    counts = jax.ops.segment_sum(jnp.ones((h.shape[0], 1), h.dtype), batch_vec, num_segments=NUM_GRAPHS)
    h_graph = h_graph / (counts + 1e-06)
    out = jax.nn.relu(h_graph @ fc1_w + fc1_b)
    out = out @ fc2_w + fc2_b
    return out

if __name__ == "__main__":
    import jax
    _d = setup_inputs()
    print(jax.jit(kernel)(*tuple(_d.values())))

</pallas_src>

<mosaic_0001>
#map = affine_map<(d0, d1) -> (0, 0)>
#map1 = affine_map<(d0, d1) -> (0, 0, 0)>
module attributes {stable_mosaic.version = 14 : i64} {
  func.func @_sc_edge_pass(%arg0: i32, %arg1: i32, %arg2: memref<10240x128xf32, #tpu.memory_space<hbm>>, %arg3: memref<4096x80xi32, #tpu.memory_space<hbm>>, %arg4: memref<4096x80xi32, #tpu.memory_space<hbm>>, %arg5: memref<10368x128xf32, #tpu.memory_space<hbm>>, %arg6: memref<2x10240x128xf32, #tpu.memory_space<hbm>>, %arg7: memref<16x80xi32, #tpu.memory_space<vmem>>, %arg8: memref<16x80xi32, #tpu.memory_space<vmem>>, %arg9: memref<80x128xf32, #tpu.memory_space<vmem>>, %arg10: memref<80x128xf32, #tpu.memory_space<vmem>>, %arg11: memref<10240x128xf32, #tpu.memory_space<vmem_shared>>, %arg12: memref<!tpu.dma_semaphore, #tpu.memory_space<semaphore_mem>>, %arg13: memref<!tpu.dma_semaphore, #tpu.memory_space<semaphore_mem>>) attributes {dimension_semantics = [#tpu.dimension_semantics<core_parallel>, #tpu.dimension_semantics<subcore_parallel>], iteration_bounds = array<i64: 2, 16>, scalar_prefetch = 0 : i64, scratch_operands = 7 : i64, tpu.core_type = #tpu.core_type<sc_vector_subcore>, window_params = [{transform_indices = #map}, {transform_indices = #map}, {transform_indices = #map}, {transform_indices = #map}, {transform_indices = #map1}]} {
    %mul3A = arith.constant 2 : i32
    %mul3A_0 = arith.muli %arg1, %mul3A : i32
    %add3A = arith.addi %mul3A_0, %arg0 : i32
    %mul3A_1 = arith.constant 128 : i32
    %mul3A_2 = arith.muli %add3A, %mul3A_1 : i32
    "tpu.region"() ({
      %run_scoped3A = tpu.sem_alloc : memref<!tpu.dma_semaphore, #tpu.memory_space<semaphore_mem>>
      %dma_start3A = arith.constant 0 : i32
      %dma_start3A_18 = arith.constant 0 : i32
      %dma_start3A_19 = tpu.memref_slice %arg5[%dma_start3A, %dma_start3A_18] : memref<10368x128xf32, #tpu.memory_space<hbm>> -> memref<80x128xf32, #tpu.memory_space<hbm>>
      %dma_start3A_20 = arith.constant 0 : i32
      %dma_start3A_21 = arith.constant 0 : i32
      %dma_start3A_22 = tpu.memref_slice %arg5[%dma_start3A_20, %dma_start3A_21] : memref<10368x128xf32, #tpu.memory_space<hbm>> -> memref<80x128xf32, #tpu.memory_space<hbm>>
      tpu.enqueue_dma source(%dma_start3A_22 : memref<80x128xf32, #tpu.memory_space<hbm>>) target(%arg9 : memref<80x128xf32, #tpu.memory_space<vmem>>) target_semaphore(%run_scoped3A : memref<!tpu.dma_semaphore, #tpu.memory_space<semaphore_mem>>)
      %dma_wait3A = arith.constant 0 : i32
      %dma_wait3A_23 = arith.constant 0 : i32
      %dma_wait3A_24 = tpu.memref_slice %arg5[%dma_wait3A, %dma_wait3A_23] : memref<10368x128xf32, #tpu.memory_space<hbm>> -> memref<80x128xf32, #tpu.memory_space<hbm>>
      %dma_wait3A_25 = arith.constant 0 : i32
      %dma_wait3A_26 = arith.constant 0 : i32
      %dma_wait3A_27 = tpu.memref_slice %arg5[%dma_wait3A_25, %dma_wait3A_26] : memref<10368x128xf32, #tpu.memory_space<hbm>> -> memref<80x128xf32, #tpu.memory_space<hbm>>
      tpu.wait_dma2 semaphore(%run_scoped3A : memref<!tpu.dma_semaphore, #tpu.memory_space<semaphore_mem>>) src(%dma_wait3A_27 : memref<80x128xf32, #tpu.memory_space<hbm>>) dst(%arg9 : memref<80x128xf32, #tpu.memory_space<vmem>>)
      tpu.yield
    }) : () -> ()
    %scan3A = arith.constant 0 : i32
    %scan3A_3 = arith.constant 8 : i32
    %scan3A_4 = arith.addi %scan3A, %scan3A_3 : i32
    %scan3A_5 = arith.constant 1 : i32
    scf.for %scan3A_18 = %scan3A to %scan3A_4 step %scan3A_5  : i32 {
      %mul3A_19 = arith.constant 1 : i32
      %mul3A_20 = arith.muli %scan3A_18, %mul3A_19 : i32
      %add3A_21 = arith.constant 0 : i32
      %add3A_22 = arith.addi %add3A_21, %mul3A_20 : i32
      %mul3A_23 = arith.constant 640 : i32
      %mul3A_24 = arith.muli %arg1, %mul3A_23 : i32
      %mul3A_25 = arith.constant 80 : i32
      %mul3A_26 = arith.muli %add3A_22, %mul3A_25 : i32
      %add3A_27 = arith.addi %mul3A_24, %mul3A_26 : i32
      "tpu.region"() ({
        %run_scoped3A = tpu.sem_alloc : memref<!tpu.dma_semaphore, #tpu.memory_space<semaphore_mem>>
        %dma_start3A = arith.constant 0 : i32
        %dma_start3A_28 = tpu.memref_slice %arg11[%add3A_27, %dma_start3A] : memref<10240x128xf32, #tpu.memory_space<vmem_shared>> -> memref<80x128xf32, #tpu.memory_space<vmem_shared>>
        %dma_start3A_29 = arith.constant 0 : i32
        %dma_start3A_30 = tpu.memref_slice %arg11[%add3A_27, %dma_start3A_29] : memref<10240x128xf32, #tpu.memory_space<vmem_shared>> -> memref<80x128xf32, #tpu.memory_space<vmem_shared>>
        tpu.enqueue_dma source(%arg9 : memref<80x128xf32, #tpu.memory_space<vmem>>) target(%dma_start3A_30 : memref<80x128xf32, #tpu.memory_space<vmem_shared>>) target_semaphore(%run_scoped3A : memref<!tpu.dma_semaphore, #tpu.memory_space<semaphore_mem>>)
        %dma_wait3A = arith.constant 0 : i32
        %dma_wait3A_31 = tpu.memref_slice %arg11[%add3A_27, %dma_wait3A] : memref<10240x128xf32, #tpu.memory_space<vmem_shared>> -> memref<80x128xf32, #tpu.memory_space<vmem_shared>>
        %dma_wait3A_32 = arith.constant 0 : i32
        %dma_wait3A_33 = tpu.memref_slice %arg11[%add3A_27, %dma_wait3A_32] : memref<10240x128xf32, #tpu.memory_space<vmem_shared>> -> memref<80x128xf32, #tpu.memory_space<vmem_shared>>
        tpu.wait_dma2 semaphore(%run_scoped3A : memref<!tpu.dma_semaphore, #tpu.memory_space<semaphore_mem>>) src(%arg9 : memref<80x128xf32, #tpu.memory_space<vmem>>) dst(%dma_wait3A_33 : memref<80x128xf32, #tpu.memory_space<vmem_shared>>)
        tpu.yield
      }) : () -> ()
    }
    %scan3A_6 = arith.constant 8 : i32
    %barrier3A = arith.constant 0 : index
    tpu.barrier barrier_id(%barrier3A)
    %scan3A_7 = arith.constant 0 : i32
    %scan3A_8 = arith.constant 8 : i32
    %scan3A_9 = arith.addi %scan3A_7, %scan3A_8 : i32
    %scan3A_10 = arith.constant 1 : i32
    scf.for %scan3A_18 = %scan3A_7 to %scan3A_9 step %scan3A_10  : i32 {
      %mul3A_19 = arith.constant 1 : i32
      %mul3A_20 = arith.muli %scan3A_18, %mul3A_19 : i32
      %add3A_21 = arith.constant 0 : i32
      %add3A_22 = arith.addi %add3A_21, %mul3A_20 : i32
      %mul3A_23 = arith.constant 16 : i32
      %mul3A_24 = arith.muli %add3A_22, %mul3A_23 : i32
      %add3A_25 = arith.addi %mul3A_2, %mul3A_24 : i32
      "tpu.region"() ({
        %run_scoped3A = tpu.sem_alloc : memref<!tpu.dma_semaphore, #tpu.memory_space<semaphore_mem>>
        %dma_start3A_37 = arith.constant 0 : i32
        %dma_start3A_38 = tpu.memref_slice %arg3[%add3A_25, %dma_start3A_37] : memref<4096x80xi32, #tpu.memory_space<hbm>> -> memref<16x80xi32, #tpu.memory_space<hbm>>
        %dma_start3A_39 = arith.constant 0 : i32
        %dma_start3A_40 = tpu.memref_slice %arg3[%add3A_25, %dma_start3A_39] : memref<4096x80xi32, #tpu.memory_space<hbm>> -> memref<16x80xi32, #tpu.memory_space<hbm>>
        tpu.enqueue_dma source(%dma_start3A_40 : memref<16x80xi32, #tpu.memory_space<hbm>>) target(%arg7 : memref<16x80xi32, #tpu.memory_space<vmem>>) target_semaphore(%run_scoped3A : memref<!tpu.dma_semaphore, #tpu.memory_space<semaphore_mem>>)
        %dma_wait3A = arith.constant 0 : i32
        %dma_wait3A_41 = tpu.memref_slice %arg3[%add3A_25, %dma_wait3A] : memref<4096x80xi32, #tpu.memory_space<hbm>> -> memref<16x80xi32, #tpu.memory_space<hbm>>
        %dma_wait3A_42 = arith.constant 0 : i32
        %dma_wait3A_43 = tpu.memref_slice %arg3[%add3A_25, %dma_wait3A_42] : memref<4096x80xi32, #tpu.memory_space<hbm>> -> memref<16x80xi32, #tpu.memory_space<hbm>>
        tpu.wait_dma2 semaphore(%run_scoped3A : memref<!tpu.dma_semaphore, #tpu.memory_space<semaphore_mem>>) src(%dma_wait3A_43 : memref<16x80xi32, #tpu.memory_space<hbm>>) dst(%arg7 : memref<16x80xi32, #tpu.memory_space<vmem>>)
        tpu.yield
      }) : () -> ()
      "tpu.region"() ({
        %run_scoped3A = tpu.sem_alloc : memref<!tpu.dma_semaphore, #tpu.memory_space<semaphore_mem>>
        %dma_start3A_37 = arith.constant 0 : i32
        %dma_start3A_38 = tpu.memref_slice %arg4[%add3A_25, %dma_start3A_37] : memref<4096x80xi32, #tpu.memory_space<hbm>> -> memref<16x80xi32, #tpu.memory_space<hbm>>
        %dma_start3A_39 = arith.constant 0 : i32
        %dma_start3A_40 = tpu.memref_slice %arg4[%add3A_25, %dma_start3A_39] : memref<4096x80xi32, #tpu.memory_space<hbm>> -> memref<16x80xi32, #tpu.memory_space<hbm>>
        tpu.enqueue_dma source(%dma_start3A_40 : memref<16x80xi32, #tpu.memory_space<hbm>>) target(%arg8 : memref<16x80xi32, #tpu.memory_space<vmem>>) target_semaphore(%run_scoped3A : memref<!tpu.dma_semaphore, #tpu.memory_space<semaphore_mem>>)
        %dma_wait3A = arith.constant 0 : i32
        %dma_wait3A_41 = tpu.memref_slice %arg4[%add3A_25, %dma_wait3A] : memref<4096x80xi32, #tpu.memory_space<hbm>> -> memref<16x80xi32, #tpu.memory_space<hbm>>
        %dma_wait3A_42 = arith.constant 0 : i32
        %dma_wait3A_43 = tpu.memref_slice %arg4[%add3A_25, %dma_wait3A_42] : memref<4096x80xi32, #tpu.memory_space<hbm>> -> memref<16x80xi32, #tpu.memory_space<hbm>>
        tpu.wait_dma2 semaphore(%run_scoped3A : memref<!tpu.dma_semaphore, #tpu.memory_space<semaphore_mem>>) src(%dma_wait3A_43 : memref<16x80xi32, #tpu.memory_space<hbm>>) dst(%arg8 : memref<16x80xi32, #tpu.memory_space<vmem>>)
        tpu.yield
      }) : () -> ()
      %dma_start3A = arith.constant 0 : i32
      %dma_start3A_26 = arith.constant 0 : i32
      %dma_start3A_27 = tpu.memref_slice %arg7[%dma_start3A, %dma_start3A_26] : memref<16x80xi32, #tpu.memory_space<vmem>> -> memref<1x80xi32, #tpu.memory_space<vmem>>
      %dma_start3A_28 = tpu.memref_squeeze %dma_start3A_27 : memref<1x80xi32, #tpu.memory_space<vmem>> -> memref<80xi32, #tpu.memory_space<vmem>>
      %dma_start3A_29 = arith.constant 0 : i32
      %dma_start3A_30 = arith.constant 0 : i32
      %dma_start3A_31 = tpu.memref_slice %arg2[%dma_start3A_29, %dma_start3A_30] : memref<10240x128xf32, #tpu.memory_space<hbm>> -> memref<10240x128xf32, #tpu.memory_space<hbm>>
      tpu.enqueue_indirect_dma source(%dma_start3A_31 : memref<10240x128xf32, #tpu.memory_space<hbm>>) target(%arg9 : memref<80x128xf32, #tpu.memory_space<vmem>>) offsets(%dma_start3A_28 : memref<80xi32, #tpu.memory_space<vmem>>) semaphore(%arg12 : memref<!tpu.dma_semaphore, #tpu.memory_space<semaphore_mem>>)
      %scan3A_32 = arith.constant 0 : i32
      %scan3A_33 = arith.constant 8 : i32
      %scan3A_34 = arith.addi %scan3A_32, %scan3A_33 : i32
      %scan3A_35 = arith.constant 1 : i32
      scf.for %scan3A_37 = %scan3A_32 to %scan3A_34 step %scan3A_35  : i32 {
        %mul3A_38 = arith.constant 2 : i32
        %mul3A_39 = arith.muli %scan3A_37, %mul3A_38 : i32
        %add3A_40 = arith.constant 0 : i32
        %add3A_41 = arith.addi %add3A_40, %mul3A_39 : i32
        %add3A_42 = arith.constant 1 : i32
        %add3A_43 = arith.addi %add3A_41, %add3A_42 : i32
        %dma_start3A_44 = arith.constant 0 : i32
        %dma_start3A_45 = tpu.memref_slice %arg7[%add3A_43, %dma_start3A_44] : memref<16x80xi32, #tpu.memory_space<vmem>> -> memref<1x80xi32, #tpu.memory_space<vmem>>
        %dma_start3A_46 = tpu.memref_squeeze %dma_start3A_45 : memref<1x80xi32, #tpu.memory_space<vmem>> -> memref<80xi32, #tpu.memory_space<vmem>>
        %dma_start3A_47 = arith.constant 0 : i32
        %dma_start3A_48 = arith.constant 0 : i32
        %dma_start3A_49 = tpu.memref_slice %arg2[%dma_start3A_47, %dma_start3A_48] : memref<10240x128xf32, #tpu.memory_space<hbm>> -> memref<10240x128xf32, #tpu.memory_space<hbm>>
        tpu.enqueue_indirect_dma source(%dma_start3A_49 : memref<10240x128xf32, #tpu.memory_space<hbm>>) target(%arg10 : memref<80x128xf32, #tpu.memory_space<vmem>>) offsets(%dma_start3A_46 : memref<80xi32, #tpu.memory_space<vmem>>) semaphore(%arg13 : memref<!tpu.dma_semaphore, #tpu.memory_space<semaphore_mem>>)
        %dma_wait3A = arith.constant 0 : i32
        %dma_wait3A_50 = tpu.memref_slice %arg7[%add3A_41, %dma_wait3A] : memref<16x80xi32, #tpu.memory_space<vmem>> -> memref<1x80xi32, #tpu.memory_space<vmem>>
        %dma_wait3A_51 = tpu.memref_squeeze %dma_wait3A_50 : memref<1x80xi32, #tpu.memory_space<vmem>> -> memref<80xi32, #tpu.memory_space<vmem>>
        %dma_wait3A_52 = arith.constant 0 : i32
        %dma_wait3A_53 = arith.constant 0 : i32
        %dma_wait3A_54 = tpu.memref_slice %arg2[%dma_wait3A_52, %dma_wait3A_53] : memref<10240x128xf32, #tpu.memory_space<hbm>> -> memref<10240x128xf32, #tpu.memory_space<hbm>>
        tpu.wait_indirect_dma semaphore(%arg12 : memref<!tpu.dma_semaphore, #tpu.memory_space<semaphore_mem>>) src(%dma_wait3A_54 : memref<10240x128xf32, #tpu.memory_space<hbm>>) dst(%arg9 : memref<80x128xf32, #tpu.memory_space<vmem>>)
        "tpu.region"() ({
          %run_scoped3A = tpu.sem_alloc : memref<!tpu.dma_semaphore, #tpu.memory_space<semaphore_mem>>
          %dma_start3A_69 = arith.constant 0 : i32
          %dma_start3A_70 = tpu.memref_slice %arg8[%add3A_41, %dma_start3A_69] : memref<16x80xi32, #tpu.memory_space<vmem>> -> memref<1x80xi32, #tpu.memory_space<vmem>>
          %dma_start3A_71 = tpu.memref_squeeze %dma_start3A_70 : memref<1x80xi32, #tpu.memory_space<vmem>> -> memref<80xi32, #tpu.memory_space<vmem>>
          %dma_start3A_72 = arith.constant 0 : i32
          %dma_start3A_73 = arith.constant 0 : i32
          %dma_start3A_74 = tpu.memref_slice %arg11[%dma_start3A_72, %dma_start3A_73] : memref<10240x128xf32, #tpu.memory_space<vmem_shared>> -> memref<10240x128xf32, #tpu.memory_space<vmem_shared>>
          tpu.enqueue_indirect_dma source(%arg9 : memref<80x128xf32, #tpu.memory_space<vmem>>) target(%dma_start3A_74 : memref<10240x128xf32, #tpu.memory_space<vmem_shared>>) offsets(%dma_start3A_71 : memref<80xi32, #tpu.memory_space<vmem>>) semaphore(%run_scoped3A : memref<!tpu.dma_semaphore, #tpu.memory_space<semaphore_mem>>) {add = true}
          %dma_wait3A_75 = arith.constant 0 : i32
          %dma_wait3A_76 = tpu.memref_slice %arg8[%add3A_41, %dma_wait3A_75] : memref<16x80xi32, #tpu.memory_space<vmem>> -> memref<1x80xi32, #tpu.memory_space<vmem>>
          %dma_wait3A_77 = tpu.memref_squeeze %dma_wait3A_76 : memref<1x80xi32, #tpu.memory_space<vmem>> -> memref<80xi32, #tpu.memory_space<vmem>>
          %dma_wait3A_78 = arith.constant 0 : i32
          %dma_wait3A_79 = arith.constant 0 : i32
          %dma_wait3A_80 = tpu.memref_slice %arg11[%dma_wait3A_78, %dma_wait3A_79] : memref<10240x128xf32, #tpu.memory_space<vmem_shared>> -> memref<10240x128xf32, #tpu.memory_space<vmem_shared>>
          tpu.wait_indirect_dma semaphore(%run_scoped3A : memref<!tpu.dma_semaphore, #tpu.memory_space<semaphore_mem>>) src(%arg9 : memref<80x128xf32, #tpu.memory_space<vmem>>) dst(%dma_wait3A_80 : memref<10240x128xf32, #tpu.memory_space<vmem_shared>>)
          tpu.yield
        }) : () -> ()
        %add3A_55 = arith.constant 2 : i32
        %add3A_56 = arith.addi %add3A_41, %add3A_55 : i32
        %lt3A = arith.constant 16 : i32
        %lt3A_57 = arith.cmpi slt, %add3A_56, %lt3A : i32
        %convert_element_type3A = arith.extui %lt3A_57 : i1 to i32
        %cond3A = arith.constant 0 : i32
        %cond3A_58 = arith.cmpi ne, %convert_element_type3A, %cond3A : i32
        scf.if %cond3A_58 {
          %add3A_69 = arith.constant 2 : i32
          %add3A_70 = arith.addi %add3A_41, %add3A_69 : i32
          %dma_start3A_71 = arith.constant 0 : i32
          %dma_start3A_72 = tpu.memref_slice %arg7[%add3A_70, %dma_start3A_71] : memref<16x80xi32, #tpu.memory_space<vmem>> -> memref<1x80xi32, #tpu.memory_space<vmem>>
          %dma_start3A_73 = tpu.memref_squeeze %dma_start3A_72 : memref<1x80xi32, #tpu.memory_space<vmem>> -> memref<80xi32, #tpu.memory_space<vmem>>
          %dma_start3A_74 = arith.constant 0 : i32
          %dma_start3A_75 = arith.constant 0 : i32
          %dma_start3A_76 = tpu.memref_slice %arg2[%dma_start3A_74, %dma_start3A_75] : memref<10240x128xf32, #tpu.memory_space<hbm>> -> memref<10240x128xf32, #tpu.memory_space<hbm>>
          tpu.enqueue_indirect_dma source(%dma_start3A_76 : memref<10240x128xf32, #tpu.memory_space<hbm>>) target(%arg9 : memref<80x128xf32, #tpu.memory_space<vmem>>) offsets(%dma_start3A_73 : memref<80xi32, #tpu.memory_space<vmem>>) semaphore(%arg12 : memref<!tpu.dma_semaphore, #tpu.memory_space<semaphore_mem>>)
        } else {
        }
        %add3A_59 = arith.constant 1 : i32
        %add3A_60 = arith.addi %add3A_41, %add3A_59 : i32
        %dma_wait3A_61 = arith.constant 0 : i32
        %dma_wait3A_62 = tpu.memref_slice %arg7[%add3A_60, %dma_wait3A_61] : memref<16x80xi32, #tpu.memory_space<vmem>> -> memref<1x80xi32, #tpu.memory_space<vmem>>
        %dma_wait3A_63 = tpu.memref_squeeze %dma_wait3A_62 : memref<1x80xi32, #tpu.memory_space<vmem>> -> memref<80xi32, #tpu.memory_space<vmem>>
        %dma_wait3A_64 = arith.constant 0 : i32
        %dma_wait3A_65 = arith.constant 0 : i32
        %dma_wait3A_66 = tpu.memref_slice %arg2[%dma_wait3A_64, %dma_wait3A_65] : memref<10240x128xf32, #tpu.memory_space<hbm>> -> memref<10240x128xf32, #tpu.memory_space<hbm>>
        tpu.wait_indirect_dma semaphore(%arg13 : memref<!tpu.dma_semaphore, #tpu.memory_space<semaphore_mem>>) src(%dma_wait3A_66 : memref<10240x128xf32, #tpu.memory_space<hbm>>) dst(%arg10 : memref<80x128xf32, #tpu.memory_space<vmem>>)
        %add3A_67 = arith.constant 1 : i32
        %add3A_68 = arith.addi %add3A_41, %add3A_67 : i32
        "tpu.region"() ({
          %run_scoped3A = tpu.sem_alloc : memref<!tpu.dma_semaphore, #tpu.memory_space<semaphore_mem>>
          %dma_start3A_69 = arith.constant 0 : i32
          %dma_start3A_70 = tpu.memref_slice %arg8[%add3A_68, %dma_start3A_69] : memref<16x80xi32, #tpu.memory_space<vmem>> -> memref<1x80xi32, #tpu.memory_space<vmem>>
          %dma_start3A_71 = tpu.memref_squeeze %dma_start3A_70 : memref<1x80xi32, #tpu.memory_space<vmem>> -> memref<80xi32, #tpu.memory_space<vmem>>
          %dma_start3A_72 = arith.constant 0 : i32
          %dma_start3A_73 = arith.constant 0 : i32
          %dma_start3A_74 = tpu.memref_slice %arg11[%dma_start3A_72, %dma_start3A_73] : memref<10240x128xf32, #tpu.memory_space<vmem_shared>> -> memref<10240x128xf32, #tpu.memory_space<vmem_shared>>
          tpu.enqueue_indirect_dma source(%arg10 : memref<80x128xf32, #tpu.memory_space<vmem>>) target(%dma_start3A_74 : memref<10240x128xf32, #tpu.memory_space<vmem_shared>>) offsets(%dma_start3A_71 : memref<80xi32, #tpu.memory_space<vmem>>) semaphore(%run_scoped3A : memref<!tpu.dma_semaphore, #tpu.memory_space<semaphore_mem>>) {add = true}
          %dma_wait3A_75 = arith.constant 0 : i32
          %dma_wait3A_76 = tpu.memref_slice %arg8[%add3A_68, %dma_wait3A_75] : memref<16x80xi32, #tpu.memory_space<vmem>> -> memref<1x80xi32, #tpu.memory_space<vmem>>
          %dma_wait3A_77 = tpu.memref_squeeze %dma_wait3A_76 : memref<1x80xi32, #tpu.memory_space<vmem>> -> memref<80xi32, #tpu.memory_space<vmem>>
          %dma_wait3A_78 = arith.constant 0 : i32
          %dma_wait3A_79 = arith.constant 0 : i32
          %dma_wait3A_80 = tpu.memref_slice %arg11[%dma_wait3A_78, %dma_wait3A_79] : memref<10240x128xf32, #tpu.memory_space<vmem_shared>> -> memref<10240x128xf32, #tpu.memory_space<vmem_shared>>
          tpu.wait_indirect_dma semaphore(%run_scoped3A : memref<!tpu.dma_semaphore, #tpu.memory_space<semaphore_mem>>) src(%arg10 : memref<80x128xf32, #tpu.memory_space<vmem>>) dst(%dma_wait3A_80 : memref<10240x128xf32, #tpu.memory_space<vmem_shared>>)
          tpu.yield
        }) : () -> ()
      }
      %scan3A_36 = arith.constant 8 : i32
    }
    %scan3A_11 = arith.constant 8 : i32
    %barrier3A_12 = arith.constant 0 : index
    tpu.barrier barrier_id(%barrier3A_12)
    %scan3A_13 = arith.constant 0 : i32
    %scan3A_14 = arith.constant 4 : i32
    %scan3A_15 = arith.addi %scan3A_13, %scan3A_14 : i32
    %scan3A_16 = arith.constant 1 : i32
    scf.for %scan3A_18 = %scan3A_13 to %scan3A_15 step %scan3A_16  : i32 {
      %mul3A_19 = arith.constant 1 : i32
      %mul3A_20 = arith.muli %scan3A_18, %mul3A_19 : i32
      %add3A_21 = arith.constant 0 : i32
      %add3A_22 = arith.addi %add3A_21, %mul3A_20 : i32
      %mul3A_23 = arith.constant 640 : i32
      %mul3A_24 = arith.muli %arg1, %mul3A_23 : i32
      %mul3A_25 = arith.constant 2 : i32
      %mul3A_26 = arith.muli %mul3A_25, %add3A_22 : i32
      %mul3A_27 = arith.constant 80 : i32
      %mul3A_28 = arith.muli %mul3A_26, %mul3A_27 : i32
      %add3A_29 = arith.addi %mul3A_24, %mul3A_28 : i32
      %add3A_30 = arith.constant 80 : i32
      %add3A_31 = arith.addi %add3A_29, %add3A_30 : i32
      "tpu.region"() ({
        %run_scoped3A = tpu.sem_alloc : memref<!tpu.dma_semaphore, #tpu.memory_space<semaphore_mem>>
        %dma_start3A_54 = arith.constant 0 : i32
        %dma_start3A_55 = tpu.memref_slice %arg11[%add3A_29, %dma_start3A_54] : memref<10240x128xf32, #tpu.memory_space<vmem_shared>> -> memref<80x128xf32, #tpu.memory_space<vmem_shared>>
        %dma_start3A_56 = arith.constant 0 : i32
        %dma_start3A_57 = tpu.memref_slice %arg11[%add3A_29, %dma_start3A_56] : memref<10240x128xf32, #tpu.memory_space<vmem_shared>> -> memref<80x128xf32, #tpu.memory_space<vmem_shared>>
        tpu.enqueue_dma source(%dma_start3A_57 : memref<80x128xf32, #tpu.memory_space<vmem_shared>>) target(%arg9 : memref<80x128xf32, #tpu.memory_space<vmem>>) target_semaphore(%run_scoped3A : memref<!tpu.dma_semaphore, #tpu.memory_space<semaphore_mem>>)
        %dma_wait3A_58 = arith.constant 0 : i32
        %dma_wait3A_59 = tpu.memref_slice %arg11[%add3A_29, %dma_wait3A_58] : memref<10240x128xf32, #tpu.memory_space<vmem_shared>> -> memref<80x128xf32, #tpu.memory_space<vmem_shared>>
        %dma_wait3A_60 = arith.constant 0 : i32
        %dma_wait3A_61 = tpu.memref_slice %arg11[%add3A_29, %dma_wait3A_60] : memref<10240x128xf32, #tpu.memory_space<vmem_shared>> -> memref<80x128xf32, #tpu.memory_space<vmem_shared>>
        tpu.wait_dma2 semaphore(%run_scoped3A : memref<!tpu.dma_semaphore, #tpu.memory_space<semaphore_mem>>) src(%dma_wait3A_61 : memref<80x128xf32, #tpu.memory_space<vmem_shared>>) dst(%arg9 : memref<80x128xf32, #tpu.memory_space<vmem>>)
        tpu.yield
      }) : () -> ()
      %dma_start3A = arith.constant 0 : i32
      %dma_start3A_32 = tpu.memref_slice %arg6[%arg0, %add3A_29, %dma_start3A] : memref<2x10240x128xf32, #tpu.memory_space<hbm>> -> memref<1x80x128xf32, #tpu.memory_space<hbm>>
      %dma_start3A_33 = tpu.memref_squeeze %dma_start3A_32 : memref<1x80x128xf32, #tpu.memory_space<hbm>> -> memref<80x128xf32, #tpu.memory_space<hbm>>
      %dma_start3A_34 = arith.constant 0 : i32
      %dma_start3A_35 = tpu.memref_slice %arg6[%arg0, %add3A_29, %dma_start3A_34] : memref<2x10240x128xf32, #tpu.memory_space<hbm>> -> memref<1x80x128xf32, #tpu.memory_space<hbm>>
      %dma_start3A_36 = tpu.memref_squeeze %dma_start3A_35 : memref<1x80x128xf32, #tpu.memory_space<hbm>> -> memref<80x128xf32, #tpu.memory_space<hbm>>
      tpu.enqueue_dma source(%arg9 : memref<80x128xf32, #tpu.memory_space<vmem>>) target(%dma_start3A_36 : memref<80x128xf32, #tpu.memory_space<hbm>>) target_semaphore(%arg12 : memref<!tpu.dma_semaphore, #tpu.memory_space<semaphore_mem>>)
      "tpu.region"() ({
        %run_scoped3A = tpu.sem_alloc : memref<!tpu.dma_semaphore, #tpu.memory_space<semaphore_mem>>
        %dma_start3A_54 = arith.constant 0 : i32
        %dma_start3A_55 = tpu.memref_slice %arg11[%add3A_31, %dma_start3A_54] : memref<10240x128xf32, #tpu.memory_space<vmem_shared>> -> memref<80x128xf32, #tpu.memory_space<vmem_shared>>
        %dma_start3A_56 = arith.constant 0 : i32
        %dma_start3A_57 = tpu.memref_slice %arg11[%add3A_31, %dma_start3A_56] : memref<10240x128xf32, #tpu.memory_space<vmem_shared>> -> memref<80x128xf32, #tpu.memory_space<vmem_shared>>
        tpu.enqueue_dma source(%dma_start3A_57 : memref<80x128xf32, #tpu.memory_space<vmem_shared>>) target(%arg10 : memref<80x128xf32, #tpu.memory_space<vmem>>) target_semaphore(%run_scoped3A : memref<!tpu.dma_semaphore, #tpu.memory_space<semaphore_mem>>)
        %dma_wait3A_58 = arith.constant 0 : i32
        %dma_wait3A_59 = tpu.memref_slice %arg11[%add3A_31, %dma_wait3A_58] : memref<10240x128xf32, #tpu.memory_space<vmem_shared>> -> memref<80x128xf32, #tpu.memory_space<vmem_shared>>
        %dma_wait3A_60 = arith.constant 0 : i32
        %dma_wait3A_61 = tpu.memref_slice %arg11[%add3A_31, %dma_wait3A_60] : memref<10240x128xf32, #tpu.memory_space<vmem_shared>> -> memref<80x128xf32, #tpu.memory_space<vmem_shared>>
        tpu.wait_dma2 semaphore(%run_scoped3A : memref<!tpu.dma_semaphore, #tpu.memory_space<semaphore_mem>>) src(%dma_wait3A_61 : memref<80x128xf32, #tpu.memory_space<vmem_shared>>) dst(%arg10 : memref<80x128xf32, #tpu.memory_space<vmem>>)
        tpu.yield
      }) : () -> ()
      %dma_start3A_37 = arith.constant 0 : i32
      %dma_start3A_38 = tpu.memref_slice %arg6[%arg0, %add3A_31, %dma_start3A_37] : memref<2x10240x128xf32, #tpu.memory_space<hbm>> -> memref<1x80x128xf32, #tpu.memory_space<hbm>>
      %dma_start3A_39 = tpu.memref_squeeze %dma_start3A_38 : memref<1x80x128xf32, #tpu.memory_space<hbm>> -> memref<80x128xf32, #tpu.memory_space<hbm>>
      %dma_start3A_40 = arith.constant 0 : i32
      %dma_start3A_41 = tpu.memref_slice %arg6[%arg0, %add3A_31, %dma_start3A_40] : memref<2x10240x128xf32, #tpu.memory_space<hbm>> -> memref<1x80x128xf32, #tpu.memory_space<hbm>>
      %dma_start3A_42 = tpu.memref_squeeze %dma_start3A_41 : memref<1x80x128xf32, #tpu.memory_space<hbm>> -> memref<80x128xf32, #tpu.memory_space<hbm>>
      tpu.enqueue_dma source(%arg10 : memref<80x128xf32, #tpu.memory_space<vmem>>) target(%dma_start3A_42 : memref<80x128xf32, #tpu.memory_space<hbm>>) target_semaphore(%arg13 : memref<!tpu.dma_semaphore, #tpu.memory_space<semaphore_mem>>)
      %dma_wait3A = arith.constant 0 : i32
      %dma_wait3A_43 = tpu.memref_slice %arg6[%arg0, %add3A_29, %dma_wait3A] : memref<2x10240x128xf32, #tpu.memory_space<hbm>> -> memref<1x80x128xf32, #tpu.memory_space<hbm>>
      %dma_wait3A_44 = tpu.memref_squeeze %dma_wait3A_43 : memref<1x80x128xf32, #tpu.memory_space<hbm>> -> memref<80x128xf32, #tpu.memory_space<hbm>>
      %dma_wait3A_45 = arith.constant 0 : i32
      %dma_wait3A_46 = tpu.memref_slice %arg6[%arg0, %add3A_29, %dma_wait3A_45] : memref<2x10240x128xf32, #tpu.memory_space<hbm>> -> memref<1x80x128xf32, #tpu.memory_space<hbm>>
      %dma_wait3A_47 = tpu.memref_squeeze %dma_wait3A_46 : memref<1x80x128xf32, #tpu.memory_space<hbm>> -> memref<80x128xf32, #tpu.memory_space<hbm>>
      tpu.wait_dma2 semaphore(%arg12 : memref<!tpu.dma_semaphore, #tpu.memory_space<semaphore_mem>>) src(%arg9 : memref<80x128xf32, #tpu.memory_space<vmem>>) dst(%dma_wait3A_47 : memref<80x128xf32, #tpu.memory_space<hbm>>)
      %dma_wait3A_48 = arith.constant 0 : i32
      %dma_wait3A_49 = tpu.memref_slice %arg6[%arg0, %add3A_31, %dma_wait3A_48] : memref<2x10240x128xf32, #tpu.memory_space<hbm>> -> memref<1x80x128xf32, #tpu.memory_space<hbm>>
      %dma_wait3A_50 = tpu.memref_squeeze %dma_wait3A_49 : memref<1x80x128xf32, #tpu.memory_space<hbm>> -> memref<80x128xf32, #tpu.memory_space<hbm>>
      %dma_wait3A_51 = arith.constant 0 : i32
      %dma_wait3A_52 = tpu.memref_slice %arg6[%arg0, %add3A_31, %dma_wait3A_51] : memref<2x10240x128xf32, #tpu.memory_space<hbm>> -> memref<1x80x128xf32, #tpu.memory_space<hbm>>
      %dma_wait3A_53 = tpu.memref_squeeze %dma_wait3A_52 : memref<1x80x128xf32, #tpu.memory_space<hbm>> -> memref<80x128xf32, #tpu.memory_space<hbm>>
      tpu.wait_dma2 semaphore(%arg13 : memref<!tpu.dma_semaphore, #tpu.memory_space<semaphore_mem>>) src(%arg10 : memref<80x128xf32, #tpu.memory_space<vmem>>) dst(%dma_wait3A_53 : memref<80x128xf32, #tpu.memory_space<hbm>>)
    }
    %scan3A_17 = arith.constant 4 : i32
    return
  }
}

#map = affine_map<(d0, d1) -> (0, 0)>
#map1 = affine_map<(d0, d1) -> (0, 0, 0)>
module attributes {stable_mosaic.version = 14 : i64} {
  func.func @_sc_edge_pass(%arg0: i32, %arg1: i32, %arg2: memref<10240x128xf32, #tpu.memory_space<hbm>>, %arg3: memref<4096x80xi32, #tpu.memory_space<hbm>>, %arg4: memref<4096x80xi32, #tpu.memory_space<hbm>>, %arg5: memref<10368x128xf32, #tpu.memory_space<hbm>>, %arg6: memref<2x10240x128xf32, #tpu.memory_space<hbm>>, %arg7: memref<16x80xi32, #tpu.memory_space<vmem>>, %arg8: memref<16x80xi32, #tpu.memory_space<vmem>>, %arg9: memref<80x128xf32, #tpu.memory_space<vmem>>, %arg10: memref<80x128xf32, #tpu.memory_space<vmem>>, %arg11: memref<10240x128xf32, #tpu.memory_space<vmem_shared>>, %arg12: memref<!tpu.dma_semaphore, #tpu.memory_space<semaphore_mem>>, %arg13: memref<!tpu.dma_semaphore, #tpu.memory_space<semaphore_mem>>) attributes {dimension_semantics = [#tpu.dimension_semantics<core_parallel>, #tpu.dimension_semantics<subcore_parallel>], iteration_bounds = array<i64: 2, 16>, scalar_prefetch = 0 : i64, scratch_operands = 7 : i64, tpu.core_type = #tpu.core_type<sc_vector_subcore>, window_params = [{transform_indices = #map}, {transform_indices = #map}, {transform_indices = #map}, {transform_indices = #map}, {transform_indices = #map1}]} {
    %mul3A = arith.constant 2 : i32
    %mul3A_0 = arith.muli %arg1, %mul3A : i32
    %add3A = arith.addi %mul3A_0, %arg0 : i32
    %mul3A_1 = arith.constant 128 : i32
    %mul3A_2 = arith.muli %add3A, %mul3A_1 : i32
    "tpu.region"() ({
      %run_scoped3A = tpu.sem_alloc : memref<!tpu.dma_semaphore, #tpu.memory_space<semaphore_mem>>
      %dma_start3A = arith.constant 0 : i32
      %dma_start3A_18 = arith.constant 0 : i32
      %dma_start3A_19 = tpu.memref_slice %arg5[%dma_start3A, %dma_start3A_18] : memref<10368x128xf32, #tpu.memory_space<hbm>> -> memref<80x128xf32, #tpu.memory_space<hbm>>
      %dma_start3A_20 = arith.constant 0 : i32
      %dma_start3A_21 = arith.constant 0 : i32
      %dma_start3A_22 = tpu.memref_slice %arg5[%dma_start3A_20, %dma_start3A_21] : memref<10368x128xf32, #tpu.memory_space<hbm>> -> memref<80x128xf32, #tpu.memory_space<hbm>>
      tpu.enqueue_dma source(%dma_start3A_22 : memref<80x128xf32, #tpu.memory_space<hbm>>) target(%arg9 : memref<80x128xf32, #tpu.memory_space<vmem>>) target_semaphore(%run_scoped3A : memref<!tpu.dma_semaphore, #tpu.memory_space<semaphore_mem>>)
      %dma_wait3A = arith.constant 0 : i32
      %dma_wait3A_23 = arith.constant 0 : i32
      %dma_wait3A_24 = tpu.memref_slice %arg5[%dma_wait3A, %dma_wait3A_23] : memref<10368x128xf32, #tpu.memory_space<hbm>> -> memref<80x128xf32, #tpu.memory_space<hbm>>
      %dma_wait3A_25 = arith.constant 0 : i32
      %dma_wait3A_26 = arith.constant 0 : i32
      %dma_wait3A_27 = tpu.memref_slice %arg5[%dma_wait3A_25, %dma_wait3A_26] : memref<10368x128xf32, #tpu.memory_space<hbm>> -> memref<80x128xf32, #tpu.memory_space<hbm>>
      tpu.wait_dma2 semaphore(%run_scoped3A : memref<!tpu.dma_semaphore, #tpu.memory_space<semaphore_mem>>) src(%dma_wait3A_27 : memref<80x128xf32, #tpu.memory_space<hbm>>) dst(%arg9 : memref<80x128xf32, #tpu.memory_space<vmem>>)
      tpu.yield
    }) : () -> ()
    %scan3A = arith.constant 0 : i32
    %scan3A_3 = arith.constant 8 : i32
    %scan3A_4 = arith.addi %scan3A, %scan3A_3 : i32
    %scan3A_5 = arith.constant 1 : i32
    scf.for %scan3A_18 = %scan3A to %scan3A_4 step %scan3A_5  : i32 {
      %mul3A_19 = arith.constant 1 : i32
      %mul3A_20 = arith.muli %scan3A_18, %mul3A_19 : i32
      %add3A_21 = arith.constant 0 : i32
      %add3A_22 = arith.addi %add3A_21, %mul3A_20 : i32
      %mul3A_23 = arith.constant 640 : i32
      %mul3A_24 = arith.muli %arg1, %mul3A_23 : i32
      %mul3A_25 = arith.constant 80 : i32
      %mul3A_26 = arith.muli %add3A_22, %mul3A_25 : i32
      %add3A_27 = arith.addi %mul3A_24, %mul3A_26 : i32
      "tpu.region"() ({
        %run_scoped3A = tpu.sem_alloc : memref<!tpu.dma_semaphore, #tpu.memory_space<semaphore_mem>>
        %dma_start3A = arith.constant 0 : i32
        %dma_start3A_28 = tpu.memref_slice %arg11[%add3A_27, %dma_start3A] : memref<10240x128xf32, #tpu.memory_space<vmem_shared>> -> memref<80x128xf32, #tpu.memory_space<vmem_shared>>
        %dma_start3A_29 = arith.constant 0 : i32
        %dma_start3A_30 = tpu.memref_slice %arg11[%add3A_27, %dma_start3A_29] : memref<10240x128xf32, #tpu.memory_space<vmem_shared>> -> memref<80x128xf32, #tpu.memory_space<vmem_shared>>
        tpu.enqueue_dma source(%arg9 : memref<80x128xf32, #tpu.memory_space<vmem>>) target(%dma_start3A_30 : memref<80x128xf32, #tpu.memory_space<vmem_shared>>) target_semaphore(%run_scoped3A : memref<!tpu.dma_semaphore, #tpu.memory_space<semaphore_mem>>)
        %dma_wait3A = arith.constant 0 : i32
        %dma_wait3A_31 = tpu.memref_slice %arg11[%add3A_27, %dma_wait3A] : memref<10240x128xf32, #tpu.memory_space<vmem_shared>> -> memref<80x128xf32, #tpu.memory_space<vmem_shared>>
        %dma_wait3A_32 = arith.constant 0 : i32
        %dma_wait3A_33 = tpu.memref_slice %arg11[%add3A_27, %dma_wait3A_32] : memref<10240x128xf32, #tpu.memory_space<vmem_shared>> -> memref<80x128xf32, #tpu.memory_space<vmem_shared>>
        tpu.wait_dma2 semaphore(%run_scoped3A : memref<!tpu.dma_semaphore, #tpu.memory_space<semaphore_mem>>) src(%arg9 : memref<80x128xf32, #tpu.memory_space<vmem>>) dst(%dma_wait3A_33 : memref<80x128xf32, #tpu.memory_space<vmem_shared>>)
        tpu.yield
      }) : () -> ()
    }
    %scan3A_6 = arith.constant 8 : i32
    %barrier3A = arith.constant 0 : index
    tpu.barrier barrier_id(%barrier3A)
    %scan3A_7 = arith.constant 0 : i32
    %scan3A_8 = arith.constant 8 : i32
    %scan3A_9 = arith.addi %scan3A_7, %scan3A_8 : i32
    %scan3A_10 = arith.constant 1 : i32
    scf.for %scan3A_18 = %scan3A_7 to %scan3A_9 step %scan3A_10  : i32 {
      %mul3A_19 = arith.constant 1 : i32
      %mul3A_20 = arith.muli %scan3A_18, %mul3A_19 : i32
      %add3A_21 = arith.constant 0 : i32
      %add3A_22 = arith.addi %add3A_21, %mul3A_20 : i32
      %mul3A_23 = arith.constant 16 : i32
      %mul3A_24 = arith.muli %add3A_22, %mul3A_23 : i32
      %add3A_25 = arith.addi %mul3A_2, %mul3A_24 : i32
      "tpu.region"() ({
        %run_scoped3A = tpu.sem_alloc : memref<!tpu.dma_semaphore, #tpu.memory_space<semaphore_mem>>
        %dma_start3A_37 = arith.constant 0 : i32
        %dma_start3A_38 = tpu.memref_slice %arg3[%add3A_25, %dma_start3A_37] : memref<4096x80xi32, #tpu.memory_space<hbm>> -> memref<16x80xi32, #tpu.memory_space<hbm>>
        %dma_start3A_39 = arith.constant 0 : i32
        %dma_start3A_40 = tpu.memref_slice %arg3[%add3A_25, %dma_start3A_39] : memref<4096x80xi32, #tpu.memory_space<hbm>> -> memref<16x80xi32, #tpu.memory_space<hbm>>
        tpu.enqueue_dma source(%dma_start3A_40 : memref<16x80xi32, #tpu.memory_space<hbm>>) target(%arg7 : memref<16x80xi32, #tpu.memory_space<vmem>>) target_semaphore(%run_scoped3A : memref<!tpu.dma_semaphore, #tpu.memory_space<semaphore_mem>>)
        %dma_wait3A = arith.constant 0 : i32
        %dma_wait3A_41 = tpu.memref_slice %arg3[%add3A_25, %dma_wait3A] : memref<4096x80xi32, #tpu.memory_space<hbm>> -> memref<16x80xi32, #tpu.memory_space<hbm>>
        %dma_wait3A_42 = arith.constant 0 : i32
        %dma_wait3A_43 = tpu.memref_slice %arg3[%add3A_25, %dma_wait3A_42] : memref<4096x80xi32, #tpu.memory_space<hbm>> -> memref<16x80xi32, #tpu.memory_space<hbm>>
        tpu.wait_dma2 semaphore(%run_scoped3A : memref<!tpu.dma_semaphore, #tpu.memory_space<semaphore_mem>>) src(%dma_wait3A_43 : memref<16x80xi32, #tpu.memory_space<hbm>>) dst(%arg7 : memref<16x80xi32, #tpu.memory_space<vmem>>)
        tpu.yield
      }) : () -> ()
      "tpu.region"() ({
        %run_scoped3A = tpu.sem_alloc : memref<!tpu.dma_semaphore, #tpu.memory_space<semaphore_mem>>
        %dma_start3A_37 = arith.constant 0 : i32
        %dma_start3A_38 = tpu.memref_slice %arg4[%add3A_25, %dma_start3A_37] : memref<4096x80xi32, #tpu.memory_space<hbm>> -> memref<16x80xi32, #tpu.memory_space<hbm>>
        %dma_start3A_39 = arith.constant 0 : i32
        %dma_start3A_40 = tpu.memref_slice %arg4[%add3A_25, %dma_start3A_39] : memref<4096x80xi32, #tpu.memory_space<hbm>> -> memref<16x80xi32, #tpu.memory_space<hbm>>
        tpu.enqueue_dma source(%dma_start3A_40 : memref<16x80xi32, #tpu.memory_space<hbm>>) target(%arg8 : memref<16x80xi32, #tpu.memory_space<vmem>>) target_semaphore(%run_scoped3A : memref<!tpu.dma_semaphore, #tpu.memory_space<semaphore_mem>>)
        %dma_wait3A = arith.constant 0 : i32
        %dma_wait3A_41 = tpu.memref_slice %arg4[%add3A_25, %dma_wait3A] : memref<4096x80xi32, #tpu.memory_space<hbm>> -> memref<16x80xi32, #tpu.memory_space<hbm>>
        %dma_wait3A_42 = arith.constant 0 : i32
        %dma_wait3A_43 = tpu.memref_slice %arg4[%add3A_25, %dma_wait3A_42] : memref<4096x80xi32, #tpu.memory_space<hbm>> -> memref<16x80xi32, #tpu.memory_space<hbm>>
        tpu.wait_dma2 semaphore(%run_scoped3A : memref<!tpu.dma_semaphore, #tpu.memory_space<semaphore_mem>>) src(%dma_wait3A_43 : memref<16x80xi32, #tpu.memory_space<hbm>>) dst(%arg8 : memref<16x80xi32, #tpu.memory_space<vmem>>)
        tpu.yield
      }) : () -> ()
      %dma_start3A = arith.constant 0 : i32
      %dma_start3A_26 = arith.constant 0 : i32
      %dma_start3A_27 = tpu.memref_slice %arg7[%dma_start3A, %dma_start3A_26] : memref<16x80xi32, #tpu.memory_space<vmem>> -> memref<1x80xi32, #tpu.memory_space<vmem>>
      %dma_start3A_28 = tpu.memref_squeeze %dma_start3A_27 : memref<1x80xi32, #tpu.memory_space<vmem>> -> memref<80xi32, #tpu.memory_space<vmem>>
      %dma_start3A_29 = arith.constant 0 : i32
      %dma_start3A_30 = arith.constant 0 : i32
      %dma_start3A_31 = tpu.memref_slice %arg2[%dma_start3A_29, %dma_start3A_30] : memref<10240x128xf32, #tpu.memory_space<hbm>> -> memref<10240x128xf32, #tpu.memory_space<hbm>>
      tpu.enqueue_indirect_dma source(%dma_start3A_31 : memref<10240x128xf32, #tpu.memory_space<hbm>>) target(%arg9 : memref<80x128xf32, #tpu.memory_space<vmem>>) offsets(%dma_start3A_28 : memref<80xi32, #tpu.memory_space<vmem>>) semaphore(%arg12 : memref<!tpu.dma_semaphore, #tpu.memory_space<semaphore_mem>>)
      %scan3A_32 = arith.constant 0 : i32
      %scan3A_33 = arith.constant 8 : i32
      %scan3A_34 = arith.addi %scan3A_32, %scan3A_33 : i32
      %scan3A_35 = arith.constant 1 : i32
      scf.for %scan3A_37 = %scan3A_32 to %scan3A_34 step %scan3A_35  : i32 {
        %mul3A_38 = arith.constant 2 : i32
        %mul3A_39 = arith.muli %scan3A_37, %mul3A_38 : i32
        %add3A_40 = arith.constant 0 : i32
        %add3A_41 = arith.addi %add3A_40, %mul3A_39 : i32
        %add3A_42 = arith.constant 1 : i32
        %add3A_43 = arith.addi %add3A_41, %add3A_42 : i32
        %dma_start3A_44 = arith.constant 0 : i32
        %dma_start3A_45 = tpu.memref_slice %arg7[%add3A_43, %dma_start3A_44] : memref<16x80xi32, #tpu.memory_space<vmem>> -> memref<1x80xi32, #tpu.memory_space<vmem>>
        %dma_start3A_46 = tpu.memref_squeeze %dma_start3A_45 : memref<1x80xi32, #tpu.memory_space<vmem>> -> memref<80xi32, #tpu.memory_space<vmem>>
        %dma_start3A_47 = arith.constant 0 : i32
        %dma_start3A_48 = arith.constant 0 : i32
        %dma_start3A_49 = tpu.memref_slice %arg2[%dma_start3A_47, %dma_start3A_48] : memref<10240x128xf32, #tpu.memory_space<hbm>> -> memref<10240x128xf32, #tpu.memory_space<hbm>>
        tpu.enqueue_indirect_dma source(%dma_start3A_49 : memref<10240x128xf32, #tpu.memory_space<hbm>>) target(%arg10 : memref<80x128xf32, #tpu.memory_space<vmem>>) offsets(%dma_start3A_46 : memref<80xi32, #tpu.memory_space<vmem>>) semaphore(%arg13 : memref<!tpu.dma_semaphore, #tpu.memory_space<semaphore_mem>>)
        %dma_wait3A = arith.constant 0 : i32
        %dma_wait3A_50 = tpu.memref_slice %arg7[%add3A_41, %dma_wait3A] : memref<16x80xi32, #tpu.memory_space<vmem>> -> memref<1x80xi32, #tpu.memory_space<vmem>>
        %dma_wait3A_51 = tpu.memref_squeeze %dma_wait3A_50 : memref<1x80xi32, #tpu.memory_space<vmem>> -> memref<80xi32, #tpu.memory_space<vmem>>
        %dma_wait3A_52 = arith.constant 0 : i32
        %dma_wait3A_53 = arith.constant 0 : i32
        %dma_wait3A_54 = tpu.memref_slice %arg2[%dma_wait3A_52, %dma_wait3A_53] : memref<10240x128xf32, #tpu.memory_space<hbm>> -> memref<10240x128xf32, #tpu.memory_space<hbm>>
        tpu.wait_indirect_dma semaphore(%arg12 : memref<!tpu.dma_semaphore, #tpu.memory_space<semaphore_mem>>) src(%dma_wait3A_54 : memref<10240x128xf32, #tpu.memory_space<hbm>>) dst(%arg9 : memref<80x128xf32, #tpu.memory_space<vmem>>)
        "tpu.region"() ({
          %run_scoped3A = tpu.sem_alloc : memref<!tpu.dma_semaphore, #tpu.memory_space<semaphore_mem>>
          %dma_start3A_69 = arith.constant 0 : i32
          %dma_start3A_70 = tpu.memref_slice %arg8[%add3A_41, %dma_start3A_69] : memref<16x80xi32, #tpu.memory_space<vmem>> -> memref<1x80xi32, #tpu.memory_space<vmem>>
          %dma_start3A_71 = tpu.memref_squeeze %dma_start3A_70 : memref<1x80xi32, #tpu.memory_space<vmem>> -> memref<80xi32, #tpu.memory_space<vmem>>
          %dma_start3A_72 = arith.constant 0 : i32
          %dma_start3A_73 = arith.constant 0 : i32
          %dma_start3A_74 = tpu.memref_slice %arg11[%dma_start3A_72, %dma_start3A_73] : memref<10240x128xf32, #tpu.memory_space<vmem_shared>> -> memref<10240x128xf32, #tpu.memory_space<vmem_shared>>
          tpu.enqueue_indirect_dma source(%arg9 : memref<80x128xf32, #tpu.memory_space<vmem>>) target(%dma_start3A_74 : memref<10240x128xf32, #tpu.memory_space<vmem_shared>>) offsets(%dma_start3A_71 : memref<80xi32, #tpu.memory_space<vmem>>) semaphore(%run_scoped3A : memref<!tpu.dma_semaphore, #tpu.memory_space<semaphore_mem>>) {add = true}
          %dma_wait3A_75 = arith.constant 0 : i32
          %dma_wait3A_76 = tpu.memref_slice %arg8[%add3A_41, %dma_wait3A_75] : memref<16x80xi32, #tpu.memory_space<vmem>> -> memref<1x80xi32, #tpu.memory_space<vmem>>
          %dma_wait3A_77 = tpu.memref_squeeze %dma_wait3A_76 : memref<1x80xi32, #tpu.memory_space<vmem>> -> memref<80xi32, #tpu.memory_space<vmem>>
          %dma_wait3A_78 = arith.constant 0 : i32
          %dma_wait3A_79 = arith.constant 0 : i32
          %dma_wait3A_80 = tpu.memref_slice %arg11[%dma_wait3A_78, %dma_wait3A_79] : memref<10240x128xf32, #tpu.memory_space<vmem_shared>> -> memref<10240x128xf32, #tpu.memory_space<vmem_shared>>
          tpu.wait_indirect_dma semaphore(%run_scoped3A : memref<!tpu.dma_semaphore, #tpu.memory_space<semaphore_mem>>) src(%arg9 : memref<80x128xf32, #tpu.memory_space<vmem>>) dst(%dma_wait3A_80 : memref<10240x128xf32, #tpu.memory_space<vmem_shared>>)
          tpu.yield
        }) : () -> ()
        %add3A_55 = arith.constant 2 : i32
        %add3A_56 = arith.addi %add3A_41, %add3A_55 : i32
        %lt3A = arith.constant 16 : i32
        %lt3A_57 = arith.cmpi slt, %add3A_56, %lt3A : i32
        %convert_element_type3A = arith.extui %lt3A_57 : i1 to i32
        %cond3A = arith.constant 0 : i32
        %cond3A_58 = arith.cmpi ne, %convert_element_type3A, %cond3A : i32
        scf.if %cond3A_58 {
          %add3A_69 = arith.constant 2 : i32
          %add3A_70 = arith.addi %add3A_41, %add3A_69 : i32
          %dma_start3A_71 = arith.constant 0 : i32
          %dma_start3A_72 = tpu.memref_slice %arg7[%add3A_70, %dma_start3A_71] : memref<16x80xi32, #tpu.memory_space<vmem>> -> memref<1x80xi32, #tpu.memory_space<vmem>>
          %dma_start3A_73 = tpu.memref_squeeze %dma_start3A_72 : memref<1x80xi32, #tpu.memory_space<vmem>> -> memref<80xi32, #tpu.memory_space<vmem>>
          %dma_start3A_74 = arith.constant 0 : i32
          %dma_start3A_75 = arith.constant 0 : i32
          %dma_start3A_76 = tpu.memref_slice %arg2[%dma_start3A_74, %dma_start3A_75] : memref<10240x128xf32, #tpu.memory_space<hbm>> -> memref<10240x128xf32, #tpu.memory_space<hbm>>
          tpu.enqueue_indirect_dma source(%dma_start3A_76 : memref<10240x128xf32, #tpu.memory_space<hbm>>) target(%arg9 : memref<80x128xf32, #tpu.memory_space<vmem>>) offsets(%dma_start3A_73 : memref<80xi32, #tpu.memory_space<vmem>>) semaphore(%arg12 : memref<!tpu.dma_semaphore, #tpu.memory_space<semaphore_mem>>)
        } else {
        }
        %add3A_59 = arith.constant 1 : i32
        %add3A_60 = arith.addi %add3A_41, %add3A_59 : i32
        %dma_wait3A_61 = arith.constant 0 : i32
        %dma_wait3A_62 = tpu.memref_slice %arg7[%add3A_60, %dma_wait3A_61] : memref<16x80xi32, #tpu.memory_space<vmem>> -> memref<1x80xi32, #tpu.memory_space<vmem>>
        %dma_wait3A_63 = tpu.memref_squeeze %dma_wait3A_62 : memref<1x80xi32, #tpu.memory_space<vmem>> -> memref<80xi32, #tpu.memory_space<vmem>>
        %dma_wait3A_64 = arith.constant 0 : i32
        %dma_wait3A_65 = arith.constant 0 : i32
        %dma_wait3A_66 = tpu.memref_slice %arg2[%dma_wait3A_64, %dma_wait3A_65] : memref<10240x128xf32, #tpu.memory_space<hbm>> -> memref<10240x128xf32, #tpu.memory_space<hbm>>
        tpu.wait_indirect_dma semaphore(%arg13 : memref<!tpu.dma_semaphore, #tpu.memory_space<semaphore_mem>>) src(%dma_wait3A_66 : memref<10240x128xf32, #tpu.memory_space<hbm>>) dst(%arg10 : memref<80x128xf32, #tpu.memory_space<vmem>>)
        %add3A_67 = arith.constant 1 : i32
        %add3A_68 = arith.addi %add3A_41, %add3A_67 : i32
        "tpu.region"() ({
          %run_scoped3A = tpu.sem_alloc : memref<!tpu.dma_semaphore, #tpu.memory_space<semaphore_mem>>
          %dma_start3A_69 = arith.constant 0 : i32
          %dma_start3A_70 = tpu.memref_slice %arg8[%add3A_68, %dma_start3A_69] : memref<16x80xi32, #tpu.memory_space<vmem>> -> memref<1x80xi32, #tpu.memory_space<vmem>>
          %dma_start3A_71 = tpu.memref_squeeze %dma_start3A_70 : memref<1x80xi32, #tpu.memory_space<vmem>> -> memref<80xi32, #tpu.memory_space<vmem>>
          %dma_start3A_72 = arith.constant 0 : i32
          %dma_start3A_73 = arith.constant 0 : i32
          %dma_start3A_74 = tpu.memref_slice %arg11[%dma_start3A_72, %dma_start3A_73] : memref<10240x128xf32, #tpu.memory_space<vmem_shared>> -> memref<10240x128xf32, #tpu.memory_space<vmem_shared>>
          tpu.enqueue_indirect_dma source(%arg10 : memref<80x128xf32, #tpu.memory_space<vmem>>) target(%dma_start3A_74 : memref<10240x128xf32, #tpu.memory_space<vmem_shared>>) offsets(%dma_start3A_71 : memref<80xi32, #tpu.memory_space<vmem>>) semaphore(%run_scoped3A : memref<!tpu.dma_semaphore, #tpu.memory_space<semaphore_mem>>) {add = true}
          %dma_wait3A_75 = arith.constant 0 : i32
          %dma_wait3A_76 = tpu.memref_slice %arg8[%add3A_68, %dma_wait3A_75] : memref<16x80xi32, #tpu.memory_space<vmem>> -> memref<1x80xi32, #tpu.memory_space<vmem>>
          %dma_wait3A_77 = tpu.memref_squeeze %dma_wait3A_76 : memref<1x80xi32, #tpu.memory_space<vmem>> -> memref<80xi32, #tpu.memory_space<vmem>>
          %dma_wait3A_78 = arith.constant 0 : i32
          %dma_wait3A_79 = arith.constant 0 : i32
          %dma_wait3A_80 = tpu.memref_slice %arg11[%dma_wait3A_78, %dma_wait3A_79] : memref<10240x128xf32, #tpu.memory_space<vmem_shared>> -> memref<10240x128xf32, #tpu.memory_space<vmem_shared>>
          tpu.wait_indirect_dma semaphore(%run_scoped3A : memref<!tpu.dma_semaphore, #tpu.memory_space<semaphore_mem>>) src(%arg10 : memref<80x128xf32, #tpu.memory_space<vmem>>) dst(%dma_wait3A_80 : memref<10240x128xf32, #tpu.memory_space<vmem_shared>>)
          tpu.yield
        }) : () -> ()
      }
      %scan3A_36 = arith.constant 8 : i32
    }
    %scan3A_11 = arith.constant 8 : i32
    %barrier3A_12 = arith.constant 0 : index
    tpu.barrier barrier_id(%barrier3A_12)
    %scan3A_13 = arith.constant 0 : i32
    %scan3A_14 = arith.constant 4 : i32
    %scan3A_15 = arith.addi %scan3A_13, %scan3A_14 : i32
    %scan3A_16 = arith.constant 1 : i32
    scf.for %scan3A_18 = %scan3A_13 to %scan3A_15 step %scan3A_16  : i32 {
      %mul3A_19 = arith.constant 1 : i32
      %mul3A_20 = arith.muli %scan3A_18, %mul3A_19 : i32
      %add3A_21 = arith.constant 0 : i32
      %add3A_22 = arith.addi %add3A_21, %mul3A_20 : i32
      %mul3A_23 = arith.constant 640 : i32
      %mul3A_24 = arith.muli %arg1, %mul3A_23 : i32
      %mul3A_25 = arith.constant 2 : i32
      %mul3A_26 = arith.muli %mul3A_25, %add3A_22 : i32
      %mul3A_27 = arith.constant 80 : i32
      %mul3A_28 = arith.muli %mul3A_26, %mul3A_27 : i32
      %add3A_29 = arith.addi %mul3A_24, %mul3A_28 : i32
      %add3A_30 = arith.constant 80 : i32
      %add3A_31 = arith.addi %add3A_29, %add3A_30 : i32
      "tpu.region"() ({
        %run_scoped3A = tpu.sem_alloc : memref<!tpu.dma_semaphore, #tpu.memory_space<semaphore_mem>>
        %dma_start3A_54 = arith.constant 0 : i32
        %dma_start3A_55 = tpu.memref_slice %arg11[%add3A_29, %dma_start3A_54] : memref<10240x128xf32, #tpu.memory_space<vmem_shared>> -> memref<80x128xf32, #tpu.memory_space<vmem_shared>>
        %dma_start3A_56 = arith.constant 0 : i32
        %dma_start3A_57 = tpu.memref_slice %arg11[%add3A_29, %dma_start3A_56] : memref<10240x128xf32, #tpu.memory_space<vmem_shared>> -> memref<80x128xf32, #tpu.memory_space<vmem_shared>>
        tpu.enqueue_dma source(%dma_start3A_57 : memref<80x128xf32, #tpu.memory_space<vmem_shared>>) target(%arg9 : memref<80x128xf32, #tpu.memory_space<vmem>>) target_semaphore(%run_scoped3A : memref<!tpu.dma_semaphore, #tpu.memory_space<semaphore_mem>>)
        %dma_wait3A_58 = arith.constant 0 : i32
        %dma_wait3A_59 = tpu.memref_slice %arg11[%add3A_29, %dma_wait3A_58] : memref<10240x128xf32, #tpu.memory_space<vmem_shared>> -> memref<80x128xf32, #tpu.memory_space<vmem_shared>>
        %dma_wait3A_60 = arith.constant 0 : i32
        %dma_wait3A_61 = tpu.memref_slice %arg11[%add3A_29, %dma_wait3A_60] : memref<10240x128xf32, #tpu.memory_space<vmem_shared>> -> memref<80x128xf32, #tpu.memory_space<vmem_shared>>
        tpu.wait_dma2 semaphore(%run_scoped3A : memref<!tpu.dma_semaphore, #tpu.memory_space<semaphore_mem>>) src(%dma_wait3A_61 : memref<80x128xf32, #tpu.memory_space<vmem_shared>>) dst(%arg9 : memref<80x128xf32, #tpu.memory_space<vmem>>)
        tpu.yield
      }) : () -> ()
      %dma_start3A = arith.constant 0 : i32
      %dma_start3A_32 = tpu.memref_slice %arg6[%arg0, %add3A_29, %dma_start3A] : memref<2x10240x128xf32, #tpu.memory_space<hbm>> -> memref<1x80x128xf32, #tpu.memory_space<hbm>>
      %dma_start3A_33 = tpu.memref_squeeze %dma_start3A_32 : memref<1x80x128xf32, #tpu.memory_space<hbm>> -> memref<80x128xf32, #tpu.memory_space<hbm>>
      %dma_start3A_34 = arith.constant 0 : i32
      %dma_start3A_35 = tpu.memref_slice %arg6[%arg0, %add3A_29, %dma_start3A_34] : memref<2x10240x128xf32, #tpu.memory_space<hbm>> -> memref<1x80x128xf32, #tpu.memory_space<hbm>>
      %dma_start3A_36 = tpu.memref_squeeze %dma_start3A_35 : memref<1x80x128xf32, #tpu.memory_space<hbm>> -> memref<80x128xf32, #tpu.memory_space<hbm>>
      tpu.enqueue_dma source(%arg9 : memref<80x128xf32, #tpu.memory_space<vmem>>) target(%dma_start3A_36 : memref<80x128xf32, #tpu.memory_space<hbm>>) target_semaphore(%arg12 : memref<!tpu.dma_semaphore, #tpu.memory_space<semaphore_mem>>)
      "tpu.region"() ({
        %run_scoped3A = tpu.sem_alloc : memref<!tpu.dma_semaphore, #tpu.memory_space<semaphore_mem>>
        %dma_start3A_54 = arith.constant 0 : i32
        %dma_start3A_55 = tpu.memref_slice %arg11[%add3A_31, %dma_start3A_54] : memref<10240x128xf32, #tpu.memory_space<vmem_shared>> -> memref<80x128xf32, #tpu.memory_space<vmem_shared>>
        %dma_start3A_56 = arith.constant 0 : i32
        %dma_start3A_57 = tpu.memref_slice %arg11[%add3A_31, %dma_start3A_56] : memref<10240x128xf32, #tpu.memory_space<vmem_shared>> -> memref<80x128xf32, #tpu.memory_space<vmem_shared>>
        tpu.enqueue_dma source(%dma_start3A_57 : memref<80x128xf32, #tpu.memory_space<vmem_shared>>) target(%arg10 : memref<80x128xf32, #tpu.memory_space<vmem>>) target_semaphore(%run_scoped3A : memref<!tpu.dma_semaphore, #tpu.memory_space<semaphore_mem>>)
        %dma_wait3A_58 = arith.constant 0 : i32
        %dma_wait3A_59 = tpu.memref_slice %arg11[%add3A_31, %dma_wait3A_58] : memref<10240x128xf32, #tpu.memory_space<vmem_shared>> -> memref<80x128xf32, #tpu.memory_space<vmem_shared>>
        %dma_wait3A_60 = arith.constant 0 : i32
        %dma_wait3A_61 = tpu.memref_slice %arg11[%add3A_31, %dma_wait3A_60] : memref<10240x128xf32, #tpu.memory_space<vmem_shared>> -> memref<80x128xf32, #tpu.memory_space<vmem_shared>>
        tpu.wait_dma2 semaphore(%run_scoped3A : memref<!tpu.dma_semaphore, #tpu.memory_space<semaphore_mem>>) src(%dma_wait3A_61 : memref<80x128xf32, #tpu.memory_space<vmem_shared>>) dst(%arg10 : memref<80x128xf32, #tpu.memory_space<vmem>>)
        tpu.yield
      }) : () -> ()
      %dma_start3A_37 = arith.constant 0 : i32
      %dma_start3A_38 = tpu.memref_slice %arg6[%arg0, %add3A_31, %dma_start3A_37] : memref<2x10240x128xf32, #tpu.memory_space<hbm>> -> memref<1x80x128xf32, #tpu.memory_space<hbm>>
      %dma_start3A_39 = tpu.memref_squeeze %dma_start3A_38 : memref<1x80x128xf32, #tpu.memory_space<hbm>> -> memref<80x128xf32, #tpu.memory_space<hbm>>
      %dma_start3A_40 = arith.constant 0 : i32
      %dma_start3A_41 = tpu.memref_slice %arg6[%arg0, %add3A_31, %dma_start3A_40] : memref<2x10240x128xf32, #tpu.memory_space<hbm>> -> memref<1x80x128xf32, #tpu.memory_space<hbm>>
      %dma_start3A_42 = tpu.memref_squeeze %dma_start3A_41 : memref<1x80x128xf32, #tpu.memory_space<hbm>> -> memref<80x128xf32, #tpu.memory_space<hbm>>
      tpu.enqueue_dma source(%arg10 : memref<80x128xf32, #tpu.memory_space<vmem>>) target(%dma_start3A_42 : memref<80x128xf32, #tpu.memory_space<hbm>>) target_semaphore(%arg13 : memref<!tpu.dma_semaphore, #tpu.memory_space<semaphore_mem>>)
      %dma_wait3A = arith.constant 0 : i32
      %dma_wait3A_43 = tpu.memref_slice %arg6[%arg0, %add3A_29, %dma_wait3A] : memref<2x10240x128xf32, #tpu.memory_space<hbm>> -> memref<1x80x128xf32, #tpu.memory_space<hbm>>
      %dma_wait3A_44 = tpu.memref_squeeze %dma_wait3A_43 : memref<1x80x128xf32, #tpu.memory_space<hbm>> -> memref<80x128xf32, #tpu.memory_space<hbm>>
      %dma_wait3A_45 = arith.constant 0 : i32
      %dma_wait3A_46 = tpu.memref_slice %arg6[%arg0, %add3A_29, %dma_wait3A_45] : memref<2x10240x128xf32, #tpu.memory_space<hbm>> -> memref<1x80x128xf32, #tpu.memory_space<hbm>>
      %dma_wait3A_47 = tpu.memref_squeeze %dma_wait3A_46 : memref<1x80x128xf32, #tpu.memory_space<hbm>> -> memref<80x128xf32, #tpu.memory_space<hbm>>
      tpu.wait_dma2 semaphore(%arg12 : memref<!tpu.dma_semaphore, #tpu.memory_space<semaphore_mem>>) src(%arg9 : memref<80x128xf32, #tpu.memory_space<vmem>>) dst(%dma_wait3A_47 : memref<80x128xf32, #tpu.memory_space<hbm>>)
      %dma_wait3A_48 = arith.constant 0 : i32
      %dma_wait3A_49 = tpu.memref_slice %arg6[%arg0, %add3A_31, %dma_wait3A_48] : memref<2x10240x128xf32, #tpu.memory_space<hbm>> -> memref<1x80x128xf32, #tpu.memory_space<hbm>>
      %dma_wait3A_50 = tpu.memref_squeeze %dma_wait3A_49 : memref<1x80x128xf32, #tpu.memory_space<hbm>> -> memref<80x128xf32, #tpu.memory_space<hbm>>
      %dma_wait3A_51 = arith.constant 0 : i32
      %dma_wait3A_52 = tpu.memref_slice %arg6[%arg0, %add3A_31, %dma_wait3A_51] : memref<2x10240x128xf32, #tpu.memory_space<hbm>> -> memref<1x80x128xf32, #tpu.memory_space<hbm>>
      %dma_wait3A_53 = tpu.memref_squeeze %dma_wait3A_52 : memref<1x80x128xf32, #tpu.memory_space<hbm>> -> memref<80x128xf32, #tpu.memory_space<hbm>>
      tpu.wait_dma2 semaphore(%arg13 : memref<!tpu.dma_semaphore, #tpu.memory_space<semaphore_mem>>) src(%arg10 : memref<80x128xf32, #tpu.memory_space<vmem>>) dst(%dma_wait3A_53 : memref<80x128xf32, #tpu.memory_space<hbm>>)
    }
    %scan3A_17 = arith.constant 4 : i32
    return
  }
}

#map = affine_map<(d0, d1) -> (0, 0)>
#map1 = affine_map<(d0, d1) -> (0, 0, 0)>
module attributes {stable_mosaic.version = 14 : i64} {
  func.func @_sc_edge_pass(%arg0: i32, %arg1: i32, %arg2: memref<10240x128xf32, #tpu.memory_space<hbm>>, %arg3: memref<4096x80xi32, #tpu.memory_space<hbm>>, %arg4: memref<4096x80xi32, #tpu.memory_space<hbm>>, %arg5: memref<10368x128xf32, #tpu.memory_space<hbm>>, %arg6: memref<2x10240x128xf32, #tpu.memory_space<hbm>>, %arg7: memref<16x80xi32, #tpu.memory_space<vmem>>, %arg8: memref<16x80xi32, #tpu.memory_space<vmem>>, %arg9: memref<80x128xf32, #tpu.memory_space<vmem>>, %arg10: memref<80x128xf32, #tpu.memory_space<vmem>>, %arg11: memref<10240x128xf32, #tpu.memory_space<vmem_shared>>, %arg12: memref<!tpu.dma_semaphore, #tpu.memory_space<semaphore_mem>>, %arg13: memref<!tpu.dma_semaphore, #tpu.memory_space<semaphore_mem>>) attributes {dimension_semantics = [#tpu.dimension_semantics<core_parallel>, #tpu.dimension_semantics<subcore_parallel>], iteration_bounds = array<i64: 2, 16>, scalar_prefetch = 0 : i64, scratch_operands = 7 : i64, tpu.core_type = #tpu.core_type<sc_vector_subcore>, window_params = [{transform_indices = #map}, {transform_indices = #map}, {transform_indices = #map}, {transform_indices = #map}, {transform_indices = #map1}]} {
    %mul3A = arith.constant 2 : i32
    %mul3A_0 = arith.muli %arg1, %mul3A : i32
    %add3A = arith.addi %mul3A_0, %arg0 : i32
    %mul3A_1 = arith.constant 128 : i32
    %mul3A_2 = arith.muli %add3A, %mul3A_1 : i32
    "tpu.region"() ({
      %run_scoped3A = tpu.sem_alloc : memref<!tpu.dma_semaphore, #tpu.memory_space<semaphore_mem>>
      %dma_start3A = arith.constant 0 : i32
      %dma_start3A_18 = arith.constant 0 : i32
      %dma_start3A_19 = tpu.memref_slice %arg5[%dma_start3A, %dma_start3A_18] : memref<10368x128xf32, #tpu.memory_space<hbm>> -> memref<80x128xf32, #tpu.memory_space<hbm>>
      %dma_start3A_20 = arith.constant 0 : i32
      %dma_start3A_21 = arith.constant 0 : i32
      %dma_start3A_22 = tpu.memref_slice %arg5[%dma_start3A_20, %dma_start3A_21] : memref<10368x128xf32, #tpu.memory_space<hbm>> -> memref<80x128xf32, #tpu.memory_space<hbm>>
      tpu.enqueue_dma source(%dma_start3A_22 : memref<80x128xf32, #tpu.memory_space<hbm>>) target(%arg9 : memref<80x128xf32, #tpu.memory_space<vmem>>) target_semaphore(%run_scoped3A : memref<!tpu.dma_semaphore, #tpu.memory_space<semaphore_mem>>)
      %dma_wait3A = arith.constant 0 : i32
      %dma_wait3A_23 = arith.constant 0 : i32
      %dma_wait3A_24 = tpu.memref_slice %arg5[%dma_wait3A, %dma_wait3A_23] : memref<10368x128xf32, #tpu.memory_space<hbm>> -> memref<80x128xf32, #tpu.memory_space<hbm>>
      %dma_wait3A_25 = arith.constant 0 : i32
      %dma_wait3A_26 = arith.constant 0 : i32
      %dma_wait3A_27 = tpu.memref_slice %arg5[%dma_wait3A_25, %dma_wait3A_26] : memref<10368x128xf32, #tpu.memory_space<hbm>> -> memref<80x128xf32, #tpu.memory_space<hbm>>
      tpu.wait_dma2 semaphore(%run_scoped3A : memref<!tpu.dma_semaphore, #tpu.memory_space<semaphore_mem>>) src(%dma_wait3A_27 : memref<80x128xf32, #tpu.memory_space<hbm>>) dst(%arg9 : memref<80x128xf32, #tpu.memory_space<vmem>>)
      tpu.yield
    }) : () -> ()
    %scan3A = arith.constant 0 : i32
    %scan3A_3 = arith.constant 8 : i32
    %scan3A_4 = arith.addi %scan3A, %scan3A_3 : i32
    %scan3A_5 = arith.constant 1 : i32
    scf.for %scan3A_18 = %scan3A to %scan3A_4 step %scan3A_5  : i32 {
      %mul3A_19 = arith.constant 1 : i32
      %mul3A_20 = arith.muli %scan3A_18, %mul3A_19 : i32
      %add3A_21 = arith.constant 0 : i32
      %add3A_22 = arith.addi %add3A_21, %mul3A_20 : i32
      %mul3A_23 = arith.constant 640 : i32
      %mul3A_24 = arith.muli %arg1, %mul3A_23 : i32
      %mul3A_25 = arith.constant 80 : i32
      %mul3A_26 = arith.muli %add3A_22, %mul3A_25 : i32
      %add3A_27 = arith.addi %mul3A_24, %mul3A_26 : i32
      "tpu.region"() ({
        %run_scoped3A = tpu.sem_alloc : memref<!tpu.dma_semaphore, #tpu.memory_space<semaphore_mem>>
        %dma_start3A = arith.constant 0 : i32
        %dma_start3A_28 = tpu.memref_slice %arg11[%add3A_27, %dma_start3A] : memref<10240x128xf32, #tpu.memory_space<vmem_shared>> -> memref<80x128xf32, #tpu.memory_space<vmem_shared>>
        %dma_start3A_29 = arith.constant 0 : i32
        %dma_start3A_30 = tpu.memref_slice %arg11[%add3A_27, %dma_start3A_29] : memref<10240x128xf32, #tpu.memory_space<vmem_shared>> -> memref<80x128xf32, #tpu.memory_space<vmem_shared>>
        tpu.enqueue_dma source(%arg9 : memref<80x128xf32, #tpu.memory_space<vmem>>) target(%dma_start3A_30 : memref<80x128xf32, #tpu.memory_space<vmem_shared>>) target_semaphore(%run_scoped3A : memref<!tpu.dma_semaphore, #tpu.memory_space<semaphore_mem>>)
        %dma_wait3A = arith.constant 0 : i32
        %dma_wait3A_31 = tpu.memref_slice %arg11[%add3A_27, %dma_wait3A] : memref<10240x128xf32, #tpu.memory_space<vmem_shared>> -> memref<80x128xf32, #tpu.memory_space<vmem_shared>>
        %dma_wait3A_32 = arith.constant 0 : i32
        %dma_wait3A_33 = tpu.memref_slice %arg11[%add3A_27, %dma_wait3A_32] : memref<10240x128xf32, #tpu.memory_space<vmem_shared>> -> memref<80x128xf32, #tpu.memory_space<vmem_shared>>
        tpu.wait_dma2 semaphore(%run_scoped3A : memref<!tpu.dma_semaphore, #tpu.memory_space<semaphore_mem>>) src(%arg9 : memref<80x128xf32, #tpu.memory_space<vmem>>) dst(%dma_wait3A_33 : memref<80x128xf32, #tpu.memory_space<vmem_shared>>)
        tpu.yield
      }) : () -> ()
    }
    %scan3A_6 = arith.constant 8 : i32
    %barrier3A = arith.constant 0 : index
    tpu.barrier barrier_id(%barrier3A)
    %scan3A_7 = arith.constant 0 : i32
    %scan3A_8 = arith.constant 8 : i32
    %scan3A_9 = arith.addi %scan3A_7, %scan3A_8 : i32
    %scan3A_10 = arith.constant 1 : i32
    scf.for %scan3A_18 = %scan3A_7 to %scan3A_9 step %scan3A_10  : i32 {
      %mul3A_19 = arith.constant 1 : i32
      %mul3A_20 = arith.muli %scan3A_18, %mul3A_19 : i32
      %add3A_21 = arith.constant 0 : i32
      %add3A_22 = arith.addi %add3A_21, %mul3A_20 : i32
      %mul3A_23 = arith.constant 16 : i32
      %mul3A_24 = arith.muli %add3A_22, %mul3A_23 : i32
      %add3A_25 = arith.addi %mul3A_2, %mul3A_24 : i32
      "tpu.region"() ({
        %run_scoped3A = tpu.sem_alloc : memref<!tpu.dma_semaphore, #tpu.memory_space<semaphore_mem>>
        %dma_start3A_37 = arith.constant 0 : i32
        %dma_start3A_38 = tpu.memref_slice %arg3[%add3A_25, %dma_start3A_37] : memref<4096x80xi32, #tpu.memory_space<hbm>> -> memref<16x80xi32, #tpu.memory_space<hbm>>
        %dma_start3A_39 = arith.constant 0 : i32
        %dma_start3A_40 = tpu.memref_slice %arg3[%add3A_25, %dma_start3A_39] : memref<4096x80xi32, #tpu.memory_space<hbm>> -> memref<16x80xi32, #tpu.memory_space<hbm>>
        tpu.enqueue_dma source(%dma_start3A_40 : memref<16x80xi32, #tpu.memory_space<hbm>>) target(%arg7 : memref<16x80xi32, #tpu.memory_space<vmem>>) target_semaphore(%run_scoped3A : memref<!tpu.dma_semaphore, #tpu.memory_space<semaphore_mem>>)
        %dma_wait3A = arith.constant 0 : i32
        %dma_wait3A_41 = tpu.memref_slice %arg3[%add3A_25, %dma_wait3A] : memref<4096x80xi32, #tpu.memory_space<hbm>> -> memref<16x80xi32, #tpu.memory_space<hbm>>
        %dma_wait3A_42 = arith.constant 0 : i32
        %dma_wait3A_43 = tpu.memref_slice %arg3[%add3A_25, %dma_wait3A_42] : memref<4096x80xi32, #tpu.memory_space<hbm>> -> memref<16x80xi32, #tpu.memory_space<hbm>>
        tpu.wait_dma2 semaphore(%run_scoped3A : memref<!tpu.dma_semaphore, #tpu.memory_space<semaphore_mem>>) src(%dma_wait3A_43 : memref<16x80xi32, #tpu.memory_space<hbm>>) dst(%arg7 : memref<16x80xi32, #tpu.memory_space<vmem>>)
        tpu.yield
      }) : () -> ()
      "tpu.region"() ({
        %run_scoped3A = tpu.sem_alloc : memref<!tpu.dma_semaphore, #tpu.memory_space<semaphore_mem>>
        %dma_start3A_37 = arith.constant 0 : i32
        %dma_start3A_38 = tpu.memref_slice %arg4[%add3A_25, %dma_start3A_37] : memref<4096x80xi32, #tpu.memory_space<hbm>> -> memref<16x80xi32, #tpu.memory_space<hbm>>
        %dma_start3A_39 = arith.constant 0 : i32
        %dma_start3A_40 = tpu.memref_slice %arg4[%add3A_25, %dma_start3A_39] : memref<4096x80xi32, #tpu.memory_space<hbm>> -> memref<16x80xi32, #tpu.memory_space<hbm>>
        tpu.enqueue_dma source(%dma_start3A_40 : memref<16x80xi32, #tpu.memory_space<hbm>>) target(%arg8 : memref<16x80xi32, #tpu.memory_space<vmem>>) target_semaphore(%run_scoped3A : memref<!tpu.dma_semaphore, #tpu.memory_space<semaphore_mem>>)
        %dma_wait3A = arith.constant 0 : i32
        %dma_wait3A_41 = tpu.memref_slice %arg4[%add3A_25, %dma_wait3A] : memref<4096x80xi32, #tpu.memory_space<hbm>> -> memref<16x80xi32, #tpu.memory_space<hbm>>
        %dma_wait3A_42 = arith.constant 0 : i32
        %dma_wait3A_43 = tpu.memref_slice %arg4[%add3A_25, %dma_wait3A_42] : memref<4096x80xi32, #tpu.memory_space<hbm>> -> memref<16x80xi32, #tpu.memory_space<hbm>>
        tpu.wait_dma2 semaphore(%run_scoped3A : memref<!tpu.dma_semaphore, #tpu.memory_space<semaphore_mem>>) src(%dma_wait3A_43 : memref<16x80xi32, #tpu.memory_space<hbm>>) dst(%arg8 : memref<16x80xi32, #tpu.memory_space<vmem>>)
        tpu.yield
      }) : () -> ()
      %dma_start3A = arith.constant 0 : i32
      %dma_start3A_26 = arith.constant 0 : i32
      %dma_start3A_27 = tpu.memref_slice %arg7[%dma_start3A, %dma_start3A_26] : memref<16x80xi32, #tpu.memory_space<vmem>> -> memref<1x80xi32, #tpu.memory_space<vmem>>
      %dma_start3A_28 = tpu.memref_squeeze %dma_start3A_27 : memref<1x80xi32, #tpu.memory_space<vmem>> -> memref<80xi32, #tpu.memory_space<vmem>>
      %dma_start3A_29 = arith.constant 0 : i32
      %dma_start3A_30 = arith.constant 0 : i32
      %dma_start3A_31 = tpu.memref_slice %arg2[%dma_start3A_29, %dma_start3A_30] : memref<10240x128xf32, #tpu.memory_space<hbm>> -> memref<10240x128xf32, #tpu.memory_space<hbm>>
      tpu.enqueue_indirect_dma source(%dma_start3A_31 : memref<10240x128xf32, #tpu.memory_space<hbm>>) target(%arg9 : memref<80x128xf32, #tpu.memory_space<vmem>>) offsets(%dma_start3A_28 : memref<80xi32, #tpu.memory_space<vmem>>) semaphore(%arg12 : memref<!tpu.dma_semaphore, #tpu.memory_space<semaphore_mem>>)
      %scan3A_32 = arith.constant 0 : i32
      %scan3A_33 = arith.constant 8 : i32
      %scan3A_34 = arith.addi %scan3A_32, %scan3A_33 : i32
      %scan3A_35 = arith.constant 1 : i32
      scf.for %scan3A_37 = %scan3A_32 to %scan3A_34 step %scan3A_35  : i32 {
        %mul3A_38 = arith.constant 2 : i32
        %mul3A_39 = arith.muli %scan3A_37, %mul3A_38 : i32
        %add3A_40 = arith.constant 0 : i32
        %add3A_41 = arith.addi %add3A_40, %mul3A_39 : i32
        %add3A_42 = arith.constant 1 : i32
        %add3A_43 = arith.addi %add3A_41, %add3A_42 : i32
        %dma_start3A_44 = arith.constant 0 : i32
        %dma_start3A_45 = tpu.memref_slice %arg7[%add3A_43, %dma_start3A_44] : memref<16x80xi32, #tpu.memory_space<vmem>> -> memref<1x80xi32, #tpu.memory_space<vmem>>
        %dma_start3A_46 = tpu.memref_squeeze %dma_start3A_45 : memref<1x80xi32, #tpu.memory_space<vmem>> -> memref<80xi32, #tpu.memory_space<vmem>>
        %dma_start3A_47 = arith.constant 0 : i32
        %dma_start3A_48 = arith.constant 0 : i32
        %dma_start3A_49 = tpu.memref_slice %arg2[%dma_start3A_47, %dma_start3A_48] : memref<10240x128xf32, #tpu.memory_space<hbm>> -> memref<10240x128xf32, #tpu.memory_space<hbm>>
        tpu.enqueue_indirect_dma source(%dma_start3A_49 : memref<10240x128xf32, #tpu.memory_space<hbm>>) target(%arg10 : memref<80x128xf32, #tpu.memory_space<vmem>>) offsets(%dma_start3A_46 : memref<80xi32, #tpu.memory_space<vmem>>) semaphore(%arg13 : memref<!tpu.dma_semaphore, #tpu.memory_space<semaphore_mem>>)
        %dma_wait3A = arith.constant 0 : i32
        %dma_wait3A_50 = tpu.memref_slice %arg7[%add3A_41, %dma_wait3A] : memref<16x80xi32, #tpu.memory_space<vmem>> -> memref<1x80xi32, #tpu.memory_space<vmem>>
        %dma_wait3A_51 = tpu.memref_squeeze %dma_wait3A_50 : memref<1x80xi32, #tpu.memory_space<vmem>> -> memref<80xi32, #tpu.memory_space<vmem>>
        %dma_wait3A_52 = arith.constant 0 : i32
        %dma_wait3A_53 = arith.constant 0 : i32
        %dma_wait3A_54 = tpu.memref_slice %arg2[%dma_wait3A_52, %dma_wait3A_53] : memref<10240x128xf32, #tpu.memory_space<hbm>> -> memref<10240x128xf32, #tpu.memory_space<hbm>>
        tpu.wait_indirect_dma semaphore(%arg12 : memref<!tpu.dma_semaphore, #tpu.memory_space<semaphore_mem>>) src(%dma_wait3A_54 : memref<10240x128xf32, #tpu.memory_space<hbm>>) dst(%arg9 : memref<80x128xf32, #tpu.memory_space<vmem>>)
        "tpu.region"() ({
          %run_scoped3A = tpu.sem_alloc : memref<!tpu.dma_semaphore, #tpu.memory_space<semaphore_mem>>
          %dma_start3A_69 = arith.constant 0 : i32
          %dma_start3A_70 = tpu.memref_slice %arg8[%add3A_41, %dma_start3A_69] : memref<16x80xi32, #tpu.memory_space<vmem>> -> memref<1x80xi32, #tpu.memory_space<vmem>>
          %dma_start3A_71 = tpu.memref_squeeze %dma_start3A_70 : memref<1x80xi32, #tpu.memory_space<vmem>> -> memref<80xi32, #tpu.memory_space<vmem>>
          %dma_start3A_72 = arith.constant 0 : i32
          %dma_start3A_73 = arith.constant 0 : i32
          %dma_start3A_74 = tpu.memref_slice %arg11[%dma_start3A_72, %dma_start3A_73] : memref<10240x128xf32, #tpu.memory_space<vmem_shared>> -> memref<10240x128xf32, #tpu.memory_space<vmem_shared>>
          tpu.enqueue_indirect_dma source(%arg9 : memref<80x128xf32, #tpu.memory_space<vmem>>) target(%dma_start3A_74 : memref<10240x128xf32, #tpu.memory_space<vmem_shared>>) offsets(%dma_start3A_71 : memref<80xi32, #tpu.memory_space<vmem>>) semaphore(%run_scoped3A : memref<!tpu.dma_semaphore, #tpu.memory_space<semaphore_mem>>) {add = true}
          %dma_wait3A_75 = arith.constant 0 : i32
          %dma_wait3A_76 = tpu.memref_slice %arg8[%add3A_41, %dma_wait3A_75] : memref<16x80xi32, #tpu.memory_space<vmem>> -> memref<1x80xi32, #tpu.memory_space<vmem>>
          %dma_wait3A_77 = tpu.memref_squeeze %dma_wait3A_76 : memref<1x80xi32, #tpu.memory_space<vmem>> -> memref<80xi32, #tpu.memory_space<vmem>>
          %dma_wait3A_78 = arith.constant 0 : i32
          %dma_wait3A_79 = arith.constant 0 : i32
          %dma_wait3A_80 = tpu.memref_slice %arg11[%dma_wait3A_78, %dma_wait3A_79] : memref<10240x128xf32, #tpu.memory_space<vmem_shared>> -> memref<10240x128xf32, #tpu.memory_space<vmem_shared>>
          tpu.wait_indirect_dma semaphore(%run_scoped3A : memref<!tpu.dma_semaphore, #tpu.memory_space<semaphore_mem>>) src(%arg9 : memref<80x128xf32, #tpu.memory_space<vmem>>) dst(%dma_wait3A_80 : memref<10240x128xf32, #tpu.memory_space<vmem_shared>>)
          tpu.yield
        }) : () -> ()
        %add3A_55 = arith.constant 2 : i32
        %add3A_56 = arith.addi %add3A_41, %add3A_55 : i32
        %lt3A = arith.constant 16 : i32
        %lt3A_57 = arith.cmpi slt, %add3A_56, %lt3A : i32
        %convert_element_type3A = arith.extui %lt3A_57 : i1 to i32
        %cond3A = arith.constant 0 : i32
        %cond3A_58 = arith.cmpi ne, %convert_element_type3A, %cond3A : i32
        scf.if %cond3A_58 {
          %add3A_69 = arith.constant 2 : i32
          %add3A_70 = arith.addi %add3A_41, %add3A_69 : i32
          %dma_start3A_71 = arith.constant 0 : i32
          %dma_start3A_72 = tpu.memref_slice %arg7[%add3A_70, %dma_start3A_71] : memref<16x80xi32, #tpu.memory_space<vmem>> -> memref<1x80xi32, #tpu.memory_space<vmem>>
          %dma_start3A_73 = tpu.memref_squeeze %dma_start3A_72 : memref<1x80xi32, #tpu.memory_space<vmem>> -> memref<80xi32, #tpu.memory_space<vmem>>
          %dma_start3A_74 = arith.constant 0 : i32
          %dma_start3A_75 = arith.constant 0 : i32
          %dma_start3A_76 = tpu.memref_slice %arg2[%dma_start3A_74, %dma_start3A_75] : memref<10240x128xf32, #tpu.memory_space<hbm>> -> memref<10240x128xf32, #tpu.memory_space<hbm>>
          tpu.enqueue_indirect_dma source(%dma_start3A_76 : memref<10240x128xf32, #tpu.memory_space<hbm>>) target(%arg9 : memref<80x128xf32, #tpu.memory_space<vmem>>) offsets(%dma_start3A_73 : memref<80xi32, #tpu.memory_space<vmem>>) semaphore(%arg12 : memref<!tpu.dma_semaphore, #tpu.memory_space<semaphore_mem>>)
        } else {
        }
        %add3A_59 = arith.constant 1 : i32
        %add3A_60 = arith.addi %add3A_41, %add3A_59 : i32
        %dma_wait3A_61 = arith.constant 0 : i32
        %dma_wait3A_62 = tpu.memref_slice %arg7[%add3A_60, %dma_wait3A_61] : memref<16x80xi32, #tpu.memory_space<vmem>> -> memref<1x80xi32, #tpu.memory_space<vmem>>
        %dma_wait3A_63 = tpu.memref_squeeze %dma_wait3A_62 : memref<1x80xi32, #tpu.memory_space<vmem>> -> memref<80xi32, #tpu.memory_space<vmem>>
        %dma_wait3A_64 = arith.constant 0 : i32
        %dma_wait3A_65 = arith.constant 0 : i32
        %dma_wait3A_66 = tpu.memref_slice %arg2[%dma_wait3A_64, %dma_wait3A_65] : memref<10240x128xf32, #tpu.memory_space<hbm>> -> memref<10240x128xf32, #tpu.memory_space<hbm>>
        tpu.wait_indirect_dma semaphore(%arg13 : memref<!tpu.dma_semaphore, #tpu.memory_space<semaphore_mem>>) src(%dma_wait3A_66 : memref<10240x128xf32, #tpu.memory_space<hbm>>) dst(%arg10 : memref<80x128xf32, #tpu.memory_space<vmem>>)
        %add3A_67 = arith.constant 1 : i32
        %add3A_68 = arith.addi %add3A_41, %add3A_67 : i32
        "tpu.region"() ({
          %run_scoped3A = tpu.sem_alloc : memref<!tpu.dma_semaphore, #tpu.memory_space<semaphore_mem>>
          %dma_start3A_69 = arith.constant 0 : i32
          %dma_start3A_70 = tpu.memref_slice %arg8[%add3A_68, %dma_start3A_69] : memref<16x80xi32, #tpu.memory_space<vmem>> -> memref<1x80xi32, #tpu.memory_space<vmem>>
          %dma_start3A_71 = tpu.memref_squeeze %dma_start3A_70 : memref<1x80xi32, #tpu.memory_space<vmem>> -> memref<80xi32, #tpu.memory_space<vmem>>
          %dma_start3A_72 = arith.constant 0 : i32
          %dma_start3A_73 = arith.constant 0 : i32
          %dma_start3A_74 = tpu.memref_slice %arg11[%dma_start3A_72, %dma_start3A_73] : memref<10240x128xf32, #tpu.memory_space<vmem_shared>> -> memref<10240x128xf32, #tpu.memory_space<vmem_shared>>
          tpu.enqueue_indirect_dma source(%arg10 : memref<80x128xf32, #tpu.memory_space<vmem>>) target(%dma_start3A_74 : memref<10240x128xf32, #tpu.memory_space<vmem_shared>>) offsets(%dma_start3A_71 : memref<80xi32, #tpu.memory_space<vmem>>) semaphore(%run_scoped3A : memref<!tpu.dma_semaphore, #tpu.memory_space<semaphore_mem>>) {add = true}
          %dma_wait3A_75 = arith.constant 0 : i32
          %dma_wait3A_76 = tpu.memref_slice %arg8[%add3A_68, %dma_wait3A_75] : memref<16x80xi32, #tpu.memory_space<vmem>> -> memref<1x80xi32, #tpu.memory_space<vmem>>
          %dma_wait3A_77 = tpu.memref_squeeze %dma_wait3A_76 : memref<1x80xi32, #tpu.memory_space<vmem>> -> memref<80xi32, #tpu.memory_space<vmem>>
          %dma_wait3A_78 = arith.constant 0 : i32
          %dma_wait3A_79 = arith.constant 0 : i32
          %dma_wait3A_80 = tpu.memref_slice %arg11[%dma_wait3A_78, %dma_wait3A_79] : memref<10240x128xf32, #tpu.memory_space<vmem_shared>> -> memref<10240x128xf32, #tpu.memory_space<vmem_shared>>
          tpu.wait_indirect_dma semaphore(%run_scoped3A : memref<!tpu.dma_semaphore, #tpu.memory_space<semaphore_mem>>) src(%arg10 : memref<80x128xf32, #tpu.memory_space<vmem>>) dst(%dma_wait3A_80 : memref<10240x128xf32, #tpu.memory_space<vmem_shared>>)
          tpu.yield
        }) : () -> ()
      }
      %scan3A_36 = arith.constant 8 : i32
    }
    %scan3A_11 = arith.constant 8 : i32
    %barrier3A_12 = arith.constant 0 : index
    tpu.barrier barrier_id(%barrier3A_12)
    %scan3A_13 = arith.constant 0 : i32
    %scan3A_14 = arith.constant 4 : i32
    %scan3A_15 = arith.addi %scan3A_13, %scan3A_14 : i32
    %scan3A_16 = arith.constant 1 : i32
    scf.for %scan3A_18 = %scan3A_13 to %scan3A_15 step %scan3A_16  : i32 {
      %mul3A_19 = arith.constant 1 : i32
      %mul3A_20 = arith.muli %scan3A_18, %mul3A_19 : i32
      %add3A_21 = arith.constant 0 : i32
      %add3A_22 = arith.addi %add3A_21, %mul3A_20 : i32
      %mul3A_23 = arith.constant 640 : i32
      %mul3A_24 = arith.muli %arg1, %mul3A_23 : i32
      %mul3A_25 = arith.constant 2 : i32
      %mul3A_26 = arith.muli %mul3A_25, %add3A_22 : i32
      %mul3A_27 = arith.constant 80 : i32
      %mul3A_28 = arith.muli %mul3A_26, %mul3A_27 : i32
      %add3A_29 = arith.addi %mul3A_24, %mul3A_28 : i32
      %add3A_30 = arith.constant 80 : i32
      %add3A_31 = arith.addi %add3A_29, %add3A_30 : i32
      "tpu.region"() ({
        %run_scoped3A = tpu.sem_alloc : memref<!tpu.dma_semaphore, #tpu.memory_space<semaphore_mem>>
        %dma_start3A_54 = arith.constant 0 : i32
        %dma_start3A_55 = tpu.memref_slice %arg11[%add3A_29, %dma_start3A_54] : memref<10240x128xf32, #tpu.memory_space<vmem_shared>> -> memref<80x128xf32, #tpu.memory_space<vmem_shared>>
        %dma_start3A_56 = arith.constant 0 : i32
        %dma_start3A_57 = tpu.memref_slice %arg11[%add3A_29, %dma_start3A_56] : memref<10240x128xf32, #tpu.memory_space<vmem_shared>> -> memref<80x128xf32, #tpu.memory_space<vmem_shared>>
        tpu.enqueue_dma source(%dma_start3A_57 : memref<80x128xf32, #tpu.memory_space<vmem_shared>>) target(%arg9 : memref<80x128xf32, #tpu.memory_space<vmem>>) target_semaphore(%run_scoped3A : memref<!tpu.dma_semaphore, #tpu.memory_space<semaphore_mem>>)
        %dma_wait3A_58 = arith.constant 0 : i32
        %dma_wait3A_59 = tpu.memref_slice %arg11[%add3A_29, %dma_wait3A_58] : memref<10240x128xf32, #tpu.memory_space<vmem_shared>> -> memref<80x128xf32, #tpu.memory_space<vmem_shared>>
        %dma_wait3A_60 = arith.constant 0 : i32
        %dma_wait3A_61 = tpu.memref_slice %arg11[%add3A_29, %dma_wait3A_60] : memref<10240x128xf32, #tpu.memory_space<vmem_shared>> -> memref<80x128xf32, #tpu.memory_space<vmem_shared>>
        tpu.wait_dma2 semaphore(%run_scoped3A : memref<!tpu.dma_semaphore, #tpu.memory_space<semaphore_mem>>) src(%dma_wait3A_61 : memref<80x128xf32, #tpu.memory_space<vmem_shared>>) dst(%arg9 : memref<80x128xf32, #tpu.memory_space<vmem>>)
        tpu.yield
      }) : () -> ()
      %dma_start3A = arith.constant 0 : i32
      %dma_start3A_32 = tpu.memref_slice %arg6[%arg0, %add3A_29, %dma_start3A] : memref<2x10240x128xf32, #tpu.memory_space<hbm>> -> memref<1x80x128xf32, #tpu.memory_space<hbm>>
      %dma_start3A_33 = tpu.memref_squeeze %dma_start3A_32 : memref<1x80x128xf32, #tpu.memory_space<hbm>> -> memref<80x128xf32, #tpu.memory_space<hbm>>
      %dma_start3A_34 = arith.constant 0 : i32
      %dma_start3A_35 = tpu.memref_slice %arg6[%arg0, %add3A_29, %dma_start3A_34] : memref<2x10240x128xf32, #tpu.memory_space<hbm>> -> memref<1x80x128xf32, #tpu.memory_space<hbm>>
      %dma_start3A_36 = tpu.memref_squeeze %dma_start3A_35 : memref<1x80x128xf32, #tpu.memory_space<hbm>> -> memref<80x128xf32, #tpu.memory_space<hbm>>
      tpu.enqueue_dma source(%arg9 : memref<80x128xf32, #tpu.memory_space<vmem>>) target(%dma_start3A_36 : memref<80x128xf32, #tpu.memory_space<hbm>>) target_semaphore(%arg12 : memref<!tpu.dma_semaphore, #tpu.memory_space<semaphore_mem>>)
      "tpu.region"() ({
        %run_scoped3A = tpu.sem_alloc : memref<!tpu.dma_semaphore, #tpu.memory_space<semaphore_mem>>
        %dma_start3A_54 = arith.constant 0 : i32
        %dma_start3A_55 = tpu.memref_slice %arg11[%add3A_31, %dma_start3A_54] : memref<10240x128xf32, #tpu.memory_space<vmem_shared>> -> memref<80x128xf32, #tpu.memory_space<vmem_shared>>
        %dma_start3A_56 = arith.constant 0 : i32
        %dma_start3A_57 = tpu.memref_slice %arg11[%add3A_31, %dma_start3A_56] : memref<10240x128xf32, #tpu.memory_space<vmem_shared>> -> memref<80x128xf32, #tpu.memory_space<vmem_shared>>
        tpu.enqueue_dma source(%dma_start3A_57 : memref<80x128xf32, #tpu.memory_space<vmem_shared>>) target(%arg10 : memref<80x128xf32, #tpu.memory_space<vmem>>) target_semaphore(%run_scoped3A : memref<!tpu.dma_semaphore, #tpu.memory_space<semaphore_mem>>)
        %dma_wait3A_58 = arith.constant 0 : i32
        %dma_wait3A_59 = tpu.memref_slice %arg11[%add3A_31, %dma_wait3A_58] : memref<10240x128xf32, #tpu.memory_space<vmem_shared>> -> memref<80x128xf32, #tpu.memory_space<vmem_shared>>
        %dma_wait3A_60 = arith.constant 0 : i32
        %dma_wait3A_61 = tpu.memref_slice %arg11[%add3A_31, %dma_wait3A_60] : memref<10240x128xf32, #tpu.memory_space<vmem_shared>> -> memref<80x128xf32, #tpu.memory_space<vmem_shared>>
        tpu.wait_dma2 semaphore(%run_scoped3A : memref<!tpu.dma_semaphore, #tpu.memory_space<semaphore_mem>>) src(%dma_wait3A_61 : memref<80x128xf32, #tpu.memory_space<vmem_shared>>) dst(%arg10 : memref<80x128xf32, #tpu.memory_space<vmem>>)
        tpu.yield
      }) : () -> ()
      %dma_start3A_37 = arith.constant 0 : i32
      %dma_start3A_38 = tpu.memref_slice %arg6[%arg0, %add3A_31, %dma_start3A_37] : memref<2x10240x128xf32, #tpu.memory_space<hbm>> -> memref<1x80x128xf32, #tpu.memory_space<hbm>>
      %dma_start3A_39 = tpu.memref_squeeze %dma_start3A_38 : memref<1x80x128xf32, #tpu.memory_space<hbm>> -> memref<80x128xf32, #tpu.memory_space<hbm>>
      %dma_start3A_40 = arith.constant 0 : i32
      %dma_start3A_41 = tpu.memref_slice %arg6[%arg0, %add3A_31, %dma_start3A_40] : memref<2x10240x128xf32, #tpu.memory_space<hbm>> -> memref<1x80x128xf32, #tpu.memory_space<hbm>>
      %dma_start3A_42 = tpu.memref_squeeze %dma_start3A_41 : memref<1x80x128xf32, #tpu.memory_space<hbm>> -> memref<80x128xf32, #tpu.memory_space<hbm>>
      tpu.enqueue_dma source(%arg10 : memref<80x128xf32, #tpu.memory_space<vmem>>) target(%dma_start3A_42 : memref<80x128xf32, #tpu.memory_space<hbm>>) target_semaphore(%arg13 : memref<!tpu.dma_semaphore, #tpu.memory_space<semaphore_mem>>)
      %dma_wait3A = arith.constant 0 : i32
      %dma_wait3A_43 = tpu.memref_slice %arg6[%arg0, %add3A_29, %dma_wait3A] : memref<2x10240x128xf32, #tpu.memory_space<hbm>> -> memref<1x80x128xf32, #tpu.memory_space<hbm>>
      %dma_wait3A_44 = tpu.memref_squeeze %dma_wait3A_43 : memref<1x80x128xf32, #tpu.memory_space<hbm>> -> memref<80x128xf32, #tpu.memory_space<hbm>>
      %dma_wait3A_45 = arith.constant 0 : i32
      %dma_wait3A_46 = tpu.memref_slice %arg6[%arg0, %add3A_29, %dma_wait3A_45] : memref<2x10240x128xf32, #tpu.memory_space<hbm>> -> memref<1x80x128xf32, #tpu.memory_space<hbm>>
      %dma_wait3A_47 = tpu.memref_squeeze %dma_wait3A_46 : memref<1x80x128xf32, #tpu.memory_space<hbm>> -> memref<80x128xf32, #tpu.memory_space<hbm>>
      tpu.wait_dma2 semaphore(%arg12 : memref<!tpu.dma_semaphore, #tpu.memory_space<semaphore_mem>>) src(%arg9 : memref<80x128xf32, #tpu.memory_space<vmem>>) dst(%dma_wait3A_47 : memref<80x128xf32, #tpu.memory_space<hbm>>)
      %dma_wait3A_48 = arith.constant 0 : i32
      %dma_wait3A_49 = tpu.memref_slice %arg6[%arg0, %add3A_31, %dma_wait3A_48] : memref<2x10240x128xf32, #tpu.memory_space<hbm>> -> memref<1x80x128xf32, #tpu.memory_space<hbm>>
      %dma_wait3A_50 = tpu.memref_squeeze %dma_wait3A_49 : memref<1x80x128xf32, #tpu.memory_space<hbm>> -> memref<80x128xf32, #tpu.memory_space<hbm>>
      %dma_wait3A_51 = arith.constant 0 : i32
      %dma_wait3A_52 = tpu.memref_slice %arg6[%arg0, %add3A_31, %dma_wait3A_51] : memref<2x10240x128xf32, #tpu.memory_space<hbm>> -> memref<1x80x128xf32, #tpu.memory_space<hbm>>
      %dma_wait3A_53 = tpu.memref_squeeze %dma_wait3A_52 : memref<1x80x128xf32, #tpu.memory_space<hbm>> -> memref<80x128xf32, #tpu.memory_space<hbm>>
      tpu.wait_dma2 semaphore(%arg13 : memref<!tpu.dma_semaphore, #tpu.memory_space<semaphore_mem>>) src(%arg10 : memref<80x128xf32, #tpu.memory_space<vmem>>) dst(%dma_wait3A_53 : memref<80x128xf32, #tpu.memory_space<hbm>>)
    }
    %scan3A_17 = arith.constant 4 : i32
    return
  }
}

#map = affine_map<(d0, d1) -> (0, 0)>
#map1 = affine_map<(d0, d1) -> (0)>
#map2 = affine_map<(d0, d1) -> (0, 0, 0)>
module attributes {stable_mosaic.version = 14 : i64} {
  func.func @_sc_gather_deg(%arg0: i32, %arg1: i32, %arg2: memref<100000x128xf32, #tpu.memory_space<hbm>>, %arg3: memref<10240xi32, #tpu.memory_space<hbm>>, %arg4: memref<2560x128xi32, #tpu.memory_space<hbm>>, %arg5: memref<10368x128xf32, #tpu.memory_space<hbm>>, %arg6: memref<10240x128xf32, #tpu.memory_space<hbm>>, %arg7: memref<2x10240x128xf32, #tpu.memory_space<hbm>>, %arg8: memref<320xi32, #tpu.memory_space<vmem>>, %arg9: memref<32x128xf32, #tpu.memory_space<vmem>>, %arg10: memref<2x128xi32, #tpu.memory_space<vmem>>, %arg11: memref<128x128xf32, #tpu.memory_space<vmem>>, %arg12: memref<10240x128xf32, #tpu.memory_space<vmem_shared>>) attributes {dimension_semantics = [#tpu.dimension_semantics<core_parallel>, #tpu.dimension_semantics<subcore_parallel>], iteration_bounds = array<i64: 2, 16>, scalar_prefetch = 0 : i64, scratch_operands = 5 : i64, tpu.core_type = #tpu.core_type<sc_vector_subcore>, window_params = [{transform_indices = #map}, {transform_indices = #map1}, {transform_indices = #map}, {transform_indices = #map}, {transform_indices = #map}, {transform_indices = #map2}]} {
    %mul3A = arith.constant 2 : i32
    %mul3A_0 = arith.muli %arg1, %mul3A : i32
    %add3A = arith.addi %mul3A_0, %arg0 : i32
    %mul3A_1 = arith.constant 80 : i32
    %mul3A_2 = arith.muli %add3A, %mul3A_1 : i32
    "tpu.region"() ({
      %run_scoped3A = tpu.sem_alloc : memref<!tpu.dma_semaphore, #tpu.memory_space<semaphore_mem>>
      %dma_start3A = arith.constant 0 : i32
      %dma_start3A_25 = arith.constant 0 : i32
      %dma_start3A_26 = tpu.memref_slice %arg5[%dma_start3A, %dma_start3A_25] : memref<10368x128xf32, #tpu.memory_space<hbm>> -> memref<128x128xf32, #tpu.memory_space<hbm>>
      %dma_start3A_27 = arith.constant 0 : i32
      %dma_start3A_28 = arith.constant 0 : i32
      %dma_start3A_29 = tpu.memref_slice %arg5[%dma_start3A_27, %dma_start3A_28] : memref<10368x128xf32, #tpu.memory_space<hbm>> -> memref<128x128xf32, #tpu.memory_space<hbm>>
      tpu.enqueue_dma source(%dma_start3A_29 : memref<128x128xf32, #tpu.memory_space<hbm>>) target(%arg11 : memref<128x128xf32, #tpu.memory_space<vmem>>) target_semaphore(%run_scoped3A : memref<!tpu.dma_semaphore, #tpu.memory_space<semaphore_mem>>)
      %dma_wait3A = arith.constant 0 : i32
      %dma_wait3A_30 = arith.constant 0 : i32
      %dma_wait3A_31 = tpu.memref_slice %arg5[%dma_wait3A, %dma_wait3A_30] : memref<10368x128xf32, #tpu.memory_space<hbm>> -> memref<128x128xf32, #tpu.memory_space<hbm>>
      %dma_wait3A_32 = arith.constant 0 : i32
      %dma_wait3A_33 = arith.constant 0 : i32
      %dma_wait3A_34 = tpu.memref_slice %arg5[%dma_wait3A_32, %dma_wait3A_33] : memref<10368x128xf32, #tpu.memory_space<hbm>> -> memref<128x128xf32, #tpu.memory_space<hbm>>
      tpu.wait_dma2 semaphore(%run_scoped3A : memref<!tpu.dma_semaphore, #tpu.memory_space<semaphore_mem>>) src(%dma_wait3A_34 : memref<128x128xf32, #tpu.memory_space<hbm>>) dst(%arg11 : memref<128x128xf32, #tpu.memory_space<vmem>>)
      tpu.yield
    }) : () -> ()
    %scan3A = arith.constant 0 : i32
    %scan3A_3 = arith.constant 5 : i32
    %scan3A_4 = arith.addi %scan3A, %scan3A_3 : i32
    %scan3A_5 = arith.constant 1 : i32
    scf.for %scan3A_25 = %scan3A to %scan3A_4 step %scan3A_5  : i32 {
      %mul3A_26 = arith.constant 1 : i32
      %mul3A_27 = arith.muli %scan3A_25, %mul3A_26 : i32
      %add3A_28 = arith.constant 0 : i32
      %add3A_29 = arith.addi %add3A_28, %mul3A_27 : i32
      %mul3A_30 = arith.constant 640 : i32
      %mul3A_31 = arith.muli %arg1, %mul3A_30 : i32
      %mul3A_32 = arith.constant 128 : i32
      %mul3A_33 = arith.muli %add3A_29, %mul3A_32 : i32
      %add3A_34 = arith.addi %mul3A_31, %mul3A_33 : i32
      "tpu.region"() ({
        %run_scoped3A = tpu.sem_alloc : memref<!tpu.dma_semaphore, #tpu.memory_space<semaphore_mem>>
        %dma_start3A = arith.constant 0 : i32
        %dma_start3A_35 = tpu.memref_slice %arg12[%add3A_34, %dma_start3A] : memref<10240x128xf32, #tpu.memory_space<vmem_shared>> -> memref<128x128xf32, #tpu.memory_space<vmem_shared>>
        %dma_start3A_36 = arith.constant 0 : i32
        %dma_start3A_37 = tpu.memref_slice %arg12[%add3A_34, %dma_start3A_36] : memref<10240x128xf32, #tpu.memory_space<vmem_shared>> -> memref<128x128xf32, #tpu.memory_space<vmem_shared>>
        tpu.enqueue_dma source(%arg11 : memref<128x128xf32, #tpu.memory_space<vmem>>) target(%dma_start3A_37 : memref<128x128xf32, #tpu.memory_space<vmem_shared>>) target_semaphore(%run_scoped3A : memref<!tpu.dma_semaphore, #tpu.memory_space<semaphore_mem>>)
        %dma_wait3A = arith.constant 0 : i32
        %dma_wait3A_38 = tpu.memref_slice %arg12[%add3A_34, %dma_wait3A] : memref<10240x128xf32, #tpu.memory_space<vmem_shared>> -> memref<128x128xf32, #tpu.memory_space<vmem_shared>>
        %dma_wait3A_39 = arith.constant 0 : i32
        %dma_wait3A_40 = tpu.memref_slice %arg12[%add3A_34, %dma_wait3A_39] : memref<10240x128xf32, #tpu.memory_space<vmem_shared>> -> memref<128x128xf32, #tpu.memory_space<vmem_shared>>
        tpu.wait_dma2 semaphore(%run_scoped3A : memref<!tpu.dma_semaphore, #tpu.memory_space<semaphore_mem>>) src(%arg11 : memref<128x128xf32, #tpu.memory_space<vmem>>) dst(%dma_wait3A_40 : memref<128x128xf32, #tpu.memory_space<vmem_shared>>)
        tpu.yield
      }) : () -> ()
    }
    %scan3A_6 = arith.constant 5 : i32
    %mul3A_7 = arith.constant 320 : i32
    %mul3A_8 = arith.muli %add3A, %mul3A_7 : i32
    "tpu.region"() ({
      %run_scoped3A = tpu.sem_alloc : memref<!tpu.dma_semaphore, #tpu.memory_space<semaphore_mem>>
      %dma_start3A = tpu.memref_slice %arg3[%mul3A_8] : memref<10240xi32, #tpu.memory_space<hbm>> -> memref<320xi32, #tpu.memory_space<hbm>>
      %dma_start3A_25 = tpu.memref_slice %arg3[%mul3A_8] : memref<10240xi32, #tpu.memory_space<hbm>> -> memref<320xi32, #tpu.memory_space<hbm>>
      tpu.enqueue_dma source(%dma_start3A_25 : memref<320xi32, #tpu.memory_space<hbm>>) target(%arg8 : memref<320xi32, #tpu.memory_space<vmem>>) target_semaphore(%run_scoped3A : memref<!tpu.dma_semaphore, #tpu.memory_space<semaphore_mem>>)
      %dma_wait3A = tpu.memref_slice %arg3[%mul3A_8] : memref<10240xi32, #tpu.memory_space<hbm>> -> memref<320xi32, #tpu.memory_space<hbm>>
      %dma_wait3A_26 = tpu.memref_slice %arg3[%mul3A_8] : memref<10240xi32, #tpu.memory_space<hbm>> -> memref<320xi32, #tpu.memory_space<hbm>>
      tpu.wait_dma2 semaphore(%run_scoped3A : memref<!tpu.dma_semaphore, #tpu.memory_space<semaphore_mem>>) src(%dma_wait3A_26 : memref<320xi32, #tpu.memory_space<hbm>>) dst(%arg8 : memref<320xi32, #tpu.memory_space<vmem>>)
      tpu.yield
    }) : () -> ()
    %scan3A_9 = arith.constant 0 : i32
    %scan3A_10 = arith.constant 10 : i32
    %scan3A_11 = arith.addi %scan3A_9, %scan3A_10 : i32
    %scan3A_12 = arith.constant 1 : i32
    scf.for %scan3A_25 = %scan3A_9 to %scan3A_11 step %scan3A_12  : i32 {
      %mul3A_26 = arith.constant 1 : i32
      %mul3A_27 = arith.muli %scan3A_25, %mul3A_26 : i32
      %add3A_28 = arith.constant 0 : i32
      %add3A_29 = arith.addi %add3A_28, %mul3A_27 : i32
      %mul3A_30 = arith.constant 32 : i32
      %mul3A_31 = arith.muli %add3A_29, %mul3A_30 : i32
      "tpu.region"() ({
        %run_scoped3A = tpu.sem_alloc : memref<!tpu.dma_semaphore, #tpu.memory_space<semaphore_mem>>
        %dma_start3A = tpu.memref_slice %arg8[%mul3A_31] : memref<320xi32, #tpu.memory_space<vmem>> -> memref<32xi32, #tpu.memory_space<vmem>>
        %dma_start3A_37 = arith.constant 0 : i32
        %dma_start3A_38 = arith.constant 0 : i32
        %dma_start3A_39 = tpu.memref_slice %arg2[%dma_start3A_37, %dma_start3A_38] : memref<100000x128xf32, #tpu.memory_space<hbm>> -> memref<100000x128xf32, #tpu.memory_space<hbm>>
        tpu.enqueue_indirect_dma source(%dma_start3A_39 : memref<100000x128xf32, #tpu.memory_space<hbm>>) target(%arg9 : memref<32x128xf32, #tpu.memory_space<vmem>>) offsets(%dma_start3A : memref<32xi32, #tpu.memory_space<vmem>>) semaphore(%run_scoped3A : memref<!tpu.dma_semaphore, #tpu.memory_space<semaphore_mem>>)
        %dma_wait3A = tpu.memref_slice %arg8[%mul3A_31] : memref<320xi32, #tpu.memory_space<vmem>> -> memref<32xi32, #tpu.memory_space<vmem>>
        %dma_wait3A_40 = arith.constant 0 : i32
        %dma_wait3A_41 = arith.constant 0 : i32
        %dma_wait3A_42 = tpu.memref_slice %arg2[%dma_wait3A_40, %dma_wait3A_41] : memref<100000x128xf32, #tpu.memory_space<hbm>> -> memref<100000x128xf32, #tpu.memory_space<hbm>>
        tpu.wait_indirect_dma semaphore(%run_scoped3A : memref<!tpu.dma_semaphore, #tpu.memory_space<semaphore_mem>>) src(%dma_wait3A_42 : memref<100000x128xf32, #tpu.memory_space<hbm>>) dst(%arg9 : memref<32x128xf32, #tpu.memory_space<vmem>>)
        tpu.yield
      }) : () -> ()
      %mul3A_32 = arith.constant 320 : i32
      %mul3A_33 = arith.muli %add3A, %mul3A_32 : i32
      %mul3A_34 = arith.constant 32 : i32
      %mul3A_35 = arith.muli %add3A_29, %mul3A_34 : i32
      %add3A_36 = arith.addi %mul3A_33, %mul3A_35 : i32
      "tpu.region"() ({
        %run_scoped3A = tpu.sem_alloc : memref<!tpu.dma_semaphore, #tpu.memory_space<semaphore_mem>>
        %dma_start3A = arith.constant 0 : i32
        %dma_start3A_37 = tpu.memref_slice %arg6[%add3A_36, %dma_start3A] : memref<10240x128xf32, #tpu.memory_space<hbm>> -> memref<32x128xf32, #tpu.memory_space<hbm>>
        %dma_start3A_38 = arith.constant 0 : i32
        %dma_start3A_39 = tpu.memref_slice %arg6[%add3A_36, %dma_start3A_38] : memref<10240x128xf32, #tpu.memory_space<hbm>> -> memref<32x128xf32, #tpu.memory_space<hbm>>
        tpu.enqueue_dma source(%arg9 : memref<32x128xf32, #tpu.memory_space<vmem>>) target(%dma_start3A_39 : memref<32x128xf32, #tpu.memory_space<hbm>>) target_semaphore(%run_scoped3A : memref<!tpu.dma_semaphore, #tpu.memory_space<semaphore_mem>>)
        %dma_wait3A = arith.constant 0 : i32
        %dma_wait3A_40 = tpu.memref_slice %arg6[%add3A_36, %dma_wait3A] : memref<10240x128xf32, #tpu.memory_space<hbm>> -> memref<32x128xf32, #tpu.memory_space<hbm>>
        %dma_wait3A_41 = arith.constant 0 : i32
        %dma_wait3A_42 = tpu.memref_slice %arg6[%add3A_36, %dma_wait3A_41] : memref<10240x128xf32, #tpu.memory_space<hbm>> -> memref<32x128xf32, #tpu.memory_space<hbm>>
        tpu.wait_dma2 semaphore(%run_scoped3A : memref<!tpu.dma_semaphore, #tpu.memory_space<semaphore_mem>>) src(%arg9 : memref<32x128xf32, #tpu.memory_space<vmem>>) dst(%dma_wait3A_42 : memref<32x128xf32, #tpu.memory_space<hbm>>)
        tpu.yield
      }) : () -> ()
    }
    %scan3A_13 = arith.constant 10 : i32
    "tpu.region"() ({
      %run_scoped3A = tpu.sem_alloc : memref<!tpu.dma_semaphore, #tpu.memory_space<semaphore_mem>>
      %dma_start3A = arith.constant 10240 : i32
      %dma_start3A_25 = arith.constant 0 : i32
      %dma_start3A_26 = tpu.memref_slice %arg5[%dma_start3A, %dma_start3A_25] : memref<10368x128xf32, #tpu.memory_space<hbm>> -> memref<128x128xf32, #tpu.memory_space<hbm>>
      %dma_start3A_27 = arith.constant 10240 : i32
      %dma_start3A_28 = arith.constant 0 : i32
      %dma_start3A_29 = tpu.memref_slice %arg5[%dma_start3A_27, %dma_start3A_28] : memref<10368x128xf32, #tpu.memory_space<hbm>> -> memref<128x128xf32, #tpu.memory_space<hbm>>
      tpu.enqueue_dma source(%dma_start3A_29 : memref<128x128xf32, #tpu.memory_space<hbm>>) target(%arg11 : memref<128x128xf32, #tpu.memory_space<vmem>>) target_semaphore(%run_scoped3A : memref<!tpu.dma_semaphore, #tpu.memory_space<semaphore_mem>>)
      %dma_wait3A = arith.constant 10240 : i32
      %dma_wait3A_30 = arith.constant 0 : i32
      %dma_wait3A_31 = tpu.memref_slice %arg5[%dma_wait3A, %dma_wait3A_30] : memref<10368x128xf32, #tpu.memory_space<hbm>> -> memref<128x128xf32, #tpu.memory_space<hbm>>
      %dma_wait3A_32 = arith.constant 10240 : i32
      %dma_wait3A_33 = arith.constant 0 : i32
      %dma_wait3A_34 = tpu.memref_slice %arg5[%dma_wait3A_32, %dma_wait3A_33] : memref<10368x128xf32, #tpu.memory_space<hbm>> -> memref<128x128xf32, #tpu.memory_space<hbm>>
      tpu.wait_dma2 semaphore(%run_scoped3A : memref<!tpu.dma_semaphore, #tpu.memory_space<semaphore_mem>>) src(%dma_wait3A_34 : memref<128x128xf32, #tpu.memory_space<hbm>>) dst(%arg11 : memref<128x128xf32, #tpu.memory_space<vmem>>)
      tpu.yield
    }) : () -> ()
    %barrier3A = arith.constant 0 : index
    tpu.barrier barrier_id(%barrier3A)
    %scan3A_14 = arith.constant 0 : i32
    %scan3A_15 = arith.constant 80 : i32
    %scan3A_16 = arith.addi %scan3A_14, %scan3A_15 : i32
    %scan3A_17 = arith.constant 1 : i32
    scf.for %scan3A_25 = %scan3A_14 to %scan3A_16 step %scan3A_17  : i32 {
      %mul3A_26 = arith.constant 1 : i32
      %mul3A_27 = arith.muli %scan3A_25, %mul3A_26 : i32
      %add3A_28 = arith.constant 0 : i32
      %add3A_29 = arith.addi %add3A_28, %mul3A_27 : i32
      %add3A_30 = arith.addi %mul3A_2, %add3A_29 : i32
      %run_scoped3A = arith.constant 0 : i32
      "tpu.region"() ({
        %run_scoped3A_32 = tpu.sem_alloc : memref<!tpu.dma_semaphore, #tpu.memory_space<semaphore_mem>>
        %dma_start3A = arith.constant 0 : i32
        %dma_start3A_33 = tpu.memref_slice %arg10[%run_scoped3A, %dma_start3A] : memref<2x128xi32, #tpu.memory_space<vmem>> -> memref<1x128xi32, #tpu.memory_space<vmem>>
        %dma_start3A_34 = tpu.memref_squeeze %dma_start3A_33 : memref<1x128xi32, #tpu.memory_space<vmem>> -> memref<128xi32, #tpu.memory_space<vmem>>
        %dma_start3A_35 = arith.constant 0 : i32
        %dma_start3A_36 = tpu.memref_slice %arg4[%add3A_30, %dma_start3A_35] : memref<2560x128xi32, #tpu.memory_space<hbm>> -> memref<1x128xi32, #tpu.memory_space<hbm>>
        %dma_start3A_37 = tpu.memref_squeeze %dma_start3A_36 : memref<1x128xi32, #tpu.memory_space<hbm>> -> memref<128xi32, #tpu.memory_space<hbm>>
        %dma_start3A_38 = arith.constant 0 : i32
        %dma_start3A_39 = tpu.memref_slice %arg10[%run_scoped3A, %dma_start3A_38] : memref<2x128xi32, #tpu.memory_space<vmem>> -> memref<1x128xi32, #tpu.memory_space<vmem>>
        %dma_start3A_40 = tpu.memref_squeeze %dma_start3A_39 : memref<1x128xi32, #tpu.memory_space<vmem>> -> memref<128xi32, #tpu.memory_space<vmem>>
        %dma_start3A_41 = arith.constant 0 : i32
        %dma_start3A_42 = tpu.memref_slice %arg4[%add3A_30, %dma_start3A_41] : memref<2560x128xi32, #tpu.memory_space<hbm>> -> memref<1x128xi32, #tpu.memory_space<hbm>>
        %dma_start3A_43 = tpu.memref_squeeze %dma_start3A_42 : memref<1x128xi32, #tpu.memory_space<hbm>> -> memref<128xi32, #tpu.memory_space<hbm>>
        tpu.enqueue_dma source(%dma_start3A_43 : memref<128xi32, #tpu.memory_space<hbm>>) target(%dma_start3A_40 : memref<128xi32, #tpu.memory_space<vmem>>) target_semaphore(%run_scoped3A_32 : memref<!tpu.dma_semaphore, #tpu.memory_space<semaphore_mem>>)
        %dma_wait3A = arith.constant 0 : i32
        %dma_wait3A_44 = tpu.memref_slice %arg10[%run_scoped3A, %dma_wait3A] : memref<2x128xi32, #tpu.memory_space<vmem>> -> memref<1x128xi32, #tpu.memory_space<vmem>>
        %dma_wait3A_45 = tpu.memref_squeeze %dma_wait3A_44 : memref<1x128xi32, #tpu.memory_space<vmem>> -> memref<128xi32, #tpu.memory_space<vmem>>
        %dma_wait3A_46 = arith.constant 0 : i32
        %dma_wait3A_47 = tpu.memref_slice %arg4[%add3A_30, %dma_wait3A_46] : memref<2560x128xi32, #tpu.memory_space<hbm>> -> memref<1x128xi32, #tpu.memory_space<hbm>>
        %dma_wait3A_48 = tpu.memref_squeeze %dma_wait3A_47 : memref<1x128xi32, #tpu.memory_space<hbm>> -> memref<128xi32, #tpu.memory_space<hbm>>
        %dma_wait3A_49 = arith.constant 0 : i32
        %dma_wait3A_50 = tpu.memref_slice %arg10[%run_scoped3A, %dma_wait3A_49] : memref<2x128xi32, #tpu.memory_space<vmem>> -> memref<1x128xi32, #tpu.memory_space<vmem>>
        %dma_wait3A_51 = tpu.memref_squeeze %dma_wait3A_50 : memref<1x128xi32, #tpu.memory_space<vmem>> -> memref<128xi32, #tpu.memory_space<vmem>>
        %dma_wait3A_52 = arith.constant 0 : i32
        %dma_wait3A_53 = tpu.memref_slice %arg4[%add3A_30, %dma_wait3A_52] : memref<2560x128xi32, #tpu.memory_space<hbm>> -> memref<1x128xi32, #tpu.memory_space<hbm>>
        %dma_wait3A_54 = tpu.memref_squeeze %dma_wait3A_53 : memref<1x128xi32, #tpu.memory_space<hbm>> -> memref<128xi32, #tpu.memory_space<hbm>>
        tpu.wait_dma2 semaphore(%run_scoped3A_32 : memref<!tpu.dma_semaphore, #tpu.memory_space<semaphore_mem>>) src(%dma_wait3A_54 : memref<128xi32, #tpu.memory_space<hbm>>) dst(%dma_wait3A_51 : memref<128xi32, #tpu.memory_space<vmem>>)
        tpu.yield
      }) : () -> ()
      %run_scoped3A_31 = arith.constant 0 : i32
      "tpu.region"() ({
        %run_scoped3A_32 = tpu.sem_alloc : memref<!tpu.dma_semaphore, #tpu.memory_space<semaphore_mem>>
        %dma_start3A = arith.constant 0 : i32
        %dma_start3A_33 = tpu.memref_slice %arg10[%run_scoped3A_31, %dma_start3A] : memref<2x128xi32, #tpu.memory_space<vmem>> -> memref<1x128xi32, #tpu.memory_space<vmem>>
        %dma_start3A_34 = tpu.memref_squeeze %dma_start3A_33 : memref<1x128xi32, #tpu.memory_space<vmem>> -> memref<128xi32, #tpu.memory_space<vmem>>
        %dma_start3A_35 = arith.constant 0 : i32
        %dma_start3A_36 = arith.constant 0 : i32
        %dma_start3A_37 = tpu.memref_slice %arg12[%dma_start3A_35, %dma_start3A_36] : memref<10240x128xf32, #tpu.memory_space<vmem_shared>> -> memref<10240x128xf32, #tpu.memory_space<vmem_shared>>
        tpu.enqueue_indirect_dma source(%arg11 : memref<128x128xf32, #tpu.memory_space<vmem>>) target(%dma_start3A_37 : memref<10240x128xf32, #tpu.memory_space<vmem_shared>>) offsets(%dma_start3A_34 : memref<128xi32, #tpu.memory_space<vmem>>) semaphore(%run_scoped3A_32 : memref<!tpu.dma_semaphore, #tpu.memory_space<semaphore_mem>>) {add = true}
        %dma_wait3A = arith.constant 0 : i32
        %dma_wait3A_38 = tpu.memref_slice %arg10[%run_scoped3A_31, %dma_wait3A] : memref<2x128xi32, #tpu.memory_space<vmem>> -> memref<1x128xi32, #tpu.memory_space<vmem>>
        %dma_wait3A_39 = tpu.memref_squeeze %dma_wait3A_38 : memref<1x128xi32, #tpu.memory_space<vmem>> -> memref<128xi32, #tpu.memory_space<vmem>>
        %dma_wait3A_40 = arith.constant 0 : i32
        %dma_wait3A_41 = arith.constant 0 : i32
        %dma_wait3A_42 = tpu.memref_slice %arg12[%dma_wait3A_40, %dma_wait3A_41] : memref<10240x128xf32, #tpu.memory_space<vmem_shared>> -> memref<10240x128xf32, #tpu.memory_space<vmem_shared>>
        tpu.wait_indirect_dma semaphore(%run_scoped3A_32 : memref<!tpu.dma_semaphore, #tpu.memory_space<semaphore_mem>>) src(%arg11 : memref<128x128xf32, #tpu.memory_space<vmem>>) dst(%dma_wait3A_42 : memref<10240x128xf32, #tpu.memory_space<vmem_shared>>)
        tpu.yield
      }) : () -> ()
    }
    %scan3A_18 = arith.constant 80 : i32
    %barrier3A_19 = arith.constant 0 : index
    tpu.barrier barrier_id(%barrier3A_19)
    %scan3A_20 = arith.constant 0 : i32
    %scan3A_21 = arith.constant 5 : i32
    %scan3A_22 = arith.addi %scan3A_20, %scan3A_21 : i32
    %scan3A_23 = arith.constant 1 : i32
    scf.for %scan3A_25 = %scan3A_20 to %scan3A_22 step %scan3A_23  : i32 {
      %mul3A_26 = arith.constant 1 : i32
      %mul3A_27 = arith.muli %scan3A_25, %mul3A_26 : i32
      %add3A_28 = arith.constant 0 : i32
      %add3A_29 = arith.addi %add3A_28, %mul3A_27 : i32
      %mul3A_30 = arith.constant 640 : i32
      %mul3A_31 = arith.muli %arg1, %mul3A_30 : i32
      %mul3A_32 = arith.constant 128 : i32
      %mul3A_33 = arith.muli %add3A_29, %mul3A_32 : i32
      %add3A_34 = arith.addi %mul3A_31, %mul3A_33 : i32
      "tpu.region"() ({
        %run_scoped3A = tpu.sem_alloc : memref<!tpu.dma_semaphore, #tpu.memory_space<semaphore_mem>>
        %dma_start3A = arith.constant 0 : i32
        %dma_start3A_40 = tpu.memref_slice %arg12[%add3A_34, %dma_start3A] : memref<10240x128xf32, #tpu.memory_space<vmem_shared>> -> memref<128x128xf32, #tpu.memory_space<vmem_shared>>
        %dma_start3A_41 = arith.constant 0 : i32
        %dma_start3A_42 = tpu.memref_slice %arg12[%add3A_34, %dma_start3A_41] : memref<10240x128xf32, #tpu.memory_space<vmem_shared>> -> memref<128x128xf32, #tpu.memory_space<vmem_shared>>
        tpu.enqueue_dma source(%dma_start3A_42 : memref<128x128xf32, #tpu.memory_space<vmem_shared>>) target(%arg11 : memref<128x128xf32, #tpu.memory_space<vmem>>) target_semaphore(%run_scoped3A : memref<!tpu.dma_semaphore, #tpu.memory_space<semaphore_mem>>)
        %dma_wait3A = arith.constant 0 : i32
        %dma_wait3A_43 = tpu.memref_slice %arg12[%add3A_34, %dma_wait3A] : memref<10240x128xf32, #tpu.memory_space<vmem_shared>> -> memref<128x128xf32, #tpu.memory_space<vmem_shared>>
        %dma_wait3A_44 = arith.constant 0 : i32
        %dma_wait3A_45 = tpu.memref_slice %arg12[%add3A_34, %dma_wait3A_44] : memref<10240x128xf32, #tpu.memory_space<vmem_shared>> -> memref<128x128xf32, #tpu.memory_space<vmem_shared>>
        tpu.wait_dma2 semaphore(%run_scoped3A : memref<!tpu.dma_semaphore, #tpu.memory_space<semaphore_mem>>) src(%dma_wait3A_45 : memref<128x128xf32, #tpu.memory_space<vmem_shared>>) dst(%arg11 : memref<128x128xf32, #tpu.memory_space<vmem>>)
        tpu.yield
      }) : () -> ()
      %mul3A_35 = arith.constant 640 : i32
      %mul3A_36 = arith.muli %arg1, %mul3A_35 : i32
      %mul3A_37 = arith.constant 128 : i32
      %mul3A_38 = arith.muli %add3A_29, %mul3A_37 : i32
      %add3A_39 = arith.addi %mul3A_36, %mul3A_38 : i32
      "tpu.region"() ({
        %run_scoped3A = tpu.sem_alloc : memref<!tpu.dma_semaphore, #tpu.memory_space<semaphore_mem>>
        %dma_start3A = arith.constant 0 : i32
        %dma_start3A_40 = tpu.memref_slice %arg7[%arg0, %add3A_39, %dma_start3A] : memref<2x10240x128xf32, #tpu.memory_space<hbm>> -> memref<1x128x128xf32, #tpu.memory_space<hbm>>
        %dma_start3A_41 = tpu.memref_squeeze %dma_start3A_40 : memref<1x128x128xf32, #tpu.memory_space<hbm>> -> memref<128x128xf32, #tpu.memory_space<hbm>>
        %dma_start3A_42 = arith.constant 0 : i32
        %dma_start3A_43 = tpu.memref_slice %arg7[%arg0, %add3A_39, %dma_start3A_42] : memref<2x10240x128xf32, #tpu.memory_space<hbm>> -> memref<1x128x128xf32, #tpu.memory_space<hbm>>
        %dma_start3A_44 = tpu.memref_squeeze %dma_start3A_43 : memref<1x128x128xf32, #tpu.memory_space<hbm>> -> memref<128x128xf32, #tpu.memory_space<hbm>>
        tpu.enqueue_dma source(%arg11 : memref<128x128xf32, #tpu.memory_space<vmem>>) target(%dma_start3A_44 : memref<128x128xf32, #tpu.memory_space<hbm>>) target_semaphore(%run_scoped3A : memref<!tpu.dma_semaphore, #tpu.memory_space<semaphore_mem>>)
        %dma_wait3A = arith.constant 0 : i32
        %dma_wait3A_45 = tpu.memref_slice %arg7[%arg0, %add3A_39, %dma_wait3A] : memref<2x10240x128xf32, #tpu.memory_space<hbm>> -> memref<1x128x128xf32, #tpu.memory_space<hbm>>
        %dma_wait3A_46 = tpu.memref_squeeze %dma_wait3A_45 : memref<1x128x128xf32, #tpu.memory_space<hbm>> -> memref<128x128xf32, #tpu.memory_space<hbm>>
        %dma_wait3A_47 = arith.constant 0 : i32
        %dma_wait3A_48 = tpu.memref_slice %arg7[%arg0, %add3A_39, %dma_wait3A_47] : memref<2x10240x128xf32, #tpu.memory_space<hbm>> -> memref<1x128x128xf32, #tpu.memory_space<hbm>>
        %dma_wait3A_49 = tpu.memref_squeeze %dma_wait3A_48 : memref<1x128x128xf32, #tpu.memory_space<hbm>> -> memref<128x128xf32, #tpu.memory_space<hbm>>
        tpu.wait_dma2 semaphore(%run_scoped3A : memref<!tpu.dma_semaphore, #tpu.memory_space<semaphore_mem>>) src(%arg11 : memref<128x128xf32, #tpu.memory_space<vmem>>) dst(%dma_wait3A_49 : memref<128x128xf32, #tpu.memory_space<hbm>>)
        tpu.yield
      }) : () -> ()
    }
    %scan3A_24 = arith.constant 5 : i32
    return
  }
}

module attributes {stable_mosaic.version = 14 : i64} {
  func.func @_tc_first_body(%arg0: i32, %arg1: memref<2x1024x128xf32, #tpu.memory_space<vmem>>, %arg2: memref<1024x128xf32, #tpu.memory_space<vmem>>, %arg3: memref<128x128xf32, #tpu.memory_space<vmem>>, %arg4: memref<1024x128xf32, #tpu.memory_space<vmem>>) attributes {dimension_semantics = [#tpu.dimension_semantics<arbitrary>], iteration_bounds = array<i64: 10>, scalar_prefetch = 0 : i64, scratch_operands = 0 : i64, tpu.core_type = #tpu.core_type<tc>, window_params = [{transform_indices = @transform_0, window_bounds = array<i64: 2, 1024, 128>}, {transform_indices = @transform_1, window_bounds = array<i64: 1024, 128>}, {pipeline_mode = #tpu.pipeline_mode<synchronous>, transform_indices = @transform_2, window_bounds = array<i64: 128, 128>}, {transform_indices = @transform_3, window_bounds = array<i64: 1024, 128>}]} {
    %get3A = arith.constant 0 : index
    %get3A_0 = arith.constant 0 : index
    %get3A_1 = arith.constant 0 : index
    %get3A_2 = vector.load %arg1[%get3A, %get3A_0, %get3A_1] : memref<2x1024x128xf32, #tpu.memory_space<vmem>>, vector<1x1024x1xf32>
    %get3A_3 = vector.shape_cast %get3A_2 : vector<1x1024x1xf32> to vector<1024x1xf32>
    %get3A_4 = arith.constant 1 : index
    %get3A_5 = arith.constant 0 : index
    %get3A_6 = arith.constant 0 : index
    %get3A_7 = vector.load %arg1[%get3A_4, %get3A_5, %get3A_6] : memref<2x1024x128xf32, #tpu.memory_space<vmem>>, vector<1x1024x1xf32>
    %get3A_8 = vector.shape_cast %get3A_7 : vector<1x1024x1xf32> to vector<1024x1xf32>
    %add3A = arith.addf %get3A_3, %get3A_8 : vector<1024x1xf32>
    %add3A_9 = arith.constant 1.000000e+00 : f32
    %add3A_10 = vector.broadcast %add3A_9 : f32 to vector<1024x1xf32>
    %add3A_11 = arith.addf %add3A, %add3A_10 : vector<1024x1xf32>
    %rsqrt3A = math.rsqrt %add3A_11 : vector<1024x1xf32>
    %get3A_12 = arith.constant 0 : index
    %get3A_13 = arith.constant 0 : index
    %get3A_14 = vector.load %arg2[%get3A_12, %get3A_13] : memref<1024x128xf32, #tpu.memory_space<vmem>>, vector<1024x128xf32>
    %get3A_15 = arith.constant 0 : index
    %get3A_16 = arith.constant 0 : index
    %get3A_17 = vector.load %arg3[%get3A_15, %get3A_16] : memref<128x128xf32, #tpu.memory_space<vmem>>, vector<128x128xf32>
    %dot_general3A = arith.constant dense<0.000000e+00> : vector<1024x128xf32>
    %dot_general3A_18 = tpu.matmul %get3A_14, %get3A_17, %dot_general3A {dimension_numbers = #tpu.dot_dimension_numbers<[1], [0], [0], [1], [0, 0, 1, 1], [], []>, transpose_lhs_hint = false} : vector<1024x128xf32>, vector<128x128xf32>, vector<1024x128xf32> -> vector<1024x128xf32>
    %mul3A = vector.broadcast %rsqrt3A : vector<1024x1xf32> to vector<1024x128xf32>
    %mul3A_19 = arith.mulf %mul3A, %dot_general3A_18 : vector<1024x128xf32>
    %swap3A = arith.constant 0 : index
    %swap3A_20 = arith.constant 0 : index
    %swap3A_21 = vector.load %arg4[%swap3A, %swap3A_20] : memref<1024x128xf32, #tpu.memory_space<vmem>>, vector<1024x128xf32>
    tpu.vector_store %arg4[%swap3A, %swap3A_20], %mul3A_19 {strides = array<i32>} : memref<1024x128xf32, #tpu.memory_space<vmem>>, vector<1024x128xf32>,
    return
  }
  func.func @transform_0(%arg0: i32) -> (i32, i32, i32) {
    %c0_i32 = arith.constant 0 : i32
    %c0_i32_0 = arith.constant 0 : i32
    %c0_i32_1 = arith.constant 0 : i32
    return %c0_i32, %arg0, %c0_i32_0 : i32, i32, i32
  }
  func.func @transform_1(%arg0: i32) -> (i32, i32) {
    %c0_i32 = arith.constant 0 : i32
    %c0_i32_0 = arith.constant 0 : i32
    return %arg0, %c0_i32 : i32, i32
  }
  func.func @transform_2(%arg0: i32) -> (i32, i32) {
    %c0_i32 = arith.constant 0 : i32
    %c0_i32_0 = arith.constant 0 : i32
    %c0_i32_1 = arith.constant 0 : i32
    return %c0_i32, %c0_i32_0 : i32, i32
  }
  func.func @transform_3(%arg0: i32) -> (i32, i32) {
    %c0_i32 = arith.constant 0 : i32
    %c0_i32_0 = arith.constant 0 : i32
    return %arg0, %c0_i32 : i32, i32
  }
}

module attributes {stable_mosaic.version = 14 : i64} {
  func.func @_tc_mid_body(%arg0: i32, %arg1: memref<2x1024x128xf32, #tpu.memory_space<vmem>>, %arg2: memref<2x1024x128xf32, #tpu.memory_space<vmem>>, %arg3: memref<1024x128xf32, #tpu.memory_space<vmem>>, %arg4: memref<1x128xf32, #tpu.memory_space<vmem>>, %arg5: memref<128x128xf32, #tpu.memory_space<vmem>>, %arg6: memref<1024x128xf32, #tpu.memory_space<vmem>>) attributes {dimension_semantics = [#tpu.dimension_semantics<arbitrary>], iteration_bounds = array<i64: 10>, scalar_prefetch = 0 : i64, scratch_operands = 0 : i64, tpu.core_type = #tpu.core_type<tc>, window_params = [{transform_indices = @transform_0, window_bounds = array<i64: 2, 1024, 128>}, {transform_indices = @transform_1, window_bounds = array<i64: 2, 1024, 128>}, {transform_indices = @transform_2, window_bounds = array<i64: 1024, 128>}, {pipeline_mode = #tpu.pipeline_mode<synchronous>, transform_indices = @transform_3, window_bounds = array<i64: 1, 128>}, {pipeline_mode = #tpu.pipeline_mode<synchronous>, transform_indices = @transform_4, window_bounds = array<i64: 128, 128>}, {transform_indices = @transform_5, window_bounds = array<i64: 1024, 128>}]} {
    %get3A = arith.constant 0 : index
    %get3A_0 = arith.constant 0 : index
    %get3A_1 = arith.constant 0 : index
    %get3A_2 = vector.load %arg1[%get3A, %get3A_0, %get3A_1] : memref<2x1024x128xf32, #tpu.memory_space<vmem>>, vector<1x1024x1xf32>
    %get3A_3 = vector.shape_cast %get3A_2 : vector<1x1024x1xf32> to vector<1024x1xf32>
    %get3A_4 = arith.constant 1 : index
    %get3A_5 = arith.constant 0 : index
    %get3A_6 = arith.constant 0 : index
    %get3A_7 = vector.load %arg1[%get3A_4, %get3A_5, %get3A_6] : memref<2x1024x128xf32, #tpu.memory_space<vmem>>, vector<1x1024x1xf32>
    %get3A_8 = vector.shape_cast %get3A_7 : vector<1x1024x1xf32> to vector<1024x1xf32>
    %add3A = arith.addf %get3A_3, %get3A_8 : vector<1024x1xf32>
    %add3A_9 = arith.constant 1.000000e+00 : f32
    %add3A_10 = vector.broadcast %add3A_9 : f32 to vector<1024x1xf32>
    %add3A_11 = arith.addf %add3A, %add3A_10 : vector<1024x1xf32>
    %rsqrt3A = math.rsqrt %add3A_11 : vector<1024x1xf32>
    %get3A_12 = arith.constant 0 : index
    %get3A_13 = arith.constant 0 : index
    %get3A_14 = arith.constant 0 : index
    %get3A_15 = vector.load %arg2[%get3A_12, %get3A_13, %get3A_14] : memref<2x1024x128xf32, #tpu.memory_space<vmem>>, vector<1x1024x128xf32>
    %get3A_16 = vector.shape_cast %get3A_15 : vector<1x1024x128xf32> to vector<1024x128xf32>
    %get3A_17 = arith.constant 1 : index
    %get3A_18 = arith.constant 0 : index
    %get3A_19 = arith.constant 0 : index
    %get3A_20 = vector.load %arg2[%get3A_17, %get3A_18, %get3A_19] : memref<2x1024x128xf32, #tpu.memory_space<vmem>>, vector<1x1024x128xf32>
    %get3A_21 = vector.shape_cast %get3A_20 : vector<1x1024x128xf32> to vector<1024x128xf32>
    %add3A_22 = arith.addf %get3A_16, %get3A_21 : vector<1024x128xf32>
    %get3A_23 = arith.constant 0 : index
    %get3A_24 = arith.constant 0 : index
    %get3A_25 = vector.load %arg3[%get3A_23, %get3A_24] : memref<1024x128xf32, #tpu.memory_space<vmem>>, vector<1024x128xf32>
    %add3A_26 = arith.addf %add3A_22, %get3A_25 : vector<1024x128xf32>
    %mul3A = vector.broadcast %rsqrt3A : vector<1024x1xf32> to vector<1024x128xf32>
    %mul3A_27 = arith.mulf %mul3A, %add3A_26 : vector<1024x128xf32>
    %get3A_28 = arith.constant 0 : index
    %get3A_29 = arith.constant 0 : index
    %get3A_30 = vector.load %arg4[%get3A_28, %get3A_29] : memref<1x128xf32, #tpu.memory_space<vmem>>, vector<1x128xf32>
    %add3A_31 = vector.broadcast %get3A_30 : vector<1x128xf32> to vector<1024x128xf32>
    %add3A_32 = arith.addf %mul3A_27, %add3A_31 : vector<1024x128xf32>
    %max3A = arith.constant 0.000000e+00 : f32
    %max3A_33 = vector.broadcast %max3A : f32 to vector<1024x128xf32>
    %max3A_34 = arith.maximumf %add3A_32, %max3A_33 : vector<1024x128xf32>
    %get3A_35 = arith.constant 0 : index
    %get3A_36 = arith.constant 0 : index
    %get3A_37 = vector.load %arg5[%get3A_35, %get3A_36] : memref<128x128xf32, #tpu.memory_space<vmem>>, vector<128x128xf32>
    %dot_general3A = arith.constant dense<0.000000e+00> : vector<1024x128xf32>
    %dot_general3A_38 = tpu.matmul %max3A_34, %get3A_37, %dot_general3A {dimension_numbers = #tpu.dot_dimension_numbers<[1], [0], [0], [1], [0, 0, 1, 1], [], []>, transpose_lhs_hint = false} : vector<1024x128xf32>, vector<128x128xf32>, vector<1024x128xf32> -> vector<1024x128xf32>
    %mul3A_39 = vector.broadcast %rsqrt3A : vector<1024x1xf32> to vector<1024x128xf32>
    %mul3A_40 = arith.mulf %mul3A_39, %dot_general3A_38 : vector<1024x128xf32>
    %swap3A = arith.constant 0 : index
    %swap3A_41 = arith.constant 0 : index
    %swap3A_42 = vector.load %arg6[%swap3A, %swap3A_41] : memref<1024x128xf32, #tpu.memory_space<vmem>>, vector<1024x128xf32>
    tpu.vector_store %arg6[%swap3A, %swap3A_41], %mul3A_40 {strides = array<i32>} : memref<1024x128xf32, #tpu.memory_space<vmem>>, vector<1024x128xf32>,
    return
  }
  func.func @transform_0(%arg0: i32) -> (i32, i32, i32) {
    %c0_i32 = arith.constant 0 : i32
    %c0_i32_0 = arith.constant 0 : i32
    %c0_i32_1 = arith.constant 0 : i32
    return %c0_i32, %arg0, %c0_i32_0 : i32, i32, i32
  }
  func.func @transform_1(%arg0: i32) -> (i32, i32, i32) {
    %c0_i32 = arith.constant 0 : i32
    %c0_i32_0 = arith.constant 0 : i32
    %c0_i32_1 = arith.constant 0 : i32
    return %c0_i32, %arg0, %c0_i32_0 : i32, i32, i32
  }
  func.func @transform_2(%arg0: i32) -> (i32, i32) {
    %c0_i32 = arith.constant 0 : i32
    %c0_i32_0 = arith.constant 0 : i32
    return %arg0, %c0_i32 : i32, i32
  }
  func.func @transform_3(%arg0: i32) -> (i32, i32) {
    %c0_i32 = arith.constant 0 : i32
    %c0_i32_0 = arith.constant 0 : i32
    %c0_i32_1 = arith.constant 0 : i32
    return %c0_i32, %c0_i32_0 : i32, i32
  }
  func.func @transform_4(%arg0: i32) -> (i32, i32) {
    %c0_i32 = arith.constant 0 : i32
    %c0_i32_0 = arith.constant 0 : i32
    %c0_i32_1 = arith.constant 0 : i32
    return %c0_i32, %c0_i32_0 : i32, i32
  }
  func.func @transform_5(%arg0: i32) -> (i32, i32) {
    %c0_i32 = arith.constant 0 : i32
    %c0_i32_0 = arith.constant 0 : i32
    return %arg0, %c0_i32 : i32, i32
  }
}

module attributes {stable_mosaic.version = 14 : i64} {
  func.func @_tc_pool_body(%arg0: i32, %arg1: memref<2x1000x128xf32, #tpu.memory_space<vmem>>, %arg2: memref<2x1000x128xf32, #tpu.memory_space<vmem>>, %arg3: memref<1000x128xf32, #tpu.memory_space<vmem>>, %arg4: memref<1x128xf32, #tpu.memory_space<vmem>>, %arg5: memref<1x1x1000xi32, #tpu.memory_space<vmem>>, %arg6: memref<128x128xf32, #tpu.memory_space<vmem>>, %arg7: memref<1x128xf32, #tpu.memory_space<vmem>>, %arg8: memref<128x128xf32, #tpu.memory_space<vmem>>, %arg9: memref<1x128xf32, #tpu.memory_space<vmem>>, %arg10: memref<64x1xf32, #tpu.memory_space<vmem>>, %arg11: memref<64x128xf32, #tpu.memory_space<vmem>>, %arg12: memref<64x1xf32, #tpu.memory_space<vmem>>) attributes {dimension_semantics = [#tpu.dimension_semantics<arbitrary>], iteration_bounds = array<i64: 10>, scalar_prefetch = 0 : i64, scratch_operands = 2 : i64, tpu.core_type = #tpu.core_type<tc>, window_params = [{transform_indices = @transform_0, window_bounds = array<i64: 2, 1000, 128>}, {transform_indices = @transform_1, window_bounds = array<i64: 2, 1000, 128>}, {transform_indices = @transform_2, window_bounds = array<i64: 1000, 128>}, {pipeline_mode = #tpu.pipeline_mode<synchronous>, transform_indices = @transform_3, window_bounds = array<i64: 1, 128>}, {transform_indices = @transform_4, window_bounds = array<i64: 1, 1, 1000>}, {pipeline_mode = #tpu.pipeline_mode<synchronous>, transform_indices = @transform_5, window_bounds = array<i64: 128, 128>}, {pipeline_mode = #tpu.pipeline_mode<synchronous>, transform_indices = @transform_6, window_bounds = array<i64: 1, 128>}, {pipeline_mode = #tpu.pipeline_mode<synchronous>, transform_indices = @transform_7, window_bounds = array<i64: 128, 128>}, {pipeline_mode = #tpu.pipeline_mode<synchronous>, transform_indices = @transform_8, window_bounds = array<i64: 1, 128>}, {pipeline_mode = #tpu.pipeline_mode<synchronous>, transform_indices = @transform_9, window_bounds = array<i64: 64, 1>}]} {
    %eq3A = arith.constant 0 : i32
    %eq3A_0 = arith.cmpi eq, %arg0, %eq3A : i32
    %convert_element_type3A = arith.extui %eq3A_0 : i1 to i32
    %cond3A = arith.constant 0 : i32
    %cond3A_1 = arith.cmpi ne, %convert_element_type3A, %cond3A : i32
    scf.if %cond3A_1 {
      %broadcast_in_dim3A_66 = arith.constant 0.000000e+00 : f32
      %broadcast_in_dim3A_67 = vector.broadcast %broadcast_in_dim3A_66 : f32 to vector<64x128xf32>
      %swap3A_68 = arith.constant 0 : index
      %swap3A_69 = arith.constant 0 : index
      %swap3A_70 = vector.load %arg11[%swap3A_68, %swap3A_69] : memref<64x128xf32, #tpu.memory_space<vmem>>, vector<64x128xf32>
      tpu.vector_store %arg11[%swap3A_68, %swap3A_69], %broadcast_in_dim3A_67 {strides = array<i32>} : memref<64x128xf32, #tpu.memory_space<vmem>>, vector<64x128xf32>,
      %broadcast_in_dim3A_71 = arith.constant 0.000000e+00 : f32
      %broadcast_in_dim3A_72 = vector.broadcast %broadcast_in_dim3A_71 : f32 to vector<64x1xf32>
      %swap3A_73 = arith.constant 0 : index
      %swap3A_74 = arith.constant 0 : index
      %swap3A_75 = vector.load %arg12[%swap3A_73, %swap3A_74] : memref<64x1xf32, #tpu.memory_space<vmem>>, vector<64x1xf32>
      tpu.vector_store %arg12[%swap3A_73, %swap3A_74], %broadcast_in_dim3A_72 {strides = array<i32>} : memref<64x1xf32, #tpu.memory_space<vmem>>, vector<64x1xf32>,
    } else {
    }
    %get3A = arith.constant 0 : index
    %get3A_2 = arith.constant 0 : index
    %get3A_3 = arith.constant 0 : index
    %get3A_4 = vector.load %arg1[%get3A, %get3A_2, %get3A_3] : memref<2x1000x128xf32, #tpu.memory_space<vmem>>, vector<1x1000x1xf32>
    %get3A_5 = vector.shape_cast %get3A_4 : vector<1x1000x1xf32> to vector<1000x1xf32>
    %get3A_6 = arith.constant 1 : index
    %get3A_7 = arith.constant 0 : index
    %get3A_8 = arith.constant 0 : index
    %get3A_9 = vector.load %arg1[%get3A_6, %get3A_7, %get3A_8] : memref<2x1000x128xf32, #tpu.memory_space<vmem>>, vector<1x1000x1xf32>
    %get3A_10 = vector.shape_cast %get3A_9 : vector<1x1000x1xf32> to vector<1000x1xf32>
    %add3A = arith.addf %get3A_5, %get3A_10 : vector<1000x1xf32>
    %add3A_11 = arith.constant 1.000000e+00 : f32
    %add3A_12 = vector.broadcast %add3A_11 : f32 to vector<1000x1xf32>
    %add3A_13 = arith.addf %add3A, %add3A_12 : vector<1000x1xf32>
    %rsqrt3A = math.rsqrt %add3A_13 : vector<1000x1xf32>
    %get3A_14 = arith.constant 0 : index
    %get3A_15 = arith.constant 0 : index
    %get3A_16 = arith.constant 0 : index
    %get3A_17 = vector.load %arg2[%get3A_14, %get3A_15, %get3A_16] : memref<2x1000x128xf32, #tpu.memory_space<vmem>>, vector<1x1000x128xf32>
    %get3A_18 = vector.shape_cast %get3A_17 : vector<1x1000x128xf32> to vector<1000x128xf32>
    %get3A_19 = arith.constant 1 : index
    %get3A_20 = arith.constant 0 : index
    %get3A_21 = arith.constant 0 : index
    %get3A_22 = vector.load %arg2[%get3A_19, %get3A_20, %get3A_21] : memref<2x1000x128xf32, #tpu.memory_space<vmem>>, vector<1x1000x128xf32>
    %get3A_23 = vector.shape_cast %get3A_22 : vector<1x1000x128xf32> to vector<1000x128xf32>
    %add3A_24 = arith.addf %get3A_18, %get3A_23 : vector<1000x128xf32>
    %get3A_25 = arith.constant 0 : index
    %get3A_26 = arith.constant 0 : index
    %get3A_27 = vector.load %arg3[%get3A_25, %get3A_26] : memref<1000x128xf32, #tpu.memory_space<vmem>>, vector<1000x128xf32>
    %add3A_28 = arith.addf %add3A_24, %get3A_27 : vector<1000x128xf32>
    %mul3A = vector.broadcast %rsqrt3A : vector<1000x1xf32> to vector<1000x128xf32>
    %mul3A_29 = arith.mulf %mul3A, %add3A_28 : vector<1000x128xf32>
    %get3A_30 = arith.constant 0 : index
    %get3A_31 = arith.constant 0 : index
    %get3A_32 = vector.load %arg4[%get3A_30, %get3A_31] : memref<1x128xf32, #tpu.memory_space<vmem>>, vector<1x128xf32>
    %add3A_33 = vector.broadcast %get3A_32 : vector<1x128xf32> to vector<1000x128xf32>
    %add3A_34 = arith.addf %mul3A_29, %add3A_33 : vector<1000x128xf32>
    %max3A = arith.constant 0.000000e+00 : f32
    %max3A_35 = vector.broadcast %max3A : f32 to vector<1000x128xf32>
    %max3A_36 = arith.maximumf %add3A_34, %max3A_35 : vector<1000x128xf32>
    %get3A_37 = arith.constant 0 : index
    %get3A_38 = arith.constant 0 : index
    %get3A_39 = arith.constant 0 : index
    %get3A_40 = vector.load %arg5[%get3A_37, %get3A_38, %get3A_39] : memref<1x1x1000xi32, #tpu.memory_space<vmem>>, vector<1x1x1000xi32>
    %get3A_41 = vector.shape_cast %get3A_40 : vector<1x1x1000xi32> to vector<1x1000xi32>
    %iota3A = tpu.iota {dimensions = array<i32: 0>} : vector<64x1000xi32>
    %eq3A_42 = vector.broadcast %get3A_41 : vector<1x1000xi32> to vector<64x1000xi32>
    %eq3A_43 = arith.cmpi eq, %iota3A, %eq3A_42 : vector<64x1000xi32>
    %convert_element_type3A_44 = arith.extui %eq3A_43 : vector<64x1000xi1> to vector<64x1000xi32>
    %convert_element_type3A_45 = arith.sitofp %convert_element_type3A_44 : vector<64x1000xi32> to vector<64x1000xf32>
    %get3A_46 = arith.constant 0 : index
    %get3A_47 = arith.constant 0 : index
    %get3A_48 = vector.load %arg11[%get3A_46, %get3A_47] : memref<64x128xf32, #tpu.memory_space<vmem>>, vector<64x128xf32>
    %dot_general3A = arith.constant dense<0.000000e+00> : vector<64x128xf32>
    %dot_general3A_49 = tpu.matmul %convert_element_type3A_45, %max3A_36, %dot_general3A {dimension_numbers = #tpu.dot_dimension_numbers<[1], [0], [0], [1], [0, 0, 1, 1], [], []>, transpose_lhs_hint = false} : vector<64x1000xf32>, vector<1000x128xf32>, vector<64x128xf32> -> vector<64x128xf32>
    %add3A_50 = arith.addf %get3A_48, %dot_general3A_49 : vector<64x128xf32>
    %swap3A = arith.constant 0 : index
    %swap3A_51 = arith.constant 0 : index
    %swap3A_52 = vector.load %arg11[%swap3A, %swap3A_51] : memref<64x128xf32, #tpu.memory_space<vmem>>, vector<64x128xf32>
    tpu.vector_store %arg11[%swap3A, %swap3A_51], %add3A_50 {strides = array<i32>} : memref<64x128xf32, #tpu.memory_space<vmem>>, vector<64x128xf32>,
    %get3A_53 = arith.constant 0 : index
    %get3A_54 = arith.constant 0 : index
    %get3A_55 = vector.load %arg12[%get3A_53, %get3A_54] : memref<64x1xf32, #tpu.memory_space<vmem>>, vector<64x1xf32>
    %reduce_sum3A = arith.constant dense<0.000000e+00> : vector<64xf32>
    %reduce_sum3A_56 = vector.multi_reduction <add>, %convert_element_type3A_45, %reduce_sum3A [1] : vector<64x1000xf32> to vector<64xf32>
    %broadcast_in_dim3A = vector.shape_cast %reduce_sum3A_56 : vector<64xf32> to vector<64x1xf32>
    %add3A_57 = arith.addf %get3A_55, %broadcast_in_dim3A : vector<64x1xf32>
    %swap3A_58 = arith.constant 0 : index
    %swap3A_59 = arith.constant 0 : index
    %swap3A_60 = vector.load %arg12[%swap3A_58, %swap3A_59] : memref<64x1xf32, #tpu.memory_space<vmem>>, vector<64x1xf32>
    tpu.vector_store %arg12[%swap3A_58, %swap3A_59], %add3A_57 {strides = array<i32>} : memref<64x1xf32, #tpu.memory_space<vmem>>, vector<64x1xf32>,
    %eq3A_61 = arith.constant 9 : i32
    %eq3A_62 = arith.cmpi eq, %arg0, %eq3A_61 : i32
    %convert_element_type3A_63 = arith.extui %eq3A_62 : i1 to i32
    %cond3A_64 = arith.constant 0 : i32
    %cond3A_65 = arith.cmpi ne, %convert_element_type3A_63, %cond3A_64 : i32
    scf.if %cond3A_65 {
      %get3A_66 = arith.constant 0 : index
      %get3A_67 = arith.constant 0 : index
      %get3A_68 = vector.load %arg11[%get3A_66, %get3A_67] : memref<64x128xf32, #tpu.memory_space<vmem>>, vector<64x128xf32>
      %get3A_69 = arith.constant 0 : index
      %get3A_70 = arith.constant 0 : index
      %get3A_71 = vector.load %arg12[%get3A_69, %get3A_70] : memref<64x1xf32, #tpu.memory_space<vmem>>, vector<64x1xf32>
      %add3A_72 = arith.constant 9.99999997E-7 : f32
      %add3A_73 = vector.broadcast %add3A_72 : f32 to vector<64x1xf32>
      %add3A_74 = arith.addf %get3A_71, %add3A_73 : vector<64x1xf32>
      %div3A = vector.broadcast %add3A_74 : vector<64x1xf32> to vector<64x128xf32>
      %div3A_75 = arith.divf %get3A_68, %div3A : vector<64x128xf32>
      %get3A_76 = arith.constant 0 : index
      %get3A_77 = arith.constant 0 : index
      %get3A_78 = vector.load %arg6[%get3A_76, %get3A_77] : memref<128x128xf32, #tpu.memory_space<vmem>>, vector<128x128xf32>
      %dot_general3A_79 = arith.constant dense<0.000000e+00> : vector<64x128xf32>
      %dot_general3A_80 = tpu.matmul %div3A_75, %get3A_78, %dot_general3A_79 {dimension_numbers = #tpu.dot_dimension_numbers<[1], [0], [0], [1], [0, 0, 1, 1], [], []>, transpose_lhs_hint = false} : vector<64x128xf32>, vector<128x128xf32>, vector<64x128xf32> -> vector<64x128xf32>
      %get3A_81 = arith.constant 0 : index
      %get3A_82 = arith.constant 0 : index
      %get3A_83 = vector.load %arg7[%get3A_81, %get3A_82] : memref<1x128xf32, #tpu.memory_space<vmem>>, vector<1x128xf32>
      %add3A_84 = vector.broadcast %get3A_83 : vector<1x128xf32> to vector<64x128xf32>
      %add3A_85 = arith.addf %dot_general3A_80, %add3A_84 : vector<64x128xf32>
      %max3A_86 = arith.constant 0.000000e+00 : f32
      %max3A_87 = vector.broadcast %max3A_86 : f32 to vector<64x128xf32>
      %max3A_88 = arith.maximumf %add3A_85, %max3A_87 : vector<64x128xf32>
      %get3A_89 = arith.constant 0 : index
      %get3A_90 = arith.constant 0 : index
      %get3A_91 = vector.load %arg8[%get3A_89, %get3A_90] : memref<128x128xf32, #tpu.memory_space<vmem>>, vector<128x128xf32>
      %dot_general3A_92 = arith.constant dense<0.000000e+00> : vector<64x128xf32>
      %dot_general3A_93 = tpu.matmul %max3A_88, %get3A_91, %dot_general3A_92 {dimension_numbers = #tpu.dot_dimension_numbers<[1], [0], [0], [1], [0, 0, 1, 1], [], []>, transpose_lhs_hint = false} : vector<64x128xf32>, vector<128x128xf32>, vector<64x128xf32> -> vector<64x128xf32>
      %get3A_94 = arith.constant 0 : index
      %get3A_95 = arith.constant 0 : index
      %get3A_96 = vector.load %arg9[%get3A_94, %get3A_95] : memref<1x128xf32, #tpu.memory_space<vmem>>, vector<1x128xf32>
      %add3A_97 = vector.broadcast %get3A_96 : vector<1x128xf32> to vector<64x128xf32>
      %add3A_98 = arith.addf %dot_general3A_93, %add3A_97 : vector<64x128xf32>
      %slice3A = vector.extract_strided_slice %add3A_98 {offsets = [0, 0], sizes = [64, 1], strides = [1, 1]} : vector<64x128xf32> to vector<64x1xf32>
      %swap3A_99 = arith.constant 0 : index
      %swap3A_100 = arith.constant 0 : index
      %swap3A_101 = vector.load %arg10[%swap3A_99, %swap3A_100] : memref<64x1xf32, #tpu.memory_space<vmem>>, vector<64x1xf32>
      tpu.vector_store %arg10[%swap3A_99, %swap3A_100], %slice3A {strides = array<i32>} : memref<64x1xf32, #tpu.memory_space<vmem>>, vector<64x1xf32>,
    } else {
    }
    return
  }
  func.func @transform_0(%arg0: i32) -> (i32, i32, i32) {
    %c0_i32 = arith.constant 0 : i32
    %c0_i32_0 = arith.constant 0 : i32
    %c0_i32_1 = arith.constant 0 : i32
    return %c0_i32, %arg0, %c0_i32_0 : i32, i32, i32
  }
  func.func @transform_1(%arg0: i32) -> (i32, i32, i32) {
    %c0_i32 = arith.constant 0 : i32
    %c0_i32_0 = arith.constant 0 : i32
    %c0_i32_1 = arith.constant 0 : i32
    return %c0_i32, %arg0, %c0_i32_0 : i32, i32, i32
  }
  func.func @transform_2(%arg0: i32) -> (i32, i32) {
    %c0_i32 = arith.constant 0 : i32
    %c0_i32_0 = arith.constant 0 : i32
    return %arg0, %c0_i32 : i32, i32
  }
  func.func @transform_3(%arg0: i32) -> (i32, i32) {
    %c0_i32 = arith.constant 0 : i32
    %c0_i32_0 = arith.constant 0 : i32
    %c0_i32_1 = arith.constant 0 : i32
    return %c0_i32, %c0_i32_0 : i32, i32
  }
  func.func @transform_4(%arg0: i32) -> (i32, i32, i32) {
    %c0_i32 = arith.constant 0 : i32
    %c0_i32_0 = arith.constant 0 : i32
    %c0_i32_1 = arith.constant 0 : i32
    return %arg0, %c0_i32, %c0_i32_0 : i32, i32, i32
  }
  func.func @transform_5(%arg0: i32) -> (i32, i32) {
    %c0_i32 = arith.constant 0 : i32
    %c0_i32_0 = arith.constant 0 : i32
    %c0_i32_1 = arith.constant 0 : i32
    return %c0_i32, %c0_i32_0 : i32, i32
  }
  func.func @transform_6(%arg0: i32) -> (i32, i32) {
    %c0_i32 = arith.constant 0 : i32
    %c0_i32_0 = arith.constant 0 : i32
    %c0_i32_1 = arith.constant 0 : i32
    return %c0_i32, %c0_i32_0 : i32, i32
  }
  func.func @transform_7(%arg0: i32) -> (i32, i32) {
    %c0_i32 = arith.constant 0 : i32
    %c0_i32_0 = arith.constant 0 : i32
    %c0_i32_1 = arith.constant 0 : i32
    return %c0_i32, %c0_i32_0 : i32, i32
  }
  func.func @transform_8(%arg0: i32) -> (i32, i32) {
    %c0_i32 = arith.constant 0 : i32
    %c0_i32_0 = arith.constant 0 : i32
    %c0_i32_1 = arith.constant 0 : i32
    return %c0_i32, %c0_i32_0 : i32, i32
  }
  func.func @transform_9(%arg0: i32) -> (i32, i32) {
    %c0_i32 = arith.constant 0 : i32
    %c0_i32_0 = arith.constant 0 : i32
    %c0_i32_1 = arith.constant 0 : i32
    return %c0_i32, %c0_i32_0 : i32, i32
  }
}

</mosaic_0001>

<sc_bundles>
// kernel: _impl.10.cloned.1.call-start
scs
__scs_entry_jumppad:
0x0: {  	(pc) =	sbr.rel $0x88, $3  }
0x1: {  	(tag) =	ssettag $0x0;
	lr =	simm.s32 $0x1  }
0x2: {  	[smem:$0x3F93] =	sst lr;
	_ =	strace $0xD0000000  }
0x3: {  	_ = 	snop  }
0x4: {  	_ = 	snop  }
0x5: {  	_ = 	snop  }
0x6: {  	_ = 	snop  }
0x7: {  	_ = 	snop  }
__scs_overlays_trampoline_lowered:
0x8: {  	[smem:$0x3FA2] =	sst s0  }
0x9: {  	[smem:$0x3FA3] =	sst s1  }
0xa: {  	[smem:$0x3FA4] =	sst s2  }
0xb: {  	[smem:$0x3FA5] =	sst s3  }
0xc: {  	[smem:$0x3FA6] =	sst s4  }
0xd: {  	[smem:$0x3FA7] =	sst s5  }
0xe: {  	[smem:$0x3FA8] =	sst s6  }
0xf: {  	[smem:$0x3FA9] =	sst s7  }
0x10: {  	[smem:$0x3FAA] =	sst s8  }
0x11: {  	[smem:$0x3FAB] =	sst s9;
	s0 =	simm.s32 @!p0 $0x0  }
0x12: {  	s1 =	sld [smem:$0x3F91];
	s0 =	simm.s32 @p0 $0x1  }
0x13: {  	[smem:$0x3FAC] =	sst s0;
	s0 =	simm.s32 @!p1 $0x0  }
0x14: {  	s2 =	sld [smem:$0x3F90];
	s0 =	simm.s32 @p1 $0x1  }
0x15: {  	[smem:$0x3FAD] =	sst s0;
	s0 =	simm.s32 @!p2 $0x0  }
0x16: {  	s3 =	sld [smem:$0x3FDB];
	s0 =	simm.s32 @p2 $0x1  }
0x17: {  	s4 =	simm.s32 $0x1BF5;
	[smem:$0x3FAF] =	sst s0  }
0x18: {  	s0 =	sld [smem:$0x3F92];
	_ =	swait.ge [sflag:s4], $0x0  }
0x19: {  	s7 =	sld [smem:$0x3F93]  }
0x1a: {  	s8 =	sadd.s32 $0xFFFFE003, lr  }
0x1b: {  	s9 =	sadd.s32 $0xFFFFFEF7, lr;
	s5 =	simm.s32 $0xFFFFFFFF;
	p2 =	slt.u32 s8, $0xFFFFF086  }
0x1c: {  	p1 =	slt.u32 s9, $0xF7A;
	s5 =	simm.s32 @!p2 $0x0  }
0x1d: {  	s5 =	simm.s32 @p1 $0x1;
	p0 =	seq.s32 s7, s2  }
0x1e: {  	s7 =	smul.u32 @!p0 $0xF7A, s2;
	p2 =	seq.s32 @!p0 s5, $0x0  }
0x1f: {  	s9 =	smul.u32 $0xF7A, s1;
	s8 =	simm.s32 @!p0 $0x1BF5;
	p2 =	por !p2, p0  }
0x20: {  	[sflag:s8] =	ssyncset.s32 @!p0 $0xFFFFF086;
	s6 =	sadd.s32 @!p0 s3, s7;
	s7 =	simm.s32 @!p0 $0x108  }
0x21: {  	s3 =	sadd.s32 s3, s9;
	s6 =	sadd.s32 @!p0 $0x88, s6;
	s7 =	simm.s32 @p2 $0x1082  }
0x22: {  	[simem:s7], [sflag:s8] =	dma.local @!p0 [hbm:s6], $0xF7A  }
0x23: {  	s9 =	sor.u32 $0xD0000000, s2;
	s6 =	simm.s32 $0x108;
	_ =	swait.ge @!p0 [sflag:s8], $0x0  }
0x24: {  	s3 =	sadd.s32 $0x88, s3;
	s6 =	simm.s32 @!p1 $0x1082;
	[sflag:s4] =	ssyncset.s32 $0xFFFFF086  }
0x25: {  	[simem:s6], [sflag:s4] =	dma.local [hbm:s3], $0xF7A  }
0x26: {  	[smem:$0x3F93] =	sst s1;
	(tag) =	ssettag s2;
	_ =	strace s9  }
0x27: {  	s1 =	sld [smem:$0x3FA3]  }
0x28: {  	s2 =	sld [smem:$0x3FA4]  }
0x29: {  	s4 =	sld [smem:$0x3FA6]  }
0x2a: {  	p0 =	seq.s32 s5, $0x0;
	s5 =	sld [smem:$0x3FA7]  }
0x2b: {  	s6 =	sld [smem:$0x3FA8]  }
0x2c: {  	s7 =	sld [smem:$0x3FA9]  }
0x2d: {  	s3 =	simm.s32 $0x108;
	s8 =	sld [smem:$0x3FAA]  }
0x2e: {  	s3 =	simm.s32 @!p0 $0x1082;
	s9 =	sld [smem:$0x3FAB]  }
0x2f: {  	lr =	sadd.s32 s0, s3;
	s0 =	sld [smem:$0x3FA2]  }
0x30: {  	s3 =	sld [smem:$0x3FA5]  }
0x31: {  	[smem:$0x3FAE] =	sst s10  }
0x32: {  	s10 =	sld [smem:$0x3FAC];
	_ =	sdelay $0x3  }
0x33: {  	p0 =	seq.s32 s10, $0x1;
	s10 =	sld [smem:$0x3FAE];
	_ =	sdelay $0x3  }
0x34: {  	[smem:$0x3FAE] =	sst s10  }
0x35: {  	s10 =	sld [smem:$0x3FAD];
	_ =	sdelay $0x3  }
0x36: {  	p1 =	seq.s32 s10, $0x1;
	s10 =	sld [smem:$0x3FAE];
	_ =	sdelay $0x3  }
0x37: {  	[smem:$0x3FAE] =	sst s10  }
0x38: {  	s10 =	sld [smem:$0x3FAF]  }
0x39: {  	_ = 	snop;
	(pc) =	sbr.ind lr, $3  }
0x3a: {  	_ = 	snop  }
0x3b: {  	_ = 	snop  }
0x3c: {  	p2 =	seq.s32 s10, $0x1;
	s10 =	sld [smem:$0x3FAE]  }
0x3d: {  	_ =	shalt  }
0x3e: {  	_ =	shalt  }
0x3f: {  	_ =	shalt  }
0x40: {  	_ =	shalt  }
0x41: {  	_ =	shalt  }
0x42: {  	_ =	shalt  }
0x43: {  	_ =	shalt  }
0x44: {  	_ =	shalt  }
0x45: {  	_ =	shalt  }
0x46: {  	_ =	shalt  }
0x47: {  	_ =	shalt  }
0x48: {  	_ =	shalt  }
0x49: {  	_ =	shalt  }
0x4a: {  	_ =	shalt  }
0x4b: {  	_ =	shalt  }
0x4c: {  	_ =	shalt  }
0x4d: {  	_ =	shalt  }
0x4e: {  	_ =	shalt  }
0x4f: {  	_ =	shalt  }
0x50: {  	_ =	shalt  }
0x51: {  	_ =	shalt  }
0x52: {  	_ =	shalt  }
0x53: {  	_ =	shalt  }
0x54: {  	_ =	shalt  }
0x55: {  	_ =	shalt  }
0x56: {  	_ =	shalt  }
0x57: {  	_ =	shalt  }
0x58: {  	_ =	shalt  }
0x59: {  	_ =	shalt  }
0x5a: {  	_ =	shalt  }
0x5b: {  	_ =	shalt  }
0x5c: {  	_ =	shalt  }
0x5d: {  	_ =	shalt  }
0x5e: {  	_ =	shalt  }
0x5f: {  	_ =	shalt  }
0x60: {  	_ =	shalt  }
0x61: {  	_ =	shalt  }
0x62: {  	_ =	shalt  }
0x63: {  	_ =	shalt  }
0x64: {  	_ =	shalt  }
0x65: {  	_ =	shalt  }
0x66: {  	_ =	shalt  }
0x67: {  	_ =	shalt  }
0x68: {  	_ =	shalt  }
0x69: {  	_ =	shalt  }
0x6a: {  	_ =	shalt  }
0x6b: {  	_ =	shalt  }
0x6c: {  	_ =	shalt  }
0x6d: {  	_ =	shalt  }
0x6e: {  	_ =	shalt  }
0x6f: {  	_ =	shalt  }
0x70: {  	_ =	shalt  }
0x71: {  	_ =	shalt  }
0x72: {  	_ =	shalt  }
0x73: {  	_ =	shalt  }
0x74: {  	_ =	shalt  }
0x75: {  	_ =	shalt  }
0x76: {  	_ =	shalt  }
0x77: {  	_ =	shalt  }
0x78: {  	_ =	shalt  }
0x79: {  	_ =	shalt  }
0x7a: {  	_ =	shalt  }
0x7b: {  	_ =	shalt  }
0x7c: {  	_ =	shalt  }
0x7d: {  	_ =	shalt  }
0x7e: {  	_ =	shalt  }
0x7f: {  	_ =	shalt  }
0x80: {  	_ =	shalt  }
0x81: {  	_ =	shalt  }
0x82: {  	_ =	shalt  }
0x83: {  	_ =	shalt  }
0x84: {  	_ =	shalt  }
0x85: {  	_ =	shalt  }
0x86: {  	_ =	shalt  }
0x87: {  	_ =	shalt  }
.Lfunc_end0:
.L_simem_size_0:
called_computation_lowered:
.L_overlay_start_0:
0x88: {  	s2 =	sld [smem:$0x3FD9]  }
0x89: {  	s3 =	sld [smem:$0x3FFE];
	_ =	sdelay $0x1  }
0x8a: {  	s1 =	srdreg.scid  }
0x8b: {  	s0 =	sand.u32 $0x1, s1  }
0x8c: {  	s17 =	sshll.u32 s0, $0xA;
	s2 =	sadd.s32 s3, s2  }
0x8d: {  	s2 =	sadd.s32 s2, s17  }
0x8e: {  	[smem:$0x3FBA] =	sst s2  }
0x8f: {  	_ = 	snop  }
0x90: {  	s2 =	sld [smem:$0x3FC6];
	(tm) =	ssettm $0x1  }
0x91: {  	s18 =	sld [smem:$0x3FFB];
	_ =	sdelay $0x3  }
0x92: {  	_ =	strace s18  }
0x93: {  	s3 =	sld [smem:$0x3FFC];
	_ =	sdelay $0x3  }
0x94: {  	_ =	strace s3  }
0x95: {  	s3 =	sld [smem:$0x3FFD];
	_ =	sdelay $0x3  }
0x96: {  	_ =	strace s3  }
0x97: {  	_ =	strace $0x8FFFFFFF  }
0x98: {  	s19 =	sld [smem:$0x3FDB];
	_ =	sdelay $0x1  }
0x99: {  	s4 =	simm.s32 $_scs_section_size  }
0x9a: {  	s5 =	simm.s32 $_size__tile_overlayer_lowered;
	s6 =	simm.s32 $_tile_overlayer_lowered  }
0x9b: {  	s22 =	simm.s32 $0x1BFF;
	s21 =	sshll.u32 s6, $0x1;
	s3 =	sadd.s32 s4, s19  }
0x9c: {  	s7 =	simm.s32 $0x0;
	s20 =	sshll.u32 s5, $0x1;
	s5 =	sadd.s32 s21, s3  }
0x9d: {  	[timem:s7], [sflag:s22] =	dma.local [hbm:s5], s20  }
0x9e: {  	_ =	swait.ge [sflag:s22], s20  }
0x9f: {  	s4 =	ssub.s32 $0x0, s20;
	[sflag:s22] =	ssyncset.done $0x0  }
0xa0: {  	[sflag:s22] =	ssyncadd.s32 s4;
	_ =	sdelay $0x1  }
0xa1: {  	s23 =	simm.s32 $0x1B8B  }
0xa2: {  	_ =	swait.ge [sflag:s23], $0x1  }
0xa3: {  	[sflag:s23] =	ssyncset.done $0x0  }
0xa4: {  	s25 =	simm.s32 $0x1B8E;
	s24 =	sld [smem:$0x3FFE];
	[sflag:s23] =	ssyncadd.s32 $0xFFFFFFFF  }
0xa5: {  	s26 =	simm.s32 $execute0_lowered;
	[smem:$0x3FD2] =	sst s25  }
0xa6: {  	s5 =	sshll.u32 s26, $0x1;
	_ =	strace $0x80000046;
	[dreg:$0x1] =	wrdreg $0xFFFFFFFF  }
0xa7: {  	s28 =	simm.s32 $_size_execute0_lowered;
	s3 =	sadd.s32 s3, s5;
	[dreg:$0x0] =	wrdreg $0x0  }
0xa8: {  	s5 =	sshll.u32 s28, $0x1;
	[dreg:$0x2] =	wrdreg s3  }
0xa9: {  	[dreg:$0x3] =	wrdreg s5  }
0xaa: {  	[dreg:$0x4] =	wrdreg $0xC0  }
0xab: {  	_ =	task [dreg:s7], $0x5FFFF  }
0xac: {  	[dreg:$0x1] =	wrdreg $0xFFFFFFFF  }
0xad: {  	[dreg:$0x0] =	wrdreg $0x60  }
0xae: {  	[dreg:$0x2] =	wrdreg s2  }
0xaf: {  	[dreg:$0x3] =	wrdreg s24  }
0xb0: {  	[dreg:$0x4] =	wrdreg $0x52800  }
0xb1: {  	[dreg:$0x5] =	wrdreg $0x9  }
0xb2: {  	_ =	task.clear_ibuf [dreg:s7], $0x6FFFF;
	_ =	strace $0x90000046  }
0xb3: {  	s29 =	simm.s32 $0x9;
	_ =	strace $0x80000048  }
0xb4: {  	_ =	swait.ge [sflag:s29], $0x1  }
0xb5: {  	[sflag:s29] =	ssyncadd.s32 $0xFFFFFFFF  }
0xb6: {  	_ =	strace $0x90000048  }
0xb7: {  	_ =	sfence  }
0xb8: {  	s30 =	sld [smem:$0x0];
	_ =	sdelay $0x2  }
0xb9: {  	s31 =	sshll.u32 s1, $0xD;
	s1 =	sshrl.u32 s1, $0x2  }
0xba: {  	s3 =	sand.u32 $0x4000, s31;
	s1 =	sadd.s32 s1, s30  }
0xbb: {  	s0 =	sor.u32 s3, s0;
	s1 =	sshll.u32 s1, $0x11  }
0xbc: {  	s0 =	sor.u32 s1, s0  }
0xbd: {  	s0 =	sadd.s32 $0x8F2B, s0  }
0xbe: {  	[sflag:s0] =	ssyncadd.remote.s32 $0x1  }
0xbf: {  	_ =	sfence.sel $0xFFFF  }
0xc0: {  	[dreg:$0x0] =	wrdreg $0xFFFFFFFF;
	(pc) =	sbr.abs _section_cstart, $3  }
0xc1: {  	[dreg:$0x1] =	wrdreg $0xFFFFFFFF  }
0xc2: {  	_ =	task.clear_ibuf [dreg:s7], $0x2FFFF;
	_ =	strace $0x9FFFFFFF  }
0xc3: {  	(tm) =	ssettm $0x7FFFFFFF  }
tec
execute0_lowered:
.L_overlay_start_1:
0x0: {  	(tag) =	ssettag $0x1  }
0x1: {  	s1 =	rddreg [dreg:$0x0]  }
0x2: {  	s0 =	srdreg.scid;
	s15 =	stileid.u32  }
0x3: {  	s2 =	rddreg [dreg:$0x1];
	s9 =	smul.u32 $0x50000, s15  }
0x4: {  	s3 =	rddreg [dreg:$0x2];
	s0 =	sand.u32 $0x1, s0;
	s25 =	smul.u32 $0x14000, s15  }
0x5: {  	s4 =	sshll.u32 s15, $0x1;
	s10 =	sadd.s32 $0xE000, s2;
	s26 =	smul.u32 $0x140000, s0  }
0x6: {  	s5 =	sor.u32 s0, s4;
	s8 =	ssub.s32 $0x2, s0;
	s0 =	smul.u32 $0x500, s0  }
0x7: {  	s11 =	sadd.s32 $0x5E800, s2;
	s4 =	simm.s32 $0x0;
	s6 =	smul.u32 $0x28, s5  }
0x8: {  	[smem:$0x7FF] =	sst s4;
	s7 =	smul.u32 $0x1400, s5;
	s5 =	sadd.s32 $0x3A00, s2  }
0x9: {  	s23 =	sshrl.u32 s8, $0x1;
	s24 =	sshrl.u32 s9, $0x2;
	s16 =	sadd.s32 $0x4000, s25  }
0xa: {  	s20 =	sadd.s32 $0xC000, s25;
	_ =	strace $0x80000047;
	[dreg:$0x4] =	wrdreg s10  }
0xb: {  	s8 =	ssub.s32 s8, s23;
	s17 =	sadd.s32 s26, s25;
	s12 =	sadd.s32 s26, s16  }
0xc: {  	s23 =	sadd.s32 s26, s20;
	s28 =	sadd.s32 s16, s3;
	s30 =	sadd.s32 s20, s3  }
0xd: {  	s6 =	sadd.s32 s6, s2;
	s10 =	sadd.s32 s7, s2;
	s7 =	sadd.s32 s24, s3  }
0xe: {  	s2 =	sadd.s32 $0x36000, s2;
	s8 =	smax.u32 s8, $0x1;
	s9 =	sshrl.u32 s17, $0x3  }
0xf: {  	s12 =	sshrl.u32 s12, $0x3;
	s24 =	smul.u32 $0xA00, s15;
	[dreg:$0x6] =	wrdreg s2  }
0x10: {  	s15 =	simm.s32 $0x0;
	s6 =	sadd.s32 $0xDA00, s6;
	[dreg:$0x7] =	wrdreg s8  }
0x11: {  	s13 =	sadd.s32 $0x36800, s10;
	s14 =	sadd.s32 $0x36A00, s10;
	[dreg:$0x5] =	wrdreg s6  }
0x12: {  	s9 =	sadd.s32 s11, s9;
	s18 =	sadd.s32 s11, s12;
	[dreg:$0x8] =	wrdreg s13  }
0x13: {  	s12 =	sshrl.u32 s23, $0x3;
	s21 =	sadd.s32 $0x37000, s10;
	[dreg:$0x9] =	wrdreg s14  }
0x14: {  	s22 =	sadd.s32 $0x37200, s10;
	s23 =	sadd.s32 $0x37400, s10;
	[dreg:$0xa] =	wrdreg s9  }
0x15: {  	s8 =	sadd.s32 $0x10000, s7;
	s13 =	sadd.s32 $0x8000, s25;
	[dreg:$0xb] =	wrdreg s18  }
0x16: {  	s6 =	sadd.s32 $0x10000, s25;
	s12 =	sadd.s32 s11, s12;
	s25 =	sadd.s32 $0x36C00, s10  }
0x17: {  	s14 =	sadd.s32 s26, s13;
	s2 =	sadd.s32 s26, s6;
	[dreg:$0xd] =	wrdreg s12  }
0x18: {  	[dreg:$0xf] =	wrdreg s25;
	s26 =	sadd.s32 $0x36E00, s10;
	s25 =	sadd.s32 $0x37800, s10  }
0x19: {  	s29 =	sadd.s32 s13, s3;
	s31 =	sadd.s32 s6, s3;
	s6 =	sadd.s32 $0xC000, s7  }
0x1a: {  	s12 =	simm.s32 $0x180;
	s13 =	simm.s32 $0x80;
	s19 =	sshrl.u32 s14, $0x3  }
0x1b: {  	s2 =	sshrl.u32 s2, $0x3;
	[dreg:$0x10] =	wrdreg s26;
	s26 =	sadd.s32 $0x37A00, s10  }
0x1c: {  	s14 =	simm.s32 $0x1180;
	s9 =	sadd.s32 s11, s19;
	s2 =	sadd.s32 s11, s2  }
0x1d: {  	s19 =	sadd.s32 s0, s24;
	s24 =	sadd.s32 $0x37600, s10;
	s0 =	sadd.s32 $0x8000, s7  }
0x1e: {  	s10 =	simm.s32 $0x1;
	s11 =	simm.s32 $0x20;
	[dreg:$0xc] =	wrdreg s9  }
0x1f: {  	[dreg:$0xe] =	wrdreg s2;
	s2 =	sadd.s32 $0x4000, s7;
	s9 =	simm.s32 $0x1280  }
.LBB2_1:
0x20: {  	s16 =	rddreg [dreg:$0x4]  }
0x21: {  	[tilespmem:s9], [sflag:$0x1] =	stream.linear.gather [hbm4b:s16+s4], $0x4000, $0x38;
	[tilespmem:$0x19280] =	vst v63  }
0x22: {  	_ =	swait.ge [sflag:s10], $0x4000  }
0x23: {  	[sflag:s10] =	ssyncset.done $0x0  }
0x24: {  	[sflag:s10] =	ssyncadd.s32 $0xFFFFC000  }
0x25: {  	[spmem:s7] =	stream.linear.scatter [tilespmem:s9], [sflag:$0x1], $0x4000, $0x38;
	[tilespmem:$0x19280] =	vst v63  }
0x26: {  	_ =	swait.ge [sflag:s10], $0x4000  }
0x27: {  	[sflag:s10] =	ssyncset.done $0x0  }
0x28: {  	[sflag:s10] =	ssyncadd.s32 $0xFFFFC000  }
0x29: {  	[spmem:s2] =	stream.linear.scatter [tilespmem:s9], [sflag:$0x1], $0x4000, $0x38;
	[tilespmem:$0x19280] =	vst v63  }
0x2a: {  	_ =	swait.ge [sflag:s10], $0x4000  }
0x2b: {  	[sflag:s10] =	ssyncset.done $0x0  }
0x2c: {  	[sflag:s10] =	ssyncadd.s32 $0xFFFFC000  }
0x2d: {  	[spmem:s0] =	stream.linear.scatter [tilespmem:s9], [sflag:$0x1], $0x4000, $0x38;
	[tilespmem:$0x19280] =	vst v63  }
0x2e: {  	_ =	swait.ge [sflag:s10], $0x4000  }
0x2f: {  	[sflag:s10] =	ssyncset.done $0x0  }
0x30: {  	[sflag:s10] =	ssyncadd.s32 $0xFFFFC000  }
0x31: {  	[spmem:s6] =	stream.linear.scatter [tilespmem:s9], [sflag:$0x1], $0x4000, $0x38;
	[tilespmem:$0x19280] =	vst v63  }
0x32: {  	_ =	swait.ge [sflag:s10], $0x4000  }
0x33: {  	[sflag:s10] =	ssyncset.done $0x0  }
0x34: {  	[sflag:s10] =	ssyncadd.s32 $0xFFFFC000  }
0x35: {  	[spmem:s8] =	stream.linear.scatter [tilespmem:s9], [sflag:$0x1], $0x4000, $0x38;
	[tilespmem:$0x19280] =	vst v63  }
0x36: {  	_ =	swait.ge [sflag:s10], $0x4000  }
0x37: {  	[sflag:s10] =	ssyncset.done $0x0  }
0x38: {  	s17 =	rddreg [dreg:$0x5];
	[sflag:s10] =	ssyncadd.s32 $0xFFFFC000  }
0x39: {  	[tilespmem:s4], [sflag:$0x1] =	stream.linear.gather [hbm4b:s17+s4], $0x140, $0x38;
	[tilespmem:$0x19280] =	vst v63  }
0x3a: {  	_ =	swait.ge [sflag:s10], $0x140  }
0x3b: {  	[sflag:s10] =	ssyncset.done $0x0  }
0x3c: {  	[sflag:s10] =	ssyncadd.s32 $0xFFFFFEC0  }
0x3d: {  	[tilespmem:s12], [sflag:$0x1] =	stream.indirect.gather [hbm4b:s1+s11], $0x80, s4, s11, $0xb8;
	[tilespmem:$0x19280] =	vst v63  }
0x3e: {  	_ =	swait.ge [sflag:s10], $0x1000  }
0x3f: {  	[sflag:s10] =	ssyncset.done $0x0  }
0x40: {  	s18 =	rddreg [dreg:$0x8];
	[sflag:s10] =	ssyncadd.s32 $0xFFFFF000  }
0x41: {  	[hbm4b:s18+s4] =	stream.linear.scatter [tilespmem:s12], [sflag:$0x1], $0x1000, $0x38;
	[tilespmem:$0x19280] =	vst v63  }
0x42: {  	_ =	swait.ge [sflag:s10], $0x1000  }
0x43: {  	[sflag:s10] =	ssyncset.done $0x0  }
0x44: {  	[sflag:s10] =	ssyncadd.s32 $0xFFFFF000  }
0x45: {  	[tilespmem:s12], [sflag:$0x1] =	stream.indirect.gather [hbm4b:s1+s11], $0x80, s11, s11, $0xb8;
	[tilespmem:$0x19280] =	vst v63  }
0x46: {  	_ =	swait.ge [sflag:s10], $0x1000  }
0x47: {  	[sflag:s10] =	ssyncset.done $0x0  }
0x48: {  	s20 =	rddreg [dreg:$0x9];
	[sflag:s10] =	ssyncadd.s32 $0xFFFFF000  }
0x49: {  	[hbm4b:s20+s4] =	stream.linear.scatter [tilespmem:s12], [sflag:$0x1], $0x1000, $0x38;
	[tilespmem:$0x19280] =	vst v63  }
0x4a: {  	_ =	swait.ge [sflag:s10], $0x1000  }
0x4b: {  	[sflag:s10] =	ssyncset.done $0x0  }
0x4c: {  	s17 =	simm.s32 $0x40;
	[sflag:s10] =	ssyncadd.s32 $0xFFFFF000  }
0x4d: {  	[tilespmem:s12], [sflag:$0x1] =	stream.indirect.gather [hbm4b:s1+s11], $0x80, s17, s11, $0xb8;
	[tilespmem:$0x19280] =	vst v63  }
0x4e: {  	_ =	swait.ge [sflag:s10], $0x1000  }
0x4f: {  	[sflag:s10] =	ssyncset.done $0x0  }
0x50: {  	s18 =	rddreg [dreg:$0xf];
	[sflag:s10] =	ssyncadd.s32 $0xFFFFF000  }
0x51: {  	[hbm4b:s18+s4] =	stream.linear.scatter [tilespmem:s12], [sflag:$0x1], $0x1000, $0x38;
	[tilespmem:$0x19280] =	vst v63  }
0x52: {  	_ =	swait.ge [sflag:s10], $0x1000  }
0x53: {  	[sflag:s10] =	ssyncset.done $0x0  }
0x54: {  	s20 =	simm.s32 $0x60;
	[sflag:s10] =	ssyncadd.s32 $0xFFFFF000  }
0x55: {  	[tilespmem:s12], [sflag:$0x1] =	stream.indirect.gather [hbm4b:s1+s11], $0x80, s20, s11, $0xb8;
	[tilespmem:$0x19280] =	vst v63  }
0x56: {  	_ =	swait.ge [sflag:s10], $0x1000  }
0x57: {  	[sflag:s10] =	ssyncset.done $0x0  }
0x58: {  	s17 =	rddreg [dreg:$0x10];
	[sflag:s10] =	ssyncadd.s32 $0xFFFFF000  }
0x59: {  	[hbm4b:s17+s4] =	stream.linear.scatter [tilespmem:s12], [sflag:$0x1], $0x1000, $0x38;
	[tilespmem:$0x19280] =	vst v63  }
0x5a: {  	_ =	swait.ge [sflag:s10], $0x1000  }
0x5b: {  	[sflag:s10] =	ssyncset.done $0x0  }
0x5c: {  	[sflag:s10] =	ssyncadd.s32 $0xFFFFF000  }
0x5d: {  	[tilespmem:s12], [sflag:$0x1] =	stream.indirect.gather [hbm4b:s1+s11], $0x80, s13, s11, $0xb8;
	[tilespmem:$0x19280] =	vst v63  }
0x5e: {  	_ =	swait.ge [sflag:s10], $0x1000  }
0x5f: {  	[sflag:s10] =	ssyncset.done $0x0  }
0x60: {  	[sflag:s10] =	ssyncadd.s32 $0xFFFFF000  }
0x61: {  	[hbm4b:s21+s4] =	stream.linear.scatter [tilespmem:s12], [sflag:$0x1], $0x1000, $0x38;
	[tilespmem:$0x19280] =	vst v63  }
0x62: {  	_ =	swait.ge [sflag:s10], $0x1000  }
0x63: {  	[sflag:s10] =	ssyncset.done $0x0  }
0x64: {  	s18 =	simm.s32 $0xA0;
	[sflag:s10] =	ssyncadd.s32 $0xFFFFF000  }
0x65: {  	[tilespmem:s12], [sflag:$0x1] =	stream.indirect.gather [hbm4b:s1+s11], $0x80, s18, s11, $0xb8;
	[tilespmem:$0x19280] =	vst v63  }
0x66: {  	_ =	swait.ge [sflag:s10], $0x1000  }
0x67: {  	[sflag:s10] =	ssyncset.done $0x0  }
0x68: {  	[sflag:s10] =	ssyncadd.s32 $0xFFFFF000  }
0x69: {  	[hbm4b:s22+s4] =	stream.linear.scatter [tilespmem:s12], [sflag:$0x1], $0x1000, $0x38;
	[tilespmem:$0x19280] =	vst v63  }
0x6a: {  	_ =	swait.ge [sflag:s10], $0x1000  }
0x6b: {  	[sflag:s10] =	ssyncset.done $0x0  }
0x6c: {  	s20 =	simm.s32 $0xC0;
	[sflag:s10] =	ssyncadd.s32 $0xFFFFF000  }
0x6d: {  	[tilespmem:s12], [sflag:$0x1] =	stream.indirect.gather [hbm4b:s1+s11], $0x80, s20, s11, $0xb8;
	[tilespmem:$0x19280] =	vst v63  }
0x6e: {  	_ =	swait.ge [sflag:s10], $0x1000  }
0x6f: {  	[sflag:s10] =	ssyncset.done $0x0  }
0x70: {  	[sflag:s10] =	ssyncadd.s32 $0xFFFFF000  }
0x71: {  	[hbm4b:s23+s4] =	stream.linear.scatter [tilespmem:s12], [sflag:$0x1], $0x1000, $0x38;
	[tilespmem:$0x19280] =	vst v63  }
0x72: {  	_ =	swait.ge [sflag:s10], $0x1000  }
0x73: {  	[sflag:s10] =	ssyncset.done $0x0  }
0x74: {  	s17 =	simm.s32 $0xE0;
	[sflag:s10] =	ssyncadd.s32 $0xFFFFF000  }
0x75: {  	[tilespmem:s12], [sflag:$0x1] =	stream.indirect.gather [hbm4b:s1+s11], $0x80, s17, s11, $0xb8;
	[tilespmem:$0x19280] =	vst v63  }
0x76: {  	_ =	swait.ge [sflag:s10], $0x1000  }
0x77: {  	[sflag:s10] =	ssyncset.done $0x0  }
0x78: {  	[sflag:s10] =	ssyncadd.s32 $0xFFFFF000  }
0x79: {  	[hbm4b:s24+s4] =	stream.linear.scatter [tilespmem:s12], [sflag:$0x1], $0x1000, $0x38;
	[tilespmem:$0x19280] =	vst v63  }
0x7a: {  	_ =	swait.ge [sflag:s10], $0x1000  }
0x7b: {  	[sflag:s10] =	ssyncset.done $0x0  }
0x7c: {  	s18 =	simm.s32 $0x100;
	[sflag:s10] =	ssyncadd.s32 $0xFFFFF000  }
0x7d: {  	[tilespmem:s12], [sflag:$0x1] =	stream.indirect.gather [hbm4b:s1+s11], $0x80, s18, s11, $0xb8;
	[tilespmem:$0x19280] =	vst v63  }
0x7e: {  	_ =	swait.ge [sflag:s10], $0x1000  }
0x7f: {  	[sflag:s10] =	ssyncset.done $0x0  }
0x80: {  	[sflag:s10] =	ssyncadd.s32 $0xFFFFF000  }
0x81: {  	[hbm4b:s25+s4] =	stream.linear.scatter [tilespmem:s12], [sflag:$0x1], $0x1000, $0x38;
	[tilespmem:$0x19280] =	vst v63  }
0x82: {  	_ =	swait.ge [sflag:s10], $0x1000  }
0x83: {  	[sflag:s10] =	ssyncset.done $0x0  }
0x84: {  	s20 =	simm.s32 $0x120;
	[sflag:s10] =	ssyncadd.s32 $0xFFFFF000  }
0x85: {  	[tilespmem:s12], [sflag:$0x1] =	stream.indirect.gather [hbm4b:s1+s11], $0x80, s20, s11, $0xb8;
	[tilespmem:$0x19280] =	vst v63  }
0x86: {  	_ =	swait.ge [sflag:s10], $0x1000  }
0x87: {  	[sflag:s10] =	ssyncset.done $0x0  }
0x88: {  	[sflag:s10] =	ssyncadd.s32 $0xFFFFF000  }
0x89: {  	[hbm4b:s26+s4] =	stream.linear.scatter [tilespmem:s12], [sflag:$0x1], $0x1000, $0x38;
	[tilespmem:$0x19280] =	vst v63  }
0x8a: {  	_ =	swait.ge [sflag:s10], $0x1000  }
0x8b: {  	[sflag:s10] =	ssyncset.done $0x0  }
0x8c: {  	s17 =	rddreg [dreg:$0x6];
	[sflag:s10] =	ssyncadd.s32 $0xFFFFF000  }
0x8d: {  	[tilespmem:s9], [sflag:$0x1] =	stream.linear.gather [hbm4b:s17+s4], $0x4000, $0x38;
	[tilespmem:$0x19280] =	vst v63  }
0x8e: {  	_ =	swait.ge [sflag:s10], $0x4000  }
0x8f: {  	s18 =	sadd.s32 $0x0, s19;
	s17 =	sand.u32 $0x70, s4;
	[sflag:s10] =	ssyncset.done $0x0  }
0x90: {  	s16 =	sand.u32 $0xFFFFF80, s18;
	s17 =	sadd.s32 s5, s17;
	[sflag:s10] =	ssyncadd.s32 $0xFFFFC000  }
0x91: {  	s16 =	sadd.s32 s16, s17;
	[bflag:$0x0] =	sbarrier.arrive $0xFFFF  }
0x92: {  	[tilespmem:s14], [sflag:$0x1] =	stream.linear.gather [hbm4b:s16+s4], $0x80, $0x38;
	[tilespmem:$0x19280] =	vst v63  }
0x93: {  	_ =	swait.ge [sflag:s10], $0x80  }
0x94: {  	[sflag:s10] =	ssyncset.done $0x0  }
0x95: {  	s18 =	sadd.s32 $0x10, s19;
	s20 =	simm.s32 $0x10;
	[sflag:s10] =	ssyncadd.s32 $0xFFFFFF80  }
0x96: {  	[spmem:s3] =	stream.indirect.scatter.add.f32 [tilespmem:s9], [sflag:$0x1], $0x80, s14, s13, $0xb8;
	[tilespmem:$0x19280] =	vst v63  }
0x97: {  	s20 =	sand.u32 $0x70, s20;
	s17 =	sand.u32 $0xFFFFF80, s18;
	_ =	swait.ge [sflag:s10], $0x4000  }
0x98: {  	s18 =	sadd.s32 s5, s20;
	s16 =	simm.s32 $0x20;
	[sflag:s10] =	ssyncset.done $0x0  }
.LBB2_2:
0x99: {  	s17 =	sadd.s32 s17, s18  }
0x9a: {  	[sflag:s10] =	ssyncadd.s32 $0xFFFFC000;
	s18 =	smov.u32 s16;
	s20 =	sadd.s32 $0x10, s16  }
0x9b: {  	[tilespmem:s14], [sflag:$0x1] =	stream.linear.gather [hbm4b:s17+s4], $0x80, $0x38;
	[tilespmem:$0x19280] =	vst v63  }
0x9c: {  	p0 =	sne.s32 s16, $0x4F0;
	_ =	swait.ge [sflag:s10], $0x80  }
.Ltmp0:
0x9d: {  	[sflag:s10] =	ssyncset.done $0x0;
	(pc) =	sbr.rel @p0 .LBB2_2-.Ltmp0, $4  }
0x9e: {  	s16 =	sadd.s32 s18, s19;
	[sflag:s10] =	ssyncadd.s32 $0xFFFFFF80  }
0x9f: {  	[spmem:s3] =	stream.indirect.scatter.add.f32 [tilespmem:s9], [sflag:$0x1], $0x80, s14, s13, $0xb8;
	[tilespmem:$0x19280] =	vst v63  }
0xa0: {  	s18 =	sand.u32 $0x70, s18;
	s17 =	sand.u32 $0xFFFFF80, s16;
	_ =	swait.ge [sflag:s10], $0x4000  }
0xa1: {  	s18 =	sadd.s32 s5, s18;
	s16 =	smov.u32 s20;
	[sflag:s10] =	ssyncset.done $0x0  }
0xa2: {  	s16 =	sadd.s32 s17, s18;
	[sflag:s10] =	ssyncadd.s32 $0xFFFFC000  }
0xa3: {  	[tilespmem:s14], [sflag:$0x1] =	stream.linear.gather [hbm4b:s16+s4], $0x80, $0x38;
	[tilespmem:$0x19280] =	vst v63  }
0xa4: {  	_ =	swait.ge [sflag:s10], $0x80  }
0xa5: {  	[sflag:s10] =	ssyncset.done $0x0  }
0xa6: {  	[sflag:s10] =	ssyncadd.s32 $0xFFFFFF80  }
0xa7: {  	[spmem:s3] =	stream.indirect.scatter.add.f32 [tilespmem:s9], [sflag:$0x1], $0x80, s14, s13, $0xb8;
	[tilespmem:$0x19280] =	vst v63  }
0xa8: {  	_ =	swait.ge [sflag:s10], $0x4000  }
0xa9: {  	[sflag:s10] =	ssyncset.done $0x0  }
0xaa: {  	[sflag:s10] =	ssyncadd.s32 $0xFFFFC000  }
0xab: {  	[bflag:$0x0] =	sbarrier.arrive $0xFFFF  }
0xac: {  	[tilespmem:s9], [sflag:$0x1] =	stream.linear.gather [spmem:s7], $0x4000, $0x38;
	[tilespmem:$0x19280] =	vst v63  }
0xad: {  	_ =	swait.ge [sflag:s10], $0x4000  }
0xae: {  	[sflag:s10] =	ssyncset.done $0x0  }
0xaf: {  	s17 =	rddreg [dreg:$0xa];
	[sflag:s10] =	ssyncadd.s32 $0xFFFFC000  }
0xb0: {  	[hbm4b:s17+s4] =	stream.linear.scatter [tilespmem:s9], [sflag:$0x1], $0x4000, $0x38;
	[tilespmem:$0x19280] =	vst v63  }
0xb1: {  	_ =	swait.ge [sflag:s10], $0x4000  }
0xb2: {  	[sflag:s10] =	ssyncset.done $0x0  }
0xb3: {  	[sflag:s10] =	ssyncadd.s32 $0xFFFFC000  }
0xb4: {  	[tilespmem:s9], [sflag:$0x1] =	stream.linear.gather [spmem:s28], $0x4000, $0x38;
	[tilespmem:$0x19280] =	vst v63  }
0xb5: {  	_ =	swait.ge [sflag:s10], $0x4000  }
0xb6: {  	[sflag:s10] =	ssyncset.done $0x0  }
0xb7: {  	s18 =	rddreg [dreg:$0xb];
	[sflag:s10] =	ssyncadd.s32 $0xFFFFC000  }
0xb8: {  	[hbm4b:s18+s4] =	stream.linear.scatter [tilespmem:s9], [sflag:$0x1], $0x4000, $0x38;
	[tilespmem:$0x19280] =	vst v63  }
0xb9: {  	_ =	swait.ge [sflag:s10], $0x4000  }
0xba: {  	[sflag:s10] =	ssyncset.done $0x0  }
0xbb: {  	[sflag:s10] =	ssyncadd.s32 $0xFFFFC000  }
0xbc: {  	[tilespmem:s9], [sflag:$0x1] =	stream.linear.gather [spmem:s29], $0x4000, $0x38;
	[tilespmem:$0x19280] =	vst v63  }
0xbd: {  	_ =	swait.ge [sflag:s10], $0x4000  }
0xbe: {  	[sflag:s10] =	ssyncset.done $0x0  }
0xbf: {  	s20 =	rddreg [dreg:$0xc];
	[sflag:s10] =	ssyncadd.s32 $0xFFFFC000  }
0xc0: {  	[hbm4b:s20+s4] =	stream.linear.scatter [tilespmem:s9], [sflag:$0x1], $0x4000, $0x38;
	[tilespmem:$0x19280] =	vst v63  }
0xc1: {  	_ =	swait.ge [sflag:s10], $0x4000  }
0xc2: {  	[sflag:s10] =	ssyncset.done $0x0  }
0xc3: {  	[sflag:s10] =	ssyncadd.s32 $0xFFFFC000  }
0xc4: {  	[tilespmem:s9], [sflag:$0x1] =	stream.linear.gather [spmem:s30], $0x4000, $0x38;
	[tilespmem:$0x19280] =	vst v63  }
0xc5: {  	_ =	swait.ge [sflag:s10], $0x4000  }
0xc6: {  	[sflag:s10] =	ssyncset.done $0x0  }
0xc7: {  	s17 =	rddreg [dreg:$0xd];
	[sflag:s10] =	ssyncadd.s32 $0xFFFFC000  }
0xc8: {  	[hbm4b:s17+s4] =	stream.linear.scatter [tilespmem:s9], [sflag:$0x1], $0x4000, $0x38;
	[tilespmem:$0x19280] =	vst v63  }
0xc9: {  	_ =	swait.ge [sflag:s10], $0x4000  }
0xca: {  	[sflag:s10] =	ssyncset.done $0x0  }
0xcb: {  	[sflag:s10] =	ssyncadd.s32 $0xFFFFC000  }
0xcc: {  	[tilespmem:s9], [sflag:$0x1] =	stream.linear.gather [spmem:s31], $0x4000, $0x38;
	[tilespmem:$0x19280] =	vst v63  }
0xcd: {  	_ =	swait.ge [sflag:s10], $0x4000  }
0xce: {  	[sflag:s10] =	ssyncset.done $0x0  }
0xcf: {  	s18 =	rddreg [dreg:$0xe];
	[sflag:s10] =	ssyncadd.s32 $0xFFFFC000  }
0xd0: {  	[hbm4b:s18+s4] =	stream.linear.scatter [tilespmem:s9], [sflag:$0x1], $0x4000, $0x38;
	[tilespmem:$0x19280] =	vst v63  }
0xd1: {  	_ =	swait.ge [sflag:s10], $0x4000  }
0xd2: {  	s15 =	sadd.s32 $0x1, s15;
	s20 =	rddreg [dreg:$0x7]  }
0xd3: {  	p0 =	sne.s32 s15, s20  }
.Ltmp1:
0xd4: {  	_ = 	snop;
	(pc) =	sbr.rel @p0 .LBB2_1-.Ltmp1, $3  }
0xd5: {  	_ =	sdelay $0x1  }
0xd6: {  	[sflag:s10] =	ssyncset.done $0x0  }
0xd7: {  	[sflag:s10] =	ssyncadd.s32 $0xFFFFC000  }
0xd8: {  	_ =	sfence.sel $0x180000  }
0xd9: {  	[bflag:$0x0] =	sbarrier.arrive $0xFFFF  }
0xda: {  	_ =	strace $0x90000047  }
0xdb: {  	s0 =	stileid.u32;
	[bflag:$0x2] =	sbarrier.arrive $0xFFFF  }
0xdc: {  	p0 =	sne.s32 s0, $0x0;
	s0 =	rddreg [dreg:$0x3]  }
0xdd: {  	s0 =	sadd.s32 @!p0 $0x100000, s0  }
0xde: {  	[sflag:s0] =	ssyncadd.tile.s32 @!p0 $0x1;
	_ =	shalt  }
.Lfunc_end2:
_tile_overlayer_lowered:
.L_overlay_start_2:
0xdf: {  	(tag) =	ssettag $0x2  }
0xe0: {  	s0 =	rddreg [dreg:$0x0];
	s2 =	stileid.u32  }
0xe1: {  	s1 =	rddreg [dreg:$0x1];
	p0 =	sne.s32 s2, $0x0  }
0xe2: {  	s3 =	rddreg [dreg:$0x2];
	[bflag:$0x3] =	sbarrier.arrive $0xFFFF;
	s2 =	simm.s32 @!p0 $0x1C01  }
0xe3: {  	[timem:s3], [sflag:s2] =	dma.local @!p0 [hbm:s0], s1  }
0xe4: {  	s0 =	simm.s32 @!p0 $0x1  }
0xe5: {  	_ =	swait.ge @!p0 [sflag:s0], s1  }
0xe6: {  	s1 =	ssub.s32 @!p0 $0x0, s1;
	[sflag:s0] =	ssyncset.done @!p0 $0x0  }
0xe7: {  	[sflag:s0] =	ssyncadd.s32 @!p0 s1  }
0xe8: {  	[bflag:$0x3] =	sbarrier.arrive $0xFFFF  }
0xe9: {  	_ =	shalt  }

// kernel: _impl.13.cloned.1.call-start
scs
__scs_entry_jumppad:
0x0: {  	(pc) =	sbr.rel $0x88, $3  }
0x1: {  	(tag) =	ssettag $0x0;
	lr =	simm.s32 $0x1  }
0x2: {  	[smem:$0x3F93] =	sst lr;
	_ =	strace $0xD0000000  }
0x3: {  	_ = 	snop  }
0x4: {  	_ = 	snop  }
0x5: {  	_ = 	snop  }
0x6: {  	_ = 	snop  }
0x7: {  	_ = 	snop  }
__scs_overlays_trampoline_lowered:
0x8: {  	[smem:$0x3FA2] =	sst s0  }
0x9: {  	[smem:$0x3FA3] =	sst s1  }
0xa: {  	[smem:$0x3FA4] =	sst s2  }
0xb: {  	[smem:$0x3FA5] =	sst s3  }
0xc: {  	[smem:$0x3FA6] =	sst s4  }
0xd: {  	[smem:$0x3FA7] =	sst s5  }
0xe: {  	[smem:$0x3FA8] =	sst s6  }
0xf: {  	[smem:$0x3FA9] =	sst s7  }
0x10: {  	[smem:$0x3FAA] =	sst s8  }
0x11: {  	[smem:$0x3FAB] =	sst s9;
	s0 =	simm.s32 @!p0 $0x0  }
0x12: {  	s1 =	sld [smem:$0x3F91];
	s0 =	simm.s32 @p0 $0x1  }
0x13: {  	[smem:$0x3FAC] =	sst s0;
	s0 =	simm.s32 @!p1 $0x0  }
0x14: {  	s2 =	sld [smem:$0x3F90];
	s0 =	simm.s32 @p1 $0x1  }
0x15: {  	[smem:$0x3FAD] =	sst s0;
	s0 =	simm.s32 @!p2 $0x0  }
0x16: {  	s3 =	sld [smem:$0x3FDB];
	s0 =	simm.s32 @p2 $0x1  }
0x17: {  	s4 =	simm.s32 $0x1BF5;
	[smem:$0x3FAF] =	sst s0  }
0x18: {  	s0 =	sld [smem:$0x3F92];
	_ =	swait.ge [sflag:s4], $0x0  }
0x19: {  	s7 =	sld [smem:$0x3F93]  }
0x1a: {  	s8 =	sadd.s32 $0xFFFFE003, lr  }
0x1b: {  	s9 =	sadd.s32 $0xFFFFFEF7, lr;
	s5 =	simm.s32 $0xFFFFFFFF;
	p2 =	slt.u32 s8, $0xFFFFF086  }
0x1c: {  	p1 =	slt.u32 s9, $0xF7A;
	s5 =	simm.s32 @!p2 $0x0  }
0x1d: {  	s5 =	simm.s32 @p1 $0x1;
	p0 =	seq.s32 s7, s2  }
0x1e: {  	s7 =	smul.u32 @!p0 $0xF7A, s2;
	p2 =	seq.s32 @!p0 s5, $0x0  }
0x1f: {  	s9 =	smul.u32 $0xF7A, s1;
	s8 =	simm.s32 @!p0 $0x1BF5;
	p2 =	por !p2, p0  }
0x20: {  	[sflag:s8] =	ssyncset.s32 @!p0 $0xFFFFF086;
	s6 =	sadd.s32 @!p0 s3, s7;
	s7 =	simm.s32 @!p0 $0x108  }
0x21: {  	s3 =	sadd.s32 s3, s9;
	s6 =	sadd.s32 @!p0 $0x88, s6;
	s7 =	simm.s32 @p2 $0x1082  }
0x22: {  	[simem:s7], [sflag:s8] =	dma.local @!p0 [hbm:s6], $0xF7A  }
0x23: {  	s9 =	sor.u32 $0xD0000000, s2;
	s6 =	simm.s32 $0x108;
	_ =	swait.ge @!p0 [sflag:s8], $0x0  }
0x24: {  	s3 =	sadd.s32 $0x88, s3;
	s6 =	simm.s32 @!p1 $0x1082;
	[sflag:s4] =	ssyncset.s32 $0xFFFFF086  }
0x25: {  	[simem:s6], [sflag:s4] =	dma.local [hbm:s3], $0xF7A  }
0x26: {  	[smem:$0x3F93] =	sst s1;
	(tag) =	ssettag s2;
	_ =	strace s9  }
0x27: {  	s1 =	sld [smem:$0x3FA3]  }
0x28: {  	s2 =	sld [smem:$0x3FA4]  }
0x29: {  	s4 =	sld [smem:$0x3FA6]  }
0x2a: {  	p0 =	seq.s32 s5, $0x0;
	s5 =	sld [smem:$0x3FA7]  }
0x2b: {  	s6 =	sld [smem:$0x3FA8]  }
0x2c: {  	s7 =	sld [smem:$0x3FA9]  }
0x2d: {  	s3 =	simm.s32 $0x108;
	s8 =	sld [smem:$0x3FAA]  }
0x2e: {  	s3 =	simm.s32 @!p0 $0x1082;
	s9 =	sld [smem:$0x3FAB]  }
0x2f: {  	lr =	sadd.s32 s0, s3;
	s0 =	sld [smem:$0x3FA2]  }
0x30: {  	s3 =	sld [smem:$0x3FA5]  }
0x31: {  	[smem:$0x3FAE] =	sst s10  }
0x32: {  	s10 =	sld [smem:$0x3FAC];
	_ =	sdelay $0x3  }
0x33: {  	p0 =	seq.s32 s10, $0x1;
	s10 =	sld [smem:$0x3FAE];
	_ =	sdelay $0x3  }
0x34: {  	[smem:$0x3FAE] =	sst s10  }
0x35: {  	s10 =	sld [smem:$0x3FAD];
	_ =	sdelay $0x3  }
0x36: {  	p1 =	seq.s32 s10, $0x1;
	s10 =	sld [smem:$0x3FAE];
	_ =	sdelay $0x3  }
0x37: {  	[smem:$0x3FAE] =	sst s10  }
0x38: {  	s10 =	sld [smem:$0x3FAF]  }
0x39: {  	_ = 	snop;
	(pc) =	sbr.ind lr, $3  }
0x3a: {  	_ = 	snop  }
0x3b: {  	_ = 	snop  }
0x3c: {  	p2 =	seq.s32 s10, $0x1;
	s10 =	sld [smem:$0x3FAE]  }
0x3d: {  	_ =	shalt  }
0x3e: {  	_ =	shalt  }
0x3f: {  	_ =	shalt  }
0x40: {  	_ =	shalt  }
0x41: {  	_ =	shalt  }
0x42: {  	_ =	shalt  }
0x43: {  	_ =	shalt  }
0x44: {  	_ =	shalt  }
0x45: {  	_ =	shalt  }
0x46: {  	_ =	shalt  }
0x47: {  	_ =	shalt  }
0x48: {  	_ =	shalt  }
0x49: {  	_ =	shalt  }
0x4a: {  	_ =	shalt  }
0x4b: {  	_ =	shalt  }
0x4c: {  	_ =	shalt  }
0x4d: {  	_ =	shalt  }
0x4e: {  	_ =	shalt  }
0x4f: {  	_ =	shalt  }
0x50: {  	_ =	shalt  }
0x51: {  	_ =	shalt  }
0x52: {  	_ =	shalt  }
0x53: {  	_ =	shalt  }
0x54: {  	_ =	shalt  }
0x55: {  	_ =	shalt  }
0x56: {  	_ =	shalt  }
0x57: {  	_ =	shalt  }
0x58: {  	_ =	shalt  }
0x59: {  	_ =	shalt  }
0x5a: {  	_ =	shalt  }
0x5b: {  	_ =	shalt  }
0x5c: {  	_ =	shalt  }
0x5d: {  	_ =	shalt  }
0x5e: {  	_ =	shalt  }
0x5f: {  	_ =	shalt  }
0x60: {  	_ =	shalt  }
0x61: {  	_ =	shalt  }
0x62: {  	_ =	shalt  }
0x63: {  	_ =	shalt  }
0x64: {  	_ =	shalt  }
0x65: {  	_ =	shalt  }
0x66: {  	_ =	shalt  }
0x67: {  	_ =	shalt  }
0x68: {  	_ =	shalt  }
0x69: {  	_ =	shalt  }
0x6a: {  	_ =	shalt  }
0x6b: {  	_ =	shalt  }
0x6c: {  	_ =	shalt  }
0x6d: {  	_ =	shalt  }
0x6e: {  	_ =	shalt  }
0x6f: {  	_ =	shalt  }
0x70: {  	_ =	shalt  }
0x71: {  	_ =	shalt  }
0x72: {  	_ =	shalt  }
0x73: {  	_ =	shalt  }
0x74: {  	_ =	shalt  }
0x75: {  	_ =	shalt  }
0x76: {  	_ =	shalt  }
0x77: {  	_ =	shalt  }
0x78: {  	_ =	shalt  }
0x79: {  	_ =	shalt  }
0x7a: {  	_ =	shalt  }
0x7b: {  	_ =	shalt  }
0x7c: {  	_ =	shalt  }
0x7d: {  	_ =	shalt  }
0x7e: {  	_ =	shalt  }
0x7f: {  	_ =	shalt  }
0x80: {  	_ =	shalt  }
0x81: {  	_ =	shalt  }
0x82: {  	_ =	shalt  }
0x83: {  	_ =	shalt  }
0x84: {  	_ =	shalt  }
0x85: {  	_ =	shalt  }
0x86: {  	_ =	shalt  }
0x87: {  	_ =	shalt  }
.Lfunc_end0:
.L_simem_size_0:
called_computation.1_lowered:
.L_overlay_start_0:
0x88: {  	s2 =	sld [smem:$0x3FD9]  }
0x89: {  	s3 =	sld [smem:$0x3FFE];
	_ =	sdelay $0x1  }
0x8a: {  	s1 =	srdreg.scid  }
0x8b: {  	s0 =	sand.u32 $0x1, s1  }
0x8c: {  	s16 =	sshll.u32 s0, $0xA;
	s2 =	sadd.s32 s3, s2  }
0x8d: {  	s2 =	sadd.s32 s2, s16  }
0x8e: {  	[smem:$0x3FBA] =	sst s2  }
0x8f: {  	_ = 	snop  }
0x90: {  	(tm) =	ssettm $0x1  }
0x91: {  	s17 =	sld [smem:$0x3FFB];
	_ =	sdelay $0x3  }
0x92: {  	_ =	strace s17  }
0x93: {  	s2 =	sld [smem:$0x3FFC];
	_ =	sdelay $0x3  }
0x94: {  	_ =	strace s2  }
0x95: {  	s2 =	sld [smem:$0x3FFD];
	_ =	sdelay $0x3  }
0x96: {  	_ =	strace s2  }
0x97: {  	_ =	strace $0x8FFFFFFF  }
0x98: {  	s18 =	sld [smem:$0x3FDB];
	_ =	sdelay $0x1  }
0x99: {  	s19 =	simm.s32 $_scs_section_size  }
0x9a: {  	s4 =	simm.s32 $_size__tile_overlayer_lowered;
	s5 =	simm.s32 $_tile_overlayer_lowered  }
0x9b: {  	s22 =	simm.s32 $0x1BFF;
	s21 =	sshll.u32 s5, $0x1;
	s2 =	sadd.s32 s19, s18  }
0x9c: {  	s6 =	simm.s32 $0x0;
	s20 =	sshll.u32 s4, $0x1;
	s4 =	sadd.s32 s21, s2  }
0x9d: {  	[timem:s6], [sflag:s22] =	dma.local [hbm:s4], s20  }
0x9e: {  	_ =	swait.ge [sflag:s22], s20  }
0x9f: {  	s3 =	ssub.s32 $0x0, s20;
	[sflag:s22] =	ssyncset.done $0x0  }
0xa0: {  	[sflag:s22] =	ssyncadd.s32 s3;
	_ =	sdelay $0x1  }
0xa1: {  	s23 =	simm.s32 $0x1B8B  }
0xa2: {  	_ =	swait.ge [sflag:s23], $0x1  }
0xa3: {  	[sflag:s23] =	ssyncset.done $0x0  }
0xa4: {  	s25 =	simm.s32 $0x1B8E;
	s24 =	sld [smem:$0x3FFE];
	[sflag:s23] =	ssyncadd.s32 $0xFFFFFFFF  }
0xa5: {  	s26 =	simm.s32 $execute0_lowered;
	[smem:$0x3FD2] =	sst s25  }
0xa6: {  	s4 =	sshll.u32 s26, $0x1;
	_ =	strace $0x80000049;
	[dreg:$0x1] =	wrdreg $0xFFFFFFFF  }
0xa7: {  	s28 =	simm.s32 $_size_execute0_lowered;
	s2 =	sadd.s32 s2, s4;
	[dreg:$0x0] =	wrdreg $0x0  }
0xa8: {  	s4 =	sshll.u32 s28, $0x1;
	[dreg:$0x2] =	wrdreg s2  }
0xa9: {  	[dreg:$0x3] =	wrdreg s4  }
0xaa: {  	[dreg:$0x4] =	wrdreg $0xC0  }
0xab: {  	_ =	task [dreg:s6], $0x5FFFF  }
0xac: {  	[dreg:$0x1] =	wrdreg $0xFFFFFFFF  }
0xad: {  	[dreg:$0x0] =	wrdreg $0x60  }
0xae: {  	[dreg:$0x2] =	wrdreg s24  }
0xaf: {  	[dreg:$0x3] =	wrdreg $0x60000  }
0xb0: {  	[dreg:$0x4] =	wrdreg $0x9  }
0xb1: {  	_ =	task.clear_ibuf [dreg:s6], $0x5FFFF;
	_ =	strace $0x90000049  }
0xb2: {  	s29 =	simm.s32 $0x9;
	_ =	strace $0x8000004B  }
0xb3: {  	_ =	swait.ge [sflag:s29], $0x1  }
0xb4: {  	[sflag:s29] =	ssyncadd.s32 $0xFFFFFFFF  }
0xb5: {  	_ =	strace $0x9000004B  }
0xb6: {  	_ =	sfence  }
0xb7: {  	s30 =	sld [smem:$0x0];
	_ =	sdelay $0x2  }
0xb8: {  	s31 =	sshll.u32 s1, $0xD;
	s1 =	sshrl.u32 s1, $0x2  }
0xb9: {  	s3 =	sand.u32 $0x4000, s31;
	s1 =	sadd.s32 s1, s30  }
0xba: {  	s0 =	sor.u32 s3, s0;
	s1 =	sshll.u32 s1, $0x11  }
0xbb: {  	s0 =	sor.u32 s1, s0  }
0xbc: {  	s0 =	sadd.s32 $0x8F2B, s0  }
0xbd: {  	[sflag:s0] =	ssyncadd.remote.s32 $0x1  }
0xbe: {  	_ =	sfence.sel $0xFFFF  }
0xbf: {  	[dreg:$0x0] =	wrdreg $0xFFFFFFFF;
	(pc) =	sbr.abs _section_cstart, $3  }
0xc0: {  	[dreg:$0x1] =	wrdreg $0xFFFFFFFF  }
0xc1: {  	_ =	task.clear_ibuf [dreg:s6], $0x2FFFF;
	_ =	strace $0x9FFFFFFF  }
0xc2: {  	(tm) =	ssettm $0x7FFFFFFF  }
0xc3: {  	_ =	shalt  }
tec
execute0_lowered:
.L_overlay_start_1:
0x0: {  	(tag) =	ssettag $0x1  }
0x1: {  	s0 =	rddreg [dreg:$0x0]  }
0x2: {  	s2 =	rddreg [dreg:$0x1]  }
0x3: {  	s3 =	simm.s32 $0x0;
	s9 =	stileid.u32;
	s1 =	srdreg.scid  }
0x4: {  	s20 =	simm.s32 $0x80;
	s23 =	simm.s32 $0x100;
	s24 =	simm.s32 $0x880  }
0x5: {  	s28 =	simm.s32 $0x3;
	s29 =	simm.s32 $0x800;
	s30 =	simm.s32 $0x50  }
0x6: {  	s31 =	simm.s32 $0x3800;
	[smem:$0x7FF] =	sst s3;
	s5 =	sshll.u32 s9, $0xC  }
0x7: {  	s1 =	sand.u32 $0x1, s1;
	s4 =	sadd.s32 $0x36800, s0;
	s7 =	sadd.s32 $0xE000, s0  }
0x8: {  	s8 =	smul.u32 $0x50000, s9;
	_ =	strace $0x8000004A;
	[dreg:$0x12] =	wrdreg s7  }
0x9: {  	s5 =	sadd.s32 s5, s0;
	s6 =	ssub.s32 $0x2, s1;
	[dreg:$0x5] =	wrdreg s20  }
0xa: {  	s0 =	sadd.s32 $0xCE800, s0;
	s7 =	smul.u32 $0x14000, s9;
	[dreg:$0x6] =	wrdreg s23  }
0xb: {  	s26 =	sshll.u32 s1, $0xB;
	s1 =	smul.u32 $0x140000, s1;
	[dreg:$0x7] =	wrdreg s24  }
0xc: {  	s9 =	simm.s32 $0x900;
	s20 =	simm.s32 $0x380;
	s25 =	sshrl.u32 s6, $0x1  }
0xd: {  	s8 =	sshrl.u32 s8, $0x2;
	s5 =	sadd.s32 s26, s5;
	[dreg:$0x9] =	wrdreg s9  }
0xe: {  	[dreg:$0x10] =	wrdreg s20;
	s20 =	simm.s32 $0xE00;
	s6 =	ssub.s32 s6, s25  }
0xf: {  	s21 =	sadd.s32 s8, s2;
	s13 =	sor.u32 $0x2800, s7;
	s19 =	sadd.s32 $0xAE800, s5  }
0x10: {  	s10 =	sadd.s32 $0x5000, s7;
	s5 =	sadd.s32 $0xBE800, s5;
	[dreg:$0x3] =	wrdreg s19  }
0x11: {  	s16 =	sadd.s32 $0xA000, s7;
	s25 =	simm.s32 $0x180;
	[dreg:$0x4] =	wrdreg s5  }
0x12: {  	s11 =	sadd.s32 s1, s7;
	s6 =	smax.u32 s6, $0x1;
	[dreg:$0x8] =	wrdreg s25  }
0x13: {  	s14 =	sadd.s32 s13, s2;
	s15 =	sadd.s32 $0x7800, s21;
	[dreg:$0x13] =	wrdreg s21  }
0x14: {  	s12 =	sadd.s32 s16, s2;
	s11 =	sshrl.u32 s11, $0x3;
	[dreg:$0x14] =	wrdreg s6  }
0x15: {  	s8 =	sadd.s32 s1, s13;
	s13 =	simm.s32 $0x980;
	[dreg:$0x15] =	wrdreg s14  }
0x16: {  	s19 =	sadd.s32 $0xC800, s21;
	s23 =	sadd.s32 $0x11800, s21;
	[dreg:$0x17] =	wrdreg s15  }
0x17: {  	s5 =	simm.s32 $0x400;
	s14 =	sadd.s32 s10, s2;
	[dreg:$0x18] =	wrdreg s12  }
0x18: {  	s12 =	sadd.s32 $0xF000, s7;
	s11 =	sadd.s32 s0, s11;
	s10 =	sadd.s32 s1, s10  }
0x19: {  	s8 =	sshrl.u32 s8, $0x3;
	s6 =	sadd.s32 s1, s16;
	[dreg:$0xb] =	wrdreg s13  }
0x1a: {  	s15 =	simm.s32 $0x280;
	s16 =	simm.s32 $0xA00;
	[smem:$0x7F7] =	sst s19  }
0x1b: {  	[smem:$0x7F8] =	sst s23;
	s13 =	simm.s32 $0x500;
	s19 =	simm.s32 $0x680  }
0x1c: {  	s23 =	simm.s32 $0xE80;
	[dreg:$0x19] =	wrdreg s11;
	s10 =	sshrl.u32 s10, $0x3  }
0x1d: {  	s11 =	sadd.s32 $0x7800, s7;
	s8 =	sadd.s32 s0, s8;
	[dreg:$0xc] =	wrdreg s15  }
0x1e: {  	s6 =	sshrl.u32 s6, $0x3;
	s26 =	sadd.s32 s1, s12;
	[dreg:$0xd] =	wrdreg s16  }
0x1f: {  	s9 =	sadd.s32 s12, s2;
	s12 =	simm.s32 $0xC00;
	s15 =	simm.s32 $0x580  }
0x20: {  	s16 =	simm.s32 $0xD00;
	[dreg:$0x1a] =	wrdreg s8;
	s17 =	sadd.s32 s0, s10  }
0x21: {  	s18 =	sadd.s32 s1, s11;
	s6 =	sadd.s32 s0, s6;
	[smem:$0x7FD] =	sst s9  }
0x22: {  	s10 =	simm.s32 $0x200;
	s24 =	sadd.s32 s11, s2;
	[dreg:$0x1b] =	wrdreg s17  }
0x23: {  	s11 =	smov.u32 s14;
	s14 =	simm.s32 $0xC80;
	[dreg:$0x1d] =	wrdreg s6  }
0x24: {  	s8 =	sshrl.u32 s18, $0x3;
	s6 =	sadd.s32 $0xC800, s7;
	[dreg:$0xa] =	wrdreg s10  }
0x25: {  	s7 =	sadd.s32 $0x11800, s7;
	s17 =	simm.s32 $0x300;
	[smem:$0x7F9] =	sst s24  }
0x26: {  	s18 =	simm.s32 $0xA80;
	s10 =	simm.s32 $0x480;
	[dreg:$0x16] =	wrdreg s11  }
0x27: {  	s24 =	simm.s32 $0x780;
	s8 =	sadd.s32 s0, s8;
	[dreg:$0xe] =	wrdreg s17  }
0x28: {  	s22 =	sadd.s32 s1, s6;
	s1 =	sadd.s32 s1, s7;
	[dreg:$0xf] =	wrdreg s18  }
0x29: {  	s25 =	sadd.s32 s6, s2;
	s17 =	simm.s32 $0x600;
	[dreg:$0x1c] =	wrdreg s8  }
0x2a: {  	s18 =	simm.s32 $0xD80;
	s6 =	simm.s32 $0x0;
	[smem:$0x7FA] =	sst s25  }
0x2b: {  	s8 =	sshrl.u32 s22, $0x3;
	s22 =	simm.s32 $0xB00;
	[smem:$0x7FC] =	sst s6  }
0x2c: {  	s1 =	sshrl.u32 s1, $0x3;
	s8 =	sadd.s32 s0, s8;
	[dreg:$0x11] =	wrdreg s22  }
0x2d: {  	s25 =	simm.s32 $0xF00;
	s22 =	simm.s32 $0x700;
	[dreg:$0x1e] =	wrdreg s8  }
0x2e: {  	s8 =	sshrl.u32 s26, $0x3;
	s26 =	sadd.s32 s7, s2;
	s7 =	simm.s32 $0xB80  }
0x2f: {  	s8 =	sadd.s32 s0, s8;
	s0 =	sadd.s32 s0, s1;
	[smem:$0x7FB] =	sst s26  }
0x30: {  	s26 =	simm.s32 $0x1000;
	s1 =	simm.s32 $0x2;
	[dreg:$0x1f] =	wrdreg s8  }
0x31: {  	[smem:$0x7F6] =	sst s0;
	s0 =	simm.s32 $0x1;
	s8 =	simm.s32 $0xF80  }
.LBB2_1:
0x32: {  	s6 =	rddreg [dreg:$0x12]  }
0x33: {  	[tilespmem:s26], [sflag:$0x3] =	stream.linear.gather [hbm4b:s6+s3], $0x2800, $0x38;
	[tilespmem:$0x1A000] =	vst v63  }
0x34: {  	_ =	swait.ge [sflag:s28], $0x2800  }
0x35: {  	[sflag:s28] =	ssyncset.done $0x0  }
0x36: {  	[sflag:s28] =	ssyncadd.s32 $0xFFFFD800  }
0x37: {  	[spmem:s21] =	stream.linear.scatter [tilespmem:s26], [sflag:$0x3], $0x2800, $0x38;
	[tilespmem:$0x1A000] =	vst v63  }
0x38: {  	_ =	swait.ge [sflag:s28], $0x2800  }
0x39: {  	[sflag:s28] =	ssyncset.done $0x0  }
0x3a: {  	s21 =	rddreg [dreg:$0x15];
	[sflag:s28] =	ssyncadd.s32 $0xFFFFD800  }
0x3b: {  	[spmem:s21] =	stream.linear.scatter [tilespmem:s26], [sflag:$0x3], $0x2800, $0x38;
	[tilespmem:$0x1A000] =	vst v63  }
0x3c: {  	_ =	swait.ge [sflag:s28], $0x2800  }
0x3d: {  	[sflag:s28] =	ssyncset.done $0x0  }
0x3e: {  	[sflag:s28] =	ssyncadd.s32 $0xFFFFD800  }
0x3f: {  	[spmem:s11] =	stream.linear.scatter [tilespmem:s26], [sflag:$0x3], $0x2800, $0x38;
	[tilespmem:$0x1A000] =	vst v63  }
0x40: {  	_ =	swait.ge [sflag:s28], $0x2800  }
0x41: {  	[sflag:s28] =	ssyncset.done $0x0  }
0x42: {  	s11 =	rddreg [dreg:$0x17];
	[sflag:s28] =	ssyncadd.s32 $0xFFFFD800  }
0x43: {  	[spmem:s11] =	stream.linear.scatter [tilespmem:s26], [sflag:$0x3], $0x2800, $0x38;
	[tilespmem:$0x1A000] =	vst v63  }
0x44: {  	_ =	swait.ge [sflag:s28], $0x2800  }
0x45: {  	[sflag:s28] =	ssyncset.done $0x0  }
0x46: {  	s21 =	rddreg [dreg:$0x18];
	[sflag:s28] =	ssyncadd.s32 $0xFFFFD800  }
0x47: {  	[spmem:s21] =	stream.linear.scatter [tilespmem:s26], [sflag:$0x3], $0x2800, $0x38;
	[tilespmem:$0x1A000] =	vst v63  }
0x48: {  	_ =	swait.ge [sflag:s28], $0x2800  }
0x49: {  	s11 =	sld [smem:$0x7F7]  }
0x4a: {  	[sflag:s28] =	ssyncset.done $0x0  }
0x4b: {  	[sflag:s28] =	ssyncadd.s32 $0xFFFFD800  }
0x4c: {  	[spmem:s11] =	stream.linear.scatter [tilespmem:s26], [sflag:$0x3], $0x2800, $0x38;
	[tilespmem:$0x1A000] =	vst v63  }
0x4d: {  	_ =	swait.ge [sflag:s28], $0x2800  }
0x4e: {  	[sflag:s28] =	ssyncset.done $0x0  }
0x4f: {  	[sflag:s28] =	ssyncadd.s32 $0xFFFFD800  }
0x50: {  	[spmem:s9] =	stream.linear.scatter [tilespmem:s26], [sflag:$0x3], $0x2800, $0x38;
	[tilespmem:$0x1A000] =	vst v63  }
0x51: {  	_ =	swait.ge [sflag:s28], $0x2800  }
0x52: {  	s21 =	sld [smem:$0x7F8]  }
0x53: {  	[sflag:s28] =	ssyncset.done $0x0  }
0x54: {  	[sflag:s28] =	ssyncadd.s32 $0xFFFFD800  }
0x55: {  	[spmem:s21] =	stream.linear.scatter [tilespmem:s26], [sflag:$0x3], $0x2800, $0x38;
	[tilespmem:$0x1A000] =	vst v63  }
0x56: {  	_ =	swait.ge [sflag:s28], $0x2800  }
0x57: {  	[sflag:s28] =	ssyncset.done $0x0  }
0x58: {  	[sflag:s28] =	ssyncadd.s32 $0xFFFFD800  }
0x59: {  	[bflag:$0x0] =	sbarrier.arrive $0xFFFF  }
0x5a: {  	s9 =	rddreg [dreg:$0x4]  }
0x5b: {  	s6 =	sadd.s32 $0x0, s9  }
0x5c: {  	[tilespmem:s3], [sflag:$0x3] =	stream.linear.gather [hbm4b:s6+s3], $0x800, $0x38;
	[tilespmem:$0x1A000] =	vst v63  }
0x5d: {  	_ =	swait.ge [sflag:s28], $0x800  }
0x5e: {  	s11 =	rddreg [dreg:$0x3];
	[sflag:s28] =	ssyncset.done $0x0  }
0x5f: {  	[sflag:s28] =	ssyncadd.s32 $0xFFFFF800;
	s6 =	sadd.s32 $0x0, s11  }
0x60: {  	[tilespmem:s29], [sflag:$0x3] =	stream.linear.gather [hbm4b:s6+s3], $0x800, $0x38;
	[tilespmem:$0x1A000] =	vst v63  }
0x61: {  	_ =	swait.ge [sflag:s28], $0x800  }
0x62: {  	[sflag:s28] =	ssyncset.done $0x0  }
0x63: {  	[sflag:s28] =	ssyncadd.s32 $0xFFFFF800  }
0x64: {  	[tilespmem:s26], [sflag:$0x1] =	stream.indirect.gather [hbm4b:s4+s30], $0x80, s3, s30, $0xb8;
	[tilespmem:$0x1A000] =	vst v63  }
0x65: {  	s21 =	rddreg [dreg:$0x5]  }
0x66: {  	[tilespmem:s31], [sflag:$0x2] =	stream.indirect.gather [hbm4b:s4+s30], $0x80, s21, s30, $0xb8;
	[tilespmem:$0x1A000] =	vst v63  }
0x67: {  	_ =	swait.ge [sflag:s0], $0x2800  }
0x68: {  	[sflag:s0] =	ssyncset.done $0x0  }
0x69: {  	[sflag:s0] =	ssyncadd.s32 $0xFFFFD800  }
0x6a: {  	[spmem:s2] =	stream.indirect.scatter.add.f32 [tilespmem:s26], [sflag:$0x3], $0x80, s29, s30, $0xb8;
	[tilespmem:$0x1A000] =	vst v63  }
0x6b: {  	_ =	swait.ge [sflag:s28], $0x2800  }
0x6c: {  	[sflag:s28] =	ssyncset.done $0x0  }
0x6d: {  	s9 =	rddreg [dreg:$0x6];
	[sflag:s28] =	ssyncadd.s32 $0xFFFFD800  }
0x6e: {  	[tilespmem:s26], [sflag:$0x1] =	stream.indirect.gather [hbm4b:s4+s30], $0x80, s9, s30, $0xb8;
	[tilespmem:$0x1A000] =	vst v63  }
0x6f: {  	_ =	swait.ge [sflag:s1], $0x2800  }
0x70: {  	[sflag:s1] =	ssyncset.done $0x0  }
0x71: {  	s11 =	rddreg [dreg:$0x7];
	[sflag:s1] =	ssyncadd.s32 $0xFFFFD800  }
0x72: {  	[spmem:s2] =	stream.indirect.scatter.add.f32 [tilespmem:s31], [sflag:$0x3], $0x80, s11, s30, $0xb8;
	[tilespmem:$0x1A000] =	vst v63  }
0x73: {  	_ =	swait.ge [sflag:s28], $0x2800  }
0x74: {  	[sflag:s28] =	ssyncset.done $0x0  }
0x75: {  	s21 =	rddreg [dreg:$0x8];
	[sflag:s28] =	ssyncadd.s32 $0xFFFFD800  }
0x76: {  	[tilespmem:s31], [sflag:$0x2] =	stream.indirect.gather [hbm4b:s4+s30], $0x80, s21, s30, $0xb8;
	[tilespmem:$0x1A000] =	vst v63  }
0x77: {  	_ =	swait.ge [sflag:s0], $0x2800  }
0x78: {  	[sflag:s0] =	ssyncset.done $0x0  }
0x79: {  	s9 =	rddreg [dreg:$0x9];
	[sflag:s0] =	ssyncadd.s32 $0xFFFFD800  }
0x7a: {  	[spmem:s2] =	stream.indirect.scatter.add.f32 [tilespmem:s26], [sflag:$0x3], $0x80, s9, s30, $0xb8;
	[tilespmem:$0x1A000] =	vst v63  }
0x7b: {  	_ =	swait.ge [sflag:s28], $0x2800  }
0x7c: {  	[sflag:s28] =	ssyncset.done $0x0  }
0x7d: {  	s11 =	rddreg [dreg:$0xa];
	[sflag:s28] =	ssyncadd.s32 $0xFFFFD800  }
0x7e: {  	[tilespmem:s26], [sflag:$0x1] =	stream.indirect.gather [hbm4b:s4+s30], $0x80, s11, s30, $0xb8;
	[tilespmem:$0x1A000] =	vst v63  }
0x7f: {  	_ =	swait.ge [sflag:s1], $0x2800  }
0x80: {  	[sflag:s1] =	ssyncset.done $0x0  }
0x81: {  	s21 =	rddreg [dreg:$0xb];
	[sflag:s1] =	ssyncadd.s32 $0xFFFFD800  }
0x82: {  	[spmem:s2] =	stream.indirect.scatter.add.f32 [tilespmem:s31], [sflag:$0x3], $0x80, s21, s30, $0xb8;
	[tilespmem:$0x1A000] =	vst v63  }
0x83: {  	_ =	swait.ge [sflag:s28], $0x2800  }
0x84: {  	[sflag:s28] =	ssyncset.done $0x0  }
0x85: {  	s9 =	rddreg [dreg:$0xc];
	[sflag:s28] =	ssyncadd.s32 $0xFFFFD800  }
0x86: {  	[tilespmem:s31], [sflag:$0x2] =	stream.indirect.gather [hbm4b:s4+s30], $0x80, s9, s30, $0xb8;
	[tilespmem:$0x1A000] =	vst v63  }
0x87: {  	_ =	swait.ge [sflag:s0], $0x2800  }
0x88: {  	[sflag:s0] =	ssyncset.done $0x0  }
0x89: {  	s11 =	rddreg [dreg:$0xd];
	[sflag:s0] =	ssyncadd.s32 $0xFFFFD800  }
0x8a: {  	[spmem:s2] =	stream.indirect.scatter.add.f32 [tilespmem:s26], [sflag:$0x3], $0x80, s11, s30, $0xb8;
	[tilespmem:$0x1A000] =	vst v63  }
0x8b: {  	_ =	swait.ge [sflag:s28], $0x2800  }
0x8c: {  	[sflag:s28] =	ssyncset.done $0x0  }
0x8d: {  	s21 =	rddreg [dreg:$0xe];
	[sflag:s28] =	ssyncadd.s32 $0xFFFFD800  }
0x8e: {  	[tilespmem:s26], [sflag:$0x1] =	stream.indirect.gather [hbm4b:s4+s30], $0x80, s21, s30, $0xb8;
	[tilespmem:$0x1A000] =	vst v63  }
0x8f: {  	_ =	swait.ge [sflag:s1], $0x2800  }
0x90: {  	[sflag:s1] =	ssyncset.done $0x0  }
0x91: {  	s9 =	rddreg [dreg:$0xf];
	[sflag:s1] =	ssyncadd.s32 $0xFFFFD800  }
0x92: {  	[spmem:s2] =	stream.indirect.scatter.add.f32 [tilespmem:s31], [sflag:$0x3], $0x80, s9, s30, $0xb8;
	[tilespmem:$0x1A000] =	vst v63  }
0x93: {  	_ =	swait.ge [sflag:s28], $0x2800  }
0x94: {  	[sflag:s28] =	ssyncset.done $0x0  }
0x95: {  	s11 =	rddreg [dreg:$0x10];
	[sflag:s28] =	ssyncadd.s32 $0xFFFFD800  }
0x96: {  	[tilespmem:s31], [sflag:$0x2] =	stream.indirect.gather [hbm4b:s4+s30], $0x80, s11, s30, $0xb8;
	[tilespmem:$0x1A000] =	vst v63  }
0x97: {  	_ =	swait.ge [sflag:s0], $0x2800  }
0x98: {  	[sflag:s0] =	ssyncset.done $0x0  }
0x99: {  	s21 =	rddreg [dreg:$0x11];
	[sflag:s0] =	ssyncadd.s32 $0xFFFFD800  }
0x9a: {  	[spmem:s2] =	stream.indirect.scatter.add.f32 [tilespmem:s26], [sflag:$0x3], $0x80, s21, s30, $0xb8;
	[tilespmem:$0x1A000] =	vst v63  }
0x9b: {  	_ =	swait.ge [sflag:s28], $0x2800  }
0x9c: {  	[sflag:s28] =	ssyncset.done $0x0  }
0x9d: {  	[sflag:s28] =	ssyncadd.s32 $0xFFFFD800  }
0x9e: {  	[tilespmem:s26], [sflag:$0x1] =	stream.indirect.gather [hbm4b:s4+s30], $0x80, s5, s30, $0xb8;
	[tilespmem:$0x1A000] =	vst v63  }
0x9f: {  	_ =	swait.ge [sflag:s1], $0x2800  }
0xa0: {  	[sflag:s1] =	ssyncset.done $0x0  }
0xa1: {  	[sflag:s1] =	ssyncadd.s32 $0xFFFFD800  }
0xa2: {  	[spmem:s2] =	stream.indirect.scatter.add.f32 [tilespmem:s31], [sflag:$0x3], $0x80, s7, s30, $0xb8;
	[tilespmem:$0x1A000] =	vst v63  }
0xa3: {  	_ =	swait.ge [sflag:s28], $0x2800  }
0xa4: {  	[sflag:s28] =	ssyncset.done $0x0  }
0xa5: {  	[sflag:s28] =	ssyncadd.s32 $0xFFFFD800  }
0xa6: {  	[tilespmem:s31], [sflag:$0x2] =	stream.indirect.gather [hbm4b:s4+s30], $0x80, s10, s30, $0xb8;
	[tilespmem:$0x1A000] =	vst v63  }
0xa7: {  	_ =	swait.ge [sflag:s0], $0x2800  }
0xa8: {  	[sflag:s0] =	ssyncset.done $0x0  }
0xa9: {  	[sflag:s0] =	ssyncadd.s32 $0xFFFFD800  }
0xaa: {  	[spmem:s2] =	stream.indirect.scatter.add.f32 [tilespmem:s26], [sflag:$0x3], $0x80, s12, s30, $0xb8;
	[tilespmem:$0x1A000] =	vst v63  }
0xab: {  	_ =	swait.ge [sflag:s28], $0x2800  }
0xac: {  	[sflag:s28] =	ssyncset.done $0x0  }
0xad: {  	[sflag:s28] =	ssyncadd.s32 $0xFFFFD800  }
0xae: {  	[tilespmem:s26], [sflag:$0x1] =	stream.indirect.gather [hbm4b:s4+s30], $0x80, s13, s30, $0xb8;
	[tilespmem:$0x1A000] =	vst v63  }
0xaf: {  	_ =	swait.ge [sflag:s1], $0x2800  }
0xb0: {  	[sflag:s1] =	ssyncset.done $0x0  }
0xb1: {  	[sflag:s1] =	ssyncadd.s32 $0xFFFFD800  }
0xb2: {  	[spmem:s2] =	stream.indirect.scatter.add.f32 [tilespmem:s31], [sflag:$0x3], $0x80, s14, s30, $0xb8;
	[tilespmem:$0x1A000] =	vst v63  }
0xb3: {  	_ =	swait.ge [sflag:s28], $0x2800  }
0xb4: {  	[sflag:s28] =	ssyncset.done $0x0  }
0xb5: {  	[sflag:s28] =	ssyncadd.s32 $0xFFFFD800  }
0xb6: {  	[tilespmem:s31], [sflag:$0x2] =	stream.indirect.gather [hbm4b:s4+s30], $0x80, s15, s30, $0xb8;
	[tilespmem:$0x1A000] =	vst v63  }
0xb7: {  	_ =	swait.ge [sflag:s0], $0x2800  }
0xb8: {  	[sflag:s0] =	ssyncset.done $0x0  }
0xb9: {  	[sflag:s0] =	ssyncadd.s32 $0xFFFFD800  }
0xba: {  	[spmem:s2] =	stream.indirect.scatter.add.f32 [tilespmem:s26], [sflag:$0x3], $0x80, s16, s30, $0xb8;
	[tilespmem:$0x1A000] =	vst v63  }
0xbb: {  	_ =	swait.ge [sflag:s28], $0x2800  }
0xbc: {  	[sflag:s28] =	ssyncset.done $0x0  }
0xbd: {  	[sflag:s28] =	ssyncadd.s32 $0xFFFFD800  }
0xbe: {  	[tilespmem:s26], [sflag:$0x1] =	stream.indirect.gather [hbm4b:s4+s30], $0x80, s17, s30, $0xb8;
	[tilespmem:$0x1A000] =	vst v63  }
0xbf: {  	_ =	swait.ge [sflag:s1], $0x2800  }
0xc0: {  	[sflag:s1] =	ssyncset.done $0x0  }
0xc1: {  	[sflag:s1] =	ssyncadd.s32 $0xFFFFD800  }
0xc2: {  	[spmem:s2] =	stream.indirect.scatter.add.f32 [tilespmem:s31], [sflag:$0x3], $0x80, s18, s30, $0xb8;
	[tilespmem:$0x1A000] =	vst v63  }
0xc3: {  	_ =	swait.ge [sflag:s28], $0x2800  }
0xc4: {  	[sflag:s28] =	ssyncset.done $0x0  }
0xc5: {  	[sflag:s28] =	ssyncadd.s32 $0xFFFFD800  }
0xc6: {  	[tilespmem:s31], [sflag:$0x2] =	stream.indirect.gather [hbm4b:s4+s30], $0x80, s19, s30, $0xb8;
	[tilespmem:$0x1A000] =	vst v63  }
0xc7: {  	_ =	swait.ge [sflag:s0], $0x2800  }
0xc8: {  	[sflag:s0] =	ssyncset.done $0x0  }
0xc9: {  	[sflag:s0] =	ssyncadd.s32 $0xFFFFD800  }
0xca: {  	[spmem:s2] =	stream.indirect.scatter.add.f32 [tilespmem:s26], [sflag:$0x3], $0x80, s20, s30, $0xb8;
	[tilespmem:$0x1A000] =	vst v63  }
0xcb: {  	_ =	swait.ge [sflag:s28], $0x2800  }
0xcc: {  	[sflag:s28] =	ssyncset.done $0x0  }
0xcd: {  	[sflag:s28] =	ssyncadd.s32 $0xFFFFD800  }
0xce: {  	[tilespmem:s26], [sflag:$0x1] =	stream.indirect.gather [hbm4b:s4+s30], $0x80, s22, s30, $0xb8;
	[tilespmem:$0x1A000] =	vst v63  }
0xcf: {  	_ =	swait.ge [sflag:s1], $0x2800  }
0xd0: {  	[sflag:s1] =	ssyncset.done $0x0  }
0xd1: {  	[sflag:s1] =	ssyncadd.s32 $0xFFFFD800  }
0xd2: {  	[spmem:s2] =	stream.indirect.scatter.add.f32 [tilespmem:s31], [sflag:$0x3], $0x80, s23, s30, $0xb8;
	[tilespmem:$0x1A000] =	vst v63  }
0xd3: {  	_ =	swait.ge [sflag:s28], $0x2800  }
0xd4: {  	[sflag:s28] =	ssyncset.done $0x0  }
0xd5: {  	[sflag:s28] =	ssyncadd.s32 $0xFFFFD800  }
0xd6: {  	[tilespmem:s31], [sflag:$0x2] =	stream.indirect.gather [hbm4b:s4+s30], $0x80, s24, s30, $0xb8;
	[tilespmem:$0x1A000] =	vst v63  }
0xd7: {  	_ =	swait.ge [sflag:s0], $0x2800  }
0xd8: {  	[sflag:s0] =	ssyncset.done $0x0  }
0xd9: {  	[sflag:s0] =	ssyncadd.s32 $0xFFFFD800  }
0xda: {  	[spmem:s2] =	stream.indirect.scatter.add.f32 [tilespmem:s26], [sflag:$0x3], $0x80, s25, s30, $0xb8;
	[tilespmem:$0x1A000] =	vst v63  }
0xdb: {  	_ =	swait.ge [sflag:s28], $0x2800  }
0xdc: {  	[sflag:s28] =	ssyncset.done $0x0  }
0xdd: {  	[sflag:s28] =	ssyncadd.s32 $0xFFFFD800  }
0xde: {  	_ =	swait.ge [sflag:s1], $0x2800  }
0xdf: {  	[sflag:s1] =	ssyncset.done $0x0  }
0xe0: {  	[sflag:s1] =	ssyncadd.s32 $0xFFFFD800  }
0xe1: {  	[spmem:s2] =	stream.indirect.scatter.add.f32 [tilespmem:s31], [sflag:$0x3], $0x80, s8, s30, $0xb8;
	[tilespmem:$0x1A000] =	vst v63  }
0xe2: {  	s6 =	simm.s32 $0x200;
	_ =	swait.ge [sflag:s28], $0x2800  }
0xe3: {  	s11 =	simm.s32 $0x100;
	s21 =	rddreg [dreg:$0x4];
	[sflag:s28] =	ssyncset.done $0x0  }
.LBB2_2:
0xe4: {  	[sflag:s28] =	ssyncadd.s32 $0xFFFFD800;
	s21 =	sadd.s32 s11, s21  }
0xe5: {  	[tilespmem:s3], [sflag:$0x3] =	stream.linear.gather [hbm4b:s21+s3], $0x800, $0x38;
	[tilespmem:$0x1A000] =	vst v63  }
0xe6: {  	_ =	swait.ge [sflag:s28], $0x800  }
0xe7: {  	s21 =	rddreg [dreg:$0x3];
	[sflag:s28] =	ssyncset.done $0x0  }
0xe8: {  	[sflag:s28] =	ssyncadd.s32 $0xFFFFF800;
	s21 =	sadd.s32 s11, s21  }
0xe9: {  	[tilespmem:s29], [sflag:$0x3] =	stream.linear.gather [hbm4b:s21+s3], $0x800, $0x38;
	[tilespmem:$0x1A000] =	vst v63  }
0xea: {  	_ =	swait.ge [sflag:s28], $0x800  }
0xeb: {  	[sflag:s28] =	ssyncset.done $0x0  }
0xec: {  	[sflag:s28] =	ssyncadd.s32 $0xFFFFF800  }
0xed: {  	[tilespmem:s26], [sflag:$0x1] =	stream.indirect.gather [hbm4b:s4+s30], $0x80, s3, s30, $0xb8;
	[tilespmem:$0x1A000] =	vst v63  }
0xee: {  	s21 =	rddreg [dreg:$0x5]  }
0xef: {  	[tilespmem:s31], [sflag:$0x2] =	stream.indirect.gather [hbm4b:s4+s30], $0x80, s21, s30, $0xb8;
	[tilespmem:$0x1A000] =	vst v63  }
0xf0: {  	_ =	swait.ge [sflag:s0], $0x2800  }
0xf1: {  	[sflag:s0] =	ssyncset.done $0x0  }
0xf2: {  	[sflag:s0] =	ssyncadd.s32 $0xFFFFD800  }
0xf3: {  	[spmem:s2] =	stream.indirect.scatter.add.f32 [tilespmem:s26], [sflag:$0x3], $0x80, s29, s30, $0xb8;
	[tilespmem:$0x1A000] =	vst v63  }
0xf4: {  	_ =	swait.ge [sflag:s28], $0x2800  }
0xf5: {  	[sflag:s28] =	ssyncset.done $0x0  }
0xf6: {  	s21 =	rddreg [dreg:$0x6];
	[sflag:s28] =	ssyncadd.s32 $0xFFFFD800  }
0xf7: {  	[tilespmem:s26], [sflag:$0x1] =	stream.indirect.gather [hbm4b:s4+s30], $0x80, s21, s30, $0xb8;
	[tilespmem:$0x1A000] =	vst v63  }
0xf8: {  	_ =	swait.ge [sflag:s1], $0x2800  }
0xf9: {  	[sflag:s1] =	ssyncset.done $0x0  }
0xfa: {  	s21 =	rddreg [dreg:$0x7];
	[sflag:s1] =	ssyncadd.s32 $0xFFFFD800  }
0xfb: {  	[spmem:s2] =	stream.indirect.scatter.add.f32 [tilespmem:s31], [sflag:$0x3], $0x80, s21, s30, $0xb8;
	[tilespmem:$0x1A000] =	vst v63  }
0xfc: {  	_ =	swait.ge [sflag:s28], $0x2800  }
0xfd: {  	[sflag:s28] =	ssyncset.done $0x0  }
0xfe: {  	s21 =	rddreg [dreg:$0x8];
	[sflag:s28] =	ssyncadd.s32 $0xFFFFD800  }
0xff: {  	[tilespmem:s31], [sflag:$0x2] =	stream.indirect.gather [hbm4b:s4+s30], $0x80, s21, s30, $0xb8;
	[tilespmem:$0x1A000] =	vst v63  }
0x100: {  	_ =	swait.ge [sflag:s0], $0x2800  }
0x101: {  	[sflag:s0] =	ssyncset.done $0x0  }
0x102: {  	s21 =	rddreg [dreg:$0x9];
	[sflag:s0] =	ssyncadd.s32 $0xFFFFD800  }
0x103: {  	[spmem:s2] =	stream.indirect.scatter.add.f32 [tilespmem:s26], [sflag:$0x3], $0x80, s21, s30, $0xb8;
	[tilespmem:$0x1A000] =	vst v63  }
0x104: {  	_ =	swait.ge [sflag:s28], $0x2800  }
0x105: {  	[sflag:s28] =	ssyncset.done $0x0  }
0x106: {  	s21 =	rddreg [dreg:$0xa];
	[sflag:s28] =	ssyncadd.s32 $0xFFFFD800  }
0x107: {  	[tilespmem:s26], [sflag:$0x1] =	stream.indirect.gather [hbm4b:s4+s30], $0x80, s21, s30, $0xb8;
	[tilespmem:$0x1A000] =	vst v63  }
0x108: {  	_ =	swait.ge [sflag:s1], $0x2800  }
0x109: {  	[sflag:s1] =	ssyncset.done $0x0  }
0x10a: {  	s21 =	rddreg [dreg:$0xb];
	[sflag:s1] =	ssyncadd.s32 $0xFFFFD800  }
0x10b: {  	[spmem:s2] =	stream.indirect.scatter.add.f32 [tilespmem:s31], [sflag:$0x3], $0x80, s21, s30, $0xb8;
	[tilespmem:$0x1A000] =	vst v63  }
0x10c: {  	_ =	swait.ge [sflag:s28], $0x2800  }
0x10d: {  	[sflag:s28] =	ssyncset.done $0x0  }
0x10e: {  	s21 =	rddreg [dreg:$0xc];
	[sflag:s28] =	ssyncadd.s32 $0xFFFFD800  }
0x10f: {  	[tilespmem:s31], [sflag:$0x2] =	stream.indirect.gather [hbm4b:s4+s30], $0x80, s21, s30, $0xb8;
	[tilespmem:$0x1A000] =	vst v63  }
0x110: {  	_ =	swait.ge [sflag:s0], $0x2800  }
0x111: {  	[sflag:s0] =	ssyncset.done $0x0  }
0x112: {  	s21 =	rddreg [dreg:$0xd];
	[sflag:s0] =	ssyncadd.s32 $0xFFFFD800  }
0x113: {  	[spmem:s2] =	stream.indirect.scatter.add.f32 [tilespmem:s26], [sflag:$0x3], $0x80, s21, s30, $0xb8;
	[tilespmem:$0x1A000] =	vst v63  }
0x114: {  	_ =	swait.ge [sflag:s28], $0x2800  }
0x115: {  	[sflag:s28] =	ssyncset.done $0x0  }
0x116: {  	s21 =	rddreg [dreg:$0xe];
	[sflag:s28] =	ssyncadd.s32 $0xFFFFD800  }
0x117: {  	[tilespmem:s26], [sflag:$0x1] =	stream.indirect.gather [hbm4b:s4+s30], $0x80, s21, s30, $0xb8;
	[tilespmem:$0x1A000] =	vst v63  }
0x118: {  	_ =	swait.ge [sflag:s1], $0x2800  }
0x119: {  	[sflag:s1] =	ssyncset.done $0x0  }
0x11a: {  	s21 =	rddreg [dreg:$0xf];
	[sflag:s1] =	ssyncadd.s32 $0xFFFFD800  }
0x11b: {  	[spmem:s2] =	stream.indirect.scatter.add.f32 [tilespmem:s31], [sflag:$0x3], $0x80, s21, s30, $0xb8;
	[tilespmem:$0x1A000] =	vst v63  }
0x11c: {  	_ =	swait.ge [sflag:s28], $0x2800  }
0x11d: {  	[sflag:s28] =	ssyncset.done $0x0  }
0x11e: {  	s21 =	rddreg [dreg:$0x10];
	[sflag:s28] =	ssyncadd.s32 $0xFFFFD800  }
0x11f: {  	[tilespmem:s31], [sflag:$0x2] =	stream.indirect.gather [hbm4b:s4+s30], $0x80, s21, s30, $0xb8;
	[tilespmem:$0x1A000] =	vst v63  }
0x120: {  	_ =	swait.ge [sflag:s0], $0x2800  }
0x121: {  	[sflag:s0] =	ssyncset.done $0x0  }
0x122: {  	s21 =	rddreg [dreg:$0x11];
	[sflag:s0] =	ssyncadd.s32 $0xFFFFD800  }
0x123: {  	[spmem:s2] =	stream.indirect.scatter.add.f32 [tilespmem:s26], [sflag:$0x3], $0x80, s21, s30, $0xb8;
	[tilespmem:$0x1A000] =	vst v63  }
0x124: {  	_ =	swait.ge [sflag:s28], $0x2800  }
0x125: {  	[sflag:s28] =	ssyncset.done $0x0  }
0x126: {  	[sflag:s28] =	ssyncadd.s32 $0xFFFFD800  }
0x127: {  	[tilespmem:s26], [sflag:$0x1] =	stream.indirect.gather [hbm4b:s4+s30], $0x80, s5, s30, $0xb8;
	[tilespmem:$0x1A000] =	vst v63  }
0x128: {  	_ =	swait.ge [sflag:s1], $0x2800  }
0x129: {  	[sflag:s1] =	ssyncset.done $0x0  }
0x12a: {  	[sflag:s1] =	ssyncadd.s32 $0xFFFFD800  }
0x12b: {  	[spmem:s2] =	stream.indirect.scatter.add.f32 [tilespmem:s31], [sflag:$0x3], $0x80, s7, s30, $0xb8;
	[tilespmem:$0x1A000] =	vst v63  }
0x12c: {  	_ =	swait.ge [sflag:s28], $0x2800  }
0x12d: {  	[sflag:s28] =	ssyncset.done $0x0  }
0x12e: {  	[sflag:s28] =	ssyncadd.s32 $0xFFFFD800  }
0x12f: {  	[tilespmem:s31], [sflag:$0x2] =	stream.indirect.gather [hbm4b:s4+s30], $0x80, s10, s30, $0xb8;
	[tilespmem:$0x1A000] =	vst v63  }
0x130: {  	_ =	swait.ge [sflag:s0], $0x2800  }
0x131: {  	[sflag:s0] =	ssyncset.done $0x0  }
0x132: {  	[sflag:s0] =	ssyncadd.s32 $0xFFFFD800  }
0x133: {  	[spmem:s2] =	stream.indirect.scatter.add.f32 [tilespmem:s26], [sflag:$0x3], $0x80, s12, s30, $0xb8;
	[tilespmem:$0x1A000] =	vst v63  }
0x134: {  	_ =	swait.ge [sflag:s28], $0x2800  }
0x135: {  	[sflag:s28] =	ssyncset.done $0x0  }
0x136: {  	[sflag:s28] =	ssyncadd.s32 $0xFFFFD800  }
0x137: {  	[tilespmem:s26], [sflag:$0x1] =	stream.indirect.gather [hbm4b:s4+s30], $0x80, s13, s30, $0xb8;
	[tilespmem:$0x1A000] =	vst v63  }
0x138: {  	_ =	swait.ge [sflag:s1], $0x2800  }
0x139: {  	[sflag:s1] =	ssyncset.done $0x0  }
0x13a: {  	[sflag:s1] =	ssyncadd.s32 $0xFFFFD800  }
0x13b: {  	[spmem:s2] =	stream.indirect.scatter.add.f32 [tilespmem:s31], [sflag:$0x3], $0x80, s14, s30, $0xb8;
	[tilespmem:$0x1A000] =	vst v63  }
0x13c: {  	_ =	swait.ge [sflag:s28], $0x2800  }
0x13d: {  	[sflag:s28] =	ssyncset.done $0x0  }
0x13e: {  	[sflag:s28] =	ssyncadd.s32 $0xFFFFD800  }
0x13f: {  	[tilespmem:s31], [sflag:$0x2] =	stream.indirect.gather [hbm4b:s4+s30], $0x80, s15, s30, $0xb8;
	[tilespmem:$0x1A000] =	vst v63  }
0x140: {  	_ =	swait.ge [sflag:s0], $0x2800  }
0x141: {  	[sflag:s0] =	ssyncset.done $0x0  }
0x142: {  	[sflag:s0] =	ssyncadd.s32 $0xFFFFD800  }
0x143: {  	[spmem:s2] =	stream.indirect.scatter.add.f32 [tilespmem:s26], [sflag:$0x3], $0x80, s16, s30, $0xb8;
	[tilespmem:$0x1A000] =	vst v63  }
0x144: {  	_ =	swait.ge [sflag:s28], $0x2800  }
0x145: {  	[sflag:s28] =	ssyncset.done $0x0  }
0x146: {  	[sflag:s28] =	ssyncadd.s32 $0xFFFFD800  }
0x147: {  	[tilespmem:s26], [sflag:$0x1] =	stream.indirect.gather [hbm4b:s4+s30], $0x80, s17, s30, $0xb8;
	[tilespmem:$0x1A000] =	vst v63  }
0x148: {  	_ =	swait.ge [sflag:s1], $0x2800  }
0x149: {  	[sflag:s1] =	ssyncset.done $0x0  }
0x14a: {  	[sflag:s1] =	ssyncadd.s32 $0xFFFFD800  }
0x14b: {  	[spmem:s2] =	stream.indirect.scatter.add.f32 [tilespmem:s31], [sflag:$0x3], $0x80, s18, s30, $0xb8;
	[tilespmem:$0x1A000] =	vst v63  }
0x14c: {  	_ =	swait.ge [sflag:s28], $0x2800  }
0x14d: {  	[sflag:s28] =	ssyncset.done $0x0  }
0x14e: {  	[sflag:s28] =	ssyncadd.s32 $0xFFFFD800  }
0x14f: {  	[tilespmem:s31], [sflag:$0x2] =	stream.indirect.gather [hbm4b:s4+s30], $0x80, s19, s30, $0xb8;
	[tilespmem:$0x1A000] =	vst v63  }
0x150: {  	_ =	swait.ge [sflag:s0], $0x2800  }
0x151: {  	[sflag:s0] =	ssyncset.done $0x0  }
0x152: {  	[sflag:s0] =	ssyncadd.s32 $0xFFFFD800  }
0x153: {  	[spmem:s2] =	stream.indirect.scatter.add.f32 [tilespmem:s26], [sflag:$0x3], $0x80, s20, s30, $0xb8;
	[tilespmem:$0x1A000] =	vst v63  }
0x154: {  	_ =	swait.ge [sflag:s28], $0x2800  }
0x155: {  	[sflag:s28] =	ssyncset.done $0x0  }
0x156: {  	[sflag:s28] =	ssyncadd.s32 $0xFFFFD800  }
0x157: {  	[tilespmem:s26], [sflag:$0x1] =	stream.indirect.gather [hbm4b:s4+s30], $0x80, s22, s30, $0xb8;
	[tilespmem:$0x1A000] =	vst v63  }
0x158: {  	_ =	swait.ge [sflag:s1], $0x2800  }
0x159: {  	[sflag:s1] =	ssyncset.done $0x0  }
0x15a: {  	[sflag:s1] =	ssyncadd.s32 $0xFFFFD800  }
0x15b: {  	[spmem:s2] =	stream.indirect.scatter.add.f32 [tilespmem:s31], [sflag:$0x3], $0x80, s23, s30, $0xb8;
	[tilespmem:$0x1A000] =	vst v63  }
0x15c: {  	_ =	swait.ge [sflag:s28], $0x2800  }
0x15d: {  	[sflag:s28] =	ssyncset.done $0x0  }
0x15e: {  	[sflag:s28] =	ssyncadd.s32 $0xFFFFD800  }
0x15f: {  	[tilespmem:s31], [sflag:$0x2] =	stream.indirect.gather [hbm4b:s4+s30], $0x80, s24, s30, $0xb8;
	[tilespmem:$0x1A000] =	vst v63  }
0x160: {  	_ =	swait.ge [sflag:s0], $0x2800  }
0x161: {  	[sflag:s0] =	ssyncset.done $0x0  }
0x162: {  	[sflag:s0] =	ssyncadd.s32 $0xFFFFD800  }
0x163: {  	[spmem:s2] =	stream.indirect.scatter.add.f32 [tilespmem:s26], [sflag:$0x3], $0x80, s25, s30, $0xb8;
	[tilespmem:$0x1A000] =	vst v63  }
0x164: {  	_ =	swait.ge [sflag:s28], $0x2800  }
0x165: {  	[sflag:s28] =	ssyncset.done $0x0  }
0x166: {  	[sflag:s28] =	ssyncadd.s32 $0xFFFFD800  }
0x167: {  	p0 =	sne.s32 s6, $0x700;
	_ =	swait.ge [sflag:s1], $0x2800  }
.Ltmp0:
0x168: {  	[sflag:s1] =	ssyncset.done $0x0;
	(pc) =	sbr.rel @p0 .LBB2_2-.Ltmp0, $4  }
0x169: {  	[sflag:s1] =	ssyncadd.s32 $0xFFFFD800  }
0x16a: {  	[spmem:s2] =	stream.indirect.scatter.add.f32 [tilespmem:s31], [sflag:$0x3], $0x80, s8, s30, $0xb8;
	[tilespmem:$0x1A000] =	vst v63  }
0x16b: {  	s9 =	smov.u32 s6;
	s6 =	sadd.s32 $0x100, s6;
	_ =	swait.ge [sflag:s28], $0x2800  }
0x16c: {  	s11 =	smov.u32 s9;
	s21 =	rddreg [dreg:$0x4];
	[sflag:s28] =	ssyncset.done $0x0  }
0x16d: {  	[sflag:s28] =	ssyncadd.s32 $0xFFFFD800;
	s6 =	sadd.s32 s11, s21  }
0x16e: {  	[tilespmem:s3], [sflag:$0x3] =	stream.linear.gather [hbm4b:s6+s3], $0x800, $0x38;
	[tilespmem:$0x1A000] =	vst v63  }
0x16f: {  	_ =	swait.ge [sflag:s28], $0x800  }
0x170: {  	s9 =	rddreg [dreg:$0x3];
	[sflag:s28] =	ssyncset.done $0x0  }
0x171: {  	s6 =	sadd.s32 s11, s9;
	[sflag:s28] =	ssyncadd.s32 $0xFFFFF800  }
0x172: {  	[tilespmem:s29], [sflag:$0x3] =	stream.linear.gather [hbm4b:s6+s3], $0x800, $0x38;
	[tilespmem:$0x1A000] =	vst v63  }
0x173: {  	_ =	swait.ge [sflag:s28], $0x800  }
0x174: {  	[sflag:s28] =	ssyncset.done $0x0  }
0x175: {  	[sflag:s28] =	ssyncadd.s32 $0xFFFFF800  }
0x176: {  	[tilespmem:s26], [sflag:$0x1] =	stream.indirect.gather [hbm4b:s4+s30], $0x80, s3, s30, $0xb8;
	[tilespmem:$0x1A000] =	vst v63  }
0x177: {  	s11 =	rddreg [dreg:$0x5]  }
0x178: {  	[tilespmem:s31], [sflag:$0x2] =	stream.indirect.gather [hbm4b:s4+s30], $0x80, s11, s30, $0xb8;
	[tilespmem:$0x1A000] =	vst v63  }
0x179: {  	_ =	swait.ge [sflag:s0], $0x2800  }
0x17a: {  	[sflag:s0] =	ssyncset.done $0x0  }
0x17b: {  	[sflag:s0] =	ssyncadd.s32 $0xFFFFD800  }
0x17c: {  	[spmem:s2] =	stream.indirect.scatter.add.f32 [tilespmem:s26], [sflag:$0x3], $0x80, s29, s30, $0xb8;
	[tilespmem:$0x1A000] =	vst v63  }
0x17d: {  	_ =	swait.ge [sflag:s28], $0x2800  }
0x17e: {  	[sflag:s28] =	ssyncset.done $0x0  }
0x17f: {  	s21 =	rddreg [dreg:$0x6];
	[sflag:s28] =	ssyncadd.s32 $0xFFFFD800  }
0x180: {  	[tilespmem:s26], [sflag:$0x1] =	stream.indirect.gather [hbm4b:s4+s30], $0x80, s21, s30, $0xb8;
	[tilespmem:$0x1A000] =	vst v63  }
0x181: {  	_ =	swait.ge [sflag:s1], $0x2800  }
0x182: {  	[sflag:s1] =	ssyncset.done $0x0  }
0x183: {  	s9 =	rddreg [dreg:$0x7];
	[sflag:s1] =	ssyncadd.s32 $0xFFFFD800  }
0x184: {  	[spmem:s2] =	stream.indirect.scatter.add.f32 [tilespmem:s31], [sflag:$0x3], $0x80, s9, s30, $0xb8;
	[tilespmem:$0x1A000] =	vst v63  }
0x185: {  	_ =	swait.ge [sflag:s28], $0x2800  }
0x186: {  	[sflag:s28] =	ssyncset.done $0x0  }
0x187: {  	s11 =	rddreg [dreg:$0x8];
	[sflag:s28] =	ssyncadd.s32 $0xFFFFD800  }
0x188: {  	[tilespmem:s31], [sflag:$0x2] =	stream.indirect.gather [hbm4b:s4+s30], $0x80, s11, s30, $0xb8;
	[tilespmem:$0x1A000] =	vst v63  }
0x189: {  	_ =	swait.ge [sflag:s0], $0x2800  }
0x18a: {  	[sflag:s0] =	ssyncset.done $0x0  }
0x18b: {  	s21 =	rddreg [dreg:$0x9];
	[sflag:s0] =	ssyncadd.s32 $0xFFFFD800  }
0x18c: {  	[spmem:s2] =	stream.indirect.scatter.add.f32 [tilespmem:s26], [sflag:$0x3], $0x80, s21, s30, $0xb8;
	[tilespmem:$0x1A000] =	vst v63  }
0x18d: {  	_ =	swait.ge [sflag:s28], $0x2800  }
0x18e: {  	[sflag:s28] =	ssyncset.done $0x0  }
0x18f: {  	s9 =	rddreg [dreg:$0xa];
	[sflag:s28] =	ssyncadd.s32 $0xFFFFD800  }
0x190: {  	[tilespmem:s26], [sflag:$0x1] =	stream.indirect.gather [hbm4b:s4+s30], $0x80, s9, s30, $0xb8;
	[tilespmem:$0x1A000] =	vst v63  }
0x191: {  	_ =	swait.ge [sflag:s1], $0x2800  }
0x192: {  	[sflag:s1] =	ssyncset.done $0x0  }
0x193: {  	s11 =	rddreg [dreg:$0xb];
	[sflag:s1] =	ssyncadd.s32 $0xFFFFD800  }
0x194: {  	[spmem:s2] =	stream.indirect.scatter.add.f32 [tilespmem:s31], [sflag:$0x3], $0x80, s11, s30, $0xb8;
	[tilespmem:$0x1A000] =	vst v63  }
0x195: {  	_ =	swait.ge [sflag:s28], $0x2800  }
0x196: {  	[sflag:s28] =	ssyncset.done $0x0  }
0x197: {  	s21 =	rddreg [dreg:$0xc];
	[sflag:s28] =	ssyncadd.s32 $0xFFFFD800  }
0x198: {  	[tilespmem:s31], [sflag:$0x2] =	stream.indirect.gather [hbm4b:s4+s30], $0x80, s21, s30, $0xb8;
	[tilespmem:$0x1A000] =	vst v63  }
0x199: {  	_ =	swait.ge [sflag:s0], $0x2800  }
0x19a: {  	[sflag:s0] =	ssyncset.done $0x0  }
0x19b: {  	s9 =	rddreg [dreg:$0xd];
	[sflag:s0] =	ssyncadd.s32 $0xFFFFD800  }
0x19c: {  	[spmem:s2] =	stream.indirect.scatter.add.f32 [tilespmem:s26], [sflag:$0x3], $0x80, s9, s30, $0xb8;
	[tilespmem:$0x1A000] =	vst v63  }
0x19d: {  	_ =	swait.ge [sflag:s28], $0x2800  }
0x19e: {  	[sflag:s28] =	ssyncset.done $0x0  }
0x19f: {  	s11 =	rddreg [dreg:$0xe];
	[sflag:s28] =	ssyncadd.s32 $0xFFFFD800  }
0x1a0: {  	[tilespmem:s26], [sflag:$0x1] =	stream.indirect.gather [hbm4b:s4+s30], $0x80, s11, s30, $0xb8;
	[tilespmem:$0x1A000] =	vst v63  }
0x1a1: {  	_ =	swait.ge [sflag:s1], $0x2800  }
0x1a2: {  	[sflag:s1] =	ssyncset.done $0x0  }
0x1a3: {  	s21 =	rddreg [dreg:$0xf];
	[sflag:s1] =	ssyncadd.s32 $0xFFFFD800  }
0x1a4: {  	[spmem:s2] =	stream.indirect.scatter.add.f32 [tilespmem:s31], [sflag:$0x3], $0x80, s21, s30, $0xb8;
	[tilespmem:$0x1A000] =	vst v63  }
0x1a5: {  	_ =	swait.ge [sflag:s28], $0x2800  }
0x1a6: {  	[sflag:s28] =	ssyncset.done $0x0  }
0x1a7: {  	s9 =	rddreg [dreg:$0x10];
	[sflag:s28] =	ssyncadd.s32 $0xFFFFD800  }
0x1a8: {  	[tilespmem:s31], [sflag:$0x2] =	stream.indirect.gather [hbm4b:s4+s30], $0x80, s9, s30, $0xb8;
	[tilespmem:$0x1A000] =	vst v63  }
0x1a9: {  	_ =	swait.ge [sflag:s0], $0x2800  }
0x1aa: {  	[sflag:s0] =	ssyncset.done $0x0  }
0x1ab: {  	s11 =	rddreg [dreg:$0x11];
	[sflag:s0] =	ssyncadd.s32 $0xFFFFD800  }
0x1ac: {  	[spmem:s2] =	stream.indirect.scatter.add.f32 [tilespmem:s26], [sflag:$0x3], $0x80, s11, s30, $0xb8;
	[tilespmem:$0x1A000] =	vst v63  }
0x1ad: {  	_ =	swait.ge [sflag:s28], $0x2800  }
0x1ae: {  	[sflag:s28] =	ssyncset.done $0x0  }
0x1af: {  	[sflag:s28] =	ssyncadd.s32 $0xFFFFD800  }
0x1b0: {  	[tilespmem:s26], [sflag:$0x1] =	stream.indirect.gather [hbm4b:s4+s30], $0x80, s5, s30, $0xb8;
	[tilespmem:$0x1A000] =	vst v63  }
0x1b1: {  	_ =	swait.ge [sflag:s1], $0x2800  }
0x1b2: {  	[sflag:s1] =	ssyncset.done $0x0  }
0x1b3: {  	[sflag:s1] =	ssyncadd.s32 $0xFFFFD800  }
0x1b4: {  	[spmem:s2] =	stream.indirect.scatter.add.f32 [tilespmem:s31], [sflag:$0x3], $0x80, s7, s30, $0xb8;
	[tilespmem:$0x1A000] =	vst v63  }
0x1b5: {  	_ =	swait.ge [sflag:s28], $0x2800  }
0x1b6: {  	[sflag:s28] =	ssyncset.done $0x0  }
0x1b7: {  	[sflag:s28] =	ssyncadd.s32 $0xFFFFD800  }
0x1b8: {  	[tilespmem:s31], [sflag:$0x2] =	stream.indirect.gather [hbm4b:s4+s30], $0x80, s10, s30, $0xb8;
	[tilespmem:$0x1A000] =	vst v63  }
0x1b9: {  	_ =	swait.ge [sflag:s0], $0x2800  }
0x1ba: {  	[sflag:s0] =	ssyncset.done $0x0  }
0x1bb: {  	[sflag:s0] =	ssyncadd.s32 $0xFFFFD800  }
0x1bc: {  	[spmem:s2] =	stream.indirect.scatter.add.f32 [tilespmem:s26], [sflag:$0x3], $0x80, s12, s30, $0xb8;
	[tilespmem:$0x1A000] =	vst v63  }
0x1bd: {  	_ =	swait.ge [sflag:s28], $0x2800  }
0x1be: {  	[sflag:s28] =	ssyncset.done $0x0  }
0x1bf: {  	[sflag:s28] =	ssyncadd.s32 $0xFFFFD800  }
0x1c0: {  	[tilespmem:s26], [sflag:$0x1] =	stream.indirect.gather [hbm4b:s4+s30], $0x80, s13, s30, $0xb8;
	[tilespmem:$0x1A000] =	vst v63  }
0x1c1: {  	_ =	swait.ge [sflag:s1], $0x2800  }
0x1c2: {  	[sflag:s1] =	ssyncset.done $0x0  }
0x1c3: {  	[sflag:s1] =	ssyncadd.s32 $0xFFFFD800  }
0x1c4: {  	[spmem:s2] =	stream.indirect.scatter.add.f32 [tilespmem:s31], [sflag:$0x3], $0x80, s14, s30, $0xb8;
	[tilespmem:$0x1A000] =	vst v63  }
0x1c5: {  	_ =	swait.ge [sflag:s28], $0x2800  }
0x1c6: {  	[sflag:s28] =	ssyncset.done $0x0  }
0x1c7: {  	[sflag:s28] =	ssyncadd.s32 $0xFFFFD800  }
0x1c8: {  	[tilespmem:s31], [sflag:$0x2] =	stream.indirect.gather [hbm4b:s4+s30], $0x80, s15, s30, $0xb8;
	[tilespmem:$0x1A000] =	vst v63  }
0x1c9: {  	_ =	swait.ge [sflag:s0], $0x2800  }
0x1ca: {  	[sflag:s0] =	ssyncset.done $0x0  }
0x1cb: {  	[sflag:s0] =	ssyncadd.s32 $0xFFFFD800  }
0x1cc: {  	[spmem:s2] =	stream.indirect.scatter.add.f32 [tilespmem:s26], [sflag:$0x3], $0x80, s16, s30, $0xb8;
	[tilespmem:$0x1A000] =	vst v63  }
0x1cd: {  	_ =	swait.ge [sflag:s28], $0x2800  }
0x1ce: {  	[sflag:s28] =	ssyncset.done $0x0  }
0x1cf: {  	[sflag:s28] =	ssyncadd.s32 $0xFFFFD800  }
0x1d0: {  	[tilespmem:s26], [sflag:$0x1] =	stream.indirect.gather [hbm4b:s4+s30], $0x80, s17, s30, $0xb8;
	[tilespmem:$0x1A000] =	vst v63  }
0x1d1: {  	_ =	swait.ge [sflag:s1], $0x2800  }
0x1d2: {  	[sflag:s1] =	ssyncset.done $0x0  }
0x1d3: {  	[sflag:s1] =	ssyncadd.s32 $0xFFFFD800  }
0x1d4: {  	[spmem:s2] =	stream.indirect.scatter.add.f32 [tilespmem:s31], [sflag:$0x3], $0x80, s18, s30, $0xb8;
	[tilespmem:$0x1A000] =	vst v63  }
0x1d5: {  	_ =	swait.ge [sflag:s28], $0x2800  }
0x1d6: {  	[sflag:s28] =	ssyncset.done $0x0  }
0x1d7: {  	[sflag:s28] =	ssyncadd.s32 $0xFFFFD800  }
0x1d8: {  	[tilespmem:s31], [sflag:$0x2] =	stream.indirect.gather [hbm4b:s4+s30], $0x80, s19, s30, $0xb8;
	[tilespmem:$0x1A000] =	vst v63  }
0x1d9: {  	_ =	swait.ge [sflag:s0], $0x2800  }
0x1da: {  	[sflag:s0] =	ssyncset.done $0x0  }
0x1db: {  	[sflag:s0] =	ssyncadd.s32 $0xFFFFD800  }
0x1dc: {  	[spmem:s2] =	stream.indirect.scatter.add.f32 [tilespmem:s26], [sflag:$0x3], $0x80, s20, s30, $0xb8;
	[tilespmem:$0x1A000] =	vst v63  }
0x1dd: {  	_ =	swait.ge [sflag:s28], $0x2800  }
0x1de: {  	[sflag:s28] =	ssyncset.done $0x0  }
0x1df: {  	[sflag:s28] =	ssyncadd.s32 $0xFFFFD800  }
0x1e0: {  	[tilespmem:s26], [sflag:$0x1] =	stream.indirect.gather [hbm4b:s4+s30], $0x80, s22, s30, $0xb8;
	[tilespmem:$0x1A000] =	vst v63  }
0x1e1: {  	_ =	swait.ge [sflag:s1], $0x2800  }
0x1e2: {  	[sflag:s1] =	ssyncset.done $0x0  }
0x1e3: {  	[sflag:s1] =	ssyncadd.s32 $0xFFFFD800  }
0x1e4: {  	[spmem:s2] =	stream.indirect.scatter.add.f32 [tilespmem:s31], [sflag:$0x3], $0x80, s23, s30, $0xb8;
	[tilespmem:$0x1A000] =	vst v63  }
0x1e5: {  	_ =	swait.ge [sflag:s28], $0x2800  }
0x1e6: {  	[sflag:s28] =	ssyncset.done $0x0  }
0x1e7: {  	[sflag:s28] =	ssyncadd.s32 $0xFFFFD800  }
0x1e8: {  	[tilespmem:s31], [sflag:$0x2] =	stream.indirect.gather [hbm4b:s4+s30], $0x80, s24, s30, $0xb8;
	[tilespmem:$0x1A000] =	vst v63  }
0x1e9: {  	_ =	swait.ge [sflag:s0], $0x2800  }
0x1ea: {  	[sflag:s0] =	ssyncset.done $0x0  }
0x1eb: {  	[sflag:s0] =	ssyncadd.s32 $0xFFFFD800  }
0x1ec: {  	[spmem:s2] =	stream.indirect.scatter.add.f32 [tilespmem:s26], [sflag:$0x3], $0x80, s25, s30, $0xb8;
	[tilespmem:$0x1A000] =	vst v63  }
0x1ed: {  	_ =	swait.ge [sflag:s28], $0x2800  }
0x1ee: {  	[sflag:s28] =	ssyncset.done $0x0  }
0x1ef: {  	[sflag:s28] =	ssyncadd.s32 $0xFFFFD800  }
0x1f0: {  	_ =	swait.ge [sflag:s1], $0x2800  }
0x1f1: {  	[sflag:s1] =	ssyncset.done $0x0  }
0x1f2: {  	[sflag:s1] =	ssyncadd.s32 $0xFFFFD800  }
0x1f3: {  	[spmem:s2] =	stream.indirect.scatter.add.f32 [tilespmem:s31], [sflag:$0x3], $0x80, s8, s30, $0xb8;
	[tilespmem:$0x1A000] =	vst v63  }
0x1f4: {  	_ =	swait.ge [sflag:s28], $0x2800  }
0x1f5: {  	[sflag:s28] =	ssyncset.done $0x0  }
0x1f6: {  	[sflag:s28] =	ssyncadd.s32 $0xFFFFD800  }
0x1f7: {  	[bflag:$0x0] =	sbarrier.arrive $0xFFFF  }
0x1f8: {  	s21 =	rddreg [dreg:$0x13]  }
0x1f9: {  	[tilespmem:s26], [sflag:$0x3] =	stream.linear.gather [spmem:s21], $0x2800, $0x38;
	[tilespmem:$0x1A000] =	vst v63  }
0x1fa: {  	_ =	swait.ge [sflag:s28], $0x2800  }
0x1fb: {  	[sflag:s28] =	ssyncset.done $0x0  }
0x1fc: {  	s9 =	rddreg [dreg:$0x19];
	[sflag:s28] =	ssyncadd.s32 $0xFFFFD800  }
0x1fd: {  	[hbm4b:s9+s3] =	stream.linear.scatter [tilespmem:s26], [sflag:$0x1], $0x2800, $0x38;
	[tilespmem:$0x1A000] =	vst v63  }
0x1fe: {  	s11 =	rddreg [dreg:$0x15]  }
0x1ff: {  	[tilespmem:s31], [sflag:$0x3] =	stream.linear.gather [spmem:s11], $0x2800, $0x38;
	[tilespmem:$0x1A000] =	vst v63  }
0x200: {  	_ =	swait.ge [sflag:s28], $0x2800  }
0x201: {  	[sflag:s28] =	ssyncset.done $0x0  }
0x202: {  	s21 =	rddreg [dreg:$0x1a];
	[sflag:s28] =	ssyncadd.s32 $0xFFFFD800  }
0x203: {  	[hbm4b:s21+s3] =	stream.linear.scatter [tilespmem:s31], [sflag:$0x2], $0x2800, $0x38;
	[tilespmem:$0x1A000] =	vst v63  }
0x204: {  	_ =	swait.ge [sflag:s0], $0x2800  }
0x205: {  	[sflag:s0] =	ssyncset.done $0x0  }
0x206: {  	[sflag:s0] =	ssyncadd.s32 $0xFFFFD800  }
0x207: {  	_ =	swait.ge [sflag:s1], $0x2800  }
0x208: {  	[sflag:s1] =	ssyncset.done $0x0  }
0x209: {  	s11 =	rddreg [dreg:$0x16];
	[sflag:s1] =	ssyncadd.s32 $0xFFFFD800  }
0x20a: {  	[tilespmem:s26], [sflag:$0x3] =	stream.linear.gather [spmem:s11], $0x2800, $0x38;
	[tilespmem:$0x1A000] =	vst v63  }
0x20b: {  	_ =	swait.ge [sflag:s28], $0x2800  }
0x20c: {  	[sflag:s28] =	ssyncset.done $0x0;
	s9 =	rddreg [dreg:$0x1b]  }
0x20d: {  	s21 =	sld [smem:$0x7F9];
	[sflag:s28] =	ssyncadd.s32 $0xFFFFD800  }
0x20e: {  	[hbm4b:s9+s3] =	stream.linear.scatter [tilespmem:s26], [sflag:$0x1], $0x2800, $0x38;
	[tilespmem:$0x1A000] =	vst v63  }
0x20f: {  	_ = 	snop  }
0x210: {  	[tilespmem:s31], [sflag:$0x3] =	stream.linear.gather [spmem:s21], $0x2800, $0x38;
	[tilespmem:$0x1A000] =	vst v63  }
0x211: {  	_ =	swait.ge [sflag:s28], $0x2800  }
0x212: {  	[sflag:s28] =	ssyncset.done $0x0  }
0x213: {  	s9 =	rddreg [dreg:$0x1c];
	[sflag:s28] =	ssyncadd.s32 $0xFFFFD800  }
0x214: {  	[hbm4b:s9+s3] =	stream.linear.scatter [tilespmem:s31], [sflag:$0x2], $0x2800, $0x38;
	[tilespmem:$0x1A000] =	vst v63  }
0x215: {  	_ =	swait.ge [sflag:s0], $0x2800  }
0x216: {  	[sflag:s0] =	ssyncset.done $0x0  }
0x217: {  	[sflag:s0] =	ssyncadd.s32 $0xFFFFD800  }
0x218: {  	_ =	swait.ge [sflag:s1], $0x2800  }
0x219: {  	[sflag:s1] =	ssyncset.done $0x0  }
0x21a: {  	s21 =	rddreg [dreg:$0x18];
	[sflag:s1] =	ssyncadd.s32 $0xFFFFD800  }
0x21b: {  	[tilespmem:s26], [sflag:$0x3] =	stream.linear.gather [spmem:s21], $0x2800, $0x38;
	[tilespmem:$0x1A000] =	vst v63  }
0x21c: {  	_ =	swait.ge [sflag:s28], $0x2800  }
0x21d: {  	[sflag:s28] =	ssyncset.done $0x0;
	s9 =	rddreg [dreg:$0x1d]  }
0x21e: {  	s21 =	sld [smem:$0x7FA];
	[sflag:s28] =	ssyncadd.s32 $0xFFFFD800  }
0x21f: {  	[hbm4b:s9+s3] =	stream.linear.scatter [tilespmem:s26], [sflag:$0x1], $0x2800, $0x38;
	[tilespmem:$0x1A000] =	vst v63  }
0x220: {  	_ = 	snop  }
0x221: {  	[tilespmem:s31], [sflag:$0x3] =	stream.linear.gather [spmem:s21], $0x2800, $0x38;
	[tilespmem:$0x1A000] =	vst v63  }
0x222: {  	_ =	swait.ge [sflag:s28], $0x2800  }
0x223: {  	[sflag:s28] =	ssyncset.done $0x0  }
0x224: {  	s9 =	rddreg [dreg:$0x1e];
	[sflag:s28] =	ssyncadd.s32 $0xFFFFD800  }
0x225: {  	[hbm4b:s9+s3] =	stream.linear.scatter [tilespmem:s31], [sflag:$0x2], $0x2800, $0x38;
	[tilespmem:$0x1A000] =	vst v63  }
0x226: {  	_ =	swait.ge [sflag:s0], $0x2800  }
0x227: {  	[sflag:s0] =	ssyncset.done $0x0  }
0x228: {  	[sflag:s0] =	ssyncadd.s32 $0xFFFFD800  }
0x229: {  	_ =	swait.ge [sflag:s1], $0x2800  }
0x22a: {  	s9 =	sld [smem:$0x7FD]  }
0x22b: {  	[sflag:s1] =	ssyncset.done $0x0  }
0x22c: {  	[sflag:s1] =	ssyncadd.s32 $0xFFFFD800  }
0x22d: {  	[tilespmem:s26], [sflag:$0x3] =	stream.linear.gather [spmem:s9], $0x2800, $0x38;
	[tilespmem:$0x1A000] =	vst v63  }
0x22e: {  	_ =	swait.ge [sflag:s28], $0x2800  }
0x22f: {  	[sflag:s28] =	ssyncset.done $0x0  }
0x230: {  	s21 =	rddreg [dreg:$0x1f];
	[sflag:s28] =	ssyncadd.s32 $0xFFFFD800  }
0x231: {  	[hbm4b:s21+s3] =	stream.linear.scatter [tilespmem:s26], [sflag:$0x1], $0x2800, $0x38;
	[tilespmem:$0x1A000] =	vst v63  }
0x232: {  	s21 =	sld [smem:$0x7FB];
	_ =	sdelay $0x2  }
0x233: {  	[tilespmem:s31], [sflag:$0x3] =	stream.linear.gather [spmem:s21], $0x2800, $0x38;
	[tilespmem:$0x1A000] =	vst v63  }
0x234: {  	_ =	swait.ge [sflag:s28], $0x2800  }
0x235: {  	s21 =	sld [smem:$0x7F6]  }
0x236: {  	[sflag:s28] =	ssyncset.done $0x0  }
0x237: {  	[sflag:s28] =	ssyncadd.s32 $0xFFFFD800  }
0x238: {  	[hbm4b:s21+s3] =	stream.linear.scatter [tilespmem:s31], [sflag:$0x2], $0x2800, $0x38;
	[tilespmem:$0x1A000] =	vst v63  }
0x239: {  	_ =	swait.ge [sflag:s0], $0x2800  }
0x23a: {  	[sflag:s0] =	ssyncset.done $0x0  }
0x23b: {  	[sflag:s0] =	ssyncadd.s32 $0xFFFFD800  }
0x23c: {  	_ =	swait.ge [sflag:s1], $0x2800  }
0x23d: {  	s6 =	sld [smem:$0x7FC];
	_ =	sdelay $0x2  }
0x23e: {  	s21 =	sadd.s32 $0x1, s6;
	s6 =	rddreg [dreg:$0x14]  }
0x23f: {  	p0 =	sne.s32 s21, s6  }
.Ltmp1:
0x240: {  	_ = 	snop;
	(pc) =	sbr.rel @p0 .LBB2_1-.Ltmp1, $3  }
0x241: {  	_ =	sdelay $0x1  }
0x242: {  	[sflag:s1] =	ssyncset.done $0x0;
	[smem:$0x7FC] =	sst s21  }
0x243: {  	[sflag:s1] =	ssyncadd.s32 $0xFFFFD800;
	s21 =	rddreg [dreg:$0x13]  }
0x244: {  	_ =	sfence.sel $0x180000  }
0x245: {  	[bflag:$0x0] =	sbarrier.arrive $0xFFFF  }
0x246: {  	_ =	strace $0x9000004A  }
0x247: {  	s0 =	stileid.u32;
	[bflag:$0x2] =	sbarrier.arrive $0xFFFF  }
0x248: {  	p0 =	sne.s32 s0, $0x0;
	s0 =	rddreg [dreg:$0x2]  }
0x249: {  	s0 =	sadd.s32 @!p0 $0x100000, s0  }
0x24a: {  	[sflag:s0] =	ssyncadd.tile.s32 @!p0 $0x1;
	_ =	shalt  }
.Lfunc_end2:
_tile_overlayer_lowered:
.L_overlay_start_2:
0x24b: {  	(tag) =	ssettag $0x2  }
0x24c: {  	s0 =	rddreg [dreg:$0x0];
	s2 =	stileid.u32  }
0x24d: {  	s1 =	rddreg [dreg:$0x1];
	p0 =	sne.s32 s2, $0x0  }
0x24e: {  	s3 =	rddreg [dreg:$0x2];
	[bflag:$0x3] =	sbarrier.arrive $0xFFFF;
	s2 =	simm.s32 @!p0 $0x1C03  }
0x24f: {  	[timem:s3], [sflag:s2] =	dma.local @!p0 [hbm:s0], s1  }
0x250: {  	s0 =	simm.s32 @!p0 $0x3  }
0x251: {  	_ =	swait.ge @!p0 [sflag:s0], s1  }
0x252: {  	s1 =	ssub.s32 @!p0 $0x0, s1;
	[sflag:s0] =	ssyncset.done @!p0 $0x0  }
0x253: {  	[sflag:s0] =	ssyncadd.s32 @!p0 s1  }
0x254: {  	[bflag:$0x3] =	sbarrier.arrive $0xFFFF  }
0x255: {  	_ =	shalt  }

// kernel: _impl.16.cloned.1.call-start
scs
__scs_entry_jumppad:
0x0: {  	(pc) =	sbr.rel $0x88, $3  }
0x1: {  	(tag) =	ssettag $0x0;
	lr =	simm.s32 $0x1  }
0x2: {  	[smem:$0x3F93] =	sst lr;
	_ =	strace $0xD0000000  }
0x3: {  	_ = 	snop  }
0x4: {  	_ = 	snop  }
0x5: {  	_ = 	snop  }
0x6: {  	_ = 	snop  }
0x7: {  	_ = 	snop  }
__scs_overlays_trampoline_lowered:
0x8: {  	[smem:$0x3FA2] =	sst s0  }
0x9: {  	[smem:$0x3FA3] =	sst s1  }
0xa: {  	[smem:$0x3FA4] =	sst s2  }
0xb: {  	[smem:$0x3FA5] =	sst s3  }
0xc: {  	[smem:$0x3FA6] =	sst s4  }
0xd: {  	[smem:$0x3FA7] =	sst s5  }
0xe: {  	[smem:$0x3FA8] =	sst s6  }
0xf: {  	[smem:$0x3FA9] =	sst s7  }
0x10: {  	[smem:$0x3FAA] =	sst s8  }
0x11: {  	[smem:$0x3FAB] =	sst s9;
	s0 =	simm.s32 @!p0 $0x0  }
0x12: {  	s1 =	sld [smem:$0x3F91];
	s0 =	simm.s32 @p0 $0x1  }
0x13: {  	[smem:$0x3FAC] =	sst s0;
	s0 =	simm.s32 @!p1 $0x0  }
0x14: {  	s2 =	sld [smem:$0x3F90];
	s0 =	simm.s32 @p1 $0x1  }
0x15: {  	[smem:$0x3FAD] =	sst s0;
	s0 =	simm.s32 @!p2 $0x0  }
0x16: {  	s3 =	sld [smem:$0x3FDB];
	s0 =	simm.s32 @p2 $0x1  }
0x17: {  	s4 =	simm.s32 $0x1BF5;
	[smem:$0x3FAF] =	sst s0  }
0x18: {  	s0 =	sld [smem:$0x3F92];
	_ =	swait.ge [sflag:s4], $0x0  }
0x19: {  	s7 =	sld [smem:$0x3F93]  }
0x1a: {  	s8 =	sadd.s32 $0xFFFFE003, lr  }
0x1b: {  	s9 =	sadd.s32 $0xFFFFFEF7, lr;
	s5 =	simm.s32 $0xFFFFFFFF;
	p2 =	slt.u32 s8, $0xFFFFF086  }
0x1c: {  	p1 =	slt.u32 s9, $0xF7A;
	s5 =	simm.s32 @!p2 $0x0  }
0x1d: {  	s5 =	simm.s32 @p1 $0x1;
	p0 =	seq.s32 s7, s2  }
0x1e: {  	s7 =	smul.u32 @!p0 $0xF7A, s2;
	p2 =	seq.s32 @!p0 s5, $0x0  }
0x1f: {  	s9 =	smul.u32 $0xF7A, s1;
	s8 =	simm.s32 @!p0 $0x1BF5;
	p2 =	por !p2, p0  }
0x20: {  	[sflag:s8] =	ssyncset.s32 @!p0 $0xFFFFF086;
	s6 =	sadd.s32 @!p0 s3, s7;
	s7 =	simm.s32 @!p0 $0x108  }
0x21: {  	s3 =	sadd.s32 s3, s9;
	s6 =	sadd.s32 @!p0 $0x88, s6;
	s7 =	simm.s32 @p2 $0x1082  }
0x22: {  	[simem:s7], [sflag:s8] =	dma.local @!p0 [hbm:s6], $0xF7A  }
0x23: {  	s9 =	sor.u32 $0xD0000000, s2;
	s6 =	simm.s32 $0x108;
	_ =	swait.ge @!p0 [sflag:s8], $0x0  }
0x24: {  	s3 =	sadd.s32 $0x88, s3;
	s6 =	simm.s32 @!p1 $0x1082;
	[sflag:s4] =	ssyncset.s32 $0xFFFFF086  }
0x25: {  	[simem:s6], [sflag:s4] =	dma.local [hbm:s3], $0xF7A  }
0x26: {  	[smem:$0x3F93] =	sst s1;
	(tag) =	ssettag s2;
	_ =	strace s9  }
0x27: {  	s1 =	sld [smem:$0x3FA3]  }
0x28: {  	s2 =	sld [smem:$0x3FA4]  }
0x29: {  	s4 =	sld [smem:$0x3FA6]  }
0x2a: {  	p0 =	seq.s32 s5, $0x0;
	s5 =	sld [smem:$0x3FA7]  }
0x2b: {  	s6 =	sld [smem:$0x3FA8]  }
0x2c: {  	s7 =	sld [smem:$0x3FA9]  }
0x2d: {  	s3 =	simm.s32 $0x108;
	s8 =	sld [smem:$0x3FAA]  }
0x2e: {  	s3 =	simm.s32 @!p0 $0x1082;
	s9 =	sld [smem:$0x3FAB]  }
0x2f: {  	lr =	sadd.s32 s0, s3;
	s0 =	sld [smem:$0x3FA2]  }
0x30: {  	s3 =	sld [smem:$0x3FA5]  }
0x31: {  	[smem:$0x3FAE] =	sst s10  }
0x32: {  	s10 =	sld [smem:$0x3FAC];
	_ =	sdelay $0x3  }
0x33: {  	p0 =	seq.s32 s10, $0x1;
	s10 =	sld [smem:$0x3FAE];
	_ =	sdelay $0x3  }
0x34: {  	[smem:$0x3FAE] =	sst s10  }
0x35: {  	s10 =	sld [smem:$0x3FAD];
	_ =	sdelay $0x3  }
0x36: {  	p1 =	seq.s32 s10, $0x1;
	s10 =	sld [smem:$0x3FAE];
	_ =	sdelay $0x3  }
0x37: {  	[smem:$0x3FAE] =	sst s10  }
0x38: {  	s10 =	sld [smem:$0x3FAF]  }
0x39: {  	_ = 	snop;
	(pc) =	sbr.ind lr, $3  }
0x3a: {  	_ = 	snop  }
0x3b: {  	_ = 	snop  }
0x3c: {  	p2 =	seq.s32 s10, $0x1;
	s10 =	sld [smem:$0x3FAE]  }
0x3d: {  	_ =	shalt  }
0x3e: {  	_ =	shalt  }
0x3f: {  	_ =	shalt  }
0x40: {  	_ =	shalt  }
0x41: {  	_ =	shalt  }
0x42: {  	_ =	shalt  }
0x43: {  	_ =	shalt  }
0x44: {  	_ =	shalt  }
0x45: {  	_ =	shalt  }
0x46: {  	_ =	shalt  }
0x47: {  	_ =	shalt  }
0x48: {  	_ =	shalt  }
0x49: {  	_ =	shalt  }
0x4a: {  	_ =	shalt  }
0x4b: {  	_ =	shalt  }
0x4c: {  	_ =	shalt  }
0x4d: {  	_ =	shalt  }
0x4e: {  	_ =	shalt  }
0x4f: {  	_ =	shalt  }
0x50: {  	_ =	shalt  }
0x51: {  	_ =	shalt  }
0x52: {  	_ =	shalt  }
0x53: {  	_ =	shalt  }
0x54: {  	_ =	shalt  }
0x55: {  	_ =	shalt  }
0x56: {  	_ =	shalt  }
0x57: {  	_ =	shalt  }
0x58: {  	_ =	shalt  }
0x59: {  	_ =	shalt  }
0x5a: {  	_ =	shalt  }
0x5b: {  	_ =	shalt  }
0x5c: {  	_ =	shalt  }
0x5d: {  	_ =	shalt  }
0x5e: {  	_ =	shalt  }
0x5f: {  	_ =	shalt  }
0x60: {  	_ =	shalt  }
0x61: {  	_ =	shalt  }
0x62: {  	_ =	shalt  }
0x63: {  	_ =	shalt  }
0x64: {  	_ =	shalt  }
0x65: {  	_ =	shalt  }
0x66: {  	_ =	shalt  }
0x67: {  	_ =	shalt  }
0x68: {  	_ =	shalt  }
0x69: {  	_ =	shalt  }
0x6a: {  	_ =	shalt  }
0x6b: {  	_ =	shalt  }
0x6c: {  	_ =	shalt  }
0x6d: {  	_ =	shalt  }
0x6e: {  	_ =	shalt  }
0x6f: {  	_ =	shalt  }
0x70: {  	_ =	shalt  }
0x71: {  	_ =	shalt  }
0x72: {  	_ =	shalt  }
0x73: {  	_ =	shalt  }
0x74: {  	_ =	shalt  }
0x75: {  	_ =	shalt  }
0x76: {  	_ =	shalt  }
0x77: {  	_ =	shalt  }
0x78: {  	_ =	shalt  }
0x79: {  	_ =	shalt  }
0x7a: {  	_ =	shalt  }
0x7b: {  	_ =	shalt  }
0x7c: {  	_ =	shalt  }
0x7d: {  	_ =	shalt  }
0x7e: {  	_ =	shalt  }
0x7f: {  	_ =	shalt  }
0x80: {  	_ =	shalt  }
0x81: {  	_ =	shalt  }
0x82: {  	_ =	shalt  }
0x83: {  	_ =	shalt  }
0x84: {  	_ =	shalt  }
0x85: {  	_ =	shalt  }
0x86: {  	_ =	shalt  }
0x87: {  	_ =	shalt  }
.Lfunc_end0:
.L_simem_size_0:
called_computation.2_lowered:
.L_overlay_start_0:
0x88: {  	s2 =	sld [smem:$0x3FD9]  }
0x89: {  	s3 =	sld [smem:$0x3FFE];
	_ =	sdelay $0x1  }
0x8a: {  	s1 =	srdreg.scid  }
0x8b: {  	s0 =	sand.u32 $0x1, s1  }
0x8c: {  	s16 =	sshll.u32 s0, $0xA;
	s2 =	sadd.s32 s3, s2  }
0x8d: {  	s2 =	sadd.s32 s2, s16  }
0x8e: {  	[smem:$0x3FBA] =	sst s2  }
0x8f: {  	_ = 	snop  }
0x90: {  	(tm) =	ssettm $0x1  }
0x91: {  	s17 =	sld [smem:$0x3FFB];
	_ =	sdelay $0x3  }
0x92: {  	_ =	strace s17  }
0x93: {  	s2 =	sld [smem:$0x3FFC];
	_ =	sdelay $0x3  }
0x94: {  	_ =	strace s2  }
0x95: {  	s2 =	sld [smem:$0x3FFD];
	_ =	sdelay $0x3  }
0x96: {  	_ =	strace s2  }
0x97: {  	_ =	strace $0x8FFFFFFF  }
0x98: {  	s18 =	sld [smem:$0x3FDB];
	_ =	sdelay $0x1  }
0x99: {  	s19 =	simm.s32 $_scs_section_size  }
0x9a: {  	s4 =	simm.s32 $_size__tile_overlayer_lowered;
	s5 =	simm.s32 $_tile_overlayer_lowered  }
0x9b: {  	s22 =	simm.s32 $0x1BFF;
	s21 =	sshll.u32 s5, $0x1;
	s2 =	sadd.s32 s19, s18  }
0x9c: {  	s6 =	simm.s32 $0x0;
	s20 =	sshll.u32 s4, $0x1;
	s4 =	sadd.s32 s21, s2  }
0x9d: {  	[timem:s6], [sflag:s22] =	dma.local [hbm:s4], s20  }
0x9e: {  	_ =	swait.ge [sflag:s22], s20  }
0x9f: {  	s3 =	ssub.s32 $0x0, s20;
	[sflag:s22] =	ssyncset.done $0x0  }
0xa0: {  	[sflag:s22] =	ssyncadd.s32 s3;
	_ =	sdelay $0x1  }
0xa1: {  	s23 =	simm.s32 $0x1B8B  }
0xa2: {  	_ =	swait.ge [sflag:s23], $0x1  }
0xa3: {  	[sflag:s23] =	ssyncset.done $0x0  }
0xa4: {  	s25 =	simm.s32 $0x1B8E;
	s24 =	sld [smem:$0x3FFE];
	[sflag:s23] =	ssyncadd.s32 $0xFFFFFFFF  }
0xa5: {  	s26 =	simm.s32 $execute0_lowered;
	[smem:$0x3FD2] =	sst s25  }
0xa6: {  	s4 =	sshll.u32 s26, $0x1;
	_ =	strace $0x8000004C;
	[dreg:$0x1] =	wrdreg $0xFFFFFFFF  }
0xa7: {  	s28 =	simm.s32 $_size_execute0_lowered;
	s2 =	sadd.s32 s2, s4;
	[dreg:$0x0] =	wrdreg $0x0  }
0xa8: {  	s4 =	sshll.u32 s28, $0x1;
	[dreg:$0x2] =	wrdreg s2  }
0xa9: {  	[dreg:$0x3] =	wrdreg s4  }
0xaa: {  	[dreg:$0x4] =	wrdreg $0xC0  }
0xab: {  	_ =	task [dreg:s6], $0x5FFFF  }
0xac: {  	[dreg:$0x1] =	wrdreg $0xFFFFFFFF  }
0xad: {  	[dreg:$0x0] =	wrdreg $0x60  }
0xae: {  	[dreg:$0x2] =	wrdreg s24  }
0xaf: {  	[dreg:$0x3] =	wrdreg $0x60000  }
0xb0: {  	[dreg:$0x4] =	wrdreg $0x9  }
0xb1: {  	_ =	task.clear_ibuf [dreg:s6], $0x5FFFF;
	_ =	strace $0x9000004C  }
0xb2: {  	s29 =	simm.s32 $0x9;
	_ =	strace $0x8000004E  }
0xb3: {  	_ =	swait.ge [sflag:s29], $0x1  }
0xb4: {  	[sflag:s29] =	ssyncadd.s32 $0xFFFFFFFF  }
0xb5: {  	_ =	strace $0x9000004E  }
0xb6: {  	_ =	sfence  }
0xb7: {  	s30 =	sld [smem:$0x0];
	_ =	sdelay $0x2  }
0xb8: {  	s31 =	sshll.u32 s1, $0xD;
	s1 =	sshrl.u32 s1, $0x2  }
0xb9: {  	s3 =	sand.u32 $0x4000, s31;
	s1 =	sadd.s32 s1, s30  }
0xba: {  	s0 =	sor.u32 s3, s0;
	s1 =	sshll.u32 s1, $0x11  }
0xbb: {  	s0 =	sor.u32 s1, s0  }
0xbc: {  	s0 =	sadd.s32 $0x8F2B, s0  }
0xbd: {  	[sflag:s0] =	ssyncadd.remote.s32 $0x1  }
0xbe: {  	_ =	sfence.sel $0xFFFF  }
0xbf: {  	[dreg:$0x0] =	wrdreg $0xFFFFFFFF;
	(pc) =	sbr.abs _section_cstart, $3  }
0xc0: {  	[dreg:$0x1] =	wrdreg $0xFFFFFFFF  }
0xc1: {  	_ =	task.clear_ibuf [dreg:s6], $0x2FFFF;
	_ =	strace $0x9FFFFFFF  }
0xc2: {  	(tm) =	ssettm $0x7FFFFFFF  }
0xc3: {  	_ =	shalt  }
tec
execute0_lowered:
.L_overlay_start_1:
0x0: {  	(tag) =	ssettag $0x1  }
0x1: {  	s0 =	rddreg [dreg:$0x0]  }
0x2: {  	s2 =	rddreg [dreg:$0x1]  }
0x3: {  	s3 =	simm.s32 $0x0;
	s9 =	stileid.u32;
	s1 =	srdreg.scid  }
0x4: {  	s20 =	simm.s32 $0x80;
	s23 =	simm.s32 $0x100;
	s24 =	simm.s32 $0x880  }
0x5: {  	s28 =	simm.s32 $0x3;
	s29 =	simm.s32 $0x800;
	s30 =	simm.s32 $0x50  }
0x6: {  	s31 =	simm.s32 $0x3800;
	[smem:$0x7FF] =	sst s3;
	s5 =	sshll.u32 s9, $0xC  }
0x7: {  	s1 =	sand.u32 $0x1, s1;
	s4 =	sadd.s32 $0x36800, s0;
	s7 =	sadd.s32 $0xE000, s0  }
0x8: {  	s8 =	smul.u32 $0x50000, s9;
	_ =	strace $0x8000004D;
	[dreg:$0x12] =	wrdreg s7  }
0x9: {  	s5 =	sadd.s32 s5, s0;
	s6 =	ssub.s32 $0x2, s1;
	[dreg:$0x5] =	wrdreg s20  }
0xa: {  	s0 =	sadd.s32 $0x5E800, s0;
	s7 =	smul.u32 $0x14000, s9;
	[dreg:$0x6] =	wrdreg s23  }
0xb: {  	s26 =	sshll.u32 s1, $0xB;
	s1 =	smul.u32 $0x140000, s1;
	[dreg:$0x7] =	wrdreg s24  }
0xc: {  	s9 =	simm.s32 $0x900;
	s20 =	simm.s32 $0x380;
	s25 =	sshrl.u32 s6, $0x1  }
0xd: {  	s8 =	sshrl.u32 s8, $0x2;
	s5 =	sadd.s32 s26, s5;
	[dreg:$0x9] =	wrdreg s9  }
0xe: {  	[dreg:$0x10] =	wrdreg s20;
	s20 =	simm.s32 $0xE00;
	s6 =	ssub.s32 s6, s25  }
0xf: {  	s21 =	sadd.s32 s8, s2;
	s13 =	sor.u32 $0x2800, s7;
	s19 =	sadd.s32 $0xAE800, s5  }
0x10: {  	s10 =	sadd.s32 $0x5000, s7;
	s5 =	sadd.s32 $0xBE800, s5;
	[dreg:$0x3] =	wrdreg s19  }
0x11: {  	s16 =	sadd.s32 $0xA000, s7;
	s25 =	simm.s32 $0x180;
	[dreg:$0x4] =	wrdreg s5  }
0x12: {  	s11 =	sadd.s32 s1, s7;
	s6 =	smax.u32 s6, $0x1;
	[dreg:$0x8] =	wrdreg s25  }
0x13: {  	s14 =	sadd.s32 s13, s2;
	s15 =	sadd.s32 $0x7800, s21;
	[dreg:$0x13] =	wrdreg s21  }
0x14: {  	s12 =	sadd.s32 s16, s2;
	s11 =	sshrl.u32 s11, $0x3;
	[dreg:$0x14] =	wrdreg s6  }
0x15: {  	s8 =	sadd.s32 s1, s13;
	s13 =	simm.s32 $0x980;
	[dreg:$0x15] =	wrdreg s14  }
0x16: {  	s19 =	sadd.s32 $0xC800, s21;
	s23 =	sadd.s32 $0x11800, s21;
	[dreg:$0x17] =	wrdreg s15  }
0x17: {  	s5 =	simm.s32 $0x400;
	s14 =	sadd.s32 s10, s2;
	[dreg:$0x18] =	wrdreg s12  }
0x18: {  	s12 =	sadd.s32 $0xF000, s7;
	s11 =	sadd.s32 s0, s11;
	s10 =	sadd.s32 s1, s10  }
0x19: {  	s8 =	sshrl.u32 s8, $0x3;
	s6 =	sadd.s32 s1, s16;
	[dreg:$0xb] =	wrdreg s13  }
0x1a: {  	s15 =	simm.s32 $0x280;
	s16 =	simm.s32 $0xA00;
	[smem:$0x7F7] =	sst s19  }
0x1b: {  	[smem:$0x7F8] =	sst s23;
	s13 =	simm.s32 $0x500;
	s19 =	simm.s32 $0x680  }
0x1c: {  	s23 =	simm.s32 $0xE80;
	[dreg:$0x19] =	wrdreg s11;
	s10 =	sshrl.u32 s10, $0x3  }
0x1d: {  	s11 =	sadd.s32 $0x7800, s7;
	s8 =	sadd.s32 s0, s8;
	[dreg:$0xc] =	wrdreg s15  }
0x1e: {  	s6 =	sshrl.u32 s6, $0x3;
	s26 =	sadd.s32 s1, s12;
	[dreg:$0xd] =	wrdreg s16  }
0x1f: {  	s9 =	sadd.s32 s12, s2;
	s12 =	simm.s32 $0xC00;
	s15 =	simm.s32 $0x580  }
0x20: {  	s16 =	simm.s32 $0xD00;
	[dreg:$0x1a] =	wrdreg s8;
	s17 =	sadd.s32 s0, s10  }
0x21: {  	s18 =	sadd.s32 s1, s11;
	s6 =	sadd.s32 s0, s6;
	[smem:$0x7FD] =	sst s9  }
0x22: {  	s10 =	simm.s32 $0x200;
	s24 =	sadd.s32 s11, s2;
	[dreg:$0x1b] =	wrdreg s17  }
0x23: {  	s11 =	smov.u32 s14;
	s14 =	simm.s32 $0xC80;
	[dreg:$0x1d] =	wrdreg s6  }
0x24: {  	s8 =	sshrl.u32 s18, $0x3;
	s6 =	sadd.s32 $0xC800, s7;
	[dreg:$0xa] =	wrdreg s10  }
0x25: {  	s7 =	sadd.s32 $0x11800, s7;
	s17 =	simm.s32 $0x300;
	[smem:$0x7F9] =	sst s24  }
0x26: {  	s18 =	simm.s32 $0xA80;
	s10 =	simm.s32 $0x480;
	[dreg:$0x16] =	wrdreg s11  }
0x27: {  	s24 =	simm.s32 $0x780;
	s8 =	sadd.s32 s0, s8;
	[dreg:$0xe] =	wrdreg s17  }
0x28: {  	s22 =	sadd.s32 s1, s6;
	s1 =	sadd.s32 s1, s7;
	[dreg:$0xf] =	wrdreg s18  }
0x29: {  	s25 =	sadd.s32 s6, s2;
	s17 =	simm.s32 $0x600;
	[dreg:$0x1c] =	wrdreg s8  }
0x2a: {  	s18 =	simm.s32 $0xD80;
	s6 =	simm.s32 $0x0;
	[smem:$0x7FA] =	sst s25  }
0x2b: {  	s8 =	sshrl.u32 s22, $0x3;
	s22 =	simm.s32 $0xB00;
	[smem:$0x7FC] =	sst s6  }
0x2c: {  	s1 =	sshrl.u32 s1, $0x3;
	s8 =	sadd.s32 s0, s8;
	[dreg:$0x11] =	wrdreg s22  }
0x2d: {  	s25 =	simm.s32 $0xF00;
	s22 =	simm.s32 $0x700;
	[dreg:$0x1e] =	wrdreg s8  }
0x2e: {  	s8 =	sshrl.u32 s26, $0x3;
	s26 =	sadd.s32 s7, s2;
	s7 =	simm.s32 $0xB80  }
0x2f: {  	s8 =	sadd.s32 s0, s8;
	s0 =	sadd.s32 s0, s1;
	[smem:$0x7FB] =	sst s26  }
0x30: {  	s26 =	simm.s32 $0x1000;
	s1 =	simm.s32 $0x2;
	[dreg:$0x1f] =	wrdreg s8  }
0x31: {  	[smem:$0x7F6] =	sst s0;
	s0 =	simm.s32 $0x1;
	s8 =	simm.s32 $0xF80  }
.LBB2_1:
0x32: {  	s6 =	rddreg [dreg:$0x12]  }
0x33: {  	[tilespmem:s26], [sflag:$0x3] =	stream.linear.gather [hbm4b:s6+s3], $0x2800, $0x38;
	[tilespmem:$0x1A000] =	vst v63  }
0x34: {  	_ =	swait.ge [sflag:s28], $0x2800  }
0x35: {  	[sflag:s28] =	ssyncset.done $0x0  }
0x36: {  	[sflag:s28] =	ssyncadd.s32 $0xFFFFD800  }
0x37: {  	[spmem:s21] =	stream.linear.scatter [tilespmem:s26], [sflag:$0x3], $0x2800, $0x38;
	[tilespmem:$0x1A000] =	vst v63  }
0x38: {  	_ =	swait.ge [sflag:s28], $0x2800  }
0x39: {  	[sflag:s28] =	ssyncset.done $0x0  }
0x3a: {  	s21 =	rddreg [dreg:$0x15];
	[sflag:s28] =	ssyncadd.s32 $0xFFFFD800  }
0x3b: {  	[spmem:s21] =	stream.linear.scatter [tilespmem:s26], [sflag:$0x3], $0x2800, $0x38;
	[tilespmem:$0x1A000] =	vst v63  }
0x3c: {  	_ =	swait.ge [sflag:s28], $0x2800  }
0x3d: {  	[sflag:s28] =	ssyncset.done $0x0  }
0x3e: {  	[sflag:s28] =	ssyncadd.s32 $0xFFFFD800  }
0x3f: {  	[spmem:s11] =	stream.linear.scatter [tilespmem:s26], [sflag:$0x3], $0x2800, $0x38;
	[tilespmem:$0x1A000] =	vst v63  }
0x40: {  	_ =	swait.ge [sflag:s28], $0x2800  }
0x41: {  	[sflag:s28] =	ssyncset.done $0x0  }
0x42: {  	s11 =	rddreg [dreg:$0x17];
	[sflag:s28] =	ssyncadd.s32 $0xFFFFD800  }
0x43: {  	[spmem:s11] =	stream.linear.scatter [tilespmem:s26], [sflag:$0x3], $0x2800, $0x38;
	[tilespmem:$0x1A000] =	vst v63  }
0x44: {  	_ =	swait.ge [sflag:s28], $0x2800  }
0x45: {  	[sflag:s28] =	ssyncset.done $0x0  }
0x46: {  	s21 =	rddreg [dreg:$0x18];
	[sflag:s28] =	ssyncadd.s32 $0xFFFFD800  }
0x47: {  	[spmem:s21] =	stream.linear.scatter [tilespmem:s26], [sflag:$0x3], $0x2800, $0x38;
	[tilespmem:$0x1A000] =	vst v63  }
0x48: {  	_ =	swait.ge [sflag:s28], $0x2800  }
0x49: {  	s11 =	sld [smem:$0x7F7]  }
0x4a: {  	[sflag:s28] =	ssyncset.done $0x0  }
0x4b: {  	[sflag:s28] =	ssyncadd.s32 $0xFFFFD800  }
0x4c: {  	[spmem:s11] =	stream.linear.scatter [tilespmem:s26], [sflag:$0x3], $0x2800, $0x38;
	[tilespmem:$0x1A000] =	vst v63  }
0x4d: {  	_ =	swait.ge [sflag:s28], $0x2800  }
0x4e: {  	[sflag:s28] =	ssyncset.done $0x0  }
0x4f: {  	[sflag:s28] =	ssyncadd.s32 $0xFFFFD800  }
0x50: {  	[spmem:s9] =	stream.linear.scatter [tilespmem:s26], [sflag:$0x3], $0x2800, $0x38;
	[tilespmem:$0x1A000] =	vst v63  }
0x51: {  	_ =	swait.ge [sflag:s28], $0x2800  }
0x52: {  	s21 =	sld [smem:$0x7F8]  }
0x53: {  	[sflag:s28] =	ssyncset.done $0x0  }
0x54: {  	[sflag:s28] =	ssyncadd.s32 $0xFFFFD800  }
0x55: {  	[spmem:s21] =	stream.linear.scatter [tilespmem:s26], [sflag:$0x3], $0x2800, $0x38;
	[tilespmem:$0x1A000] =	vst v63  }
0x56: {  	_ =	swait.ge [sflag:s28], $0x2800  }
0x57: {  	[sflag:s28] =	ssyncset.done $0x0  }
0x58: {  	[sflag:s28] =	ssyncadd.s32 $0xFFFFD800  }
0x59: {  	[bflag:$0x0] =	sbarrier.arrive $0xFFFF  }
0x5a: {  	s9 =	rddreg [dreg:$0x4]  }
0x5b: {  	s6 =	sadd.s32 $0x0, s9  }
0x5c: {  	[tilespmem:s3], [sflag:$0x3] =	stream.linear.gather [hbm4b:s6+s3], $0x800, $0x38;
	[tilespmem:$0x1A000] =	vst v63  }
0x5d: {  	_ =	swait.ge [sflag:s28], $0x800  }
0x5e: {  	s11 =	rddreg [dreg:$0x3];
	[sflag:s28] =	ssyncset.done $0x0  }
0x5f: {  	[sflag:s28] =	ssyncadd.s32 $0xFFFFF800;
	s6 =	sadd.s32 $0x0, s11  }
0x60: {  	[tilespmem:s29], [sflag:$0x3] =	stream.linear.gather [hbm4b:s6+s3], $0x800, $0x38;
	[tilespmem:$0x1A000] =	vst v63  }
0x61: {  	_ =	swait.ge [sflag:s28], $0x800  }
0x62: {  	[sflag:s28] =	ssyncset.done $0x0  }
0x63: {  	[sflag:s28] =	ssyncadd.s32 $0xFFFFF800  }
0x64: {  	[tilespmem:s26], [sflag:$0x1] =	stream.indirect.gather [hbm4b:s4+s30], $0x80, s3, s30, $0xb8;
	[tilespmem:$0x1A000] =	vst v63  }
0x65: {  	s21 =	rddreg [dreg:$0x5]  }
0x66: {  	[tilespmem:s31], [sflag:$0x2] =	stream.indirect.gather [hbm4b:s4+s30], $0x80, s21, s30, $0xb8;
	[tilespmem:$0x1A000] =	vst v63  }
0x67: {  	_ =	swait.ge [sflag:s0], $0x2800  }
0x68: {  	[sflag:s0] =	ssyncset.done $0x0  }
0x69: {  	[sflag:s0] =	ssyncadd.s32 $0xFFFFD800  }
0x6a: {  	[spmem:s2] =	stream.indirect.scatter.add.f32 [tilespmem:s26], [sflag:$0x3], $0x80, s29, s30, $0xb8;
	[tilespmem:$0x1A000] =	vst v63  }
0x6b: {  	_ =	swait.ge [sflag:s28], $0x2800  }
0x6c: {  	[sflag:s28] =	ssyncset.done $0x0  }
0x6d: {  	s9 =	rddreg [dreg:$0x6];
	[sflag:s28] =	ssyncadd.s32 $0xFFFFD800  }
0x6e: {  	[tilespmem:s26], [sflag:$0x1] =	stream.indirect.gather [hbm4b:s4+s30], $0x80, s9, s30, $0xb8;
	[tilespmem:$0x1A000] =	vst v63  }
0x6f: {  	_ =	swait.ge [sflag:s1], $0x2800  }
0x70: {  	[sflag:s1] =	ssyncset.done $0x0  }
0x71: {  	s11 =	rddreg [dreg:$0x7];
	[sflag:s1] =	ssyncadd.s32 $0xFFFFD800  }
0x72: {  	[spmem:s2] =	stream.indirect.scatter.add.f32 [tilespmem:s31], [sflag:$0x3], $0x80, s11, s30, $0xb8;
	[tilespmem:$0x1A000] =	vst v63  }
0x73: {  	_ =	swait.ge [sflag:s28], $0x2800  }
0x74: {  	[sflag:s28] =	ssyncset.done $0x0  }
0x75: {  	s21 =	rddreg [dreg:$0x8];
	[sflag:s28] =	ssyncadd.s32 $0xFFFFD800  }
0x76: {  	[tilespmem:s31], [sflag:$0x2] =	stream.indirect.gather [hbm4b:s4+s30], $0x80, s21, s30, $0xb8;
	[tilespmem:$0x1A000] =	vst v63  }
0x77: {  	_ =	swait.ge [sflag:s0], $0x2800  }
0x78: {  	[sflag:s0] =	ssyncset.done $0x0  }
0x79: {  	s9 =	rddreg [dreg:$0x9];
	[sflag:s0] =	ssyncadd.s32 $0xFFFFD800  }
0x7a: {  	[spmem:s2] =	stream.indirect.scatter.add.f32 [tilespmem:s26], [sflag:$0x3], $0x80, s9, s30, $0xb8;
	[tilespmem:$0x1A000] =	vst v63  }
0x7b: {  	_ =	swait.ge [sflag:s28], $0x2800  }
0x7c: {  	[sflag:s28] =	ssyncset.done $0x0  }
0x7d: {  	s11 =	rddreg [dreg:$0xa];
	[sflag:s28] =	ssyncadd.s32 $0xFFFFD800  }
0x7e: {  	[tilespmem:s26], [sflag:$0x1] =	stream.indirect.gather [hbm4b:s4+s30], $0x80, s11, s30, $0xb8;
	[tilespmem:$0x1A000] =	vst v63  }
0x7f: {  	_ =	swait.ge [sflag:s1], $0x2800  }
0x80: {  	[sflag:s1] =	ssyncset.done $0x0  }
0x81: {  	s21 =	rddreg [dreg:$0xb];
	[sflag:s1] =	ssyncadd.s32 $0xFFFFD800  }
0x82: {  	[spmem:s2] =	stream.indirect.scatter.add.f32 [tilespmem:s31], [sflag:$0x3], $0x80, s21, s30, $0xb8;
	[tilespmem:$0x1A000] =	vst v63  }
0x83: {  	_ =	swait.ge [sflag:s28], $0x2800  }
0x84: {  	[sflag:s28] =	ssyncset.done $0x0  }
0x85: {  	s9 =	rddreg [dreg:$0xc];
	[sflag:s28] =	ssyncadd.s32 $0xFFFFD800  }
0x86: {  	[tilespmem:s31], [sflag:$0x2] =	stream.indirect.gather [hbm4b:s4+s30], $0x80, s9, s30, $0xb8;
	[tilespmem:$0x1A000] =	vst v63  }
0x87: {  	_ =	swait.ge [sflag:s0], $0x2800  }
0x88: {  	[sflag:s0] =	ssyncset.done $0x0  }
0x89: {  	s11 =	rddreg [dreg:$0xd];
	[sflag:s0] =	ssyncadd.s32 $0xFFFFD800  }
0x8a: {  	[spmem:s2] =	stream.indirect.scatter.add.f32 [tilespmem:s26], [sflag:$0x3], $0x80, s11, s30, $0xb8;
	[tilespmem:$0x1A000] =	vst v63  }
0x8b: {  	_ =	swait.ge [sflag:s28], $0x2800  }
0x8c: {  	[sflag:s28] =	ssyncset.done $0x0  }
0x8d: {  	s21 =	rddreg [dreg:$0xe];
	[sflag:s28] =	ssyncadd.s32 $0xFFFFD800  }
0x8e: {  	[tilespmem:s26], [sflag:$0x1] =	stream.indirect.gather [hbm4b:s4+s30], $0x80, s21, s30, $0xb8;
	[tilespmem:$0x1A000] =	vst v63  }
0x8f: {  	_ =	swait.ge [sflag:s1], $0x2800  }
0x90: {  	[sflag:s1] =	ssyncset.done $0x0  }
0x91: {  	s9 =	rddreg [dreg:$0xf];
	[sflag:s1] =	ssyncadd.s32 $0xFFFFD800  }
0x92: {  	[spmem:s2] =	stream.indirect.scatter.add.f32 [tilespmem:s31], [sflag:$0x3], $0x80, s9, s30, $0xb8;
	[tilespmem:$0x1A000] =	vst v63  }
0x93: {  	_ =	swait.ge [sflag:s28], $0x2800  }
0x94: {  	[sflag:s28] =	ssyncset.done $0x0  }
0x95: {  	s11 =	rddreg [dreg:$0x10];
	[sflag:s28] =	ssyncadd.s32 $0xFFFFD800  }
0x96: {  	[tilespmem:s31], [sflag:$0x2] =	stream.indirect.gather [hbm4b:s4+s30], $0x80, s11, s30, $0xb8;
	[tilespmem:$0x1A000] =	vst v63  }
0x97: {  	_ =	swait.ge [sflag:s0], $0x2800  }
0x98: {  	[sflag:s0] =	ssyncset.done $0x0  }
0x99: {  	s21 =	rddreg [dreg:$0x11];
	[sflag:s0] =	ssyncadd.s32 $0xFFFFD800  }
0x9a: {  	[spmem:s2] =	stream.indirect.scatter.add.f32 [tilespmem:s26], [sflag:$0x3], $0x80, s21, s30, $0xb8;
	[tilespmem:$0x1A000] =	vst v63  }
0x9b: {  	_ =	swait.ge [sflag:s28], $0x2800  }
0x9c: {  	[sflag:s28] =	ssyncset.done $0x0  }
0x9d: {  	[sflag:s28] =	ssyncadd.s32 $0xFFFFD800  }
0x9e: {  	[tilespmem:s26], [sflag:$0x1] =	stream.indirect.gather [hbm4b:s4+s30], $0x80, s5, s30, $0xb8;
	[tilespmem:$0x1A000] =	vst v63  }
0x9f: {  	_ =	swait.ge [sflag:s1], $0x2800  }
0xa0: {  	[sflag:s1] =	ssyncset.done $0x0  }
0xa1: {  	[sflag:s1] =	ssyncadd.s32 $0xFFFFD800  }
0xa2: {  	[spmem:s2] =	stream.indirect.scatter.add.f32 [tilespmem:s31], [sflag:$0x3], $0x80, s7, s30, $0xb8;
	[tilespmem:$0x1A000] =	vst v63  }
0xa3: {  	_ =	swait.ge [sflag:s28], $0x2800  }
0xa4: {  	[sflag:s28] =	ssyncset.done $0x0  }
0xa5: {  	[sflag:s28] =	ssyncadd.s32 $0xFFFFD800  }
0xa6: {  	[tilespmem:s31], [sflag:$0x2] =	stream.indirect.gather [hbm4b:s4+s30], $0x80, s10, s30, $0xb8;
	[tilespmem:$0x1A000] =	vst v63  }
0xa7: {  	_ =	swait.ge [sflag:s0], $0x2800  }
0xa8: {  	[sflag:s0] =	ssyncset.done $0x0  }
0xa9: {  	[sflag:s0] =	ssyncadd.s32 $0xFFFFD800  }
0xaa: {  	[spmem:s2] =	stream.indirect.scatter.add.f32 [tilespmem:s26], [sflag:$0x3], $0x80, s12, s30, $0xb8;
	[tilespmem:$0x1A000] =	vst v63  }
0xab: {  	_ =	swait.ge [sflag:s28], $0x2800  }
0xac: {  	[sflag:s28] =	ssyncset.done $0x0  }
0xad: {  	[sflag:s28] =	ssyncadd.s32 $0xFFFFD800  }
0xae: {  	[tilespmem:s26], [sflag:$0x1] =	stream.indirect.gather [hbm4b:s4+s30], $0x80, s13, s30, $0xb8;
	[tilespmem:$0x1A000] =	vst v63  }
0xaf: {  	_ =	swait.ge [sflag:s1], $0x2800  }
0xb0: {  	[sflag:s1] =	ssyncset.done $0x0  }
0xb1: {  	[sflag:s1] =	ssyncadd.s32 $0xFFFFD800  }
0xb2: {  	[spmem:s2] =	stream.indirect.scatter.add.f32 [tilespmem:s31], [sflag:$0x3], $0x80, s14, s30, $0xb8;
	[tilespmem:$0x1A000] =	vst v63  }
0xb3: {  	_ =	swait.ge [sflag:s28], $0x2800  }
0xb4: {  	[sflag:s28] =	ssyncset.done $0x0  }
0xb5: {  	[sflag:s28] =	ssyncadd.s32 $0xFFFFD800  }
0xb6: {  	[tilespmem:s31], [sflag:$0x2] =	stream.indirect.gather [hbm4b:s4+s30], $0x80, s15, s30, $0xb8;
	[tilespmem:$0x1A000] =	vst v63  }
0xb7: {  	_ =	swait.ge [sflag:s0], $0x2800  }
0xb8: {  	[sflag:s0] =	ssyncset.done $0x0  }
0xb9: {  	[sflag:s0] =	ssyncadd.s32 $0xFFFFD800  }
0xba: {  	[spmem:s2] =	stream.indirect.scatter.add.f32 [tilespmem:s26], [sflag:$0x3], $0x80, s16, s30, $0xb8;
	[tilespmem:$0x1A000] =	vst v63  }
0xbb: {  	_ =	swait.ge [sflag:s28], $0x2800  }
0xbc: {  	[sflag:s28] =	ssyncset.done $0x0  }
0xbd: {  	[sflag:s28] =	ssyncadd.s32 $0xFFFFD800  }
0xbe: {  	[tilespmem:s26], [sflag:$0x1] =	stream.indirect.gather [hbm4b:s4+s30], $0x80, s17, s30, $0xb8;
	[tilespmem:$0x1A000] =	vst v63  }
0xbf: {  	_ =	swait.ge [sflag:s1], $0x2800  }
0xc0: {  	[sflag:s1] =	ssyncset.done $0x0  }
0xc1: {  	[sflag:s1] =	ssyncadd.s32 $0xFFFFD800  }
0xc2: {  	[spmem:s2] =	stream.indirect.scatter.add.f32 [tilespmem:s31], [sflag:$0x3], $0x80, s18, s30, $0xb8;
	[tilespmem:$0x1A000] =	vst v63  }
0xc3: {  	_ =	swait.ge [sflag:s28], $0x2800  }
0xc4: {  	[sflag:s28] =	ssyncset.done $0x0  }
0xc5: {  	[sflag:s28] =	ssyncadd.s32 $0xFFFFD800  }
0xc6: {  	[tilespmem:s31], [sflag:$0x2] =	stream.indirect.gather [hbm4b:s4+s30], $0x80, s19, s30, $0xb8;
	[tilespmem:$0x1A000] =	vst v63  }
0xc7: {  	_ =	swait.ge [sflag:s0], $0x2800  }
0xc8: {  	[sflag:s0] =	ssyncset.done $0x0  }
0xc9: {  	[sflag:s0] =	ssyncadd.s32 $0xFFFFD800  }
0xca: {  	[spmem:s2] =	stream.indirect.scatter.add.f32 [tilespmem:s26], [sflag:$0x3], $0x80, s20, s30, $0xb8;
	[tilespmem:$0x1A000] =	vst v63  }
0xcb: {  	_ =	swait.ge [sflag:s28], $0x2800  }
0xcc: {  	[sflag:s28] =	ssyncset.done $0x0  }
0xcd: {  	[sflag:s28] =	ssyncadd.s32 $0xFFFFD800  }
0xce: {  	[tilespmem:s26], [sflag:$0x1] =	stream.indirect.gather [hbm4b:s4+s30], $0x80, s22, s30, $0xb8;
	[tilespmem:$0x1A000] =	vst v63  }
0xcf: {  	_ =	swait.ge [sflag:s1], $0x2800  }
0xd0: {  	[sflag:s1] =	ssyncset.done $0x0  }
0xd1: {  	[sflag:s1] =	ssyncadd.s32 $0xFFFFD800  }
0xd2: {  	[spmem:s2] =	stream.indirect.scatter.add.f32 [tilespmem:s31], [sflag:$0x3], $0x80, s23, s30, $0xb8;
	[tilespmem:$0x1A000] =	vst v63  }
0xd3: {  	_ =	swait.ge [sflag:s28], $0x2800  }
0xd4: {  	[sflag:s28] =	ssyncset.done $0x0  }
0xd5: {  	[sflag:s28] =	ssyncadd.s32 $0xFFFFD800  }
0xd6: {  	[tilespmem:s31], [sflag:$0x2] =	stream.indirect.gather [hbm4b:s4+s30], $0x80, s24, s30, $0xb8;
	[tilespmem:$0x1A000] =	vst v63  }
0xd7: {  	_ =	swait.ge [sflag:s0], $0x2800  }
0xd8: {  	[sflag:s0] =	ssyncset.done $0x0  }
0xd9: {  	[sflag:s0] =	ssyncadd.s32 $0xFFFFD800  }
0xda: {  	[spmem:s2] =	stream.indirect.scatter.add.f32 [tilespmem:s26], [sflag:$0x3], $0x80, s25, s30, $0xb8;
	[tilespmem:$0x1A000] =	vst v63  }
0xdb: {  	_ =	swait.ge [sflag:s28], $0x2800  }
0xdc: {  	[sflag:s28] =	ssyncset.done $0x0  }
0xdd: {  	[sflag:s28] =	ssyncadd.s32 $0xFFFFD800  }
0xde: {  	_ =	swait.ge [sflag:s1], $0x2800  }
0xdf: {  	[sflag:s1] =	ssyncset.done $0x0  }
0xe0: {  	[sflag:s1] =	ssyncadd.s32 $0xFFFFD800  }
0xe1: {  	[spmem:s2] =	stream.indirect.scatter.add.f32 [tilespmem:s31], [sflag:$0x3], $0x80, s8, s30, $0xb8;
	[tilespmem:$0x1A000] =	vst v63  }
0xe2: {  	s6 =	simm.s32 $0x200;
	_ =	swait.ge [sflag:s28], $0x2800  }
0xe3: {  	s11 =	simm.s32 $0x100;
	s21 =	rddreg [dreg:$0x4];
	[sflag:s28] =	ssyncset.done $0x0  }
.LBB2_2:
0xe4: {  	[sflag:s28] =	ssyncadd.s32 $0xFFFFD800;
	s21 =	sadd.s32 s11, s21  }
0xe5: {  	[tilespmem:s3], [sflag:$0x3] =	stream.linear.gather [hbm4b:s21+s3], $0x800, $0x38;
	[tilespmem:$0x1A000] =	vst v63  }
0xe6: {  	_ =	swait.ge [sflag:s28], $0x800  }
0xe7: {  	s21 =	rddreg [dreg:$0x3];
	[sflag:s28] =	ssyncset.done $0x0  }
0xe8: {  	[sflag:s28] =	ssyncadd.s32 $0xFFFFF800;
	s21 =	sadd.s32 s11, s21  }
0xe9: {  	[tilespmem:s29], [sflag:$0x3] =	stream.linear.gather [hbm4b:s21+s3], $0x800, $0x38;
	[tilespmem:$0x1A000] =	vst v63  }
0xea: {  	_ =	swait.ge [sflag:s28], $0x800  }
0xeb: {  	[sflag:s28] =	ssyncset.done $0x0  }
0xec: {  	[sflag:s28] =	ssyncadd.s32 $0xFFFFF800  }
0xed: {  	[tilespmem:s26], [sflag:$0x1] =	stream.indirect.gather [hbm4b:s4+s30], $0x80, s3, s30, $0xb8;
	[tilespmem:$0x1A000] =	vst v63  }
0xee: {  	s21 =	rddreg [dreg:$0x5]  }
0xef: {  	[tilespmem:s31], [sflag:$0x2] =	stream.indirect.gather [hbm4b:s4+s30], $0x80, s21, s30, $0xb8;
	[tilespmem:$0x1A000] =	vst v63  }
0xf0: {  	_ =	swait.ge [sflag:s0], $0x2800  }
0xf1: {  	[sflag:s0] =	ssyncset.done $0x0  }
0xf2: {  	[sflag:s0] =	ssyncadd.s32 $0xFFFFD800  }
0xf3: {  	[spmem:s2] =	stream.indirect.scatter.add.f32 [tilespmem:s26], [sflag:$0x3], $0x80, s29, s30, $0xb8;
	[tilespmem:$0x1A000] =	vst v63  }
0xf4: {  	_ =	swait.ge [sflag:s28], $0x2800  }
0xf5: {  	[sflag:s28] =	ssyncset.done $0x0  }
0xf6: {  	s21 =	rddreg [dreg:$0x6];
	[sflag:s28] =	ssyncadd.s32 $0xFFFFD800  }
0xf7: {  	[tilespmem:s26], [sflag:$0x1] =	stream.indirect.gather [hbm4b:s4+s30], $0x80, s21, s30, $0xb8;
	[tilespmem:$0x1A000] =	vst v63  }
0xf8: {  	_ =	swait.ge [sflag:s1], $0x2800  }
0xf9: {  	[sflag:s1] =	ssyncset.done $0x0  }
0xfa: {  	s21 =	rddreg [dreg:$0x7];
	[sflag:s1] =	ssyncadd.s32 $0xFFFFD800  }
0xfb: {  	[spmem:s2] =	stream.indirect.scatter.add.f32 [tilespmem:s31], [sflag:$0x3], $0x80, s21, s30, $0xb8;
	[tilespmem:$0x1A000] =	vst v63  }
0xfc: {  	_ =	swait.ge [sflag:s28], $0x2800  }
0xfd: {  	[sflag:s28] =	ssyncset.done $0x0  }
0xfe: {  	s21 =	rddreg [dreg:$0x8];
	[sflag:s28] =	ssyncadd.s32 $0xFFFFD800  }
0xff: {  	[tilespmem:s31], [sflag:$0x2] =	stream.indirect.gather [hbm4b:s4+s30], $0x80, s21, s30, $0xb8;
	[tilespmem:$0x1A000] =	vst v63  }
0x100: {  	_ =	swait.ge [sflag:s0], $0x2800  }
0x101: {  	[sflag:s0] =	ssyncset.done $0x0  }
0x102: {  	s21 =	rddreg [dreg:$0x9];
	[sflag:s0] =	ssyncadd.s32 $0xFFFFD800  }
0x103: {  	[spmem:s2] =	stream.indirect.scatter.add.f32 [tilespmem:s26], [sflag:$0x3], $0x80, s21, s30, $0xb8;
	[tilespmem:$0x1A000] =	vst v63  }
0x104: {  	_ =	swait.ge [sflag:s28], $0x2800  }
0x105: {  	[sflag:s28] =	ssyncset.done $0x0  }
0x106: {  	s21 =	rddreg [dreg:$0xa];
	[sflag:s28] =	ssyncadd.s32 $0xFFFFD800  }
0x107: {  	[tilespmem:s26], [sflag:$0x1] =	stream.indirect.gather [hbm4b:s4+s30], $0x80, s21, s30, $0xb8;
	[tilespmem:$0x1A000] =	vst v63  }
0x108: {  	_ =	swait.ge [sflag:s1], $0x2800  }
0x109: {  	[sflag:s1] =	ssyncset.done $0x0  }
0x10a: {  	s21 =	rddreg [dreg:$0xb];
	[sflag:s1] =	ssyncadd.s32 $0xFFFFD800  }
0x10b: {  	[spmem:s2] =	stream.indirect.scatter.add.f32 [tilespmem:s31], [sflag:$0x3], $0x80, s21, s30, $0xb8;
	[tilespmem:$0x1A000] =	vst v63  }
0x10c: {  	_ =	swait.ge [sflag:s28], $0x2800  }
0x10d: {  	[sflag:s28] =	ssyncset.done $0x0  }
0x10e: {  	s21 =	rddreg [dreg:$0xc];
	[sflag:s28] =	ssyncadd.s32 $0xFFFFD800  }
0x10f: {  	[tilespmem:s31], [sflag:$0x2] =	stream.indirect.gather [hbm4b:s4+s30], $0x80, s21, s30, $0xb8;
	[tilespmem:$0x1A000] =	vst v63  }
0x110: {  	_ =	swait.ge [sflag:s0], $0x2800  }
0x111: {  	[sflag:s0] =	ssyncset.done $0x0  }
0x112: {  	s21 =	rddreg [dreg:$0xd];
	[sflag:s0] =	ssyncadd.s32 $0xFFFFD800  }
0x113: {  	[spmem:s2] =	stream.indirect.scatter.add.f32 [tilespmem:s26], [sflag:$0x3], $0x80, s21, s30, $0xb8;
	[tilespmem:$0x1A000] =	vst v63  }
0x114: {  	_ =	swait.ge [sflag:s28], $0x2800  }
0x115: {  	[sflag:s28] =	ssyncset.done $0x0  }
0x116: {  	s21 =	rddreg [dreg:$0xe];
	[sflag:s28] =	ssyncadd.s32 $0xFFFFD800  }
0x117: {  	[tilespmem:s26], [sflag:$0x1] =	stream.indirect.gather [hbm4b:s4+s30], $0x80, s21, s30, $0xb8;
	[tilespmem:$0x1A000] =	vst v63  }
0x118: {  	_ =	swait.ge [sflag:s1], $0x2800  }
0x119: {  	[sflag:s1] =	ssyncset.done $0x0  }
0x11a: {  	s21 =	rddreg [dreg:$0xf];
	[sflag:s1] =	ssyncadd.s32 $0xFFFFD800  }
0x11b: {  	[spmem:s2] =	stream.indirect.scatter.add.f32 [tilespmem:s31], [sflag:$0x3], $0x80, s21, s30, $0xb8;
	[tilespmem:$0x1A000] =	vst v63  }
0x11c: {  	_ =	swait.ge [sflag:s28], $0x2800  }
0x11d: {  	[sflag:s28] =	ssyncset.done $0x0  }
0x11e: {  	s21 =	rddreg [dreg:$0x10];
	[sflag:s28] =	ssyncadd.s32 $0xFFFFD800  }
0x11f: {  	[tilespmem:s31], [sflag:$0x2] =	stream.indirect.gather [hbm4b:s4+s30], $0x80, s21, s30, $0xb8;
	[tilespmem:$0x1A000] =	vst v63  }
0x120: {  	_ =	swait.ge [sflag:s0], $0x2800  }
0x121: {  	[sflag:s0] =	ssyncset.done $0x0  }
0x122: {  	s21 =	rddreg [dreg:$0x11];
	[sflag:s0] =	ssyncadd.s32 $0xFFFFD800  }
0x123: {  	[spmem:s2] =	stream.indirect.scatter.add.f32 [tilespmem:s26], [sflag:$0x3], $0x80, s21, s30, $0xb8;
	[tilespmem:$0x1A000] =	vst v63  }
0x124: {  	_ =	swait.ge [sflag:s28], $0x2800  }
0x125: {  	[sflag:s28] =	ssyncset.done $0x0  }
0x126: {  	[sflag:s28] =	ssyncadd.s32 $0xFFFFD800  }
0x127: {  	[tilespmem:s26], [sflag:$0x1] =	stream.indirect.gather [hbm4b:s4+s30], $0x80, s5, s30, $0xb8;
	[tilespmem:$0x1A000] =	vst v63  }
0x128: {  	_ =	swait.ge [sflag:s1], $0x2800  }
0x129: {  	[sflag:s1] =	ssyncset.done $0x0  }
0x12a: {  	[sflag:s1] =	ssyncadd.s32 $0xFFFFD800  }
0x12b: {  	[spmem:s2] =	stream.indirect.scatter.add.f32 [tilespmem:s31], [sflag:$0x3], $0x80, s7, s30, $0xb8;
	[tilespmem:$0x1A000] =	vst v63  }
0x12c: {  	_ =	swait.ge [sflag:s28], $0x2800  }
0x12d: {  	[sflag:s28] =	ssyncset.done $0x0  }
0x12e: {  	[sflag:s28] =	ssyncadd.s32 $0xFFFFD800  }
0x12f: {  	[tilespmem:s31], [sflag:$0x2] =	stream.indirect.gather [hbm4b:s4+s30], $0x80, s10, s30, $0xb8;
	[tilespmem:$0x1A000] =	vst v63  }
0x130: {  	_ =	swait.ge [sflag:s0], $0x2800  }
0x131: {  	[sflag:s0] =	ssyncset.done $0x0  }
0x132: {  	[sflag:s0] =	ssyncadd.s32 $0xFFFFD800  }
0x133: {  	[spmem:s2] =	stream.indirect.scatter.add.f32 [tilespmem:s26], [sflag:$0x3], $0x80, s12, s30, $0xb8;
	[tilespmem:$0x1A000] =	vst v63  }
0x134: {  	_ =	swait.ge [sflag:s28], $0x2800  }
0x135: {  	[sflag:s28] =	ssyncset.done $0x0  }
0x136: {  	[sflag:s28] =	ssyncadd.s32 $0xFFFFD800  }
0x137: {  	[tilespmem:s26], [sflag:$0x1] =	stream.indirect.gather [hbm4b:s4+s30], $0x80, s13, s30, $0xb8;
	[tilespmem:$0x1A000] =	vst v63  }
0x138: {  	_ =	swait.ge [sflag:s1], $0x2800  }
0x139: {  	[sflag:s1] =	ssyncset.done $0x0  }
0x13a: {  	[sflag:s1] =	ssyncadd.s32 $0xFFFFD800  }
0x13b: {  	[spmem:s2] =	stream.indirect.scatter.add.f32 [tilespmem:s31], [sflag:$0x3], $0x80, s14, s30, $0xb8;
	[tilespmem:$0x1A000] =	vst v63  }
0x13c: {  	_ =	swait.ge [sflag:s28], $0x2800  }
0x13d: {  	[sflag:s28] =	ssyncset.done $0x0  }
0x13e: {  	[sflag:s28] =	ssyncadd.s32 $0xFFFFD800  }
0x13f: {  	[tilespmem:s31], [sflag:$0x2] =	stream.indirect.gather [hbm4b:s4+s30], $0x80, s15, s30, $0xb8;
	[tilespmem:$0x1A000] =	vst v63  }
0x140: {  	_ =	swait.ge [sflag:s0], $0x2800  }
0x141: {  	[sflag:s0] =	ssyncset.done $0x0  }
0x142: {  	[sflag:s0] =	ssyncadd.s32 $0xFFFFD800  }
0x143: {  	[spmem:s2] =	stream.indirect.scatter.add.f32 [tilespmem:s26], [sflag:$0x3], $0x80, s16, s30, $0xb8;
	[tilespmem:$0x1A000] =	vst v63  }
0x144: {  	_ =	swait.ge [sflag:s28], $0x2800  }
0x145: {  	[sflag:s28] =	ssyncset.done $0x0  }
0x146: {  	[sflag:s28] =	ssyncadd.s32 $0xFFFFD800  }
0x147: {  	[tilespmem:s26], [sflag:$0x1] =	stream.indirect.gather [hbm4b:s4+s30], $0x80, s17, s30, $0xb8;
	[tilespmem:$0x1A000] =	vst v63  }
0x148: {  	_ =	swait.ge [sflag:s1], $0x2800  }
0x149: {  	[sflag:s1] =	ssyncset.done $0x0  }
0x14a: {  	[sflag:s1] =	ssyncadd.s32 $0xFFFFD800  }
0x14b: {  	[spmem:s2] =	stream.indirect.scatter.add.f32 [tilespmem:s31], [sflag:$0x3], $0x80, s18, s30, $0xb8;
	[tilespmem:$0x1A000] =	vst v63  }
0x14c: {  	_ =	swait.ge [sflag:s28], $0x2800  }
0x14d: {  	[sflag:s28] =	ssyncset.done $0x0  }
0x14e: {  	[sflag:s28] =	ssyncadd.s32 $0xFFFFD800  }
0x14f: {  	[tilespmem:s31], [sflag:$0x2] =	stream.indirect.gather [hbm4b:s4+s30], $0x80, s19, s30, $0xb8;
	[tilespmem:$0x1A000] =	vst v63  }
0x150: {  	_ =	swait.ge [sflag:s0], $0x2800  }
0x151: {  	[sflag:s0] =	ssyncset.done $0x0  }
0x152: {  	[sflag:s0] =	ssyncadd.s32 $0xFFFFD800  }
0x153: {  	[spmem:s2] =	stream.indirect.scatter.add.f32 [tilespmem:s26], [sflag:$0x3], $0x80, s20, s30, $0xb8;
	[tilespmem:$0x1A000] =	vst v63  }
0x154: {  	_ =	swait.ge [sflag:s28], $0x2800  }
0x155: {  	[sflag:s28] =	ssyncset.done $0x0  }
0x156: {  	[sflag:s28] =	ssyncadd.s32 $0xFFFFD800  }
0x157: {  	[tilespmem:s26], [sflag:$0x1] =	stream.indirect.gather [hbm4b:s4+s30], $0x80, s22, s30, $0xb8;
	[tilespmem:$0x1A000] =	vst v63  }
0x158: {  	_ =	swait.ge [sflag:s1], $0x2800  }
0x159: {  	[sflag:s1] =	ssyncset.done $0x0  }
0x15a: {  	[sflag:s1] =	ssyncadd.s32 $0xFFFFD800  }
0x15b: {  	[spmem:s2] =	stream.indirect.scatter.add.f32 [tilespmem:s31], [sflag:$0x3], $0x80, s23, s30, $0xb8;
	[tilespmem:$0x1A000] =	vst v63  }
0x15c: {  	_ =	swait.ge [sflag:s28], $0x2800  }
0x15d: {  	[sflag:s28] =	ssyncset.done $0x0  }
0x15e: {  	[sflag:s28] =	ssyncadd.s32 $0xFFFFD800  }
0x15f: {  	[tilespmem:s31], [sflag:$0x2] =	stream.indirect.gather [hbm4b:s4+s30], $0x80, s24, s30, $0xb8;
	[tilespmem:$0x1A000] =	vst v63  }
0x160: {  	_ =	swait.ge [sflag:s0], $0x2800  }
0x161: {  	[sflag:s0] =	ssyncset.done $0x0  }
0x162: {  	[sflag:s0] =	ssyncadd.s32 $0xFFFFD800  }
0x163: {  	[spmem:s2] =	stream.indirect.scatter.add.f32 [tilespmem:s26], [sflag:$0x3], $0x80, s25, s30, $0xb8;
	[tilespmem:$0x1A000] =	vst v63  }
0x164: {  	_ =	swait.ge [sflag:s28], $0x2800  }
0x165: {  	[sflag:s28] =	ssyncset.done $0x0  }
0x166: {  	[sflag:s28] =	ssyncadd.s32 $0xFFFFD800  }
0x167: {  	p0 =	sne.s32 s6, $0x700;
	_ =	swait.ge [sflag:s1], $0x2800  }
.Ltmp0:
0x168: {  	[sflag:s1] =	ssyncset.done $0x0;
	(pc) =	sbr.rel @p0 .LBB2_2-.Ltmp0, $4  }
0x169: {  	[sflag:s1] =	ssyncadd.s32 $0xFFFFD800  }
0x16a: {  	[spmem:s2] =	stream.indirect.scatter.add.f32 [tilespmem:s31], [sflag:$0x3], $0x80, s8, s30, $0xb8;
	[tilespmem:$0x1A000] =	vst v63  }
0x16b: {  	s9 =	smov.u32 s6;
	s6 =	sadd.s32 $0x100, s6;
	_ =	swait.ge [sflag:s28], $0x2800  }
0x16c: {  	s11 =	smov.u32 s9;
	s21 =	rddreg [dreg:$0x4];
	[sflag:s28] =	ssyncset.done $0x0  }
0x16d: {  	[sflag:s28] =	ssyncadd.s32 $0xFFFFD800;
	s6 =	sadd.s32 s11, s21  }
0x16e: {  	[tilespmem:s3], [sflag:$0x3] =	stream.linear.gather [hbm4b:s6+s3], $0x800, $0x38;
	[tilespmem:$0x1A000] =	vst v63  }
0x16f: {  	_ =	swait.ge [sflag:s28], $0x800  }
0x170: {  	s9 =	rddreg [dreg:$0x3];
	[sflag:s28] =	ssyncset.done $0x0  }
0x171: {  	s6 =	sadd.s32 s11, s9;
	[sflag:s28] =	ssyncadd.s32 $0xFFFFF800  }
0x172: {  	[tilespmem:s29], [sflag:$0x3] =	stream.linear.gather [hbm4b:s6+s3], $0x800, $0x38;
	[tilespmem:$0x1A000] =	vst v63  }
0x173: {  	_ =	swait.ge [sflag:s28], $0x800  }
0x174: {  	[sflag:s28] =	ssyncset.done $0x0  }
0x175: {  	[sflag:s28] =	ssyncadd.s32 $0xFFFFF800  }
0x176: {  	[tilespmem:s26], [sflag:$0x1] =	stream.indirect.gather [hbm4b:s4+s30], $0x80, s3, s30, $0xb8;
	[tilespmem:$0x1A000] =	vst v63  }
0x177: {  	s11 =	rddreg [dreg:$0x5]  }
0x178: {  	[tilespmem:s31], [sflag:$0x2] =	stream.indirect.gather [hbm4b:s4+s30], $0x80, s11, s30, $0xb8;
	[tilespmem:$0x1A000] =	vst v63  }
0x179: {  	_ =	swait.ge [sflag:s0], $0x2800  }
0x17a: {  	[sflag:s0] =	ssyncset.done $0x0  }
0x17b: {  	[sflag:s0] =	ssyncadd.s32 $0xFFFFD800  }
0x17c: {  	[spmem:s2] =	stream.indirect.scatter.add.f32 [tilespmem:s26], [sflag:$0x3], $0x80, s29, s30, $0xb8;
	[tilespmem:$0x1A000] =	vst v63  }
0x17d: {  	_ =	swait.ge [sflag:s28], $0x2800  }
0x17e: {  	[sflag:s28] =	ssyncset.done $0x0  }
0x17f: {  	s21 =	rddreg [dreg:$0x6];
	[sflag:s28] =	ssyncadd.s32 $0xFFFFD800  }
0x180: {  	[tilespmem:s26], [sflag:$0x1] =	stream.indirect.gather [hbm4b:s4+s30], $0x80, s21, s30, $0xb8;
	[tilespmem:$0x1A000] =	vst v63  }
0x181: {  	_ =	swait.ge [sflag:s1], $0x2800  }
0x182: {  	[sflag:s1] =	ssyncset.done $0x0  }
0x183: {  	s9 =	rddreg [dreg:$0x7];
	[sflag:s1] =	ssyncadd.s32 $0xFFFFD800  }
0x184: {  	[spmem:s2] =	stream.indirect.scatter.add.f32 [tilespmem:s31], [sflag:$0x3], $0x80, s9, s30, $0xb8;
	[tilespmem:$0x1A000] =	vst v63  }
0x185: {  	_ =	swait.ge [sflag:s28], $0x2800  }
0x186: {  	[sflag:s28] =	ssyncset.done $0x0  }
0x187: {  	s11 =	rddreg [dreg:$0x8];
	[sflag:s28] =	ssyncadd.s32 $0xFFFFD800  }
0x188: {  	[tilespmem:s31], [sflag:$0x2] =	stream.indirect.gather [hbm4b:s4+s30], $0x80, s11, s30, $0xb8;
	[tilespmem:$0x1A000] =	vst v63  }
0x189: {  	_ =	swait.ge [sflag:s0], $0x2800  }
0x18a: {  	[sflag:s0] =	ssyncset.done $0x0  }
0x18b: {  	s21 =	rddreg [dreg:$0x9];
	[sflag:s0] =	ssyncadd.s32 $0xFFFFD800  }
0x18c: {  	[spmem:s2] =	stream.indirect.scatter.add.f32 [tilespmem:s26], [sflag:$0x3], $0x80, s21, s30, $0xb8;
	[tilespmem:$0x1A000] =	vst v63  }
0x18d: {  	_ =	swait.ge [sflag:s28], $0x2800  }
0x18e: {  	[sflag:s28] =	ssyncset.done $0x0  }
0x18f: {  	s9 =	rddreg [dreg:$0xa];
	[sflag:s28] =	ssyncadd.s32 $0xFFFFD800  }
0x190: {  	[tilespmem:s26], [sflag:$0x1] =	stream.indirect.gather [hbm4b:s4+s30], $0x80, s9, s30, $0xb8;
	[tilespmem:$0x1A000] =	vst v63  }
0x191: {  	_ =	swait.ge [sflag:s1], $0x2800  }
0x192: {  	[sflag:s1] =	ssyncset.done $0x0  }
0x193: {  	s11 =	rddreg [dreg:$0xb];
	[sflag:s1] =	ssyncadd.s32 $0xFFFFD800  }
0x194: {  	[spmem:s2] =	stream.indirect.scatter.add.f32 [tilespmem:s31], [sflag:$0x3], $0x80, s11, s30, $0xb8;
	[tilespmem:$0x1A000] =	vst v63  }
0x195: {  	_ =	swait.ge [sflag:s28], $0x2800  }
0x196: {  	[sflag:s28] =	ssyncset.done $0x0  }
0x197: {  	s21 =	rddreg [dreg:$0xc];
	[sflag:s28] =	ssyncadd.s32 $0xFFFFD800  }
0x198: {  	[tilespmem:s31], [sflag:$0x2] =	stream.indirect.gather [hbm4b:s4+s30], $0x80, s21, s30, $0xb8;
	[tilespmem:$0x1A000] =	vst v63  }
0x199: {  	_ =	swait.ge [sflag:s0], $0x2800  }
0x19a: {  	[sflag:s0] =	ssyncset.done $0x0  }
0x19b: {  	s9 =	rddreg [dreg:$0xd];
	[sflag:s0] =	ssyncadd.s32 $0xFFFFD800  }
0x19c: {  	[spmem:s2] =	stream.indirect.scatter.add.f32 [tilespmem:s26], [sflag:$0x3], $0x80, s9, s30, $0xb8;
	[tilespmem:$0x1A000] =	vst v63  }
0x19d: {  	_ =	swait.ge [sflag:s28], $0x2800  }
0x19e: {  	[sflag:s28] =	ssyncset.done $0x0  }
0x19f: {  	s11 =	rddreg [dreg:$0xe];
	[sflag:s28] =	ssyncadd.s32 $0xFFFFD800  }
0x1a0: {  	[tilespmem:s26], [sflag:$0x1] =	stream.indirect.gather [hbm4b:s4+s30], $0x80, s11, s30, $0xb8;
	[tilespmem:$0x1A000] =	vst v63  }
0x1a1: {  	_ =	swait.ge [sflag:s1], $0x2800  }
0x1a2: {  	[sflag:s1] =	ssyncset.done $0x0  }
0x1a3: {  	s21 =	rddreg [dreg:$0xf];
	[sflag:s1] =	ssyncadd.s32 $0xFFFFD800  }
0x1a4: {  	[spmem:s2] =	stream.indirect.scatter.add.f32 [tilespmem:s31], [sflag:$0x3], $0x80, s21, s30, $0xb8;
	[tilespmem:$0x1A000] =	vst v63  }
0x1a5: {  	_ =	swait.ge [sflag:s28], $0x2800  }
0x1a6: {  	[sflag:s28] =	ssyncset.done $0x0  }
0x1a7: {  	s9 =	rddreg [dreg:$0x10];
	[sflag:s28] =	ssyncadd.s32 $0xFFFFD800  }
0x1a8: {  	[tilespmem:s31], [sflag:$0x2] =	stream.indirect.gather [hbm4b:s4+s30], $0x80, s9, s30, $0xb8;
	[tilespmem:$0x1A000] =	vst v63  }
0x1a9: {  	_ =	swait.ge [sflag:s0], $0x2800  }
0x1aa: {  	[sflag:s0] =	ssyncset.done $0x0  }
0x1ab: {  	s11 =	rddreg [dreg:$0x11];
	[sflag:s0] =	ssyncadd.s32 $0xFFFFD800  }
0x1ac: {  	[spmem:s2] =	stream.indirect.scatter.add.f32 [tilespmem:s26], [sflag:$0x3], $0x80, s11, s30, $0xb8;
	[tilespmem:$0x1A000] =	vst v63  }
0x1ad: {  	_ =	swait.ge [sflag:s28], $0x2800  }
0x1ae: {  	[sflag:s28] =	ssyncset.done $0x0  }
0x1af: {  	[sflag:s28] =	ssyncadd.s32 $0xFFFFD800  }
0x1b0: {  	[tilespmem:s26], [sflag:$0x1] =	stream.indirect.gather [hbm4b:s4+s30], $0x80, s5, s30, $0xb8;
	[tilespmem:$0x1A000] =	vst v63  }
0x1b1: {  	_ =	swait.ge [sflag:s1], $0x2800  }
0x1b2: {  	[sflag:s1] =	ssyncset.done $0x0  }
0x1b3: {  	[sflag:s1] =	ssyncadd.s32 $0xFFFFD800  }
0x1b4: {  	[spmem:s2] =	stream.indirect.scatter.add.f32 [tilespmem:s31], [sflag:$0x3], $0x80, s7, s30, $0xb8;
	[tilespmem:$0x1A000] =	vst v63  }
0x1b5: {  	_ =	swait.ge [sflag:s28], $0x2800  }
0x1b6: {  	[sflag:s28] =	ssyncset.done $0x0  }
0x1b7: {  	[sflag:s28] =	ssyncadd.s32 $0xFFFFD800  }
0x1b8: {  	[tilespmem:s31], [sflag:$0x2] =	stream.indirect.gather [hbm4b:s4+s30], $0x80, s10, s30, $0xb8;
	[tilespmem:$0x1A000] =	vst v63  }
0x1b9: {  	_ =	swait.ge [sflag:s0], $0x2800  }
0x1ba: {  	[sflag:s0] =	ssyncset.done $0x0  }
0x1bb: {  	[sflag:s0] =	ssyncadd.s32 $0xFFFFD800  }
0x1bc: {  	[spmem:s2] =	stream.indirect.scatter.add.f32 [tilespmem:s26], [sflag:$0x3], $0x80, s12, s30, $0xb8;
	[tilespmem:$0x1A000] =	vst v63  }
0x1bd: {  	_ =	swait.ge [sflag:s28], $0x2800  }
0x1be: {  	[sflag:s28] =	ssyncset.done $0x0  }
0x1bf: {  	[sflag:s28] =	ssyncadd.s32 $0xFFFFD800  }
0x1c0: {  	[tilespmem:s26], [sflag:$0x1] =	stream.indirect.gather [hbm4b:s4+s30], $0x80, s13, s30, $0xb8;
	[tilespmem:$0x1A000] =	vst v63  }
0x1c1: {  	_ =	swait.ge [sflag:s1], $0x2800  }
0x1c2: {  	[sflag:s1] =	ssyncset.done $0x0  }
0x1c3: {  	[sflag:s1] =	ssyncadd.s32 $0xFFFFD800  }
0x1c4: {  	[spmem:s2] =	stream.indirect.scatter.add.f32 [tilespmem:s31], [sflag:$0x3], $0x80, s14, s30, $0xb8;
	[tilespmem:$0x1A000] =	vst v63  }
0x1c5: {  	_ =	swait.ge [sflag:s28], $0x2800  }
0x1c6: {  	[sflag:s28] =	ssyncset.done $0x0  }
0x1c7: {  	[sflag:s28] =	ssyncadd.s32 $0xFFFFD800  }
0x1c8: {  	[tilespmem:s31], [sflag:$0x2] =	stream.indirect.gather [hbm4b:s4+s30], $0x80, s15, s30, $0xb8;
	[tilespmem:$0x1A000] =	vst v63  }
0x1c9: {  	_ =	swait.ge [sflag:s0], $0x2800  }
0x1ca: {  	[sflag:s0] =	ssyncset.done $0x0  }
0x1cb: {  	[sflag:s0] =	ssyncadd.s32 $0xFFFFD800  }
0x1cc: {  	[spmem:s2] =	stream.indirect.scatter.add.f32 [tilespmem:s26], [sflag:$0x3], $0x80, s16, s30, $0xb8;
	[tilespmem:$0x1A000] =	vst v63  }
0x1cd: {  	_ =	swait.ge [sflag:s28], $0x2800  }
0x1ce: {  	[sflag:s28] =	ssyncset.done $0x0  }
0x1cf: {  	[sflag:s28] =	ssyncadd.s32 $0xFFFFD800  }
0x1d0: {  	[tilespmem:s26], [sflag:$0x1] =	stream.indirect.gather [hbm4b:s4+s30], $0x80, s17, s30, $0xb8;
	[tilespmem:$0x1A000] =	vst v63  }
0x1d1: {  	_ =	swait.ge [sflag:s1], $0x2800  }
0x1d2: {  	[sflag:s1] =	ssyncset.done $0x0  }
0x1d3: {  	[sflag:s1] =	ssyncadd.s32 $0xFFFFD800  }
0x1d4: {  	[spmem:s2] =	stream.indirect.scatter.add.f32 [tilespmem:s31], [sflag:$0x3], $0x80, s18, s30, $0xb8;
	[tilespmem:$0x1A000] =	vst v63  }
0x1d5: {  	_ =	swait.ge [sflag:s28], $0x2800  }
0x1d6: {  	[sflag:s28] =	ssyncset.done $0x0  }
0x1d7: {  	[sflag:s28] =	ssyncadd.s32 $0xFFFFD800  }
0x1d8: {  	[tilespmem:s31], [sflag:$0x2] =	stream.indirect.gather [hbm4b:s4+s30], $0x80, s19, s30, $0xb8;
	[tilespmem:$0x1A000] =	vst v63  }
0x1d9: {  	_ =	swait.ge [sflag:s0], $0x2800  }
0x1da: {  	[sflag:s0] =	ssyncset.done $0x0  }
0x1db: {  	[sflag:s0] =	ssyncadd.s32 $0xFFFFD800  }
0x1dc: {  	[spmem:s2] =	stream.indirect.scatter.add.f32 [tilespmem:s26], [sflag:$0x3], $0x80, s20, s30, $0xb8;
	[tilespmem:$0x1A000] =	vst v63  }
0x1dd: {  	_ =	swait.ge [sflag:s28], $0x2800  }
0x1de: {  	[sflag:s28] =	ssyncset.done $0x0  }
0x1df: {  	[sflag:s28] =	ssyncadd.s32 $0xFFFFD800  }
0x1e0: {  	[tilespmem:s26], [sflag:$0x1] =	stream.indirect.gather [hbm4b:s4+s30], $0x80, s22, s30, $0xb8;
	[tilespmem:$0x1A000] =	vst v63  }
0x1e1: {  	_ =	swait.ge [sflag:s1], $0x2800  }
0x1e2: {  	[sflag:s1] =	ssyncset.done $0x0  }
0x1e3: {  	[sflag:s1] =	ssyncadd.s32 $0xFFFFD800  }
0x1e4: {  	[spmem:s2] =	stream.indirect.scatter.add.f32 [tilespmem:s31], [sflag:$0x3], $0x80, s23, s30, $0xb8;
	[tilespmem:$0x1A000] =	vst v63  }
0x1e5: {  	_ =	swait.ge [sflag:s28], $0x2800  }
0x1e6: {  	[sflag:s28] =	ssyncset.done $0x0  }
0x1e7: {  	[sflag:s28] =	ssyncadd.s32 $0xFFFFD800  }
0x1e8: {  	[tilespmem:s31], [sflag:$0x2] =	stream.indirect.gather [hbm4b:s4+s30], $0x80, s24, s30, $0xb8;
	[tilespmem:$0x1A000] =	vst v63  }
0x1e9: {  	_ =	swait.ge [sflag:s0], $0x2800  }
0x1ea: {  	[sflag:s0] =	ssyncset.done $0x0  }
0x1eb: {  	[sflag:s0] =	ssyncadd.s32 $0xFFFFD800  }
0x1ec: {  	[spmem:s2] =	stream.indirect.scatter.add.f32 [tilespmem:s26], [sflag:$0x3], $0x80, s25, s30, $0xb8;
	[tilespmem:$0x1A000] =	vst v63  }
0x1ed: {  	_ =	swait.ge [sflag:s28], $0x2800  }
0x1ee: {  	[sflag:s28] =	ssyncset.done $0x0  }
0x1ef: {  	[sflag:s28] =	ssyncadd.s32 $0xFFFFD800  }
0x1f0: {  	_ =	swait.ge [sflag:s1], $0x2800  }
0x1f1: {  	[sflag:s1] =	ssyncset.done $0x0  }
0x1f2: {  	[sflag:s1] =	ssyncadd.s32 $0xFFFFD800  }
0x1f3: {  	[spmem:s2] =	stream.indirect.scatter.add.f32 [tilespmem:s31], [sflag:$0x3], $0x80, s8, s30, $0xb8;
	[tilespmem:$0x1A000] =	vst v63  }
0x1f4: {  	_ =	swait.ge [sflag:s28], $0x2800  }
0x1f5: {  	[sflag:s28] =	ssyncset.done $0x0  }
0x1f6: {  	[sflag:s28] =	ssyncadd.s32 $0xFFFFD800  }
0x1f7: {  	[bflag:$0x0] =	sbarrier.arrive $0xFFFF  }
0x1f8: {  	s21 =	rddreg [dreg:$0x13]  }
0x1f9: {  	[tilespmem:s26], [sflag:$0x3] =	stream.linear.gather [spmem:s21], $0x2800, $0x38;
	[tilespmem:$0x1A000] =	vst v63  }
0x1fa: {  	_ =	swait.ge [sflag:s28], $0x2800  }
0x1fb: {  	[sflag:s28] =	ssyncset.done $0x0  }
0x1fc: {  	s9 =	rddreg [dreg:$0x19];
	[sflag:s28] =	ssyncadd.s32 $0xFFFFD800  }
0x1fd: {  	[hbm4b:s9+s3] =	stream.linear.scatter [tilespmem:s26], [sflag:$0x1], $0x2800, $0x38;
	[tilespmem:$0x1A000] =	vst v63  }
0x1fe: {  	s11 =	rddreg [dreg:$0x15]  }
0x1ff: {  	[tilespmem:s31], [sflag:$0x3] =	stream.linear.gather [spmem:s11], $0x2800, $0x38;
	[tilespmem:$0x1A000] =	vst v63  }
0x200: {  	_ =	swait.ge [sflag:s28], $0x2800  }
0x201: {  	[sflag:s28] =	ssyncset.done $0x0  }
0x202: {  	s21 =	rddreg [dreg:$0x1a];
	[sflag:s28] =	ssyncadd.s32 $0xFFFFD800  }
0x203: {  	[hbm4b:s21+s3] =	stream.linear.scatter [tilespmem:s31], [sflag:$0x2], $0x2800, $0x38;
	[tilespmem:$0x1A000] =	vst v63  }
0x204: {  	_ =	swait.ge [sflag:s0], $0x2800  }
0x205: {  	[sflag:s0] =	ssyncset.done $0x0  }
0x206: {  	[sflag:s0] =	ssyncadd.s32 $0xFFFFD800  }
0x207: {  	_ =	swait.ge [sflag:s1], $0x2800  }
0x208: {  	[sflag:s1] =	ssyncset.done $0x0  }
0x209: {  	s11 =	rddreg [dreg:$0x16];
	[sflag:s1] =	ssyncadd.s32 $0xFFFFD800  }
0x20a: {  	[tilespmem:s26], [sflag:$0x3] =	stream.linear.gather [spmem:s11], $0x2800, $0x38;
	[tilespmem:$0x1A000] =	vst v63  }
0x20b: {  	_ =	swait.ge [sflag:s28], $0x2800  }
0x20c: {  	[sflag:s28] =	ssyncset.done $0x0;
	s9 =	rddreg [dreg:$0x1b]  }
0x20d: {  	s21 =	sld [smem:$0x7F9];
	[sflag:s28] =	ssyncadd.s32 $0xFFFFD800  }
0x20e: {  	[hbm4b:s9+s3] =	stream.linear.scatter [tilespmem:s26], [sflag:$0x1], $0x2800, $0x38;
	[tilespmem:$0x1A000] =	vst v63  }
0x20f: {  	_ = 	snop  }
0x210: {  	[tilespmem:s31], [sflag:$0x3] =	stream.linear.gather [spmem:s21], $0x2800, $0x38;
	[tilespmem:$0x1A000] =	vst v63  }
0x211: {  	_ =	swait.ge [sflag:s28], $0x2800  }
0x212: {  	[sflag:s28] =	ssyncset.done $0x0  }
0x213: {  	s9 =	rddreg [dreg:$0x1c];
	[sflag:s28] =	ssyncadd.s32 $0xFFFFD800  }
0x214: {  	[hbm4b:s9+s3] =	stream.linear.scatter [tilespmem:s31], [sflag:$0x2], $0x2800, $0x38;
	[tilespmem:$0x1A000] =	vst v63  }
0x215: {  	_ =	swait.ge [sflag:s0], $0x2800  }
0x216: {  	[sflag:s0] =	ssyncset.done $0x0  }
0x217: {  	[sflag:s0] =	ssyncadd.s32 $0xFFFFD800  }
0x218: {  	_ =	swait.ge [sflag:s1], $0x2800  }
0x219: {  	[sflag:s1] =	ssyncset.done $0x0  }
0x21a: {  	s21 =	rddreg [dreg:$0x18];
	[sflag:s1] =	ssyncadd.s32 $0xFFFFD800  }
0x21b: {  	[tilespmem:s26], [sflag:$0x3] =	stream.linear.gather [spmem:s21], $0x2800, $0x38;
	[tilespmem:$0x1A000] =	vst v63  }
0x21c: {  	_ =	swait.ge [sflag:s28], $0x2800  }
0x21d: {  	[sflag:s28] =	ssyncset.done $0x0;
	s9 =	rddreg [dreg:$0x1d]  }
0x21e: {  	s21 =	sld [smem:$0x7FA];
	[sflag:s28] =	ssyncadd.s32 $0xFFFFD800  }
0x21f: {  	[hbm4b:s9+s3] =	stream.linear.scatter [tilespmem:s26], [sflag:$0x1], $0x2800, $0x38;
	[tilespmem:$0x1A000] =	vst v63  }
0x220: {  	_ = 	snop  }
0x221: {  	[tilespmem:s31], [sflag:$0x3] =	stream.linear.gather [spmem:s21], $0x2800, $0x38;
	[tilespmem:$0x1A000] =	vst v63  }
0x222: {  	_ =	swait.ge [sflag:s28], $0x2800  }
0x223: {  	[sflag:s28] =	ssyncset.done $0x0  }
0x224: {  	s9 =	rddreg [dreg:$0x1e];
	[sflag:s28] =	ssyncadd.s32 $0xFFFFD800  }
0x225: {  	[hbm4b:s9+s3] =	stream.linear.scatter [tilespmem:s31], [sflag:$0x2], $0x2800, $0x38;
	[tilespmem:$0x1A000] =	vst v63  }
0x226: {  	_ =	swait.ge [sflag:s0], $0x2800  }
0x227: {  	[sflag:s0] =	ssyncset.done $0x0  }
0x228: {  	[sflag:s0] =	ssyncadd.s32 $0xFFFFD800  }
0x229: {  	_ =	swait.ge [sflag:s1], $0x2800  }
0x22a: {  	s9 =	sld [smem:$0x7FD]  }
0x22b: {  	[sflag:s1] =	ssyncset.done $0x0  }
0x22c: {  	[sflag:s1] =	ssyncadd.s32 $0xFFFFD800  }
0x22d: {  	[tilespmem:s26], [sflag:$0x3] =	stream.linear.gather [spmem:s9], $0x2800, $0x38;
	[tilespmem:$0x1A000] =	vst v63  }
0x22e: {  	_ =	swait.ge [sflag:s28], $0x2800  }
0x22f: {  	[sflag:s28] =	ssyncset.done $0x0  }
0x230: {  	s21 =	rddreg [dreg:$0x1f];
	[sflag:s28] =	ssyncadd.s32 $0xFFFFD800  }
0x231: {  	[hbm4b:s21+s3] =	stream.linear.scatter [tilespmem:s26], [sflag:$0x1], $0x2800, $0x38;
	[tilespmem:$0x1A000] =	vst v63  }
0x232: {  	s21 =	sld [smem:$0x7FB];
	_ =	sdelay $0x2  }
0x233: {  	[tilespmem:s31], [sflag:$0x3] =	stream.linear.gather [spmem:s21], $0x2800, $0x38;
	[tilespmem:$0x1A000] =	vst v63  }
0x234: {  	_ =	swait.ge [sflag:s28], $0x2800  }
0x235: {  	s21 =	sld [smem:$0x7F6]  }
0x236: {  	[sflag:s28] =	ssyncset.done $0x0  }
0x237: {  	[sflag:s28] =	ssyncadd.s32 $0xFFFFD800  }
0x238: {  	[hbm4b:s21+s3] =	stream.linear.scatter [tilespmem:s31], [sflag:$0x2], $0x2800, $0x38;
	[tilespmem:$0x1A000] =	vst v63  }
0x239: {  	_ =	swait.ge [sflag:s0], $0x2800  }
0x23a: {  	[sflag:s0] =	ssyncset.done $0x0  }
0x23b: {  	[sflag:s0] =	ssyncadd.s32 $0xFFFFD800  }
0x23c: {  	_ =	swait.ge [sflag:s1], $0x2800  }
0x23d: {  	s6 =	sld [smem:$0x7FC];
	_ =	sdelay $0x2  }
0x23e: {  	s21 =	sadd.s32 $0x1, s6;
	s6 =	rddreg [dreg:$0x14]  }
0x23f: {  	p0 =	sne.s32 s21, s6  }
.Ltmp1:
0x240: {  	_ = 	snop;
	(pc) =	sbr.rel @p0 .LBB2_1-.Ltmp1, $3  }
0x241: {  	_ =	sdelay $0x1  }
0x242: {  	[sflag:s1] =	ssyncset.done $0x0;
	[smem:$0x7FC] =	sst s21  }
0x243: {  	[sflag:s1] =	ssyncadd.s32 $0xFFFFD800;
	s21 =	rddreg [dreg:$0x13]  }
0x244: {  	_ =	sfence.sel $0x180000  }
0x245: {  	[bflag:$0x0] =	sbarrier.arrive $0xFFFF  }
0x246: {  	_ =	strace $0x9000004D  }
0x247: {  	s0 =	stileid.u32;
	[bflag:$0x2] =	sbarrier.arrive $0xFFFF  }
0x248: {  	p0 =	sne.s32 s0, $0x0;
	s0 =	rddreg [dreg:$0x2]  }
0x249: {  	s0 =	sadd.s32 @!p0 $0x100000, s0  }
0x24a: {  	[sflag:s0] =	ssyncadd.tile.s32 @!p0 $0x1;
	_ =	shalt  }
.Lfunc_end2:
_tile_overlayer_lowered:
.L_overlay_start_2:
0x24b: {  	(tag) =	ssettag $0x2  }
0x24c: {  	s0 =	rddreg [dreg:$0x0];
	s2 =	stileid.u32  }
0x24d: {  	s1 =	rddreg [dreg:$0x1];
	p0 =	sne.s32 s2, $0x0  }
0x24e: {  	s3 =	rddreg [dreg:$0x2];
	[bflag:$0x3] =	sbarrier.arrive $0xFFFF;
	s2 =	simm.s32 @!p0 $0x1C03  }
0x24f: {  	[timem:s3], [sflag:s2] =	dma.local @!p0 [hbm:s0], s1  }
0x250: {  	s0 =	simm.s32 @!p0 $0x3  }
0x251: {  	_ =	swait.ge @!p0 [sflag:s0], s1  }
0x252: {  	s1 =	ssub.s32 @!p0 $0x0, s1;
	[sflag:s0] =	ssyncset.done @!p0 $0x0  }
0x253: {  	[sflag:s0] =	ssyncadd.s32 @!p0 s1  }
0x254: {  	[bflag:$0x3] =	sbarrier.arrive $0xFFFF  }
0x255: {  	_ =	shalt  }

// kernel: _impl.19.cloned.1.call-start
scs
__scs_entry_jumppad:
0x0: {  	(pc) =	sbr.rel $0x88, $3  }
0x1: {  	(tag) =	ssettag $0x0;
	lr =	simm.s32 $0x1  }
0x2: {  	[smem:$0x3F93] =	sst lr;
	_ =	strace $0xD0000000  }
0x3: {  	_ = 	snop  }
0x4: {  	_ = 	snop  }
0x5: {  	_ = 	snop  }
0x6: {  	_ = 	snop  }
0x7: {  	_ = 	snop  }
__scs_overlays_trampoline_lowered:
0x8: {  	[smem:$0x3FA2] =	sst s0  }
0x9: {  	[smem:$0x3FA3] =	sst s1  }
0xa: {  	[smem:$0x3FA4] =	sst s2  }
0xb: {  	[smem:$0x3FA5] =	sst s3  }
0xc: {  	[smem:$0x3FA6] =	sst s4  }
0xd: {  	[smem:$0x3FA7] =	sst s5  }
0xe: {  	[smem:$0x3FA8] =	sst s6  }
0xf: {  	[smem:$0x3FA9] =	sst s7  }
0x10: {  	[smem:$0x3FAA] =	sst s8  }
0x11: {  	[smem:$0x3FAB] =	sst s9;
	s0 =	simm.s32 @!p0 $0x0  }
0x12: {  	s1 =	sld [smem:$0x3F91];
	s0 =	simm.s32 @p0 $0x1  }
0x13: {  	[smem:$0x3FAC] =	sst s0;
	s0 =	simm.s32 @!p1 $0x0  }
0x14: {  	s2 =	sld [smem:$0x3F90];
	s0 =	simm.s32 @p1 $0x1  }
0x15: {  	[smem:$0x3FAD] =	sst s0;
	s0 =	simm.s32 @!p2 $0x0  }
0x16: {  	s3 =	sld [smem:$0x3FDB];
	s0 =	simm.s32 @p2 $0x1  }
0x17: {  	s4 =	simm.s32 $0x1BF5;
	[smem:$0x3FAF] =	sst s0  }
0x18: {  	s0 =	sld [smem:$0x3F92];
	_ =	swait.ge [sflag:s4], $0x0  }
0x19: {  	s7 =	sld [smem:$0x3F93]  }
0x1a: {  	s8 =	sadd.s32 $0xFFFFE003, lr  }
0x1b: {  	s9 =	sadd.s32 $0xFFFFFEF7, lr;
	s5 =	simm.s32 $0xFFFFFFFF;
	p2 =	slt.u32 s8, $0xFFFFF086  }
0x1c: {  	p1 =	slt.u32 s9, $0xF7A;
	s5 =	simm.s32 @!p2 $0x0  }
0x1d: {  	s5 =	simm.s32 @p1 $0x1;
	p0 =	seq.s32 s7, s2  }
0x1e: {  	s7 =	smul.u32 @!p0 $0xF7A, s2;
	p2 =	seq.s32 @!p0 s5, $0x0  }
0x1f: {  	s9 =	smul.u32 $0xF7A, s1;
	s8 =	simm.s32 @!p0 $0x1BF5;
	p2 =	por !p2, p0  }
0x20: {  	[sflag:s8] =	ssyncset.s32 @!p0 $0xFFFFF086;
	s6 =	sadd.s32 @!p0 s3, s7;
	s7 =	simm.s32 @!p0 $0x108  }
0x21: {  	s3 =	sadd.s32 s3, s9;
	s6 =	sadd.s32 @!p0 $0x88, s6;
	s7 =	simm.s32 @p2 $0x1082  }
0x22: {  	[simem:s7], [sflag:s8] =	dma.local @!p0 [hbm:s6], $0xF7A  }
0x23: {  	s9 =	sor.u32 $0xD0000000, s2;
	s6 =	simm.s32 $0x108;
	_ =	swait.ge @!p0 [sflag:s8], $0x0  }
0x24: {  	s3 =	sadd.s32 $0x88, s3;
	s6 =	simm.s32 @!p1 $0x1082;
	[sflag:s4] =	ssyncset.s32 $0xFFFFF086  }
0x25: {  	[simem:s6], [sflag:s4] =	dma.local [hbm:s3], $0xF7A  }
0x26: {  	[smem:$0x3F93] =	sst s1;
	(tag) =	ssettag s2;
	_ =	strace s9  }
0x27: {  	s1 =	sld [smem:$0x3FA3]  }
0x28: {  	s2 =	sld [smem:$0x3FA4]  }
0x29: {  	s4 =	sld [smem:$0x3FA6]  }
0x2a: {  	p0 =	seq.s32 s5, $0x0;
	s5 =	sld [smem:$0x3FA7]  }
0x2b: {  	s6 =	sld [smem:$0x3FA8]  }
0x2c: {  	s7 =	sld [smem:$0x3FA9]  }
0x2d: {  	s3 =	simm.s32 $0x108;
	s8 =	sld [smem:$0x3FAA]  }
0x2e: {  	s3 =	simm.s32 @!p0 $0x1082;
	s9 =	sld [smem:$0x3FAB]  }
0x2f: {  	lr =	sadd.s32 s0, s3;
	s0 =	sld [smem:$0x3FA2]  }
0x30: {  	s3 =	sld [smem:$0x3FA5]  }
0x31: {  	[smem:$0x3FAE] =	sst s10  }
0x32: {  	s10 =	sld [smem:$0x3FAC];
	_ =	sdelay $0x3  }
0x33: {  	p0 =	seq.s32 s10, $0x1;
	s10 =	sld [smem:$0x3FAE];
	_ =	sdelay $0x3  }
0x34: {  	[smem:$0x3FAE] =	sst s10  }
0x35: {  	s10 =	sld [smem:$0x3FAD];
	_ =	sdelay $0x3  }
0x36: {  	p1 =	seq.s32 s10, $0x1;
	s10 =	sld [smem:$0x3FAE];
	_ =	sdelay $0x3  }
0x37: {  	[smem:$0x3FAE] =	sst s10  }
0x38: {  	s10 =	sld [smem:$0x3FAF]  }
0x39: {  	_ = 	snop;
	(pc) =	sbr.ind lr, $3  }
0x3a: {  	_ = 	snop  }
0x3b: {  	_ = 	snop  }
0x3c: {  	p2 =	seq.s32 s10, $0x1;
	s10 =	sld [smem:$0x3FAE]  }
0x3d: {  	_ =	shalt  }
0x3e: {  	_ =	shalt  }
0x3f: {  	_ =	shalt  }
0x40: {  	_ =	shalt  }
0x41: {  	_ =	shalt  }
0x42: {  	_ =	shalt  }
0x43: {  	_ =	shalt  }
0x44: {  	_ =	shalt  }
0x45: {  	_ =	shalt  }
0x46: {  	_ =	shalt  }
0x47: {  	_ =	shalt  }
0x48: {  	_ =	shalt  }
0x49: {  	_ =	shalt  }
0x4a: {  	_ =	shalt  }
0x4b: {  	_ =	shalt  }
0x4c: {  	_ =	shalt  }
0x4d: {  	_ =	shalt  }
0x4e: {  	_ =	shalt  }
0x4f: {  	_ =	shalt  }
0x50: {  	_ =	shalt  }
0x51: {  	_ =	shalt  }
0x52: {  	_ =	shalt  }
0x53: {  	_ =	shalt  }
0x54: {  	_ =	shalt  }
0x55: {  	_ =	shalt  }
0x56: {  	_ =	shalt  }
0x57: {  	_ =	shalt  }
0x58: {  	_ =	shalt  }
0x59: {  	_ =	shalt  }
0x5a: {  	_ =	shalt  }
0x5b: {  	_ =	shalt  }
0x5c: {  	_ =	shalt  }
0x5d: {  	_ =	shalt  }
0x5e: {  	_ =	shalt  }
0x5f: {  	_ =	shalt  }
0x60: {  	_ =	shalt  }
0x61: {  	_ =	shalt  }
0x62: {  	_ =	shalt  }
0x63: {  	_ =	shalt  }
0x64: {  	_ =	shalt  }
0x65: {  	_ =	shalt  }
0x66: {  	_ =	shalt  }
0x67: {  	_ =	shalt  }
0x68: {  	_ =	shalt  }
0x69: {  	_ =	shalt  }
0x6a: {  	_ =	shalt  }
0x6b: {  	_ =	shalt  }
0x6c: {  	_ =	shalt  }
0x6d: {  	_ =	shalt  }
0x6e: {  	_ =	shalt  }
0x6f: {  	_ =	shalt  }
0x70: {  	_ =	shalt  }
0x71: {  	_ =	shalt  }
0x72: {  	_ =	shalt  }
0x73: {  	_ =	shalt  }
0x74: {  	_ =	shalt  }
0x75: {  	_ =	shalt  }
0x76: {  	_ =	shalt  }
0x77: {  	_ =	shalt  }
0x78: {  	_ =	shalt  }
0x79: {  	_ =	shalt  }
0x7a: {  	_ =	shalt  }
0x7b: {  	_ =	shalt  }
0x7c: {  	_ =	shalt  }
0x7d: {  	_ =	shalt  }
0x7e: {  	_ =	shalt  }
0x7f: {  	_ =	shalt  }
0x80: {  	_ =	shalt  }
0x81: {  	_ =	shalt  }
0x82: {  	_ =	shalt  }
0x83: {  	_ =	shalt  }
0x84: {  	_ =	shalt  }
0x85: {  	_ =	shalt  }
0x86: {  	_ =	shalt  }
0x87: {  	_ =	shalt  }
.Lfunc_end0:
.L_simem_size_0:
called_computation.3_lowered:
.L_overlay_start_0:
0x88: {  	s2 =	sld [smem:$0x3FD9]  }
0x89: {  	s3 =	sld [smem:$0x3FFE];
	_ =	sdelay $0x1  }
0x8a: {  	s1 =	srdreg.scid  }
0x8b: {  	s0 =	sand.u32 $0x1, s1  }
0x8c: {  	s16 =	sshll.u32 s0, $0xA;
	s2 =	sadd.s32 s3, s2  }
0x8d: {  	s2 =	sadd.s32 s2, s16  }
0x8e: {  	[smem:$0x3FBA] =	sst s2  }
0x8f: {  	_ = 	snop  }
0x90: {  	(tm) =	ssettm $0x1  }
0x91: {  	s17 =	sld [smem:$0x3FFB];
	_ =	sdelay $0x3  }
0x92: {  	_ =	strace s17  }
0x93: {  	s2 =	sld [smem:$0x3FFC];
	_ =	sdelay $0x3  }
0x94: {  	_ =	strace s2  }
0x95: {  	s2 =	sld [smem:$0x3FFD];
	_ =	sdelay $0x3  }
0x96: {  	_ =	strace s2  }
0x97: {  	_ =	strace $0x8FFFFFFF  }
0x98: {  	s18 =	sld [smem:$0x3FDB];
	_ =	sdelay $0x1  }
0x99: {  	s19 =	simm.s32 $_scs_section_size  }
0x9a: {  	s4 =	simm.s32 $_size__tile_overlayer_lowered;
	s5 =	simm.s32 $_tile_overlayer_lowered  }
0x9b: {  	s22 =	simm.s32 $0x1BFF;
	s21 =	sshll.u32 s5, $0x1;
	s2 =	sadd.s32 s19, s18  }
0x9c: {  	s6 =	simm.s32 $0x0;
	s20 =	sshll.u32 s4, $0x1;
	s4 =	sadd.s32 s21, s2  }
0x9d: {  	[timem:s6], [sflag:s22] =	dma.local [hbm:s4], s20  }
0x9e: {  	_ =	swait.ge [sflag:s22], s20  }
0x9f: {  	s3 =	ssub.s32 $0x0, s20;
	[sflag:s22] =	ssyncset.done $0x0  }
0xa0: {  	[sflag:s22] =	ssyncadd.s32 s3;
	_ =	sdelay $0x1  }
0xa1: {  	s23 =	simm.s32 $0x1B8B  }
0xa2: {  	_ =	swait.ge [sflag:s23], $0x1  }
0xa3: {  	[sflag:s23] =	ssyncset.done $0x0  }
0xa4: {  	s25 =	simm.s32 $0x1B8E;
	s24 =	sld [smem:$0x3FFE];
	[sflag:s23] =	ssyncadd.s32 $0xFFFFFFFF  }
0xa5: {  	s26 =	simm.s32 $execute0_lowered;
	[smem:$0x3FD2] =	sst s25  }
0xa6: {  	s4 =	sshll.u32 s26, $0x1;
	_ =	strace $0x8000004F;
	[dreg:$0x1] =	wrdreg $0xFFFFFFFF  }
0xa7: {  	s28 =	simm.s32 $_size_execute0_lowered;
	s2 =	sadd.s32 s2, s4;
	[dreg:$0x0] =	wrdreg $0x0  }
0xa8: {  	s4 =	sshll.u32 s28, $0x1;
	[dreg:$0x2] =	wrdreg s2  }
0xa9: {  	[dreg:$0x3] =	wrdreg s4  }
0xaa: {  	[dreg:$0x4] =	wrdreg $0xC0  }
0xab: {  	_ =	task [dreg:s6], $0x5FFFF  }
0xac: {  	[dreg:$0x1] =	wrdreg $0xFFFFFFFF  }
0xad: {  	[dreg:$0x0] =	wrdreg $0x60  }
0xae: {  	[dreg:$0x2] =	wrdreg s24  }
0xaf: {  	[dreg:$0x3] =	wrdreg $0x60000  }
0xb0: {  	[dreg:$0x4] =	wrdreg $0x9  }
0xb1: {  	_ =	task.clear_ibuf [dreg:s6], $0x5FFFF;
	_ =	strace $0x9000004F  }
0xb2: {  	s29 =	simm.s32 $0x9;
	_ =	strace $0x80000051  }
0xb3: {  	_ =	swait.ge [sflag:s29], $0x1  }
0xb4: {  	[sflag:s29] =	ssyncadd.s32 $0xFFFFFFFF  }
0xb5: {  	_ =	strace $0x90000051  }
0xb6: {  	_ =	sfence  }
0xb7: {  	s30 =	sld [smem:$0x0];
	_ =	sdelay $0x2  }
0xb8: {  	s31 =	sshll.u32 s1, $0xD;
	s1 =	sshrl.u32 s1, $0x2  }
0xb9: {  	s3 =	sand.u32 $0x4000, s31;
	s1 =	sadd.s32 s1, s30  }
0xba: {  	s0 =	sor.u32 s3, s0;
	s1 =	sshll.u32 s1, $0x11  }
0xbb: {  	s0 =	sor.u32 s1, s0  }
0xbc: {  	s0 =	sadd.s32 $0x8F2B, s0  }
0xbd: {  	[sflag:s0] =	ssyncadd.remote.s32 $0x1  }
0xbe: {  	_ =	sfence.sel $0xFFFF  }
0xbf: {  	[dreg:$0x0] =	wrdreg $0xFFFFFFFF;
	(pc) =	sbr.abs _section_cstart, $3  }
0xc0: {  	[dreg:$0x1] =	wrdreg $0xFFFFFFFF  }
0xc1: {  	_ =	task.clear_ibuf [dreg:s6], $0x2FFFF;
	_ =	strace $0x9FFFFFFF  }
0xc2: {  	(tm) =	ssettm $0x7FFFFFFF  }
0xc3: {  	_ =	shalt  }
tec
execute0_lowered:
.L_overlay_start_1:
0x0: {  	(tag) =	ssettag $0x1  }
0x1: {  	s0 =	rddreg [dreg:$0x0]  }
0x2: {  	s2 =	rddreg [dreg:$0x1]  }
0x3: {  	s3 =	simm.s32 $0x0;
	s9 =	stileid.u32;
	s1 =	srdreg.scid  }
0x4: {  	s20 =	simm.s32 $0x80;
	s23 =	simm.s32 $0x100;
	s24 =	simm.s32 $0x880  }
0x5: {  	s28 =	simm.s32 $0x3;
	s29 =	simm.s32 $0x800;
	s30 =	simm.s32 $0x50  }
0x6: {  	s31 =	simm.s32 $0x3800;
	[smem:$0x7FF] =	sst s3;
	s5 =	sshll.u32 s9, $0xC  }
0x7: {  	s1 =	sand.u32 $0x1, s1;
	s4 =	sadd.s32 $0x36800, s0;
	s7 =	sadd.s32 $0xE000, s0  }
0x8: {  	s8 =	smul.u32 $0x50000, s9;
	_ =	strace $0x80000050;
	[dreg:$0x12] =	wrdreg s7  }
0x9: {  	s5 =	sadd.s32 s5, s0;
	s6 =	ssub.s32 $0x2, s1;
	[dreg:$0x5] =	wrdreg s20  }
0xa: {  	s0 =	sadd.s32 $0x5E800, s0;
	s7 =	smul.u32 $0x14000, s9;
	[dreg:$0x6] =	wrdreg s23  }
0xb: {  	s26 =	sshll.u32 s1, $0xB;
	s1 =	smul.u32 $0x140000, s1;
	[dreg:$0x7] =	wrdreg s24  }
0xc: {  	s9 =	simm.s32 $0x900;
	s20 =	simm.s32 $0x380;
	s25 =	sshrl.u32 s6, $0x1  }
0xd: {  	s8 =	sshrl.u32 s8, $0x2;
	s5 =	sadd.s32 s26, s5;
	[dreg:$0x9] =	wrdreg s9  }
0xe: {  	[dreg:$0x10] =	wrdreg s20;
	s20 =	simm.s32 $0xE00;
	s6 =	ssub.s32 s6, s25  }
0xf: {  	s21 =	sadd.s32 s8, s2;
	s13 =	sor.u32 $0x2800, s7;
	s19 =	sadd.s32 $0xAE800, s5  }
0x10: {  	s10 =	sadd.s32 $0x5000, s7;
	s5 =	sadd.s32 $0xBE800, s5;
	[dreg:$0x3] =	wrdreg s19  }
0x11: {  	s16 =	sadd.s32 $0xA000, s7;
	s25 =	simm.s32 $0x180;
	[dreg:$0x4] =	wrdreg s5  }
0x12: {  	s11 =	sadd.s32 s1, s7;
	s6 =	smax.u32 s6, $0x1;
	[dreg:$0x8] =	wrdreg s25  }
0x13: {  	s14 =	sadd.s32 s13, s2;
	s15 =	sadd.s32 $0x7800, s21;
	[dreg:$0x13] =	wrdreg s21  }
0x14: {  	s12 =	sadd.s32 s16, s2;
	s11 =	sshrl.u32 s11, $0x3;
	[dreg:$0x14] =	wrdreg s6  }
0x15: {  	s8 =	sadd.s32 s1, s13;
	s13 =	simm.s32 $0x980;
	[dreg:$0x15] =	wrdreg s14  }
0x16: {  	s19 =	sadd.s32 $0xC800, s21;
	s23 =	sadd.s32 $0x11800, s21;
	[dreg:$0x17] =	wrdreg s15  }
0x17: {  	s5 =	simm.s32 $0x400;
	s14 =	sadd.s32 s10, s2;
	[dreg:$0x18] =	wrdreg s12  }
0x18: {  	s12 =	sadd.s32 $0xF000, s7;
	s11 =	sadd.s32 s0, s11;
	s10 =	sadd.s32 s1, s10  }
0x19: {  	s8 =	sshrl.u32 s8, $0x3;
	s6 =	sadd.s32 s1, s16;
	[dreg:$0xb] =	wrdreg s13  }
0x1a: {  	s15 =	simm.s32 $0x280;
	s16 =	simm.s32 $0xA00;
	[smem:$0x7F7] =	sst s19  }
0x1b: {  	[smem:$0x7F8] =	sst s23;
	s13 =	simm.s32 $0x500;
	s19 =	simm.s32 $0x680  }
0x1c: {  	s23 =	simm.s32 $0xE80;
	[dreg:$0x19] =	wrdreg s11;
	s10 =	sshrl.u32 s10, $0x3  }
0x1d: {  	s11 =	sadd.s32 $0x7800, s7;
	s8 =	sadd.s32 s0, s8;
	[dreg:$0xc] =	wrdreg s15  }
0x1e: {  	s6 =	sshrl.u32 s6, $0x3;
	s26 =	sadd.s32 s1, s12;
	[dreg:$0xd] =	wrdreg s16  }
0x1f: {  	s9 =	sadd.s32 s12, s2;
	s12 =	simm.s32 $0xC00;
	s15 =	simm.s32 $0x580  }
0x20: {  	s16 =	simm.s32 $0xD00;
	[dreg:$0x1a] =	wrdreg s8;
	s17 =	sadd.s32 s0, s10  }
0x21: {  	s18 =	sadd.s32 s1, s11;
	s6 =	sadd.s32 s0, s6;
	[smem:$0x7FD] =	sst s9  }
0x22: {  	s10 =	simm.s32 $0x200;
	s24 =	sadd.s32 s11, s2;
	[dreg:$0x1b] =	wrdreg s17  }
0x23: {  	s11 =	smov.u32 s14;
	s14 =	simm.s32 $0xC80;
	[dreg:$0x1d] =	wrdreg s6  }
0x24: {  	s8 =	sshrl.u32 s18, $0x3;
	s6 =	sadd.s32 $0xC800, s7;
	[dreg:$0xa] =	wrdreg s10  }
0x25: {  	s7 =	sadd.s32 $0x11800, s7;
	s17 =	simm.s32 $0x300;
	[smem:$0x7F9] =	sst s24  }
0x26: {  	s18 =	simm.s32 $0xA80;
	s10 =	simm.s32 $0x480;
	[dreg:$0x16] =	wrdreg s11  }
0x27: {  	s24 =	simm.s32 $0x780;
	s8 =	sadd.s32 s0, s8;
	[dreg:$0xe] =	wrdreg s17  }
0x28: {  	s22 =	sadd.s32 s1, s6;
	s1 =	sadd.s32 s1, s7;
	[dreg:$0xf] =	wrdreg s18  }
0x29: {  	s25 =	sadd.s32 s6, s2;
	s17 =	simm.s32 $0x600;
	[dreg:$0x1c] =	wrdreg s8  }
0x2a: {  	s18 =	simm.s32 $0xD80;
	s6 =	simm.s32 $0x0;
	[smem:$0x7FA] =	sst s25  }
0x2b: {  	s8 =	sshrl.u32 s22, $0x3;
	s22 =	simm.s32 $0xB00;
	[smem:$0x7FC] =	sst s6  }
0x2c: {  	s1 =	sshrl.u32 s1, $0x3;
	s8 =	sadd.s32 s0, s8;
	[dreg:$0x11] =	wrdreg s22  }
0x2d: {  	s25 =	simm.s32 $0xF00;
	s22 =	simm.s32 $0x700;
	[dreg:$0x1e] =	wrdreg s8  }
0x2e: {  	s8 =	sshrl.u32 s26, $0x3;
	s26 =	sadd.s32 s7, s2;
	s7 =	simm.s32 $0xB80  }
0x2f: {  	s8 =	sadd.s32 s0, s8;
	s0 =	sadd.s32 s0, s1;
	[smem:$0x7FB] =	sst s26  }
0x30: {  	s26 =	simm.s32 $0x1000;
	s1 =	simm.s32 $0x2;
	[dreg:$0x1f] =	wrdreg s8  }
0x31: {  	[smem:$0x7F6] =	sst s0;
	s0 =	simm.s32 $0x1;
	s8 =	simm.s32 $0xF80  }
.LBB2_1:
0x32: {  	s6 =	rddreg [dreg:$0x12]  }
0x33: {  	[tilespmem:s26], [sflag:$0x3] =	stream.linear.gather [hbm4b:s6+s3], $0x2800, $0x38;
	[tilespmem:$0x1A000] =	vst v63  }
0x34: {  	_ =	swait.ge [sflag:s28], $0x2800  }
0x35: {  	[sflag:s28] =	ssyncset.done $0x0  }
0x36: {  	[sflag:s28] =	ssyncadd.s32 $0xFFFFD800  }
0x37: {  	[spmem:s21] =	stream.linear.scatter [tilespmem:s26], [sflag:$0x3], $0x2800, $0x38;
	[tilespmem:$0x1A000] =	vst v63  }
0x38: {  	_ =	swait.ge [sflag:s28], $0x2800  }
0x39: {  	[sflag:s28] =	ssyncset.done $0x0  }
0x3a: {  	s21 =	rddreg [dreg:$0x15];
	[sflag:s28] =	ssyncadd.s32 $0xFFFFD800  }
0x3b: {  	[spmem:s21] =	stream.linear.scatter [tilespmem:s26], [sflag:$0x3], $0x2800, $0x38;
	[tilespmem:$0x1A000] =	vst v63  }
0x3c: {  	_ =	swait.ge [sflag:s28], $0x2800  }
0x3d: {  	[sflag:s28] =	ssyncset.done $0x0  }
0x3e: {  	[sflag:s28] =	ssyncadd.s32 $0xFFFFD800  }
0x3f: {  	[spmem:s11] =	stream.linear.scatter [tilespmem:s26], [sflag:$0x3], $0x2800, $0x38;
	[tilespmem:$0x1A000] =	vst v63  }
0x40: {  	_ =	swait.ge [sflag:s28], $0x2800  }
0x41: {  	[sflag:s28] =	ssyncset.done $0x0  }
0x42: {  	s11 =	rddreg [dreg:$0x17];
	[sflag:s28] =	ssyncadd.s32 $0xFFFFD800  }
0x43: {  	[spmem:s11] =	stream.linear.scatter [tilespmem:s26], [sflag:$0x3], $0x2800, $0x38;
	[tilespmem:$0x1A000] =	vst v63  }
0x44: {  	_ =	swait.ge [sflag:s28], $0x2800  }
0x45: {  	[sflag:s28] =	ssyncset.done $0x0  }
0x46: {  	s21 =	rddreg [dreg:$0x18];
	[sflag:s28] =	ssyncadd.s32 $0xFFFFD800  }
0x47: {  	[spmem:s21] =	stream.linear.scatter [tilespmem:s26], [sflag:$0x3], $0x2800, $0x38;
	[tilespmem:$0x1A000] =	vst v63  }
0x48: {  	_ =	swait.ge [sflag:s28], $0x2800  }
0x49: {  	s11 =	sld [smem:$0x7F7]  }
0x4a: {  	[sflag:s28] =	ssyncset.done $0x0  }
0x4b: {  	[sflag:s28] =	ssyncadd.s32 $0xFFFFD800  }
0x4c: {  	[spmem:s11] =	stream.linear.scatter [tilespmem:s26], [sflag:$0x3], $0x2800, $0x38;
	[tilespmem:$0x1A000] =	vst v63  }
0x4d: {  	_ =	swait.ge [sflag:s28], $0x2800  }
0x4e: {  	[sflag:s28] =	ssyncset.done $0x0  }
0x4f: {  	[sflag:s28] =	ssyncadd.s32 $0xFFFFD800  }
0x50: {  	[spmem:s9] =	stream.linear.scatter [tilespmem:s26], [sflag:$0x3], $0x2800, $0x38;
	[tilespmem:$0x1A000] =	vst v63  }
0x51: {  	_ =	swait.ge [sflag:s28], $0x2800  }
0x52: {  	s21 =	sld [smem:$0x7F8]  }
0x53: {  	[sflag:s28] =	ssyncset.done $0x0  }
0x54: {  	[sflag:s28] =	ssyncadd.s32 $0xFFFFD800  }
0x55: {  	[spmem:s21] =	stream.linear.scatter [tilespmem:s26], [sflag:$0x3], $0x2800, $0x38;
	[tilespmem:$0x1A000] =	vst v63  }
0x56: {  	_ =	swait.ge [sflag:s28], $0x2800  }
0x57: {  	[sflag:s28] =	ssyncset.done $0x0  }
0x58: {  	[sflag:s28] =	ssyncadd.s32 $0xFFFFD800  }
0x59: {  	[bflag:$0x0] =	sbarrier.arrive $0xFFFF  }
0x5a: {  	s9 =	rddreg [dreg:$0x4]  }
0x5b: {  	s6 =	sadd.s32 $0x0, s9  }
0x5c: {  	[tilespmem:s3], [sflag:$0x3] =	stream.linear.gather [hbm4b:s6+s3], $0x800, $0x38;
	[tilespmem:$0x1A000] =	vst v63  }
0x5d: {  	_ =	swait.ge [sflag:s28], $0x800  }
0x5e: {  	s11 =	rddreg [dreg:$0x3];
	[sflag:s28] =	ssyncset.done $0x0  }
0x5f: {  	[sflag:s28] =	ssyncadd.s32 $0xFFFFF800;
	s6 =	sadd.s32 $0x0, s11  }
0x60: {  	[tilespmem:s29], [sflag:$0x3] =	stream.linear.gather [hbm4b:s6+s3], $0x800, $0x38;
	[tilespmem:$0x1A000] =	vst v63  }
0x61: {  	_ =	swait.ge [sflag:s28], $0x800  }
0x62: {  	[sflag:s28] =	ssyncset.done $0x0  }
0x63: {  	[sflag:s28] =	ssyncadd.s32 $0xFFFFF800  }
0x64: {  	[tilespmem:s26], [sflag:$0x1] =	stream.indirect.gather [hbm4b:s4+s30], $0x80, s3, s30, $0xb8;
	[tilespmem:$0x1A000] =	vst v63  }
0x65: {  	s21 =	rddreg [dreg:$0x5]  }
0x66: {  	[tilespmem:s31], [sflag:$0x2] =	stream.indirect.gather [hbm4b:s4+s30], $0x80, s21, s30, $0xb8;
	[tilespmem:$0x1A000] =	vst v63  }
0x67: {  	_ =	swait.ge [sflag:s0], $0x2800  }
0x68: {  	[sflag:s0] =	ssyncset.done $0x0  }
0x69: {  	[sflag:s0] =	ssyncadd.s32 $0xFFFFD800  }
0x6a: {  	[spmem:s2] =	stream.indirect.scatter.add.f32 [tilespmem:s26], [sflag:$0x3], $0x80, s29, s30, $0xb8;
	[tilespmem:$0x1A000] =	vst v63  }
0x6b: {  	_ =	swait.ge [sflag:s28], $0x2800  }
0x6c: {  	[sflag:s28] =	ssyncset.done $0x0  }
0x6d: {  	s9 =	rddreg [dreg:$0x6];
	[sflag:s28] =	ssyncadd.s32 $0xFFFFD800  }
0x6e: {  	[tilespmem:s26], [sflag:$0x1] =	stream.indirect.gather [hbm4b:s4+s30], $0x80, s9, s30, $0xb8;
	[tilespmem:$0x1A000] =	vst v63  }
0x6f: {  	_ =	swait.ge [sflag:s1], $0x2800  }
0x70: {  	[sflag:s1] =	ssyncset.done $0x0  }
0x71: {  	s11 =	rddreg [dreg:$0x7];
	[sflag:s1] =	ssyncadd.s32 $0xFFFFD800  }
0x72: {  	[spmem:s2] =	stream.indirect.scatter.add.f32 [tilespmem:s31], [sflag:$0x3], $0x80, s11, s30, $0xb8;
	[tilespmem:$0x1A000] =	vst v63  }
0x73: {  	_ =	swait.ge [sflag:s28], $0x2800  }
0x74: {  	[sflag:s28] =	ssyncset.done $0x0  }
0x75: {  	s21 =	rddreg [dreg:$0x8];
	[sflag:s28] =	ssyncadd.s32 $0xFFFFD800  }
0x76: {  	[tilespmem:s31], [sflag:$0x2] =	stream.indirect.gather [hbm4b:s4+s30], $0x80, s21, s30, $0xb8;
	[tilespmem:$0x1A000] =	vst v63  }
0x77: {  	_ =	swait.ge [sflag:s0], $0x2800  }
0x78: {  	[sflag:s0] =	ssyncset.done $0x0  }
0x79: {  	s9 =	rddreg [dreg:$0x9];
	[sflag:s0] =	ssyncadd.s32 $0xFFFFD800  }
0x7a: {  	[spmem:s2] =	stream.indirect.scatter.add.f32 [tilespmem:s26], [sflag:$0x3], $0x80, s9, s30, $0xb8;
	[tilespmem:$0x1A000] =	vst v63  }
0x7b: {  	_ =	swait.ge [sflag:s28], $0x2800  }
0x7c: {  	[sflag:s28] =	ssyncset.done $0x0  }
0x7d: {  	s11 =	rddreg [dreg:$0xa];
	[sflag:s28] =	ssyncadd.s32 $0xFFFFD800  }
0x7e: {  	[tilespmem:s26], [sflag:$0x1] =	stream.indirect.gather [hbm4b:s4+s30], $0x80, s11, s30, $0xb8;
	[tilespmem:$0x1A000] =	vst v63  }
0x7f: {  	_ =	swait.ge [sflag:s1], $0x2800  }
0x80: {  	[sflag:s1] =	ssyncset.done $0x0  }
0x81: {  	s21 =	rddreg [dreg:$0xb];
	[sflag:s1] =	ssyncadd.s32 $0xFFFFD800  }
0x82: {  	[spmem:s2] =	stream.indirect.scatter.add.f32 [tilespmem:s31], [sflag:$0x3], $0x80, s21, s30, $0xb8;
	[tilespmem:$0x1A000] =	vst v63  }
0x83: {  	_ =	swait.ge [sflag:s28], $0x2800  }
0x84: {  	[sflag:s28] =	ssyncset.done $0x0  }
0x85: {  	s9 =	rddreg [dreg:$0xc];
	[sflag:s28] =	ssyncadd.s32 $0xFFFFD800  }
0x86: {  	[tilespmem:s31], [sflag:$0x2] =	stream.indirect.gather [hbm4b:s4+s30], $0x80, s9, s30, $0xb8;
	[tilespmem:$0x1A000] =	vst v63  }
0x87: {  	_ =	swait.ge [sflag:s0], $0x2800  }
0x88: {  	[sflag:s0] =	ssyncset.done $0x0  }
0x89: {  	s11 =	rddreg [dreg:$0xd];
	[sflag:s0] =	ssyncadd.s32 $0xFFFFD800  }
0x8a: {  	[spmem:s2] =	stream.indirect.scatter.add.f32 [tilespmem:s26], [sflag:$0x3], $0x80, s11, s30, $0xb8;
	[tilespmem:$0x1A000] =	vst v63  }
0x8b: {  	_ =	swait.ge [sflag:s28], $0x2800  }
0x8c: {  	[sflag:s28] =	ssyncset.done $0x0  }
0x8d: {  	s21 =	rddreg [dreg:$0xe];
	[sflag:s28] =	ssyncadd.s32 $0xFFFFD800  }
0x8e: {  	[tilespmem:s26], [sflag:$0x1] =	stream.indirect.gather [hbm4b:s4+s30], $0x80, s21, s30, $0xb8;
	[tilespmem:$0x1A000] =	vst v63  }
0x8f: {  	_ =	swait.ge [sflag:s1], $0x2800  }
0x90: {  	[sflag:s1] =	ssyncset.done $0x0  }
0x91: {  	s9 =	rddreg [dreg:$0xf];
	[sflag:s1] =	ssyncadd.s32 $0xFFFFD800  }
0x92: {  	[spmem:s2] =	stream.indirect.scatter.add.f32 [tilespmem:s31], [sflag:$0x3], $0x80, s9, s30, $0xb8;
	[tilespmem:$0x1A000] =	vst v63  }
0x93: {  	_ =	swait.ge [sflag:s28], $0x2800  }
0x94: {  	[sflag:s28] =	ssyncset.done $0x0  }
0x95: {  	s11 =	rddreg [dreg:$0x10];
	[sflag:s28] =	ssyncadd.s32 $0xFFFFD800  }
0x96: {  	[tilespmem:s31], [sflag:$0x2] =	stream.indirect.gather [hbm4b:s4+s30], $0x80, s11, s30, $0xb8;
	[tilespmem:$0x1A000] =	vst v63  }
0x97: {  	_ =	swait.ge [sflag:s0], $0x2800  }
0x98: {  	[sflag:s0] =	ssyncset.done $0x0  }
0x99: {  	s21 =	rddreg [dreg:$0x11];
	[sflag:s0] =	ssyncadd.s32 $0xFFFFD800  }
0x9a: {  	[spmem:s2] =	stream.indirect.scatter.add.f32 [tilespmem:s26], [sflag:$0x3], $0x80, s21, s30, $0xb8;
	[tilespmem:$0x1A000] =	vst v63  }
0x9b: {  	_ =	swait.ge [sflag:s28], $0x2800  }
0x9c: {  	[sflag:s28] =	ssyncset.done $0x0  }
0x9d: {  	[sflag:s28] =	ssyncadd.s32 $0xFFFFD800  }
0x9e: {  	[tilespmem:s26], [sflag:$0x1] =	stream.indirect.gather [hbm4b:s4+s30], $0x80, s5, s30, $0xb8;
	[tilespmem:$0x1A000] =	vst v63  }
0x9f: {  	_ =	swait.ge [sflag:s1], $0x2800  }
0xa0: {  	[sflag:s1] =	ssyncset.done $0x0  }
0xa1: {  	[sflag:s1] =	ssyncadd.s32 $0xFFFFD800  }
0xa2: {  	[spmem:s2] =	stream.indirect.scatter.add.f32 [tilespmem:s31], [sflag:$0x3], $0x80, s7, s30, $0xb8;
	[tilespmem:$0x1A000] =	vst v63  }
0xa3: {  	_ =	swait.ge [sflag:s28], $0x2800  }
0xa4: {  	[sflag:s28] =	ssyncset.done $0x0  }
0xa5: {  	[sflag:s28] =	ssyncadd.s32 $0xFFFFD800  }
0xa6: {  	[tilespmem:s31], [sflag:$0x2] =	stream.indirect.gather [hbm4b:s4+s30], $0x80, s10, s30, $0xb8;
	[tilespmem:$0x1A000] =	vst v63  }
0xa7: {  	_ =	swait.ge [sflag:s0], $0x2800  }
0xa8: {  	[sflag:s0] =	ssyncset.done $0x0  }
0xa9: {  	[sflag:s0] =	ssyncadd.s32 $0xFFFFD800  }
0xaa: {  	[spmem:s2] =	stream.indirect.scatter.add.f32 [tilespmem:s26], [sflag:$0x3], $0x80, s12, s30, $0xb8;
	[tilespmem:$0x1A000] =	vst v63  }
0xab: {  	_ =	swait.ge [sflag:s28], $0x2800  }
0xac: {  	[sflag:s28] =	ssyncset.done $0x0  }
0xad: {  	[sflag:s28] =	ssyncadd.s32 $0xFFFFD800  }
0xae: {  	[tilespmem:s26], [sflag:$0x1] =	stream.indirect.gather [hbm4b:s4+s30], $0x80, s13, s30, $0xb8;
	[tilespmem:$0x1A000] =	vst v63  }
0xaf: {  	_ =	swait.ge [sflag:s1], $0x2800  }
0xb0: {  	[sflag:s1] =	ssyncset.done $0x0  }
0xb1: {  	[sflag:s1] =	ssyncadd.s32 $0xFFFFD800  }
0xb2: {  	[spmem:s2] =	stream.indirect.scatter.add.f32 [tilespmem:s31], [sflag:$0x3], $0x80, s14, s30, $0xb8;
	[tilespmem:$0x1A000] =	vst v63  }
0xb3: {  	_ =	swait.ge [sflag:s28], $0x2800  }
0xb4: {  	[sflag:s28] =	ssyncset.done $0x0  }
0xb5: {  	[sflag:s28] =	ssyncadd.s32 $0xFFFFD800  }
0xb6: {  	[tilespmem:s31], [sflag:$0x2] =	stream.indirect.gather [hbm4b:s4+s30], $0x80, s15, s30, $0xb8;
	[tilespmem:$0x1A000] =	vst v63  }
0xb7: {  	_ =	swait.ge [sflag:s0], $0x2800  }
0xb8: {  	[sflag:s0] =	ssyncset.done $0x0  }
0xb9: {  	[sflag:s0] =	ssyncadd.s32 $0xFFFFD800  }
0xba: {  	[spmem:s2] =	stream.indirect.scatter.add.f32 [tilespmem:s26], [sflag:$0x3], $0x80, s16, s30, $0xb8;
	[tilespmem:$0x1A000] =	vst v63  }
0xbb: {  	_ =	swait.ge [sflag:s28], $0x2800  }
0xbc: {  	[sflag:s28] =	ssyncset.done $0x0  }
0xbd: {  	[sflag:s28] =	ssyncadd.s32 $0xFFFFD800  }
0xbe: {  	[tilespmem:s26], [sflag:$0x1] =	stream.indirect.gather [hbm4b:s4+s30], $0x80, s17, s30, $0xb8;
	[tilespmem:$0x1A000] =	vst v63  }
0xbf: {  	_ =	swait.ge [sflag:s1], $0x2800  }
0xc0: {  	[sflag:s1] =	ssyncset.done $0x0  }
0xc1: {  	[sflag:s1] =	ssyncadd.s32 $0xFFFFD800  }
0xc2: {  	[spmem:s2] =	stream.indirect.scatter.add.f32 [tilespmem:s31], [sflag:$0x3], $0x80, s18, s30, $0xb8;
	[tilespmem:$0x1A000] =	vst v63  }
0xc3: {  	_ =	swait.ge [sflag:s28], $0x2800  }
0xc4: {  	[sflag:s28] =	ssyncset.done $0x0  }
0xc5: {  	[sflag:s28] =	ssyncadd.s32 $0xFFFFD800  }
0xc6: {  	[tilespmem:s31], [sflag:$0x2] =	stream.indirect.gather [hbm4b:s4+s30], $0x80, s19, s30, $0xb8;
	[tilespmem:$0x1A000] =	vst v63  }
0xc7: {  	_ =	swait.ge [sflag:s0], $0x2800  }
0xc8: {  	[sflag:s0] =	ssyncset.done $0x0  }
0xc9: {  	[sflag:s0] =	ssyncadd.s32 $0xFFFFD800  }
0xca: {  	[spmem:s2] =	stream.indirect.scatter.add.f32 [tilespmem:s26], [sflag:$0x3], $0x80, s20, s30, $0xb8;
	[tilespmem:$0x1A000] =	vst v63  }
0xcb: {  	_ =	swait.ge [sflag:s28], $0x2800  }
0xcc: {  	[sflag:s28] =	ssyncset.done $0x0  }
0xcd: {  	[sflag:s28] =	ssyncadd.s32 $0xFFFFD800  }
0xce: {  	[tilespmem:s26], [sflag:$0x1] =	stream.indirect.gather [hbm4b:s4+s30], $0x80, s22, s30, $0xb8;
	[tilespmem:$0x1A000] =	vst v63  }
0xcf: {  	_ =	swait.ge [sflag:s1], $0x2800  }
0xd0: {  	[sflag:s1] =	ssyncset.done $0x0  }
0xd1: {  	[sflag:s1] =	ssyncadd.s32 $0xFFFFD800  }
0xd2: {  	[spmem:s2] =	stream.indirect.scatter.add.f32 [tilespmem:s31], [sflag:$0x3], $0x80, s23, s30, $0xb8;
	[tilespmem:$0x1A000] =	vst v63  }
0xd3: {  	_ =	swait.ge [sflag:s28], $0x2800  }
0xd4: {  	[sflag:s28] =	ssyncset.done $0x0  }
0xd5: {  	[sflag:s28] =	ssyncadd.s32 $0xFFFFD800  }
0xd6: {  	[tilespmem:s31], [sflag:$0x2] =	stream.indirect.gather [hbm4b:s4+s30], $0x80, s24, s30, $0xb8;
	[tilespmem:$0x1A000] =	vst v63  }
0xd7: {  	_ =	swait.ge [sflag:s0], $0x2800  }
0xd8: {  	[sflag:s0] =	ssyncset.done $0x0  }
0xd9: {  	[sflag:s0] =	ssyncadd.s32 $0xFFFFD800  }
0xda: {  	[spmem:s2] =	stream.indirect.scatter.add.f32 [tilespmem:s26], [sflag:$0x3], $0x80, s25, s30, $0xb8;
	[tilespmem:$0x1A000] =	vst v63  }
0xdb: {  	_ =	swait.ge [sflag:s28], $0x2800  }
0xdc: {  	[sflag:s28] =	ssyncset.done $0x0  }
0xdd: {  	[sflag:s28] =	ssyncadd.s32 $0xFFFFD800  }
0xde: {  	_ =	swait.ge [sflag:s1], $0x2800  }
0xdf: {  	[sflag:s1] =	ssyncset.done $0x0  }
0xe0: {  	[sflag:s1] =	ssyncadd.s32 $0xFFFFD800  }
0xe1: {  	[spmem:s2] =	stream.indirect.scatter.add.f32 [tilespmem:s31], [sflag:$0x3], $0x80, s8, s30, $0xb8;
	[tilespmem:$0x1A000] =	vst v63  }
0xe2: {  	s6 =	simm.s32 $0x200;
	_ =	swait.ge [sflag:s28], $0x2800  }
0xe3: {  	s11 =	simm.s32 $0x100;
	s21 =	rddreg [dreg:$0x4];
	[sflag:s28] =	ssyncset.done $0x0  }
.LBB2_2:
0xe4: {  	[sflag:s28] =	ssyncadd.s32 $0xFFFFD800;
	s21 =	sadd.s32 s11, s21  }
0xe5: {  	[tilespmem:s3], [sflag:$0x3] =	stream.linear.gather [hbm4b:s21+s3], $0x800, $0x38;
	[tilespmem:$0x1A000] =	vst v63  }
0xe6: {  	_ =	swait.ge [sflag:s28], $0x800  }
0xe7: {  	s21 =	rddreg [dreg:$0x3];
	[sflag:s28] =	ssyncset.done $0x0  }
0xe8: {  	[sflag:s28] =	ssyncadd.s32 $0xFFFFF800;
	s21 =	sadd.s32 s11, s21  }
0xe9: {  	[tilespmem:s29], [sflag:$0x3] =	stream.linear.gather [hbm4b:s21+s3], $0x800, $0x38;
	[tilespmem:$0x1A000] =	vst v63  }
0xea: {  	_ =	swait.ge [sflag:s28], $0x800  }
0xeb: {  	[sflag:s28] =	ssyncset.done $0x0  }
0xec: {  	[sflag:s28] =	ssyncadd.s32 $0xFFFFF800  }
0xed: {  	[tilespmem:s26], [sflag:$0x1] =	stream.indirect.gather [hbm4b:s4+s30], $0x80, s3, s30, $0xb8;
	[tilespmem:$0x1A000] =	vst v63  }
0xee: {  	s21 =	rddreg [dreg:$0x5]  }
0xef: {  	[tilespmem:s31], [sflag:$0x2] =	stream.indirect.gather [hbm4b:s4+s30], $0x80, s21, s30, $0xb8;
	[tilespmem:$0x1A000] =	vst v63  }
0xf0: {  	_ =	swait.ge [sflag:s0], $0x2800  }
0xf1: {  	[sflag:s0] =	ssyncset.done $0x0  }
0xf2: {  	[sflag:s0] =	ssyncadd.s32 $0xFFFFD800  }
0xf3: {  	[spmem:s2] =	stream.indirect.scatter.add.f32 [tilespmem:s26], [sflag:$0x3], $0x80, s29, s30, $0xb8;
	[tilespmem:$0x1A000] =	vst v63  }
0xf4: {  	_ =	swait.ge [sflag:s28], $0x2800  }
0xf5: {  	[sflag:s28] =	ssyncset.done $0x0  }
0xf6: {  	s21 =	rddreg [dreg:$0x6];
	[sflag:s28] =	ssyncadd.s32 $0xFFFFD800  }
0xf7: {  	[tilespmem:s26], [sflag:$0x1] =	stream.indirect.gather [hbm4b:s4+s30], $0x80, s21, s30, $0xb8;
	[tilespmem:$0x1A000] =	vst v63  }
0xf8: {  	_ =	swait.ge [sflag:s1], $0x2800  }
0xf9: {  	[sflag:s1] =	ssyncset.done $0x0  }
0xfa: {  	s21 =	rddreg [dreg:$0x7];
	[sflag:s1] =	ssyncadd.s32 $0xFFFFD800  }
0xfb: {  	[spmem:s2] =	stream.indirect.scatter.add.f32 [tilespmem:s31], [sflag:$0x3], $0x80, s21, s30, $0xb8;
	[tilespmem:$0x1A000] =	vst v63  }
0xfc: {  	_ =	swait.ge [sflag:s28], $0x2800  }
0xfd: {  	[sflag:s28] =	ssyncset.done $0x0  }
0xfe: {  	s21 =	rddreg [dreg:$0x8];
	[sflag:s28] =	ssyncadd.s32 $0xFFFFD800  }
0xff: {  	[tilespmem:s31], [sflag:$0x2] =	stream.indirect.gather [hbm4b:s4+s30], $0x80, s21, s30, $0xb8;
	[tilespmem:$0x1A000] =	vst v63  }
0x100: {  	_ =	swait.ge [sflag:s0], $0x2800  }
0x101: {  	[sflag:s0] =	ssyncset.done $0x0  }
0x102: {  	s21 =	rddreg [dreg:$0x9];
	[sflag:s0] =	ssyncadd.s32 $0xFFFFD800  }
0x103: {  	[spmem:s2] =	stream.indirect.scatter.add.f32 [tilespmem:s26], [sflag:$0x3], $0x80, s21, s30, $0xb8;
	[tilespmem:$0x1A000] =	vst v63  }
0x104: {  	_ =	swait.ge [sflag:s28], $0x2800  }
0x105: {  	[sflag:s28] =	ssyncset.done $0x0  }
0x106: {  	s21 =	rddreg [dreg:$0xa];
	[sflag:s28] =	ssyncadd.s32 $0xFFFFD800  }
0x107: {  	[tilespmem:s26], [sflag:$0x1] =	stream.indirect.gather [hbm4b:s4+s30], $0x80, s21, s30, $0xb8;
	[tilespmem:$0x1A000] =	vst v63  }
0x108: {  	_ =	swait.ge [sflag:s1], $0x2800  }
0x109: {  	[sflag:s1] =	ssyncset.done $0x0  }
0x10a: {  	s21 =	rddreg [dreg:$0xb];
	[sflag:s1] =	ssyncadd.s32 $0xFFFFD800  }
0x10b: {  	[spmem:s2] =	stream.indirect.scatter.add.f32 [tilespmem:s31], [sflag:$0x3], $0x80, s21, s30, $0xb8;
	[tilespmem:$0x1A000] =	vst v63  }
0x10c: {  	_ =	swait.ge [sflag:s28], $0x2800  }
0x10d: {  	[sflag:s28] =	ssyncset.done $0x0  }
0x10e: {  	s21 =	rddreg [dreg:$0xc];
	[sflag:s28] =	ssyncadd.s32 $0xFFFFD800  }
0x10f: {  	[tilespmem:s31], [sflag:$0x2] =	stream.indirect.gather [hbm4b:s4+s30], $0x80, s21, s30, $0xb8;
	[tilespmem:$0x1A000] =	vst v63  }
0x110: {  	_ =	swait.ge [sflag:s0], $0x2800  }
0x111: {  	[sflag:s0] =	ssyncset.done $0x0  }
0x112: {  	s21 =	rddreg [dreg:$0xd];
	[sflag:s0] =	ssyncadd.s32 $0xFFFFD800  }
0x113: {  	[spmem:s2] =	stream.indirect.scatter.add.f32 [tilespmem:s26], [sflag:$0x3], $0x80, s21, s30, $0xb8;
	[tilespmem:$0x1A000] =	vst v63  }
0x114: {  	_ =	swait.ge [sflag:s28], $0x2800  }
0x115: {  	[sflag:s28] =	ssyncset.done $0x0  }
0x116: {  	s21 =	rddreg [dreg:$0xe];
	[sflag:s28] =	ssyncadd.s32 $0xFFFFD800  }
0x117: {  	[tilespmem:s26], [sflag:$0x1] =	stream.indirect.gather [hbm4b:s4+s30], $0x80, s21, s30, $0xb8;
	[tilespmem:$0x1A000] =	vst v63  }
0x118: {  	_ =	swait.ge [sflag:s1], $0x2800  }
0x119: {  	[sflag:s1] =	ssyncset.done $0x0  }
0x11a: {  	s21 =	rddreg [dreg:$0xf];
	[sflag:s1] =	ssyncadd.s32 $0xFFFFD800  }
0x11b: {  	[spmem:s2] =	stream.indirect.scatter.add.f32 [tilespmem:s31], [sflag:$0x3], $0x80, s21, s30, $0xb8;
	[tilespmem:$0x1A000] =	vst v63  }
0x11c: {  	_ =	swait.ge [sflag:s28], $0x2800  }
0x11d: {  	[sflag:s28] =	ssyncset.done $0x0  }
0x11e: {  	s21 =	rddreg [dreg:$0x10];
	[sflag:s28] =	ssyncadd.s32 $0xFFFFD800  }
0x11f: {  	[tilespmem:s31], [sflag:$0x2] =	stream.indirect.gather [hbm4b:s4+s30], $0x80, s21, s30, $0xb8;
	[tilespmem:$0x1A000] =	vst v63  }
0x120: {  	_ =	swait.ge [sflag:s0], $0x2800  }
0x121: {  	[sflag:s0] =	ssyncset.done $0x0  }
0x122: {  	s21 =	rddreg [dreg:$0x11];
	[sflag:s0] =	ssyncadd.s32 $0xFFFFD800  }
0x123: {  	[spmem:s2] =	stream.indirect.scatter.add.f32 [tilespmem:s26], [sflag:$0x3], $0x80, s21, s30, $0xb8;
	[tilespmem:$0x1A000] =	vst v63  }
0x124: {  	_ =	swait.ge [sflag:s28], $0x2800  }
0x125: {  	[sflag:s28] =	ssyncset.done $0x0  }
0x126: {  	[sflag:s28] =	ssyncadd.s32 $0xFFFFD800  }
0x127: {  	[tilespmem:s26], [sflag:$0x1] =	stream.indirect.gather [hbm4b:s4+s30], $0x80, s5, s30, $0xb8;
	[tilespmem:$0x1A000] =	vst v63  }
0x128: {  	_ =	swait.ge [sflag:s1], $0x2800  }
0x129: {  	[sflag:s1] =	ssyncset.done $0x0  }
0x12a: {  	[sflag:s1] =	ssyncadd.s32 $0xFFFFD800  }
0x12b: {  	[spmem:s2] =	stream.indirect.scatter.add.f32 [tilespmem:s31], [sflag:$0x3], $0x80, s7, s30, $0xb8;
	[tilespmem:$0x1A000] =	vst v63  }
0x12c: {  	_ =	swait.ge [sflag:s28], $0x2800  }
0x12d: {  	[sflag:s28] =	ssyncset.done $0x0  }
0x12e: {  	[sflag:s28] =	ssyncadd.s32 $0xFFFFD800  }
0x12f: {  	[tilespmem:s31], [sflag:$0x2] =	stream.indirect.gather [hbm4b:s4+s30], $0x80, s10, s30, $0xb8;
	[tilespmem:$0x1A000] =	vst v63  }
0x130: {  	_ =	swait.ge [sflag:s0], $0x2800  }
0x131: {  	[sflag:s0] =	ssyncset.done $0x0  }
0x132: {  	[sflag:s0] =	ssyncadd.s32 $0xFFFFD800  }
0x133: {  	[spmem:s2] =	stream.indirect.scatter.add.f32 [tilespmem:s26], [sflag:$0x3], $0x80, s12, s30, $0xb8;
	[tilespmem:$0x1A000] =	vst v63  }
0x134: {  	_ =	swait.ge [sflag:s28], $0x2800  }
0x135: {  	[sflag:s28] =	ssyncset.done $0x0  }
0x136: {  	[sflag:s28] =	ssyncadd.s32 $0xFFFFD800  }
0x137: {  	[tilespmem:s26], [sflag:$0x1] =	stream.indirect.gather [hbm4b:s4+s30], $0x80, s13, s30, $0xb8;
	[tilespmem:$0x1A000] =	vst v63  }
0x138: {  	_ =	swait.ge [sflag:s1], $0x2800  }
0x139: {  	[sflag:s1] =	ssyncset.done $0x0  }
0x13a: {  	[sflag:s1] =	ssyncadd.s32 $0xFFFFD800  }
0x13b: {  	[spmem:s2] =	stream.indirect.scatter.add.f32 [tilespmem:s31], [sflag:$0x3], $0x80, s14, s30, $0xb8;
	[tilespmem:$0x1A000] =	vst v63  }
0x13c: {  	_ =	swait.ge [sflag:s28], $0x2800  }
0x13d: {  	[sflag:s28] =	ssyncset.done $0x0  }
0x13e: {  	[sflag:s28] =	ssyncadd.s32 $0xFFFFD800  }
0x13f: {  	[tilespmem:s31], [sflag:$0x2] =	stream.indirect.gather [hbm4b:s4+s30], $0x80, s15, s30, $0xb8;
	[tilespmem:$0x1A000] =	vst v63  }
0x140: {  	_ =	swait.ge [sflag:s0], $0x2800  }
0x141: {  	[sflag:s0] =	ssyncset.done $0x0  }
0x142: {  	[sflag:s0] =	ssyncadd.s32 $0xFFFFD800  }
0x143: {  	[spmem:s2] =	stream.indirect.scatter.add.f32 [tilespmem:s26], [sflag:$0x3], $0x80, s16, s30, $0xb8;
	[tilespmem:$0x1A000] =	vst v63  }
0x144: {  	_ =	swait.ge [sflag:s28], $0x2800  }
0x145: {  	[sflag:s28] =	ssyncset.done $0x0  }
0x146: {  	[sflag:s28] =	ssyncadd.s32 $0xFFFFD800  }
0x147: {  	[tilespmem:s26], [sflag:$0x1] =	stream.indirect.gather [hbm4b:s4+s30], $0x80, s17, s30, $0xb8;
	[tilespmem:$0x1A000] =	vst v63  }
0x148: {  	_ =	swait.ge [sflag:s1], $0x2800  }
0x149: {  	[sflag:s1] =	ssyncset.done $0x0  }
0x14a: {  	[sflag:s1] =	ssyncadd.s32 $0xFFFFD800  }
0x14b: {  	[spmem:s2] =	stream.indirect.scatter.add.f32 [tilespmem:s31], [sflag:$0x3], $0x80, s18, s30, $0xb8;
	[tilespmem:$0x1A000] =	vst v63  }
0x14c: {  	_ =	swait.ge [sflag:s28], $0x2800  }
0x14d: {  	[sflag:s28] =	ssyncset.done $0x0  }
0x14e: {  	[sflag:s28] =	ssyncadd.s32 $0xFFFFD800  }
0x14f: {  	[tilespmem:s31], [sflag:$0x2] =	stream.indirect.gather [hbm4b:s4+s30], $0x80, s19, s30, $0xb8;
	[tilespmem:$0x1A000] =	vst v63  }
0x150: {  	_ =	swait.ge [sflag:s0], $0x2800  }
0x151: {  	[sflag:s0] =	ssyncset.done $0x0  }
0x152: {  	[sflag:s0] =	ssyncadd.s32 $0xFFFFD800  }
0x153: {  	[spmem:s2] =	stream.indirect.scatter.add.f32 [tilespmem:s26], [sflag:$0x3], $0x80, s20, s30, $0xb8;
	[tilespmem:$0x1A000] =	vst v63  }
0x154: {  	_ =	swait.ge [sflag:s28], $0x2800  }
0x155: {  	[sflag:s28] =	ssyncset.done $0x0  }
0x156: {  	[sflag:s28] =	ssyncadd.s32 $0xFFFFD800  }
0x157: {  	[tilespmem:s26], [sflag:$0x1] =	stream.indirect.gather [hbm4b:s4+s30], $0x80, s22, s30, $0xb8;
	[tilespmem:$0x1A000] =	vst v63  }
0x158: {  	_ =	swait.ge [sflag:s1], $0x2800  }
0x159: {  	[sflag:s1] =	ssyncset.done $0x0  }
0x15a: {  	[sflag:s1] =	ssyncadd.s32 $0xFFFFD800  }
0x15b: {  	[spmem:s2] =	stream.indirect.scatter.add.f32 [tilespmem:s31], [sflag:$0x3], $0x80, s23, s30, $0xb8;
	[tilespmem:$0x1A000] =	vst v63  }
0x15c: {  	_ =	swait.ge [sflag:s28], $0x2800  }
0x15d: {  	[sflag:s28] =	ssyncset.done $0x0  }
0x15e: {  	[sflag:s28] =	ssyncadd.s32 $0xFFFFD800  }
0x15f: {  	[tilespmem:s31], [sflag:$0x2] =	stream.indirect.gather [hbm4b:s4+s30], $0x80, s24, s30, $0xb8;
	[tilespmem:$0x1A000] =	vst v63  }
0x160: {  	_ =	swait.ge [sflag:s0], $0x2800  }
0x161: {  	[sflag:s0] =	ssyncset.done $0x0  }
0x162: {  	[sflag:s0] =	ssyncadd.s32 $0xFFFFD800  }
0x163: {  	[spmem:s2] =	stream.indirect.scatter.add.f32 [tilespmem:s26], [sflag:$0x3], $0x80, s25, s30, $0xb8;
	[tilespmem:$0x1A000] =	vst v63  }
0x164: {  	_ =	swait.ge [sflag:s28], $0x2800  }
0x165: {  	[sflag:s28] =	ssyncset.done $0x0  }
0x166: {  	[sflag:s28] =	ssyncadd.s32 $0xFFFFD800  }
0x167: {  	p0 =	sne.s32 s6, $0x700;
	_ =	swait.ge [sflag:s1], $0x2800  }
.Ltmp0:
0x168: {  	[sflag:s1] =	ssyncset.done $0x0;
	(pc) =	sbr.rel @p0 .LBB2_2-.Ltmp0, $4  }
0x169: {  	[sflag:s1] =	ssyncadd.s32 $0xFFFFD800  }
0x16a: {  	[spmem:s2] =	stream.indirect.scatter.add.f32 [tilespmem:s31], [sflag:$0x3], $0x80, s8, s30, $0xb8;
	[tilespmem:$0x1A000] =	vst v63  }
0x16b: {  	s9 =	smov.u32 s6;
	s6 =	sadd.s32 $0x100, s6;
	_ =	swait.ge [sflag:s28], $0x2800  }
0x16c: {  	s11 =	smov.u32 s9;
	s21 =	rddreg [dreg:$0x4];
	[sflag:s28] =	ssyncset.done $0x0  }
0x16d: {  	[sflag:s28] =	ssyncadd.s32 $0xFFFFD800;
	s6 =	sadd.s32 s11, s21  }
0x16e: {  	[tilespmem:s3], [sflag:$0x3] =	stream.linear.gather [hbm4b:s6+s3], $0x800, $0x38;
	[tilespmem:$0x1A000] =	vst v63  }
0x16f: {  	_ =	swait.ge [sflag:s28], $0x800  }
0x170: {  	s9 =	rddreg [dreg:$0x3];
	[sflag:s28] =	ssyncset.done $0x0  }
0x171: {  	s6 =	sadd.s32 s11, s9;
	[sflag:s28] =	ssyncadd.s32 $0xFFFFF800  }
0x172: {  	[tilespmem:s29], [sflag:$0x3] =	stream.linear.gather [hbm4b:s6+s3], $0x800, $0x38;
	[tilespmem:$0x1A000] =	vst v63  }
0x173: {  	_ =	swait.ge [sflag:s28], $0x800  }
0x174: {  	[sflag:s28] =	ssyncset.done $0x0  }
0x175: {  	[sflag:s28] =	ssyncadd.s32 $0xFFFFF800  }
0x176: {  	[tilespmem:s26], [sflag:$0x1] =	stream.indirect.gather [hbm4b:s4+s30], $0x80, s3, s30, $0xb8;
	[tilespmem:$0x1A000] =	vst v63  }
0x177: {  	s11 =	rddreg [dreg:$0x5]  }
0x178: {  	[tilespmem:s31], [sflag:$0x2] =	stream.indirect.gather [hbm4b:s4+s30], $0x80, s11, s30, $0xb8;
	[tilespmem:$0x1A000] =	vst v63  }
0x179: {  	_ =	swait.ge [sflag:s0], $0x2800  }
0x17a: {  	[sflag:s0] =	ssyncset.done $0x0  }
0x17b: {  	[sflag:s0] =	ssyncadd.s32 $0xFFFFD800  }
0x17c: {  	[spmem:s2] =	stream.indirect.scatter.add.f32 [tilespmem:s26], [sflag:$0x3], $0x80, s29, s30, $0xb8;
	[tilespmem:$0x1A000] =	vst v63  }
0x17d: {  	_ =	swait.ge [sflag:s28], $0x2800  }
0x17e: {  	[sflag:s28] =	ssyncset.done $0x0  }
0x17f: {  	s21 =	rddreg [dreg:$0x6];
	[sflag:s28] =	ssyncadd.s32 $0xFFFFD800  }
0x180: {  	[tilespmem:s26], [sflag:$0x1] =	stream.indirect.gather [hbm4b:s4+s30], $0x80, s21, s30, $0xb8;
	[tilespmem:$0x1A000] =	vst v63  }
0x181: {  	_ =	swait.ge [sflag:s1], $0x2800  }
0x182: {  	[sflag:s1] =	ssyncset.done $0x0  }
0x183: {  	s9 =	rddreg [dreg:$0x7];
	[sflag:s1] =	ssyncadd.s32 $0xFFFFD800  }
0x184: {  	[spmem:s2] =	stream.indirect.scatter.add.f32 [tilespmem:s31], [sflag:$0x3], $0x80, s9, s30, $0xb8;
	[tilespmem:$0x1A000] =	vst v63  }
0x185: {  	_ =	swait.ge [sflag:s28], $0x2800  }
0x186: {  	[sflag:s28] =	ssyncset.done $0x0  }
0x187: {  	s11 =	rddreg [dreg:$0x8];
	[sflag:s28] =	ssyncadd.s32 $0xFFFFD800  }
0x188: {  	[tilespmem:s31], [sflag:$0x2] =	stream.indirect.gather [hbm4b:s4+s30], $0x80, s11, s30, $0xb8;
	[tilespmem:$0x1A000] =	vst v63  }
0x189: {  	_ =	swait.ge [sflag:s0], $0x2800  }
0x18a: {  	[sflag:s0] =	ssyncset.done $0x0  }
0x18b: {  	s21 =	rddreg [dreg:$0x9];
	[sflag:s0] =	ssyncadd.s32 $0xFFFFD800  }
0x18c: {  	[spmem:s2] =	stream.indirect.scatter.add.f32 [tilespmem:s26], [sflag:$0x3], $0x80, s21, s30, $0xb8;
	[tilespmem:$0x1A000] =	vst v63  }
0x18d: {  	_ =	swait.ge [sflag:s28], $0x2800  }
0x18e: {  	[sflag:s28] =	ssyncset.done $0x0  }
0x18f: {  	s9 =	rddreg [dreg:$0xa];
	[sflag:s28] =	ssyncadd.s32 $0xFFFFD800  }
0x190: {  	[tilespmem:s26], [sflag:$0x1] =	stream.indirect.gather [hbm4b:s4+s30], $0x80, s9, s30, $0xb8;
	[tilespmem:$0x1A000] =	vst v63  }
0x191: {  	_ =	swait.ge [sflag:s1], $0x2800  }
0x192: {  	[sflag:s1] =	ssyncset.done $0x0  }
0x193: {  	s11 =	rddreg [dreg:$0xb];
	[sflag:s1] =	ssyncadd.s32 $0xFFFFD800  }
0x194: {  	[spmem:s2] =	stream.indirect.scatter.add.f32 [tilespmem:s31], [sflag:$0x3], $0x80, s11, s30, $0xb8;
	[tilespmem:$0x1A000] =	vst v63  }
0x195: {  	_ =	swait.ge [sflag:s28], $0x2800  }
0x196: {  	[sflag:s28] =	ssyncset.done $0x0  }
0x197: {  	s21 =	rddreg [dreg:$0xc];
	[sflag:s28] =	ssyncadd.s32 $0xFFFFD800  }
0x198: {  	[tilespmem:s31], [sflag:$0x2] =	stream.indirect.gather [hbm4b:s4+s30], $0x80, s21, s30, $0xb8;
	[tilespmem:$0x1A000] =	vst v63  }
0x199: {  	_ =	swait.ge [sflag:s0], $0x2800  }
0x19a: {  	[sflag:s0] =	ssyncset.done $0x0  }
0x19b: {  	s9 =	rddreg [dreg:$0xd];
	[sflag:s0] =	ssyncadd.s32 $0xFFFFD800  }
0x19c: {  	[spmem:s2] =	stream.indirect.scatter.add.f32 [tilespmem:s26], [sflag:$0x3], $0x80, s9, s30, $0xb8;
	[tilespmem:$0x1A000] =	vst v63  }
0x19d: {  	_ =	swait.ge [sflag:s28], $0x2800  }
0x19e: {  	[sflag:s28] =	ssyncset.done $0x0  }
0x19f: {  	s11 =	rddreg [dreg:$0xe];
	[sflag:s28] =	ssyncadd.s32 $0xFFFFD800  }
0x1a0: {  	[tilespmem:s26], [sflag:$0x1] =	stream.indirect.gather [hbm4b:s4+s30], $0x80, s11, s30, $0xb8;
	[tilespmem:$0x1A000] =	vst v63  }
0x1a1: {  	_ =	swait.ge [sflag:s1], $0x2800  }
0x1a2: {  	[sflag:s1] =	ssyncset.done $0x0  }
0x1a3: {  	s21 =	rddreg [dreg:$0xf];
	[sflag:s1] =	ssyncadd.s32 $0xFFFFD800  }
0x1a4: {  	[spmem:s2] =	stream.indirect.scatter.add.f32 [tilespmem:s31], [sflag:$0x3], $0x80, s21, s30, $0xb8;
	[tilespmem:$0x1A000] =	vst v63  }
0x1a5: {  	_ =	swait.ge [sflag:s28], $0x2800  }
0x1a6: {  	[sflag:s28] =	ssyncset.done $0x0  }
0x1a7: {  	s9 =	rddreg [dreg:$0x10];
	[sflag:s28] =	ssyncadd.s32 $0xFFFFD800  }
0x1a8: {  	[tilespmem:s31], [sflag:$0x2] =	stream.indirect.gather [hbm4b:s4+s30], $0x80, s9, s30, $0xb8;
	[tilespmem:$0x1A000] =	vst v63  }
0x1a9: {  	_ =	swait.ge [sflag:s0], $0x2800  }
0x1aa: {  	[sflag:s0] =	ssyncset.done $0x0  }
0x1ab: {  	s11 =	rddreg [dreg:$0x11];
	[sflag:s0] =	ssyncadd.s32 $0xFFFFD800  }
0x1ac: {  	[spmem:s2] =	stream.indirect.scatter.add.f32 [tilespmem:s26], [sflag:$0x3], $0x80, s11, s30, $0xb8;
	[tilespmem:$0x1A000] =	vst v63  }
0x1ad: {  	_ =	swait.ge [sflag:s28], $0x2800  }
0x1ae: {  	[sflag:s28] =	ssyncset.done $0x0  }
0x1af: {  	[sflag:s28] =	ssyncadd.s32 $0xFFFFD800  }
0x1b0: {  	[tilespmem:s26], [sflag:$0x1] =	stream.indirect.gather [hbm4b:s4+s30], $0x80, s5, s30, $0xb8;
	[tilespmem:$0x1A000] =	vst v63  }
0x1b1: {  	_ =	swait.ge [sflag:s1], $0x2800  }
0x1b2: {  	[sflag:s1] =	ssyncset.done $0x0  }
0x1b3: {  	[sflag:s1] =	ssyncadd.s32 $0xFFFFD800  }
0x1b4: {  	[spmem:s2] =	stream.indirect.scatter.add.f32 [tilespmem:s31], [sflag:$0x3], $0x80, s7, s30, $0xb8;
	[tilespmem:$0x1A000] =	vst v63  }
0x1b5: {  	_ =	swait.ge [sflag:s28], $0x2800  }
0x1b6: {  	[sflag:s28] =	ssyncset.done $0x0  }
0x1b7: {  	[sflag:s28] =	ssyncadd.s32 $0xFFFFD800  }
0x1b8: {  	[tilespmem:s31], [sflag:$0x2] =	stream.indirect.gather [hbm4b:s4+s30], $0x80, s10, s30, $0xb8;
	[tilespmem:$0x1A000] =	vst v63  }
0x1b9: {  	_ =	swait.ge [sflag:s0], $0x2800  }
0x1ba: {  	[sflag:s0] =	ssyncset.done $0x0  }
0x1bb: {  	[sflag:s0] =	ssyncadd.s32 $0xFFFFD800  }
0x1bc: {  	[spmem:s2] =	stream.indirect.scatter.add.f32 [tilespmem:s26], [sflag:$0x3], $0x80, s12, s30, $0xb8;
	[tilespmem:$0x1A000] =	vst v63  }
0x1bd: {  	_ =	swait.ge [sflag:s28], $0x2800  }
0x1be: {  	[sflag:s28] =	ssyncset.done $0x0  }
0x1bf: {  	[sflag:s28] =	ssyncadd.s32 $0xFFFFD800  }
0x1c0: {  	[tilespmem:s26], [sflag:$0x1] =	stream.indirect.gather [hbm4b:s4+s30], $0x80, s13, s30, $0xb8;
	[tilespmem:$0x1A000] =	vst v63  }
0x1c1: {  	_ =	swait.ge [sflag:s1], $0x2800  }
0x1c2: {  	[sflag:s1] =	ssyncset.done $0x0  }
0x1c3: {  	[sflag:s1] =	ssyncadd.s32 $0xFFFFD800  }
0x1c4: {  	[spmem:s2] =	stream.indirect.scatter.add.f32 [tilespmem:s31], [sflag:$0x3], $0x80, s14, s30, $0xb8;
	[tilespmem:$0x1A000] =	vst v63  }
0x1c5: {  	_ =	swait.ge [sflag:s28], $0x2800  }
0x1c6: {  	[sflag:s28] =	ssyncset.done $0x0  }
0x1c7: {  	[sflag:s28] =	ssyncadd.s32 $0xFFFFD800  }
0x1c8: {  	[tilespmem:s31], [sflag:$0x2] =	stream.indirect.gather [hbm4b:s4+s30], $0x80, s15, s30, $0xb8;
	[tilespmem:$0x1A000] =	vst v63  }
0x1c9: {  	_ =	swait.ge [sflag:s0], $0x2800  }
0x1ca: {  	[sflag:s0] =	ssyncset.done $0x0  }
0x1cb: {  	[sflag:s0] =	ssyncadd.s32 $0xFFFFD800  }
0x1cc: {  	[spmem:s2] =	stream.indirect.scatter.add.f32 [tilespmem:s26], [sflag:$0x3], $0x80, s16, s30, $0xb8;
	[tilespmem:$0x1A000] =	vst v63  }
0x1cd: {  	_ =	swait.ge [sflag:s28], $0x2800  }
0x1ce: {  	[sflag:s28] =	ssyncset.done $0x0  }
0x1cf: {  	[sflag:s28] =	ssyncadd.s32 $0xFFFFD800  }
0x1d0: {  	[tilespmem:s26], [sflag:$0x1] =	stream.indirect.gather [hbm4b:s4+s30], $0x80, s17, s30, $0xb8;
	[tilespmem:$0x1A000] =	vst v63  }
0x1d1: {  	_ =	swait.ge [sflag:s1], $0x2800  }
0x1d2: {  	[sflag:s1] =	ssyncset.done $0x0  }
0x1d3: {  	[sflag:s1] =	ssyncadd.s32 $0xFFFFD800  }
0x1d4: {  	[spmem:s2] =	stream.indirect.scatter.add.f32 [tilespmem:s31], [sflag:$0x3], $0x80, s18, s30, $0xb8;
	[tilespmem:$0x1A000] =	vst v63  }
0x1d5: {  	_ =	swait.ge [sflag:s28], $0x2800  }
0x1d6: {  	[sflag:s28] =	ssyncset.done $0x0  }
0x1d7: {  	[sflag:s28] =	ssyncadd.s32 $0xFFFFD800  }
0x1d8: {  	[tilespmem:s31], [sflag:$0x2] =	stream.indirect.gather [hbm4b:s4+s30], $0x80, s19, s30, $0xb8;
	[tilespmem:$0x1A000] =	vst v63  }
0x1d9: {  	_ =	swait.ge [sflag:s0], $0x2800  }
0x1da: {  	[sflag:s0] =	ssyncset.done $0x0  }
0x1db: {  	[sflag:s0] =	ssyncadd.s32 $0xFFFFD800  }
0x1dc: {  	[spmem:s2] =	stream.indirect.scatter.add.f32 [tilespmem:s26], [sflag:$0x3], $0x80, s20, s30, $0xb8;
	[tilespmem:$0x1A000] =	vst v63  }
0x1dd: {  	_ =	swait.ge [sflag:s28], $0x2800  }
0x1de: {  	[sflag:s28] =	ssyncset.done $0x0  }
0x1df: {  	[sflag:s28] =	ssyncadd.s32 $0xFFFFD800  }
0x1e0: {  	[tilespmem:s26], [sflag:$0x1] =	stream.indirect.gather [hbm4b:s4+s30], $0x80, s22, s30, $0xb8;
	[tilespmem:$0x1A000] =	vst v63  }
0x1e1: {  	_ =	swait.ge [sflag:s1], $0x2800  }
0x1e2: {  	[sflag:s1] =	ssyncset.done $0x0  }
0x1e3: {  	[sflag:s1] =	ssyncadd.s32 $0xFFFFD800  }
0x1e4: {  	[spmem:s2] =	stream.indirect.scatter.add.f32 [tilespmem:s31], [sflag:$0x3], $0x80, s23, s30, $0xb8;
	[tilespmem:$0x1A000] =	vst v63  }
0x1e5: {  	_ =	swait.ge [sflag:s28], $0x2800  }
0x1e6: {  	[sflag:s28] =	ssyncset.done $0x0  }
0x1e7: {  	[sflag:s28] =	ssyncadd.s32 $0xFFFFD800  }
0x1e8: {  	[tilespmem:s31], [sflag:$0x2] =	stream.indirect.gather [hbm4b:s4+s30], $0x80, s24, s30, $0xb8;
	[tilespmem:$0x1A000] =	vst v63  }
0x1e9: {  	_ =	swait.ge [sflag:s0], $0x2800  }
0x1ea: {  	[sflag:s0] =	ssyncset.done $0x0  }
0x1eb: {  	[sflag:s0] =	ssyncadd.s32 $0xFFFFD800  }
0x1ec: {  	[spmem:s2] =	stream.indirect.scatter.add.f32 [tilespmem:s26], [sflag:$0x3], $0x80, s25, s30, $0xb8;
	[tilespmem:$0x1A000] =	vst v63  }
0x1ed: {  	_ =	swait.ge [sflag:s28], $0x2800  }
0x1ee: {  	[sflag:s28] =	ssyncset.done $0x0  }
0x1ef: {  	[sflag:s28] =	ssyncadd.s32 $0xFFFFD800  }
0x1f0: {  	_ =	swait.ge [sflag:s1], $0x2800  }
0x1f1: {  	[sflag:s1] =	ssyncset.done $0x0  }
0x1f2: {  	[sflag:s1] =	ssyncadd.s32 $0xFFFFD800  }
0x1f3: {  	[spmem:s2] =	stream.indirect.scatter.add.f32 [tilespmem:s31], [sflag:$0x3], $0x80, s8, s30, $0xb8;
	[tilespmem:$0x1A000] =	vst v63  }
0x1f4: {  	_ =	swait.ge [sflag:s28], $0x2800  }
0x1f5: {  	[sflag:s28] =	ssyncset.done $0x0  }
0x1f6: {  	[sflag:s28] =	ssyncadd.s32 $0xFFFFD800  }
0x1f7: {  	[bflag:$0x0] =	sbarrier.arrive $0xFFFF  }
0x1f8: {  	s21 =	rddreg [dreg:$0x13]  }
0x1f9: {  	[tilespmem:s26], [sflag:$0x3] =	stream.linear.gather [spmem:s21], $0x2800, $0x38;
	[tilespmem:$0x1A000] =	vst v63  }
0x1fa: {  	_ =	swait.ge [sflag:s28], $0x2800  }
0x1fb: {  	[sflag:s28] =	ssyncset.done $0x0  }
0x1fc: {  	s9 =	rddreg [dreg:$0x19];
	[sflag:s28] =	ssyncadd.s32 $0xFFFFD800  }
0x1fd: {  	[hbm4b:s9+s3] =	stream.linear.scatter [tilespmem:s26], [sflag:$0x1], $0x2800, $0x38;
	[tilespmem:$0x1A000] =	vst v63  }
0x1fe: {  	s11 =	rddreg [dreg:$0x15]  }
0x1ff: {  	[tilespmem:s31], [sflag:$0x3] =	stream.linear.gather [spmem:s11], $0x2800, $0x38;
	[tilespmem:$0x1A000] =	vst v63  }
0x200: {  	_ =	swait.ge [sflag:s28], $0x2800  }
0x201: {  	[sflag:s28] =	ssyncset.done $0x0  }
0x202: {  	s21 =	rddreg [dreg:$0x1a];
	[sflag:s28] =	ssyncadd.s32 $0xFFFFD800  }
0x203: {  	[hbm4b:s21+s3] =	stream.linear.scatter [tilespmem:s31], [sflag:$0x2], $0x2800, $0x38;
	[tilespmem:$0x1A000] =	vst v63  }
0x204: {  	_ =	swait.ge [sflag:s0], $0x2800  }
0x205: {  	[sflag:s0] =	ssyncset.done $0x0  }
0x206: {  	[sflag:s0] =	ssyncadd.s32 $0xFFFFD800  }
0x207: {  	_ =	swait.ge [sflag:s1], $0x2800  }
0x208: {  	[sflag:s1] =	ssyncset.done $0x0  }
0x209: {  	s11 =	rddreg [dreg:$0x16];
	[sflag:s1] =	ssyncadd.s32 $0xFFFFD800  }
0x20a: {  	[tilespmem:s26], [sflag:$0x3] =	stream.linear.gather [spmem:s11], $0x2800, $0x38;
	[tilespmem:$0x1A000] =	vst v63  }
0x20b: {  	_ =	swait.ge [sflag:s28], $0x2800  }
0x20c: {  	[sflag:s28] =	ssyncset.done $0x0;
	s9 =	rddreg [dreg:$0x1b]  }
0x20d: {  	s21 =	sld [smem:$0x7F9];
	[sflag:s28] =	ssyncadd.s32 $0xFFFFD800  }
0x20e: {  	[hbm4b:s9+s3] =	stream.linear.scatter [tilespmem:s26], [sflag:$0x1], $0x2800, $0x38;
	[tilespmem:$0x1A000] =	vst v63  }
0x20f: {  	_ = 	snop  }
0x210: {  	[tilespmem:s31], [sflag:$0x3] =	stream.linear.gather [spmem:s21], $0x2800, $0x38;
	[tilespmem:$0x1A000] =	vst v63  }
0x211: {  	_ =	swait.ge [sflag:s28], $0x2800  }
0x212: {  	[sflag:s28] =	ssyncset.done $0x0  }
0x213: {  	s9 =	rddreg [dreg:$0x1c];
	[sflag:s28] =	ssyncadd.s32 $0xFFFFD800  }
0x214: {  	[hbm4b:s9+s3] =	stream.linear.scatter [tilespmem:s31], [sflag:$0x2], $0x2800, $0x38;
	[tilespmem:$0x1A000] =	vst v63  }
0x215: {  	_ =	swait.ge [sflag:s0], $0x2800  }
0x216: {  	[sflag:s0] =	ssyncset.done $0x0  }
0x217: {  	[sflag:s0] =	ssyncadd.s32 $0xFFFFD800  }
0x218: {  	_ =	swait.ge [sflag:s1], $0x2800  }
0x219: {  	[sflag:s1] =	ssyncset.done $0x0  }
0x21a: {  	s21 =	rddreg [dreg:$0x18];
	[sflag:s1] =	ssyncadd.s32 $0xFFFFD800  }
0x21b: {  	[tilespmem:s26], [sflag:$0x3] =	stream.linear.gather [spmem:s21], $0x2800, $0x38;
	[tilespmem:$0x1A000] =	vst v63  }
0x21c: {  	_ =	swait.ge [sflag:s28], $0x2800  }
0x21d: {  	[sflag:s28] =	ssyncset.done $0x0;
	s9 =	rddreg [dreg:$0x1d]  }
0x21e: {  	s21 =	sld [smem:$0x7FA];
	[sflag:s28] =	ssyncadd.s32 $0xFFFFD800  }
0x21f: {  	[hbm4b:s9+s3] =	stream.linear.scatter [tilespmem:s26], [sflag:$0x1], $0x2800, $0x38;
	[tilespmem:$0x1A000] =	vst v63  }
0x220: {  	_ = 	snop  }
0x221: {  	[tilespmem:s31], [sflag:$0x3] =	stream.linear.gather [spmem:s21], $0x2800, $0x38;
	[tilespmem:$0x1A000] =	vst v63  }
0x222: {  	_ =	swait.ge [sflag:s28], $0x2800  }
0x223: {  	[sflag:s28] =	ssyncset.done $0x0  }
0x224: {  	s9 =	rddreg [dreg:$0x1e];
	[sflag:s28] =	ssyncadd.s32 $0xFFFFD800  }
0x225: {  	[hbm4b:s9+s3] =	stream.linear.scatter [tilespmem:s31], [sflag:$0x2], $0x2800, $0x38;
	[tilespmem:$0x1A000] =	vst v63  }
0x226: {  	_ =	swait.ge [sflag:s0], $0x2800  }
0x227: {  	[sflag:s0] =	ssyncset.done $0x0  }
0x228: {  	[sflag:s0] =	ssyncadd.s32 $0xFFFFD800  }
0x229: {  	_ =	swait.ge [sflag:s1], $0x2800  }
0x22a: {  	s9 =	sld [smem:$0x7FD]  }
0x22b: {  	[sflag:s1] =	ssyncset.done $0x0  }
0x22c: {  	[sflag:s1] =	ssyncadd.s32 $0xFFFFD800  }
0x22d: {  	[tilespmem:s26], [sflag:$0x3] =	stream.linear.gather [spmem:s9], $0x2800, $0x38;
	[tilespmem:$0x1A000] =	vst v63  }
0x22e: {  	_ =	swait.ge [sflag:s28], $0x2800  }
0x22f: {  	[sflag:s28] =	ssyncset.done $0x0  }
0x230: {  	s21 =	rddreg [dreg:$0x1f];
	[sflag:s28] =	ssyncadd.s32 $0xFFFFD800  }
0x231: {  	[hbm4b:s21+s3] =	stream.linear.scatter [tilespmem:s26], [sflag:$0x1], $0x2800, $0x38;
	[tilespmem:$0x1A000] =	vst v63  }
0x232: {  	s21 =	sld [smem:$0x7FB];
	_ =	sdelay $0x2  }
0x233: {  	[tilespmem:s31], [sflag:$0x3] =	stream.linear.gather [spmem:s21], $0x2800, $0x38;
	[tilespmem:$0x1A000] =	vst v63  }
0x234: {  	_ =	swait.ge [sflag:s28], $0x2800  }
0x235: {  	s21 =	sld [smem:$0x7F6]  }
0x236: {  	[sflag:s28] =	ssyncset.done $0x0  }
0x237: {  	[sflag:s28] =	ssyncadd.s32 $0xFFFFD800  }
0x238: {  	[hbm4b:s21+s3] =	stream.linear.scatter [tilespmem:s31], [sflag:$0x2], $0x2800, $0x38;
	[tilespmem:$0x1A000] =	vst v63  }
0x239: {  	_ =	swait.ge [sflag:s0], $0x2800  }
0x23a: {  	[sflag:s0] =	ssyncset.done $0x0  }
0x23b: {  	[sflag:s0] =	ssyncadd.s32 $0xFFFFD800  }
0x23c: {  	_ =	swait.ge [sflag:s1], $0x2800  }
0x23d: {  	s6 =	sld [smem:$0x7FC];
	_ =	sdelay $0x2  }
0x23e: {  	s21 =	sadd.s32 $0x1, s6;
	s6 =	rddreg [dreg:$0x14]  }
0x23f: {  	p0 =	sne.s32 s21, s6  }
.Ltmp1:
0x240: {  	_ = 	snop;
	(pc) =	sbr.rel @p0 .LBB2_1-.Ltmp1, $3  }
0x241: {  	_ =	sdelay $0x1  }
0x242: {  	[sflag:s1] =	ssyncset.done $0x0;
	[smem:$0x7FC] =	sst s21  }
0x243: {  	[sflag:s1] =	ssyncadd.s32 $0xFFFFD800;
	s21 =	rddreg [dreg:$0x13]  }
0x244: {  	_ =	sfence.sel $0x180000  }
0x245: {  	[bflag:$0x0] =	sbarrier.arrive $0xFFFF  }
0x246: {  	_ =	strace $0x90000050  }
0x247: {  	s0 =	stileid.u32;
	[bflag:$0x2] =	sbarrier.arrive $0xFFFF  }
0x248: {  	p0 =	sne.s32 s0, $0x0;
	s0 =	rddreg [dreg:$0x2]  }
0x249: {  	s0 =	sadd.s32 @!p0 $0x100000, s0  }
0x24a: {  	[sflag:s0] =	ssyncadd.tile.s32 @!p0 $0x1;
	_ =	shalt  }
.Lfunc_end2:
_tile_overlayer_lowered:
.L_overlay_start_2:
0x24b: {  	(tag) =	ssettag $0x2  }
0x24c: {  	s0 =	rddreg [dreg:$0x0];
	s2 =	stileid.u32  }
0x24d: {  	s1 =	rddreg [dreg:$0x1];
	p0 =	sne.s32 s2, $0x0  }
0x24e: {  	s3 =	rddreg [dreg:$0x2];
	[bflag:$0x3] =	sbarrier.arrive $0xFFFF;
	s2 =	simm.s32 @!p0 $0x1C03  }
0x24f: {  	[timem:s3], [sflag:s2] =	dma.local @!p0 [hbm:s0], s1  }
0x250: {  	s0 =	simm.s32 @!p0 $0x3  }
0x251: {  	_ =	swait.ge @!p0 [sflag:s0], s1  }
0x252: {  	s1 =	ssub.s32 @!p0 $0x0, s1;
	[sflag:s0] =	ssyncset.done @!p0 $0x0  }
0x253: {  	[sflag:s0] =	ssyncadd.s32 @!p0 s1  }
0x254: {  	[bflag:$0x3] =	sbarrier.arrive $0xFFFF  }
0x255: {  	_ =	shalt  }

</sc_bundles>
